<compile_context>
chip_gen: v7x
topology: tpu7x:2x2x1
jax: 0.10.2.dev20260603
libtpu: 0.0.44.dev20260713+nightly
codegen_flags: <defaults>
</compile_context>

<pallas_src>
import functools

import jax
import jax.numpy as jnp
from jax import lax
from jax.experimental import pallas as pl
from jax.experimental.pallas import tpu as pltpu
from jax.experimental.pallas import tpu_sc as plsc

NC = 2
NS = 16
NW = NC * NS
L = 16
D = 16
W = 128
C = 4
NSLOT = 4


def kernel(x_user, x_movie, edge_label_index, predict_type=0):
    E = edge_label_index.shape[1]
    bpw = E // NW
    nch = bpw // C

    idx_u = edge_label_index[0]
    idx_m = edge_label_index[1]
    xu_t = x_user.T
    xm_t = x_movie.T

    mesh = plsc.VectorSubcoreMesh(core_axis_name="c", subcore_axis_name="s")

    @functools.partial(
        pl.kernel,
        mesh=mesh,
        out_type=jax.ShapeDtypeStruct((E,), jnp.float32),
        compiler_params=pltpu.CompilerParams(needs_layout_passes=False),
        scratch_types=[
            pltpu.VMEM((bpw,), jnp.int32),
            pltpu.VMEM((bpw,), jnp.int32),
            pltpu.VMEM((NSLOT, C, 2, 8, W), jnp.float32),
            pltpu.VMEM((NSLOT, C, 2, 8, W), jnp.float32),
            pltpu.VMEM((L, L), jnp.float32),
            pltpu.VMEM((bpw,), jnp.float32),
            [pltpu.SemaphoreType.DMA] * NSLOT,
        ],
    )
    def sc_kernel(xu_hbm, xm_hbm, iu_hbm, im_hbm, out_hbm,
                  iu_s, im_s, bu_v, bm_v, p_v, o_v, sems):
        wid = lax.axis_index("s") * NC + lax.axis_index("c")
        base = wid * bpw

        pltpu.sync_copy(iu_hbm.at[pl.ds(base, bpw)], iu_s)
        pltpu.sync_copy(im_hbm.at[pl.ds(base, bpw)], im_s)

        xu3 = xu_hbm.reshape(2, 8, xu_hbm.shape[1])
        xm3 = xm_hbm.reshape(2, 8, xm_hbm.shape[1])

        def fire(vecbase, par, slot):
            uvec = iu_s[pl.ds(vecbase, L)]
            mvec = im_s[pl.ds(vecbase, L)]
            for j in range(C):
                for vec, bv, xv in ((uvec, bu_v, xu3), (mvec, bm_v, xm3)):
                    i = vec[par * C + j]
                    a = pl.multiple_of((i >> 7) << 7, W)
                    pltpu.async_copy(xv.at[:, :, pl.ds(a, W)],
                                     bv.at[slot, j], sems[slot])

        def drain(slot):
            for j in range(C):
                for bv, xv in ((bu_v, xu3), (bm_v, xm3)):
                    pltpu.make_async_copy(
                        xv.at[:, :, pl.ds(0, W)], bv.at[slot, j], sems[slot]).wait()

        def compute(vecbase, par, slot):
            iota = lax.iota(jnp.int32, L)
            tr = iota >> 3
            sub = iota & 7
            uvec = iu_s[pl.ds(vecbase, L)] & (W - 1)
            mvec = im_s[pl.ds(vecbase, L)] & (W - 1)
            for j in range(C):
                lu = jnp.full((L,), uvec[par * C + j], jnp.int32)
                lm = jnp.full((L,), mvec[par * C + j], jnp.int32)
                ucol = plsc.load_gather(bu_v.at[slot, j], [tr, sub, lu])
                mcol = plsc.load_gather(bm_v.at[slot, j], [tr, sub, lm])
                p_v[par * C + j] = ucol * mcol

        for s in range(NSLOT - 1):
            fire(0, s, s)

        def body(h, _):
            vb = h * L
            c0 = h * NSLOT
            for s in range(NSLOT):
                nxt = c0 + s + (NSLOT - 1)
                npar = (s + NSLOT - 1) % NSLOT
                nvb = vb + (L if s > 0 else 0)

                nslot = (s + NSLOT - 1) % NSLOT

                @pl.when(nxt < nch)
                def _():
                    fire(nvb, npar, nslot)

                drain(s)
                compute(vb, s, s)

            iota = lax.iota(jnp.int32, L)
            acc = jnp.zeros((L,), jnp.float32)
            for d in range(D):
                acc = acc + plsc.load_gather(p_v, [iota, jnp.full((L,), d, jnp.int32)])
            o_v[pl.ds(h * L, L)] = acc
            return 0

        lax.fori_loop(0, nch // NSLOT, body, 0)

        pltpu.sync_copy(o_v, out_hbm.at[pl.ds(base, bpw)])

    return sc_kernel(xu_t, xm_t, idx_u, idx_m)

# --- scband reference (transcript-rebuilt; emitter-appended) ---
"""Pipeline reference for scband-classifier-66099546685983 (READ-ONLY COPY).

The authoritative reference and input builder live on the scoring server;
editing this copy changes nothing except your own understanding.
"""

import jax, jax.numpy as jnp
import numpy as np

N_USER = 1000000
N_MOVIE = 1000000
D = 16
E = 16384

def setup_inputs(seed: int = 0) -> dict:
    key = jax.random.key(seed)
    k1, k2, k3 = jax.random.split(key, 3)
    x_user = jax.random.normal(k1, (N_USER, D), dtype=jnp.float32)
    x_movie = jax.random.normal(k2, (N_MOVIE, D), dtype=jnp.float32)
    edge_label_index = jax.random.randint(k3, (2, E), 0, min(N_USER, N_MOVIE), dtype=jnp.int32)
    return {
        "x_user": x_user,
        "x_movie": x_movie,
        "edge_label_index": edge_label_index,
        "predict_type": 0,
    }

def reference(x_user, x_movie, edge_label_index, predict_type=0):
    # gather user and movie embeddings for each candidate edge
    edge_feat_user = jnp.take(x_user, edge_label_index[0], axis=0)
    edge_feat_movie = jnp.take(x_movie, edge_label_index[1], axis=0)
    # elementwise product + reduce over feature dim (dot-product link predictor)
    return (edge_feat_user * edge_feat_movie).sum(axis=-1)

if __name__ == "__main__":
    import jax
    _d = setup_inputs()
    print(jax.jit(kernel)(*tuple(_d.values())))

</pallas_src>

<mosaic_0001>
#map = affine_map<(d0, d1) -> (0, 0)>
#map1 = affine_map<(d0, d1) -> (0)>
module attributes {stable_mosaic.version = 14 : i64} {
  func.func @sc_kernel(%arg0: i32, %arg1: i32, %arg2: memref<16x1000000xf32, #tpu.memory_space<hbm>>, %arg3: memref<16x1000000xf32, #tpu.memory_space<hbm>>, %arg4: memref<16384xi32, #tpu.memory_space<hbm>>, %arg5: memref<16384xi32, #tpu.memory_space<hbm>>, %arg6: memref<16384xf32, #tpu.memory_space<hbm>>, %arg7: memref<512xi32, #tpu.memory_space<vmem>>, %arg8: memref<512xi32, #tpu.memory_space<vmem>>, %arg9: memref<4x4x2x8x128xf32, #tpu.memory_space<vmem>>, %arg10: memref<4x4x2x8x128xf32, #tpu.memory_space<vmem>>, %arg11: memref<16x16xf32, #tpu.memory_space<vmem>>, %arg12: memref<512xf32, #tpu.memory_space<vmem>>, %arg13: memref<!tpu.dma_semaphore, #tpu.memory_space<semaphore_mem>>, %arg14: memref<!tpu.dma_semaphore, #tpu.memory_space<semaphore_mem>>, %arg15: memref<!tpu.dma_semaphore, #tpu.memory_space<semaphore_mem>>, %arg16: memref<!tpu.dma_semaphore, #tpu.memory_space<semaphore_mem>>) attributes {dimension_semantics = [#tpu.dimension_semantics<core_parallel>, #tpu.dimension_semantics<subcore_parallel>], iteration_bounds = array<i64: 2, 16>, scalar_prefetch = 0 : i64, scratch_operands = 10 : i64, tpu.core_type = #tpu.core_type<sc_vector_subcore>, window_params = [{transform_indices = #map}, {transform_indices = #map}, {transform_indices = #map1}, {transform_indices = #map1}, {transform_indices = #map1}]} {
    %mul3A = arith.constant 2 : i32
    %mul3A_0 = arith.muli %arg1, %mul3A : i32
    %add3A = arith.addi %mul3A_0, %arg0 : i32
    %mul3A_1 = arith.constant 512 : i32
    %mul3A_2 = arith.muli %add3A, %mul3A_1 : i32
    "tpu.region"() ({
      %run_scoped3A = tpu.sem_alloc : memref<!tpu.dma_semaphore, #tpu.memory_space<semaphore_mem>>
      %dma_start3A_662 = tpu.memref_slice %arg4[%mul3A_2] : memref<16384xi32, #tpu.memory_space<hbm>> -> memref<512xi32, #tpu.memory_space<hbm>>
      %dma_start3A_663 = tpu.memref_slice %arg4[%mul3A_2] : memref<16384xi32, #tpu.memory_space<hbm>> -> memref<512xi32, #tpu.memory_space<hbm>>
      tpu.enqueue_dma source(%dma_start3A_663 : memref<512xi32, #tpu.memory_space<hbm>>) target(%arg7 : memref<512xi32, #tpu.memory_space<vmem>>) target_semaphore(%run_scoped3A : memref<!tpu.dma_semaphore, #tpu.memory_space<semaphore_mem>>)
      %dma_wait3A = tpu.memref_slice %arg4[%mul3A_2] : memref<16384xi32, #tpu.memory_space<hbm>> -> memref<512xi32, #tpu.memory_space<hbm>>
      %dma_wait3A_664 = tpu.memref_slice %arg4[%mul3A_2] : memref<16384xi32, #tpu.memory_space<hbm>> -> memref<512xi32, #tpu.memory_space<hbm>>
      tpu.wait_dma2 semaphore(%run_scoped3A : memref<!tpu.dma_semaphore, #tpu.memory_space<semaphore_mem>>) src(%dma_wait3A_664 : memref<512xi32, #tpu.memory_space<hbm>>) dst(%arg7 : memref<512xi32, #tpu.memory_space<vmem>>)
      tpu.yield
    }) : () -> ()
    "tpu.region"() ({
      %run_scoped3A = tpu.sem_alloc : memref<!tpu.dma_semaphore, #tpu.memory_space<semaphore_mem>>
      %dma_start3A_662 = tpu.memref_slice %arg5[%mul3A_2] : memref<16384xi32, #tpu.memory_space<hbm>> -> memref<512xi32, #tpu.memory_space<hbm>>
      %dma_start3A_663 = tpu.memref_slice %arg5[%mul3A_2] : memref<16384xi32, #tpu.memory_space<hbm>> -> memref<512xi32, #tpu.memory_space<hbm>>
      tpu.enqueue_dma source(%dma_start3A_663 : memref<512xi32, #tpu.memory_space<hbm>>) target(%arg8 : memref<512xi32, #tpu.memory_space<vmem>>) target_semaphore(%run_scoped3A : memref<!tpu.dma_semaphore, #tpu.memory_space<semaphore_mem>>)
      %dma_wait3A = tpu.memref_slice %arg5[%mul3A_2] : memref<16384xi32, #tpu.memory_space<hbm>> -> memref<512xi32, #tpu.memory_space<hbm>>
      %dma_wait3A_664 = tpu.memref_slice %arg5[%mul3A_2] : memref<16384xi32, #tpu.memory_space<hbm>> -> memref<512xi32, #tpu.memory_space<hbm>>
      tpu.wait_dma2 semaphore(%run_scoped3A : memref<!tpu.dma_semaphore, #tpu.memory_space<semaphore_mem>>) src(%dma_wait3A_664 : memref<512xi32, #tpu.memory_space<hbm>>) dst(%arg8 : memref<512xi32, #tpu.memory_space<vmem>>)
      tpu.yield
    }) : () -> ()
    %get3A = arith.constant 0 : index
    %get3A_3 = tpu.vector_load %arg7[%get3A] {strides = array<i32>} : memref<512xi32, #tpu.memory_space<vmem>>, vector<16xi32>,
    %get3A_4 = arith.constant 0 : index
    %get3A_5 = tpu.vector_load %arg8[%get3A_4] {strides = array<i32>} : memref<512xi32, #tpu.memory_space<vmem>>, vector<16xi32>,
    %slice3A = vector.extract_strided_slice %get3A_3 {offsets = [0], sizes = [1], strides = [1]} : vector<16xi32> to vector<1xi32>
    %squeeze3A = vector.extract %slice3A[0] : i32 from vector<1xi32>
    %shift_right_arithmetic3A = arith.constant 7 : i32
    %shift_right_arithmetic3A_6 = arith.shrsi %squeeze3A, %shift_right_arithmetic3A : i32
    %shift_left3A = arith.constant 7 : i32
    %shift_left3A_7 = arith.shli %shift_right_arithmetic3A_6, %shift_left3A : i32
    %multiple_of3A = tpu.assume_multiple %shift_left3A_7, 128 : i32
    %dma_start3A = arith.constant 0 : i32
    %dma_start3A_8 = arith.constant 0 : i32
    %dma_start3A_9 = arith.constant 0 : i32
    %dma_start3A_10 = arith.constant 0 : i32
    %dma_start3A_11 = arith.constant 0 : i32
    %dma_start3A_12 = tpu.memref_slice %arg9[%dma_start3A, %dma_start3A_8, %dma_start3A_9, %dma_start3A_10, %dma_start3A_11] : memref<4x4x2x8x128xf32, #tpu.memory_space<vmem>> -> memref<1x1x2x8x128xf32, #tpu.memory_space<vmem>>
    %dma_start3A_13 = tpu.memref_squeeze %dma_start3A_12 : memref<1x1x2x8x128xf32, #tpu.memory_space<vmem>> -> memref<2x8x128xf32, #tpu.memory_space<vmem>>
    %dma_start3A_14 = tpu.memref_reshape %arg2 : memref<16x1000000xf32, #tpu.memory_space<hbm>> -> memref<2x8x1000000xf32, #tpu.memory_space<hbm>>
    %dma_start3A_15 = arith.constant 0 : i32
    %dma_start3A_16 = arith.constant 0 : i32
    %dma_start3A_17 = tpu.memref_slice %dma_start3A_14[%dma_start3A_15, %dma_start3A_16, %multiple_of3A] : memref<2x8x1000000xf32, #tpu.memory_space<hbm>> -> memref<2x8x128xf32, #tpu.memory_space<hbm>>
    %dma_start3A_18 = arith.constant 0 : i32
    %dma_start3A_19 = arith.constant 0 : i32
    %dma_start3A_20 = arith.constant 0 : i32
    %dma_start3A_21 = tpu.memref_slice %arg9[%dma_start3A, %dma_start3A_8, %dma_start3A_18, %dma_start3A_19, %dma_start3A_20] : memref<4x4x2x8x128xf32, #tpu.memory_space<vmem>> -> memref<1x1x2x8x128xf32, #tpu.memory_space<vmem>>
    %dma_start3A_22 = tpu.memref_squeeze %dma_start3A_21 : memref<1x1x2x8x128xf32, #tpu.memory_space<vmem>> -> memref<2x8x128xf32, #tpu.memory_space<vmem>>
    %dma_start3A_23 = tpu.memref_reshape %arg2 : memref<16x1000000xf32, #tpu.memory_space<hbm>> -> memref<2x8x1000000xf32, #tpu.memory_space<hbm>>
    %dma_start3A_24 = arith.constant 0 : i32
    %dma_start3A_25 = arith.constant 0 : i32
    %dma_start3A_26 = tpu.memref_slice %dma_start3A_23[%dma_start3A_24, %dma_start3A_25, %multiple_of3A] : memref<2x8x1000000xf32, #tpu.memory_space<hbm>> -> memref<2x8x128xf32, #tpu.memory_space<hbm>>
    tpu.enqueue_dma source(%dma_start3A_26 : memref<2x8x128xf32, #tpu.memory_space<hbm>>) target(%dma_start3A_22 : memref<2x8x128xf32, #tpu.memory_space<vmem>>) target_semaphore(%arg13 : memref<!tpu.dma_semaphore, #tpu.memory_space<semaphore_mem>>)
    %slice3A_27 = vector.extract_strided_slice %get3A_5 {offsets = [0], sizes = [1], strides = [1]} : vector<16xi32> to vector<1xi32>
    %squeeze3A_28 = vector.extract %slice3A_27[0] : i32 from vector<1xi32>
    %shift_right_arithmetic3A_29 = arith.constant 7 : i32
    %shift_right_arithmetic3A_30 = arith.shrsi %squeeze3A_28, %shift_right_arithmetic3A_29 : i32
    %shift_left3A_31 = arith.constant 7 : i32
    %shift_left3A_32 = arith.shli %shift_right_arithmetic3A_30, %shift_left3A_31 : i32
    %multiple_of3A_33 = tpu.assume_multiple %shift_left3A_32, 128 : i32
    %dma_start3A_34 = arith.constant 0 : i32
    %dma_start3A_35 = arith.constant 0 : i32
    %dma_start3A_36 = arith.constant 0 : i32
    %dma_start3A_37 = arith.constant 0 : i32
    %dma_start3A_38 = arith.constant 0 : i32
    %dma_start3A_39 = tpu.memref_slice %arg10[%dma_start3A_34, %dma_start3A_35, %dma_start3A_36, %dma_start3A_37, %dma_start3A_38] : memref<4x4x2x8x128xf32, #tpu.memory_space<vmem>> -> memref<1x1x2x8x128xf32, #tpu.memory_space<vmem>>
    %dma_start3A_40 = tpu.memref_squeeze %dma_start3A_39 : memref<1x1x2x8x128xf32, #tpu.memory_space<vmem>> -> memref<2x8x128xf32, #tpu.memory_space<vmem>>
    %dma_start3A_41 = tpu.memref_reshape %arg3 : memref<16x1000000xf32, #tpu.memory_space<hbm>> -> memref<2x8x1000000xf32, #tpu.memory_space<hbm>>
    %dma_start3A_42 = arith.constant 0 : i32
    %dma_start3A_43 = arith.constant 0 : i32
    %dma_start3A_44 = tpu.memref_slice %dma_start3A_41[%dma_start3A_42, %dma_start3A_43, %multiple_of3A_33] : memref<2x8x1000000xf32, #tpu.memory_space<hbm>> -> memref<2x8x128xf32, #tpu.memory_space<hbm>>
    %dma_start3A_45 = arith.constant 0 : i32
    %dma_start3A_46 = arith.constant 0 : i32
    %dma_start3A_47 = arith.constant 0 : i32
    %dma_start3A_48 = tpu.memref_slice %arg10[%dma_start3A_34, %dma_start3A_35, %dma_start3A_45, %dma_start3A_46, %dma_start3A_47] : memref<4x4x2x8x128xf32, #tpu.memory_space<vmem>> -> memref<1x1x2x8x128xf32, #tpu.memory_space<vmem>>
    %dma_start3A_49 = tpu.memref_squeeze %dma_start3A_48 : memref<1x1x2x8x128xf32, #tpu.memory_space<vmem>> -> memref<2x8x128xf32, #tpu.memory_space<vmem>>
    %dma_start3A_50 = tpu.memref_reshape %arg3 : memref<16x1000000xf32, #tpu.memory_space<hbm>> -> memref<2x8x1000000xf32, #tpu.memory_space<hbm>>
    %dma_start3A_51 = arith.constant 0 : i32
    %dma_start3A_52 = arith.constant 0 : i32
    %dma_start3A_53 = tpu.memref_slice %dma_start3A_50[%dma_start3A_51, %dma_start3A_52, %multiple_of3A_33] : memref<2x8x1000000xf32, #tpu.memory_space<hbm>> -> memref<2x8x128xf32, #tpu.memory_space<hbm>>
    tpu.enqueue_dma source(%dma_start3A_53 : memref<2x8x128xf32, #tpu.memory_space<hbm>>) target(%dma_start3A_49 : memref<2x8x128xf32, #tpu.memory_space<vmem>>) target_semaphore(%arg13 : memref<!tpu.dma_semaphore, #tpu.memory_space<semaphore_mem>>)
    %slice3A_54 = vector.extract_strided_slice %get3A_3 {offsets = [1], sizes = [1], strides = [1]} : vector<16xi32> to vector<1xi32>
    %squeeze3A_55 = vector.extract %slice3A_54[0] : i32 from vector<1xi32>
    %shift_right_arithmetic3A_56 = arith.constant 7 : i32
    %shift_right_arithmetic3A_57 = arith.shrsi %squeeze3A_55, %shift_right_arithmetic3A_56 : i32
    %shift_left3A_58 = arith.constant 7 : i32
    %shift_left3A_59 = arith.shli %shift_right_arithmetic3A_57, %shift_left3A_58 : i32
    %multiple_of3A_60 = tpu.assume_multiple %shift_left3A_59, 128 : i32
    %dma_start3A_61 = arith.constant 0 : i32
    %dma_start3A_62 = arith.constant 1 : i32
    %dma_start3A_63 = arith.constant 0 : i32
    %dma_start3A_64 = arith.constant 0 : i32
    %dma_start3A_65 = arith.constant 0 : i32
    %dma_start3A_66 = tpu.memref_slice %arg9[%dma_start3A_61, %dma_start3A_62, %dma_start3A_63, %dma_start3A_64, %dma_start3A_65] : memref<4x4x2x8x128xf32, #tpu.memory_space<vmem>> -> memref<1x1x2x8x128xf32, #tpu.memory_space<vmem>>
    %dma_start3A_67 = tpu.memref_squeeze %dma_start3A_66 : memref<1x1x2x8x128xf32, #tpu.memory_space<vmem>> -> memref<2x8x128xf32, #tpu.memory_space<vmem>>
    %dma_start3A_68 = tpu.memref_reshape %arg2 : memref<16x1000000xf32, #tpu.memory_space<hbm>> -> memref<2x8x1000000xf32, #tpu.memory_space<hbm>>
    %dma_start3A_69 = arith.constant 0 : i32
    %dma_start3A_70 = arith.constant 0 : i32
    %dma_start3A_71 = tpu.memref_slice %dma_start3A_68[%dma_start3A_69, %dma_start3A_70, %multiple_of3A_60] : memref<2x8x1000000xf32, #tpu.memory_space<hbm>> -> memref<2x8x128xf32, #tpu.memory_space<hbm>>
    %dma_start3A_72 = arith.constant 0 : i32
    %dma_start3A_73 = arith.constant 0 : i32
    %dma_start3A_74 = arith.constant 0 : i32
    %dma_start3A_75 = tpu.memref_slice %arg9[%dma_start3A_61, %dma_start3A_62, %dma_start3A_72, %dma_start3A_73, %dma_start3A_74] : memref<4x4x2x8x128xf32, #tpu.memory_space<vmem>> -> memref<1x1x2x8x128xf32, #tpu.memory_space<vmem>>
    %dma_start3A_76 = tpu.memref_squeeze %dma_start3A_75 : memref<1x1x2x8x128xf32, #tpu.memory_space<vmem>> -> memref<2x8x128xf32, #tpu.memory_space<vmem>>
    %dma_start3A_77 = tpu.memref_reshape %arg2 : memref<16x1000000xf32, #tpu.memory_space<hbm>> -> memref<2x8x1000000xf32, #tpu.memory_space<hbm>>
    %dma_start3A_78 = arith.constant 0 : i32
    %dma_start3A_79 = arith.constant 0 : i32
    %dma_start3A_80 = tpu.memref_slice %dma_start3A_77[%dma_start3A_78, %dma_start3A_79, %multiple_of3A_60] : memref<2x8x1000000xf32, #tpu.memory_space<hbm>> -> memref<2x8x128xf32, #tpu.memory_space<hbm>>
    tpu.enqueue_dma source(%dma_start3A_80 : memref<2x8x128xf32, #tpu.memory_space<hbm>>) target(%dma_start3A_76 : memref<2x8x128xf32, #tpu.memory_space<vmem>>) target_semaphore(%arg13 : memref<!tpu.dma_semaphore, #tpu.memory_space<semaphore_mem>>)
    %slice3A_81 = vector.extract_strided_slice %get3A_5 {offsets = [1], sizes = [1], strides = [1]} : vector<16xi32> to vector<1xi32>
    %squeeze3A_82 = vector.extract %slice3A_81[0] : i32 from vector<1xi32>
    %shift_right_arithmetic3A_83 = arith.constant 7 : i32
    %shift_right_arithmetic3A_84 = arith.shrsi %squeeze3A_82, %shift_right_arithmetic3A_83 : i32
    %shift_left3A_85 = arith.constant 7 : i32
    %shift_left3A_86 = arith.shli %shift_right_arithmetic3A_84, %shift_left3A_85 : i32
    %multiple_of3A_87 = tpu.assume_multiple %shift_left3A_86, 128 : i32
    %dma_start3A_88 = arith.constant 0 : i32
    %dma_start3A_89 = arith.constant 1 : i32
    %dma_start3A_90 = arith.constant 0 : i32
    %dma_start3A_91 = arith.constant 0 : i32
    %dma_start3A_92 = arith.constant 0 : i32
    %dma_start3A_93 = tpu.memref_slice %arg10[%dma_start3A_88, %dma_start3A_89, %dma_start3A_90, %dma_start3A_91, %dma_start3A_92] : memref<4x4x2x8x128xf32, #tpu.memory_space<vmem>> -> memref<1x1x2x8x128xf32, #tpu.memory_space<vmem>>
    %dma_start3A_94 = tpu.memref_squeeze %dma_start3A_93 : memref<1x1x2x8x128xf32, #tpu.memory_space<vmem>> -> memref<2x8x128xf32, #tpu.memory_space<vmem>>
    %dma_start3A_95 = tpu.memref_reshape %arg3 : memref<16x1000000xf32, #tpu.memory_space<hbm>> -> memref<2x8x1000000xf32, #tpu.memory_space<hbm>>
    %dma_start3A_96 = arith.constant 0 : i32
    %dma_start3A_97 = arith.constant 0 : i32
    %dma_start3A_98 = tpu.memref_slice %dma_start3A_95[%dma_start3A_96, %dma_start3A_97, %multiple_of3A_87] : memref<2x8x1000000xf32, #tpu.memory_space<hbm>> -> memref<2x8x128xf32, #tpu.memory_space<hbm>>
    %dma_start3A_99 = arith.constant 0 : i32
    %dma_start3A_100 = arith.constant 0 : i32
    %dma_start3A_101 = arith.constant 0 : i32
    %dma_start3A_102 = tpu.memref_slice %arg10[%dma_start3A_88, %dma_start3A_89, %dma_start3A_99, %dma_start3A_100, %dma_start3A_101] : memref<4x4x2x8x128xf32, #tpu.memory_space<vmem>> -> memref<1x1x2x8x128xf32, #tpu.memory_space<vmem>>
    %dma_start3A_103 = tpu.memref_squeeze %dma_start3A_102 : memref<1x1x2x8x128xf32, #tpu.memory_space<vmem>> -> memref<2x8x128xf32, #tpu.memory_space<vmem>>
    %dma_start3A_104 = tpu.memref_reshape %arg3 : memref<16x1000000xf32, #tpu.memory_space<hbm>> -> memref<2x8x1000000xf32, #tpu.memory_space<hbm>>
    %dma_start3A_105 = arith.constant 0 : i32
    %dma_start3A_106 = arith.constant 0 : i32
    %dma_start3A_107 = tpu.memref_slice %dma_start3A_104[%dma_start3A_105, %dma_start3A_106, %multiple_of3A_87] : memref<2x8x1000000xf32, #tpu.memory_space<hbm>> -> memref<2x8x128xf32, #tpu.memory_space<hbm>>
    tpu.enqueue_dma source(%dma_start3A_107 : memref<2x8x128xf32, #tpu.memory_space<hbm>>) target(%dma_start3A_103 : memref<2x8x128xf32, #tpu.memory_space<vmem>>) target_semaphore(%arg13 : memref<!tpu.dma_semaphore, #tpu.memory_space<semaphore_mem>>)
    %slice3A_108 = vector.extract_strided_slice %get3A_3 {offsets = [2], sizes = [1], strides = [1]} : vector<16xi32> to vector<1xi32>
    %squeeze3A_109 = vector.extract %slice3A_108[0] : i32 from vector<1xi32>
    %shift_right_arithmetic3A_110 = arith.constant 7 : i32
    %shift_right_arithmetic3A_111 = arith.shrsi %squeeze3A_109, %shift_right_arithmetic3A_110 : i32
    %shift_left3A_112 = arith.constant 7 : i32
    %shift_left3A_113 = arith.shli %shift_right_arithmetic3A_111, %shift_left3A_112 : i32
    %multiple_of3A_114 = tpu.assume_multiple %shift_left3A_113, 128 : i32
    %dma_start3A_115 = arith.constant 0 : i32
    %dma_start3A_116 = arith.constant 2 : i32
    %dma_start3A_117 = arith.constant 0 : i32
    %dma_start3A_118 = arith.constant 0 : i32
    %dma_start3A_119 = arith.constant 0 : i32
    %dma_start3A_120 = tpu.memref_slice %arg9[%dma_start3A_115, %dma_start3A_116, %dma_start3A_117, %dma_start3A_118, %dma_start3A_119] : memref<4x4x2x8x128xf32, #tpu.memory_space<vmem>> -> memref<1x1x2x8x128xf32, #tpu.memory_space<vmem>>
    %dma_start3A_121 = tpu.memref_squeeze %dma_start3A_120 : memref<1x1x2x8x128xf32, #tpu.memory_space<vmem>> -> memref<2x8x128xf32, #tpu.memory_space<vmem>>
    %dma_start3A_122 = tpu.memref_reshape %arg2 : memref<16x1000000xf32, #tpu.memory_space<hbm>> -> memref<2x8x1000000xf32, #tpu.memory_space<hbm>>
    %dma_start3A_123 = arith.constant 0 : i32
    %dma_start3A_124 = arith.constant 0 : i32
    %dma_start3A_125 = tpu.memref_slice %dma_start3A_122[%dma_start3A_123, %dma_start3A_124, %multiple_of3A_114] : memref<2x8x1000000xf32, #tpu.memory_space<hbm>> -> memref<2x8x128xf32, #tpu.memory_space<hbm>>
    %dma_start3A_126 = arith.constant 0 : i32
    %dma_start3A_127 = arith.constant 0 : i32
    %dma_start3A_128 = arith.constant 0 : i32
    %dma_start3A_129 = tpu.memref_slice %arg9[%dma_start3A_115, %dma_start3A_116, %dma_start3A_126, %dma_start3A_127, %dma_start3A_128] : memref<4x4x2x8x128xf32, #tpu.memory_space<vmem>> -> memref<1x1x2x8x128xf32, #tpu.memory_space<vmem>>
    %dma_start3A_130 = tpu.memref_squeeze %dma_start3A_129 : memref<1x1x2x8x128xf32, #tpu.memory_space<vmem>> -> memref<2x8x128xf32, #tpu.memory_space<vmem>>
    %dma_start3A_131 = tpu.memref_reshape %arg2 : memref<16x1000000xf32, #tpu.memory_space<hbm>> -> memref<2x8x1000000xf32, #tpu.memory_space<hbm>>
    %dma_start3A_132 = arith.constant 0 : i32
    %dma_start3A_133 = arith.constant 0 : i32
    %dma_start3A_134 = tpu.memref_slice %dma_start3A_131[%dma_start3A_132, %dma_start3A_133, %multiple_of3A_114] : memref<2x8x1000000xf32, #tpu.memory_space<hbm>> -> memref<2x8x128xf32, #tpu.memory_space<hbm>>
    tpu.enqueue_dma source(%dma_start3A_134 : memref<2x8x128xf32, #tpu.memory_space<hbm>>) target(%dma_start3A_130 : memref<2x8x128xf32, #tpu.memory_space<vmem>>) target_semaphore(%arg13 : memref<!tpu.dma_semaphore, #tpu.memory_space<semaphore_mem>>)
    %slice3A_135 = vector.extract_strided_slice %get3A_5 {offsets = [2], sizes = [1], strides = [1]} : vector<16xi32> to vector<1xi32>
    %squeeze3A_136 = vector.extract %slice3A_135[0] : i32 from vector<1xi32>
    %shift_right_arithmetic3A_137 = arith.constant 7 : i32
    %shift_right_arithmetic3A_138 = arith.shrsi %squeeze3A_136, %shift_right_arithmetic3A_137 : i32
    %shift_left3A_139 = arith.constant 7 : i32
    %shift_left3A_140 = arith.shli %shift_right_arithmetic3A_138, %shift_left3A_139 : i32
    %multiple_of3A_141 = tpu.assume_multiple %shift_left3A_140, 128 : i32
    %dma_start3A_142 = arith.constant 0 : i32
    %dma_start3A_143 = arith.constant 2 : i32
    %dma_start3A_144 = arith.constant 0 : i32
    %dma_start3A_145 = arith.constant 0 : i32
    %dma_start3A_146 = arith.constant 0 : i32
    %dma_start3A_147 = tpu.memref_slice %arg10[%dma_start3A_142, %dma_start3A_143, %dma_start3A_144, %dma_start3A_145, %dma_start3A_146] : memref<4x4x2x8x128xf32, #tpu.memory_space<vmem>> -> memref<1x1x2x8x128xf32, #tpu.memory_space<vmem>>
    %dma_start3A_148 = tpu.memref_squeeze %dma_start3A_147 : memref<1x1x2x8x128xf32, #tpu.memory_space<vmem>> -> memref<2x8x128xf32, #tpu.memory_space<vmem>>
    %dma_start3A_149 = tpu.memref_reshape %arg3 : memref<16x1000000xf32, #tpu.memory_space<hbm>> -> memref<2x8x1000000xf32, #tpu.memory_space<hbm>>
    %dma_start3A_150 = arith.constant 0 : i32
    %dma_start3A_151 = arith.constant 0 : i32
    %dma_start3A_152 = tpu.memref_slice %dma_start3A_149[%dma_start3A_150, %dma_start3A_151, %multiple_of3A_141] : memref<2x8x1000000xf32, #tpu.memory_space<hbm>> -> memref<2x8x128xf32, #tpu.memory_space<hbm>>
    %dma_start3A_153 = arith.constant 0 : i32
    %dma_start3A_154 = arith.constant 0 : i32
    %dma_start3A_155 = arith.constant 0 : i32
    %dma_start3A_156 = tpu.memref_slice %arg10[%dma_start3A_142, %dma_start3A_143, %dma_start3A_153, %dma_start3A_154, %dma_start3A_155] : memref<4x4x2x8x128xf32, #tpu.memory_space<vmem>> -> memref<1x1x2x8x128xf32, #tpu.memory_space<vmem>>
    %dma_start3A_157 = tpu.memref_squeeze %dma_start3A_156 : memref<1x1x2x8x128xf32, #tpu.memory_space<vmem>> -> memref<2x8x128xf32, #tpu.memory_space<vmem>>
    %dma_start3A_158 = tpu.memref_reshape %arg3 : memref<16x1000000xf32, #tpu.memory_space<hbm>> -> memref<2x8x1000000xf32, #tpu.memory_space<hbm>>
    %dma_start3A_159 = arith.constant 0 : i32
    %dma_start3A_160 = arith.constant 0 : i32
    %dma_start3A_161 = tpu.memref_slice %dma_start3A_158[%dma_start3A_159, %dma_start3A_160, %multiple_of3A_141] : memref<2x8x1000000xf32, #tpu.memory_space<hbm>> -> memref<2x8x128xf32, #tpu.memory_space<hbm>>
    tpu.enqueue_dma source(%dma_start3A_161 : memref<2x8x128xf32, #tpu.memory_space<hbm>>) target(%dma_start3A_157 : memref<2x8x128xf32, #tpu.memory_space<vmem>>) target_semaphore(%arg13 : memref<!tpu.dma_semaphore, #tpu.memory_space<semaphore_mem>>)
    %slice3A_162 = vector.extract_strided_slice %get3A_3 {offsets = [3], sizes = [1], strides = [1]} : vector<16xi32> to vector<1xi32>
    %squeeze3A_163 = vector.extract %slice3A_162[0] : i32 from vector<1xi32>
    %shift_right_arithmetic3A_164 = arith.constant 7 : i32
    %shift_right_arithmetic3A_165 = arith.shrsi %squeeze3A_163, %shift_right_arithmetic3A_164 : i32
    %shift_left3A_166 = arith.constant 7 : i32
    %shift_left3A_167 = arith.shli %shift_right_arithmetic3A_165, %shift_left3A_166 : i32
    %multiple_of3A_168 = tpu.assume_multiple %shift_left3A_167, 128 : i32
    %dma_start3A_169 = arith.constant 0 : i32
    %dma_start3A_170 = arith.constant 3 : i32
    %dma_start3A_171 = arith.constant 0 : i32
    %dma_start3A_172 = arith.constant 0 : i32
    %dma_start3A_173 = arith.constant 0 : i32
    %dma_start3A_174 = tpu.memref_slice %arg9[%dma_start3A_169, %dma_start3A_170, %dma_start3A_171, %dma_start3A_172, %dma_start3A_173] : memref<4x4x2x8x128xf32, #tpu.memory_space<vmem>> -> memref<1x1x2x8x128xf32, #tpu.memory_space<vmem>>
    %dma_start3A_175 = tpu.memref_squeeze %dma_start3A_174 : memref<1x1x2x8x128xf32, #tpu.memory_space<vmem>> -> memref<2x8x128xf32, #tpu.memory_space<vmem>>
    %dma_start3A_176 = tpu.memref_reshape %arg2 : memref<16x1000000xf32, #tpu.memory_space<hbm>> -> memref<2x8x1000000xf32, #tpu.memory_space<hbm>>
    %dma_start3A_177 = arith.constant 0 : i32
    %dma_start3A_178 = arith.constant 0 : i32
    %dma_start3A_179 = tpu.memref_slice %dma_start3A_176[%dma_start3A_177, %dma_start3A_178, %multiple_of3A_168] : memref<2x8x1000000xf32, #tpu.memory_space<hbm>> -> memref<2x8x128xf32, #tpu.memory_space<hbm>>
    %dma_start3A_180 = arith.constant 0 : i32
    %dma_start3A_181 = arith.constant 0 : i32
    %dma_start3A_182 = arith.constant 0 : i32
    %dma_start3A_183 = tpu.memref_slice %arg9[%dma_start3A_169, %dma_start3A_170, %dma_start3A_180, %dma_start3A_181, %dma_start3A_182] : memref<4x4x2x8x128xf32, #tpu.memory_space<vmem>> -> memref<1x1x2x8x128xf32, #tpu.memory_space<vmem>>
    %dma_start3A_184 = tpu.memref_squeeze %dma_start3A_183 : memref<1x1x2x8x128xf32, #tpu.memory_space<vmem>> -> memref<2x8x128xf32, #tpu.memory_space<vmem>>
    %dma_start3A_185 = tpu.memref_reshape %arg2 : memref<16x1000000xf32, #tpu.memory_space<hbm>> -> memref<2x8x1000000xf32, #tpu.memory_space<hbm>>
    %dma_start3A_186 = arith.constant 0 : i32
    %dma_start3A_187 = arith.constant 0 : i32
    %dma_start3A_188 = tpu.memref_slice %dma_start3A_185[%dma_start3A_186, %dma_start3A_187, %multiple_of3A_168] : memref<2x8x1000000xf32, #tpu.memory_space<hbm>> -> memref<2x8x128xf32, #tpu.memory_space<hbm>>
    tpu.enqueue_dma source(%dma_start3A_188 : memref<2x8x128xf32, #tpu.memory_space<hbm>>) target(%dma_start3A_184 : memref<2x8x128xf32, #tpu.memory_space<vmem>>) target_semaphore(%arg13 : memref<!tpu.dma_semaphore, #tpu.memory_space<semaphore_mem>>)
    %slice3A_189 = vector.extract_strided_slice %get3A_5 {offsets = [3], sizes = [1], strides = [1]} : vector<16xi32> to vector<1xi32>
    %squeeze3A_190 = vector.extract %slice3A_189[0] : i32 from vector<1xi32>
    %shift_right_arithmetic3A_191 = arith.constant 7 : i32
    %shift_right_arithmetic3A_192 = arith.shrsi %squeeze3A_190, %shift_right_arithmetic3A_191 : i32
    %shift_left3A_193 = arith.constant 7 : i32
    %shift_left3A_194 = arith.shli %shift_right_arithmetic3A_192, %shift_left3A_193 : i32
    %multiple_of3A_195 = tpu.assume_multiple %shift_left3A_194, 128 : i32
    %dma_start3A_196 = arith.constant 0 : i32
    %dma_start3A_197 = arith.constant 3 : i32
    %dma_start3A_198 = arith.constant 0 : i32
    %dma_start3A_199 = arith.constant 0 : i32
    %dma_start3A_200 = arith.constant 0 : i32
    %dma_start3A_201 = tpu.memref_slice %arg10[%dma_start3A_196, %dma_start3A_197, %dma_start3A_198, %dma_start3A_199, %dma_start3A_200] : memref<4x4x2x8x128xf32, #tpu.memory_space<vmem>> -> memref<1x1x2x8x128xf32, #tpu.memory_space<vmem>>
    %dma_start3A_202 = tpu.memref_squeeze %dma_start3A_201 : memref<1x1x2x8x128xf32, #tpu.memory_space<vmem>> -> memref<2x8x128xf32, #tpu.memory_space<vmem>>
    %dma_start3A_203 = tpu.memref_reshape %arg3 : memref<16x1000000xf32, #tpu.memory_space<hbm>> -> memref<2x8x1000000xf32, #tpu.memory_space<hbm>>
    %dma_start3A_204 = arith.constant 0 : i32
    %dma_start3A_205 = arith.constant 0 : i32
    %dma_start3A_206 = tpu.memref_slice %dma_start3A_203[%dma_start3A_204, %dma_start3A_205, %multiple_of3A_195] : memref<2x8x1000000xf32, #tpu.memory_space<hbm>> -> memref<2x8x128xf32, #tpu.memory_space<hbm>>
    %dma_start3A_207 = arith.constant 0 : i32
    %dma_start3A_208 = arith.constant 0 : i32
    %dma_start3A_209 = arith.constant 0 : i32
    %dma_start3A_210 = tpu.memref_slice %arg10[%dma_start3A_196, %dma_start3A_197, %dma_start3A_207, %dma_start3A_208, %dma_start3A_209] : memref<4x4x2x8x128xf32, #tpu.memory_space<vmem>> -> memref<1x1x2x8x128xf32, #tpu.memory_space<vmem>>
    %dma_start3A_211 = tpu.memref_squeeze %dma_start3A_210 : memref<1x1x2x8x128xf32, #tpu.memory_space<vmem>> -> memref<2x8x128xf32, #tpu.memory_space<vmem>>
    %dma_start3A_212 = tpu.memref_reshape %arg3 : memref<16x1000000xf32, #tpu.memory_space<hbm>> -> memref<2x8x1000000xf32, #tpu.memory_space<hbm>>
    %dma_start3A_213 = arith.constant 0 : i32
    %dma_start3A_214 = arith.constant 0 : i32
    %dma_start3A_215 = tpu.memref_slice %dma_start3A_212[%dma_start3A_213, %dma_start3A_214, %multiple_of3A_195] : memref<2x8x1000000xf32, #tpu.memory_space<hbm>> -> memref<2x8x128xf32, #tpu.memory_space<hbm>>
    tpu.enqueue_dma source(%dma_start3A_215 : memref<2x8x128xf32, #tpu.memory_space<hbm>>) target(%dma_start3A_211 : memref<2x8x128xf32, #tpu.memory_space<vmem>>) target_semaphore(%arg13 : memref<!tpu.dma_semaphore, #tpu.memory_space<semaphore_mem>>)
    %get3A_216 = arith.constant 0 : index
    %get3A_217 = tpu.vector_load %arg7[%get3A_216] {strides = array<i32>} : memref<512xi32, #tpu.memory_space<vmem>>, vector<16xi32>,
    %get3A_218 = arith.constant 0 : index
    %get3A_219 = tpu.vector_load %arg8[%get3A_218] {strides = array<i32>} : memref<512xi32, #tpu.memory_space<vmem>>, vector<16xi32>,
    %slice3A_220 = vector.extract_strided_slice %get3A_217 {offsets = [4], sizes = [1], strides = [1]} : vector<16xi32> to vector<1xi32>
    %squeeze3A_221 = vector.extract %slice3A_220[0] : i32 from vector<1xi32>
    %shift_right_arithmetic3A_222 = arith.constant 7 : i32
    %shift_right_arithmetic3A_223 = arith.shrsi %squeeze3A_221, %shift_right_arithmetic3A_222 : i32
    %shift_left3A_224 = arith.constant 7 : i32
    %shift_left3A_225 = arith.shli %shift_right_arithmetic3A_223, %shift_left3A_224 : i32
    %multiple_of3A_226 = tpu.assume_multiple %shift_left3A_225, 128 : i32
    %dma_start3A_227 = arith.constant 1 : i32
    %dma_start3A_228 = arith.constant 0 : i32
    %dma_start3A_229 = arith.constant 0 : i32
    %dma_start3A_230 = arith.constant 0 : i32
    %dma_start3A_231 = arith.constant 0 : i32
    %dma_start3A_232 = tpu.memref_slice %arg9[%dma_start3A_227, %dma_start3A_228, %dma_start3A_229, %dma_start3A_230, %dma_start3A_231] : memref<4x4x2x8x128xf32, #tpu.memory_space<vmem>> -> memref<1x1x2x8x128xf32, #tpu.memory_space<vmem>>
    %dma_start3A_233 = tpu.memref_squeeze %dma_start3A_232 : memref<1x1x2x8x128xf32, #tpu.memory_space<vmem>> -> memref<2x8x128xf32, #tpu.memory_space<vmem>>
    %dma_start3A_234 = tpu.memref_reshape %arg2 : memref<16x1000000xf32, #tpu.memory_space<hbm>> -> memref<2x8x1000000xf32, #tpu.memory_space<hbm>>
    %dma_start3A_235 = arith.constant 0 : i32
    %dma_start3A_236 = arith.constant 0 : i32
    %dma_start3A_237 = tpu.memref_slice %dma_start3A_234[%dma_start3A_235, %dma_start3A_236, %multiple_of3A_226] : memref<2x8x1000000xf32, #tpu.memory_space<hbm>> -> memref<2x8x128xf32, #tpu.memory_space<hbm>>
    %dma_start3A_238 = arith.constant 0 : i32
    %dma_start3A_239 = arith.constant 0 : i32
    %dma_start3A_240 = arith.constant 0 : i32
    %dma_start3A_241 = tpu.memref_slice %arg9[%dma_start3A_227, %dma_start3A_228, %dma_start3A_238, %dma_start3A_239, %dma_start3A_240] : memref<4x4x2x8x128xf32, #tpu.memory_space<vmem>> -> memref<1x1x2x8x128xf32, #tpu.memory_space<vmem>>
    %dma_start3A_242 = tpu.memref_squeeze %dma_start3A_241 : memref<1x1x2x8x128xf32, #tpu.memory_space<vmem>> -> memref<2x8x128xf32, #tpu.memory_space<vmem>>
    %dma_start3A_243 = tpu.memref_reshape %arg2 : memref<16x1000000xf32, #tpu.memory_space<hbm>> -> memref<2x8x1000000xf32, #tpu.memory_space<hbm>>
    %dma_start3A_244 = arith.constant 0 : i32
    %dma_start3A_245 = arith.constant 0 : i32
    %dma_start3A_246 = tpu.memref_slice %dma_start3A_243[%dma_start3A_244, %dma_start3A_245, %multiple_of3A_226] : memref<2x8x1000000xf32, #tpu.memory_space<hbm>> -> memref<2x8x128xf32, #tpu.memory_space<hbm>>
    tpu.enqueue_dma source(%dma_start3A_246 : memref<2x8x128xf32, #tpu.memory_space<hbm>>) target(%dma_start3A_242 : memref<2x8x128xf32, #tpu.memory_space<vmem>>) target_semaphore(%arg14 : memref<!tpu.dma_semaphore, #tpu.memory_space<semaphore_mem>>)
    %slice3A_247 = vector.extract_strided_slice %get3A_219 {offsets = [4], sizes = [1], strides = [1]} : vector<16xi32> to vector<1xi32>
    %squeeze3A_248 = vector.extract %slice3A_247[0] : i32 from vector<1xi32>
    %shift_right_arithmetic3A_249 = arith.constant 7 : i32
    %shift_right_arithmetic3A_250 = arith.shrsi %squeeze3A_248, %shift_right_arithmetic3A_249 : i32
    %shift_left3A_251 = arith.constant 7 : i32
    %shift_left3A_252 = arith.shli %shift_right_arithmetic3A_250, %shift_left3A_251 : i32
    %multiple_of3A_253 = tpu.assume_multiple %shift_left3A_252, 128 : i32
    %dma_start3A_254 = arith.constant 1 : i32
    %dma_start3A_255 = arith.constant 0 : i32
    %dma_start3A_256 = arith.constant 0 : i32
    %dma_start3A_257 = arith.constant 0 : i32
    %dma_start3A_258 = arith.constant 0 : i32
    %dma_start3A_259 = tpu.memref_slice %arg10[%dma_start3A_254, %dma_start3A_255, %dma_start3A_256, %dma_start3A_257, %dma_start3A_258] : memref<4x4x2x8x128xf32, #tpu.memory_space<vmem>> -> memref<1x1x2x8x128xf32, #tpu.memory_space<vmem>>
    %dma_start3A_260 = tpu.memref_squeeze %dma_start3A_259 : memref<1x1x2x8x128xf32, #tpu.memory_space<vmem>> -> memref<2x8x128xf32, #tpu.memory_space<vmem>>
    %dma_start3A_261 = tpu.memref_reshape %arg3 : memref<16x1000000xf32, #tpu.memory_space<hbm>> -> memref<2x8x1000000xf32, #tpu.memory_space<hbm>>
    %dma_start3A_262 = arith.constant 0 : i32
    %dma_start3A_263 = arith.constant 0 : i32
    %dma_start3A_264 = tpu.memref_slice %dma_start3A_261[%dma_start3A_262, %dma_start3A_263, %multiple_of3A_253] : memref<2x8x1000000xf32, #tpu.memory_space<hbm>> -> memref<2x8x128xf32, #tpu.memory_space<hbm>>
    %dma_start3A_265 = arith.constant 0 : i32
    %dma_start3A_266 = arith.constant 0 : i32
    %dma_start3A_267 = arith.constant 0 : i32
    %dma_start3A_268 = tpu.memref_slice %arg10[%dma_start3A_254, %dma_start3A_255, %dma_start3A_265, %dma_start3A_266, %dma_start3A_267] : memref<4x4x2x8x128xf32, #tpu.memory_space<vmem>> -> memref<1x1x2x8x128xf32, #tpu.memory_space<vmem>>
    %dma_start3A_269 = tpu.memref_squeeze %dma_start3A_268 : memref<1x1x2x8x128xf32, #tpu.memory_space<vmem>> -> memref<2x8x128xf32, #tpu.memory_space<vmem>>
    %dma_start3A_270 = tpu.memref_reshape %arg3 : memref<16x1000000xf32, #tpu.memory_space<hbm>> -> memref<2x8x1000000xf32, #tpu.memory_space<hbm>>
    %dma_start3A_271 = arith.constant 0 : i32
    %dma_start3A_272 = arith.constant 0 : i32
    %dma_start3A_273 = tpu.memref_slice %dma_start3A_270[%dma_start3A_271, %dma_start3A_272, %multiple_of3A_253] : memref<2x8x1000000xf32, #tpu.memory_space<hbm>> -> memref<2x8x128xf32, #tpu.memory_space<hbm>>
    tpu.enqueue_dma source(%dma_start3A_273 : memref<2x8x128xf32, #tpu.memory_space<hbm>>) target(%dma_start3A_269 : memref<2x8x128xf32, #tpu.memory_space<vmem>>) target_semaphore(%arg14 : memref<!tpu.dma_semaphore, #tpu.memory_space<semaphore_mem>>)
    %slice3A_274 = vector.extract_strided_slice %get3A_217 {offsets = [5], sizes = [1], strides = [1]} : vector<16xi32> to vector<1xi32>
    %squeeze3A_275 = vector.extract %slice3A_274[0] : i32 from vector<1xi32>
    %shift_right_arithmetic3A_276 = arith.constant 7 : i32
    %shift_right_arithmetic3A_277 = arith.shrsi %squeeze3A_275, %shift_right_arithmetic3A_276 : i32
    %shift_left3A_278 = arith.constant 7 : i32
    %shift_left3A_279 = arith.shli %shift_right_arithmetic3A_277, %shift_left3A_278 : i32
    %multiple_of3A_280 = tpu.assume_multiple %shift_left3A_279, 128 : i32
    %dma_start3A_281 = arith.constant 1 : i32
    %dma_start3A_282 = arith.constant 1 : i32
    %dma_start3A_283 = arith.constant 0 : i32
    %dma_start3A_284 = arith.constant 0 : i32
    %dma_start3A_285 = arith.constant 0 : i32
    %dma_start3A_286 = tpu.memref_slice %arg9[%dma_start3A_281, %dma_start3A_282, %dma_start3A_283, %dma_start3A_284, %dma_start3A_285] : memref<4x4x2x8x128xf32, #tpu.memory_space<vmem>> -> memref<1x1x2x8x128xf32, #tpu.memory_space<vmem>>
    %dma_start3A_287 = tpu.memref_squeeze %dma_start3A_286 : memref<1x1x2x8x128xf32, #tpu.memory_space<vmem>> -> memref<2x8x128xf32, #tpu.memory_space<vmem>>
    %dma_start3A_288 = tpu.memref_reshape %arg2 : memref<16x1000000xf32, #tpu.memory_space<hbm>> -> memref<2x8x1000000xf32, #tpu.memory_space<hbm>>
    %dma_start3A_289 = arith.constant 0 : i32
    %dma_start3A_290 = arith.constant 0 : i32
    %dma_start3A_291 = tpu.memref_slice %dma_start3A_288[%dma_start3A_289, %dma_start3A_290, %multiple_of3A_280] : memref<2x8x1000000xf32, #tpu.memory_space<hbm>> -> memref<2x8x128xf32, #tpu.memory_space<hbm>>
    %dma_start3A_292 = arith.constant 0 : i32
    %dma_start3A_293 = arith.constant 0 : i32
    %dma_start3A_294 = arith.constant 0 : i32
    %dma_start3A_295 = tpu.memref_slice %arg9[%dma_start3A_281, %dma_start3A_282, %dma_start3A_292, %dma_start3A_293, %dma_start3A_294] : memref<4x4x2x8x128xf32, #tpu.memory_space<vmem>> -> memref<1x1x2x8x128xf32, #tpu.memory_space<vmem>>
    %dma_start3A_296 = tpu.memref_squeeze %dma_start3A_295 : memref<1x1x2x8x128xf32, #tpu.memory_space<vmem>> -> memref<2x8x128xf32, #tpu.memory_space<vmem>>
    %dma_start3A_297 = tpu.memref_reshape %arg2 : memref<16x1000000xf32, #tpu.memory_space<hbm>> -> memref<2x8x1000000xf32, #tpu.memory_space<hbm>>
    %dma_start3A_298 = arith.constant 0 : i32
    %dma_start3A_299 = arith.constant 0 : i32
    %dma_start3A_300 = tpu.memref_slice %dma_start3A_297[%dma_start3A_298, %dma_start3A_299, %multiple_of3A_280] : memref<2x8x1000000xf32, #tpu.memory_space<hbm>> -> memref<2x8x128xf32, #tpu.memory_space<hbm>>
    tpu.enqueue_dma source(%dma_start3A_300 : memref<2x8x128xf32, #tpu.memory_space<hbm>>) target(%dma_start3A_296 : memref<2x8x128xf32, #tpu.memory_space<vmem>>) target_semaphore(%arg14 : memref<!tpu.dma_semaphore, #tpu.memory_space<semaphore_mem>>)
    %slice3A_301 = vector.extract_strided_slice %get3A_219 {offsets = [5], sizes = [1], strides = [1]} : vector<16xi32> to vector<1xi32>
    %squeeze3A_302 = vector.extract %slice3A_301[0] : i32 from vector<1xi32>
    %shift_right_arithmetic3A_303 = arith.constant 7 : i32
    %shift_right_arithmetic3A_304 = arith.shrsi %squeeze3A_302, %shift_right_arithmetic3A_303 : i32
    %shift_left3A_305 = arith.constant 7 : i32
    %shift_left3A_306 = arith.shli %shift_right_arithmetic3A_304, %shift_left3A_305 : i32
    %multiple_of3A_307 = tpu.assume_multiple %shift_left3A_306, 128 : i32
    %dma_start3A_308 = arith.constant 1 : i32
    %dma_start3A_309 = arith.constant 1 : i32
    %dma_start3A_310 = arith.constant 0 : i32
    %dma_start3A_311 = arith.constant 0 : i32
    %dma_start3A_312 = arith.constant 0 : i32
    %dma_start3A_313 = tpu.memref_slice %arg10[%dma_start3A_308, %dma_start3A_309, %dma_start3A_310, %dma_start3A_311, %dma_start3A_312] : memref<4x4x2x8x128xf32, #tpu.memory_space<vmem>> -> memref<1x1x2x8x128xf32, #tpu.memory_space<vmem>>
    %dma_start3A_314 = tpu.memref_squeeze %dma_start3A_313 : memref<1x1x2x8x128xf32, #tpu.memory_space<vmem>> -> memref<2x8x128xf32, #tpu.memory_space<vmem>>
    %dma_start3A_315 = tpu.memref_reshape %arg3 : memref<16x1000000xf32, #tpu.memory_space<hbm>> -> memref<2x8x1000000xf32, #tpu.memory_space<hbm>>
    %dma_start3A_316 = arith.constant 0 : i32
    %dma_start3A_317 = arith.constant 0 : i32
    %dma_start3A_318 = tpu.memref_slice %dma_start3A_315[%dma_start3A_316, %dma_start3A_317, %multiple_of3A_307] : memref<2x8x1000000xf32, #tpu.memory_space<hbm>> -> memref<2x8x128xf32, #tpu.memory_space<hbm>>
    %dma_start3A_319 = arith.constant 0 : i32
    %dma_start3A_320 = arith.constant 0 : i32
    %dma_start3A_321 = arith.constant 0 : i32
    %dma_start3A_322 = tpu.memref_slice %arg10[%dma_start3A_308, %dma_start3A_309, %dma_start3A_319, %dma_start3A_320, %dma_start3A_321] : memref<4x4x2x8x128xf32, #tpu.memory_space<vmem>> -> memref<1x1x2x8x128xf32, #tpu.memory_space<vmem>>
    %dma_start3A_323 = tpu.memref_squeeze %dma_start3A_322 : memref<1x1x2x8x128xf32, #tpu.memory_space<vmem>> -> memref<2x8x128xf32, #tpu.memory_space<vmem>>
    %dma_start3A_324 = tpu.memref_reshape %arg3 : memref<16x1000000xf32, #tpu.memory_space<hbm>> -> memref<2x8x1000000xf32, #tpu.memory_space<hbm>>
    %dma_start3A_325 = arith.constant 0 : i32
    %dma_start3A_326 = arith.constant 0 : i32
    %dma_start3A_327 = tpu.memref_slice %dma_start3A_324[%dma_start3A_325, %dma_start3A_326, %multiple_of3A_307] : memref<2x8x1000000xf32, #tpu.memory_space<hbm>> -> memref<2x8x128xf32, #tpu.memory_space<hbm>>
    tpu.enqueue_dma source(%dma_start3A_327 : memref<2x8x128xf32, #tpu.memory_space<hbm>>) target(%dma_start3A_323 : memref<2x8x128xf32, #tpu.memory_space<vmem>>) target_semaphore(%arg14 : memref<!tpu.dma_semaphore, #tpu.memory_space<semaphore_mem>>)
    %slice3A_328 = vector.extract_strided_slice %get3A_217 {offsets = [6], sizes = [1], strides = [1]} : vector<16xi32> to vector<1xi32>
    %squeeze3A_329 = vector.extract %slice3A_328[0] : i32 from vector<1xi32>
    %shift_right_arithmetic3A_330 = arith.constant 7 : i32
    %shift_right_arithmetic3A_331 = arith.shrsi %squeeze3A_329, %shift_right_arithmetic3A_330 : i32
    %shift_left3A_332 = arith.constant 7 : i32
    %shift_left3A_333 = arith.shli %shift_right_arithmetic3A_331, %shift_left3A_332 : i32
    %multiple_of3A_334 = tpu.assume_multiple %shift_left3A_333, 128 : i32
    %dma_start3A_335 = arith.constant 1 : i32
    %dma_start3A_336 = arith.constant 2 : i32
    %dma_start3A_337 = arith.constant 0 : i32
    %dma_start3A_338 = arith.constant 0 : i32
    %dma_start3A_339 = arith.constant 0 : i32
    %dma_start3A_340 = tpu.memref_slice %arg9[%dma_start3A_335, %dma_start3A_336, %dma_start3A_337, %dma_start3A_338, %dma_start3A_339] : memref<4x4x2x8x128xf32, #tpu.memory_space<vmem>> -> memref<1x1x2x8x128xf32, #tpu.memory_space<vmem>>
    %dma_start3A_341 = tpu.memref_squeeze %dma_start3A_340 : memref<1x1x2x8x128xf32, #tpu.memory_space<vmem>> -> memref<2x8x128xf32, #tpu.memory_space<vmem>>
    %dma_start3A_342 = tpu.memref_reshape %arg2 : memref<16x1000000xf32, #tpu.memory_space<hbm>> -> memref<2x8x1000000xf32, #tpu.memory_space<hbm>>
    %dma_start3A_343 = arith.constant 0 : i32
    %dma_start3A_344 = arith.constant 0 : i32
    %dma_start3A_345 = tpu.memref_slice %dma_start3A_342[%dma_start3A_343, %dma_start3A_344, %multiple_of3A_334] : memref<2x8x1000000xf32, #tpu.memory_space<hbm>> -> memref<2x8x128xf32, #tpu.memory_space<hbm>>
    %dma_start3A_346 = arith.constant 0 : i32
    %dma_start3A_347 = arith.constant 0 : i32
    %dma_start3A_348 = arith.constant 0 : i32
    %dma_start3A_349 = tpu.memref_slice %arg9[%dma_start3A_335, %dma_start3A_336, %dma_start3A_346, %dma_start3A_347, %dma_start3A_348] : memref<4x4x2x8x128xf32, #tpu.memory_space<vmem>> -> memref<1x1x2x8x128xf32, #tpu.memory_space<vmem>>
    %dma_start3A_350 = tpu.memref_squeeze %dma_start3A_349 : memref<1x1x2x8x128xf32, #tpu.memory_space<vmem>> -> memref<2x8x128xf32, #tpu.memory_space<vmem>>
    %dma_start3A_351 = tpu.memref_reshape %arg2 : memref<16x1000000xf32, #tpu.memory_space<hbm>> -> memref<2x8x1000000xf32, #tpu.memory_space<hbm>>
    %dma_start3A_352 = arith.constant 0 : i32
    %dma_start3A_353 = arith.constant 0 : i32
    %dma_start3A_354 = tpu.memref_slice %dma_start3A_351[%dma_start3A_352, %dma_start3A_353, %multiple_of3A_334] : memref<2x8x1000000xf32, #tpu.memory_space<hbm>> -> memref<2x8x128xf32, #tpu.memory_space<hbm>>
    tpu.enqueue_dma source(%dma_start3A_354 : memref<2x8x128xf32, #tpu.memory_space<hbm>>) target(%dma_start3A_350 : memref<2x8x128xf32, #tpu.memory_space<vmem>>) target_semaphore(%arg14 : memref<!tpu.dma_semaphore, #tpu.memory_space<semaphore_mem>>)
    %slice3A_355 = vector.extract_strided_slice %get3A_219 {offsets = [6], sizes = [1], strides = [1]} : vector<16xi32> to vector<1xi32>
    %squeeze3A_356 = vector.extract %slice3A_355[0] : i32 from vector<1xi32>
    %shift_right_arithmetic3A_357 = arith.constant 7 : i32
    %shift_right_arithmetic3A_358 = arith.shrsi %squeeze3A_356, %shift_right_arithmetic3A_357 : i32
    %shift_left3A_359 = arith.constant 7 : i32
    %shift_left3A_360 = arith.shli %shift_right_arithmetic3A_358, %shift_left3A_359 : i32
    %multiple_of3A_361 = tpu.assume_multiple %shift_left3A_360, 128 : i32
    %dma_start3A_362 = arith.constant 1 : i32
    %dma_start3A_363 = arith.constant 2 : i32
    %dma_start3A_364 = arith.constant 0 : i32
    %dma_start3A_365 = arith.constant 0 : i32
    %dma_start3A_366 = arith.constant 0 : i32
    %dma_start3A_367 = tpu.memref_slice %arg10[%dma_start3A_362, %dma_start3A_363, %dma_start3A_364, %dma_start3A_365, %dma_start3A_366] : memref<4x4x2x8x128xf32, #tpu.memory_space<vmem>> -> memref<1x1x2x8x128xf32, #tpu.memory_space<vmem>>
    %dma_start3A_368 = tpu.memref_squeeze %dma_start3A_367 : memref<1x1x2x8x128xf32, #tpu.memory_space<vmem>> -> memref<2x8x128xf32, #tpu.memory_space<vmem>>
    %dma_start3A_369 = tpu.memref_reshape %arg3 : memref<16x1000000xf32, #tpu.memory_space<hbm>> -> memref<2x8x1000000xf32, #tpu.memory_space<hbm>>
    %dma_start3A_370 = arith.constant 0 : i32
    %dma_start3A_371 = arith.constant 0 : i32
    %dma_start3A_372 = tpu.memref_slice %dma_start3A_369[%dma_start3A_370, %dma_start3A_371, %multiple_of3A_361] : memref<2x8x1000000xf32, #tpu.memory_space<hbm>> -> memref<2x8x128xf32, #tpu.memory_space<hbm>>
    %dma_start3A_373 = arith.constant 0 : i32
    %dma_start3A_374 = arith.constant 0 : i32
    %dma_start3A_375 = arith.constant 0 : i32
    %dma_start3A_376 = tpu.memref_slice %arg10[%dma_start3A_362, %dma_start3A_363, %dma_start3A_373, %dma_start3A_374, %dma_start3A_375] : memref<4x4x2x8x128xf32, #tpu.memory_space<vmem>> -> memref<1x1x2x8x128xf32, #tpu.memory_space<vmem>>
    %dma_start3A_377 = tpu.memref_squeeze %dma_start3A_376 : memref<1x1x2x8x128xf32, #tpu.memory_space<vmem>> -> memref<2x8x128xf32, #tpu.memory_space<vmem>>
    %dma_start3A_378 = tpu.memref_reshape %arg3 : memref<16x1000000xf32, #tpu.memory_space<hbm>> -> memref<2x8x1000000xf32, #tpu.memory_space<hbm>>
    %dma_start3A_379 = arith.constant 0 : i32
    %dma_start3A_380 = arith.constant 0 : i32
    %dma_start3A_381 = tpu.memref_slice %dma_start3A_378[%dma_start3A_379, %dma_start3A_380, %multiple_of3A_361] : memref<2x8x1000000xf32, #tpu.memory_space<hbm>> -> memref<2x8x128xf32, #tpu.memory_space<hbm>>
    tpu.enqueue_dma source(%dma_start3A_381 : memref<2x8x128xf32, #tpu.memory_space<hbm>>) target(%dma_start3A_377 : memref<2x8x128xf32, #tpu.memory_space<vmem>>) target_semaphore(%arg14 : memref<!tpu.dma_semaphore, #tpu.memory_space<semaphore_mem>>)
    %slice3A_382 = vector.extract_strided_slice %get3A_217 {offsets = [7], sizes = [1], strides = [1]} : vector<16xi32> to vector<1xi32>
    %squeeze3A_383 = vector.extract %slice3A_382[0] : i32 from vector<1xi32>
    %shift_right_arithmetic3A_384 = arith.constant 7 : i32
    %shift_right_arithmetic3A_385 = arith.shrsi %squeeze3A_383, %shift_right_arithmetic3A_384 : i32
    %shift_left3A_386 = arith.constant 7 : i32
    %shift_left3A_387 = arith.shli %shift_right_arithmetic3A_385, %shift_left3A_386 : i32
    %multiple_of3A_388 = tpu.assume_multiple %shift_left3A_387, 128 : i32
    %dma_start3A_389 = arith.constant 1 : i32
    %dma_start3A_390 = arith.constant 3 : i32
    %dma_start3A_391 = arith.constant 0 : i32
    %dma_start3A_392 = arith.constant 0 : i32
    %dma_start3A_393 = arith.constant 0 : i32
    %dma_start3A_394 = tpu.memref_slice %arg9[%dma_start3A_389, %dma_start3A_390, %dma_start3A_391, %dma_start3A_392, %dma_start3A_393] : memref<4x4x2x8x128xf32, #tpu.memory_space<vmem>> -> memref<1x1x2x8x128xf32, #tpu.memory_space<vmem>>
    %dma_start3A_395 = tpu.memref_squeeze %dma_start3A_394 : memref<1x1x2x8x128xf32, #tpu.memory_space<vmem>> -> memref<2x8x128xf32, #tpu.memory_space<vmem>>
    %dma_start3A_396 = tpu.memref_reshape %arg2 : memref<16x1000000xf32, #tpu.memory_space<hbm>> -> memref<2x8x1000000xf32, #tpu.memory_space<hbm>>
    %dma_start3A_397 = arith.constant 0 : i32
    %dma_start3A_398 = arith.constant 0 : i32
    %dma_start3A_399 = tpu.memref_slice %dma_start3A_396[%dma_start3A_397, %dma_start3A_398, %multiple_of3A_388] : memref<2x8x1000000xf32, #tpu.memory_space<hbm>> -> memref<2x8x128xf32, #tpu.memory_space<hbm>>
    %dma_start3A_400 = arith.constant 0 : i32
    %dma_start3A_401 = arith.constant 0 : i32
    %dma_start3A_402 = arith.constant 0 : i32
    %dma_start3A_403 = tpu.memref_slice %arg9[%dma_start3A_389, %dma_start3A_390, %dma_start3A_400, %dma_start3A_401, %dma_start3A_402] : memref<4x4x2x8x128xf32, #tpu.memory_space<vmem>> -> memref<1x1x2x8x128xf32, #tpu.memory_space<vmem>>
    %dma_start3A_404 = tpu.memref_squeeze %dma_start3A_403 : memref<1x1x2x8x128xf32, #tpu.memory_space<vmem>> -> memref<2x8x128xf32, #tpu.memory_space<vmem>>
    %dma_start3A_405 = tpu.memref_reshape %arg2 : memref<16x1000000xf32, #tpu.memory_space<hbm>> -> memref<2x8x1000000xf32, #tpu.memory_space<hbm>>
    %dma_start3A_406 = arith.constant 0 : i32
    %dma_start3A_407 = arith.constant 0 : i32
    %dma_start3A_408 = tpu.memref_slice %dma_start3A_405[%dma_start3A_406, %dma_start3A_407, %multiple_of3A_388] : memref<2x8x1000000xf32, #tpu.memory_space<hbm>> -> memref<2x8x128xf32, #tpu.memory_space<hbm>>
    tpu.enqueue_dma source(%dma_start3A_408 : memref<2x8x128xf32, #tpu.memory_space<hbm>>) target(%dma_start3A_404 : memref<2x8x128xf32, #tpu.memory_space<vmem>>) target_semaphore(%arg14 : memref<!tpu.dma_semaphore, #tpu.memory_space<semaphore_mem>>)
    %slice3A_409 = vector.extract_strided_slice %get3A_219 {offsets = [7], sizes = [1], strides = [1]} : vector<16xi32> to vector<1xi32>
    %squeeze3A_410 = vector.extract %slice3A_409[0] : i32 from vector<1xi32>
    %shift_right_arithmetic3A_411 = arith.constant 7 : i32
    %shift_right_arithmetic3A_412 = arith.shrsi %squeeze3A_410, %shift_right_arithmetic3A_411 : i32
    %shift_left3A_413 = arith.constant 7 : i32
    %shift_left3A_414 = arith.shli %shift_right_arithmetic3A_412, %shift_left3A_413 : i32
    %multiple_of3A_415 = tpu.assume_multiple %shift_left3A_414, 128 : i32
    %dma_start3A_416 = arith.constant 1 : i32
    %dma_start3A_417 = arith.constant 3 : i32
    %dma_start3A_418 = arith.constant 0 : i32
    %dma_start3A_419 = arith.constant 0 : i32
    %dma_start3A_420 = arith.constant 0 : i32
    %dma_start3A_421 = tpu.memref_slice %arg10[%dma_start3A_416, %dma_start3A_417, %dma_start3A_418, %dma_start3A_419, %dma_start3A_420] : memref<4x4x2x8x128xf32, #tpu.memory_space<vmem>> -> memref<1x1x2x8x128xf32, #tpu.memory_space<vmem>>
    %dma_start3A_422 = tpu.memref_squeeze %dma_start3A_421 : memref<1x1x2x8x128xf32, #tpu.memory_space<vmem>> -> memref<2x8x128xf32, #tpu.memory_space<vmem>>
    %dma_start3A_423 = tpu.memref_reshape %arg3 : memref<16x1000000xf32, #tpu.memory_space<hbm>> -> memref<2x8x1000000xf32, #tpu.memory_space<hbm>>
    %dma_start3A_424 = arith.constant 0 : i32
    %dma_start3A_425 = arith.constant 0 : i32
    %dma_start3A_426 = tpu.memref_slice %dma_start3A_423[%dma_start3A_424, %dma_start3A_425, %multiple_of3A_415] : memref<2x8x1000000xf32, #tpu.memory_space<hbm>> -> memref<2x8x128xf32, #tpu.memory_space<hbm>>
    %dma_start3A_427 = arith.constant 0 : i32
    %dma_start3A_428 = arith.constant 0 : i32
    %dma_start3A_429 = arith.constant 0 : i32
    %dma_start3A_430 = tpu.memref_slice %arg10[%dma_start3A_416, %dma_start3A_417, %dma_start3A_427, %dma_start3A_428, %dma_start3A_429] : memref<4x4x2x8x128xf32, #tpu.memory_space<vmem>> -> memref<1x1x2x8x128xf32, #tpu.memory_space<vmem>>
    %dma_start3A_431 = tpu.memref_squeeze %dma_start3A_430 : memref<1x1x2x8x128xf32, #tpu.memory_space<vmem>> -> memref<2x8x128xf32, #tpu.memory_space<vmem>>
    %dma_start3A_432 = tpu.memref_reshape %arg3 : memref<16x1000000xf32, #tpu.memory_space<hbm>> -> memref<2x8x1000000xf32, #tpu.memory_space<hbm>>
    %dma_start3A_433 = arith.constant 0 : i32
    %dma_start3A_434 = arith.constant 0 : i32
    %dma_start3A_435 = tpu.memref_slice %dma_start3A_432[%dma_start3A_433, %dma_start3A_434, %multiple_of3A_415] : memref<2x8x1000000xf32, #tpu.memory_space<hbm>> -> memref<2x8x128xf32, #tpu.memory_space<hbm>>
    tpu.enqueue_dma source(%dma_start3A_435 : memref<2x8x128xf32, #tpu.memory_space<hbm>>) target(%dma_start3A_431 : memref<2x8x128xf32, #tpu.memory_space<vmem>>) target_semaphore(%arg14 : memref<!tpu.dma_semaphore, #tpu.memory_space<semaphore_mem>>)
    %get3A_436 = arith.constant 0 : index
    %get3A_437 = tpu.vector_load %arg7[%get3A_436] {strides = array<i32>} : memref<512xi32, #tpu.memory_space<vmem>>, vector<16xi32>,
    %get3A_438 = arith.constant 0 : index
    %get3A_439 = tpu.vector_load %arg8[%get3A_438] {strides = array<i32>} : memref<512xi32, #tpu.memory_space<vmem>>, vector<16xi32>,
    %slice3A_440 = vector.extract_strided_slice %get3A_437 {offsets = [8], sizes = [1], strides = [1]} : vector<16xi32> to vector<1xi32>
    %squeeze3A_441 = vector.extract %slice3A_440[0] : i32 from vector<1xi32>
    %shift_right_arithmetic3A_442 = arith.constant 7 : i32
    %shift_right_arithmetic3A_443 = arith.shrsi %squeeze3A_441, %shift_right_arithmetic3A_442 : i32
    %shift_left3A_444 = arith.constant 7 : i32
    %shift_left3A_445 = arith.shli %shift_right_arithmetic3A_443, %shift_left3A_444 : i32
    %multiple_of3A_446 = tpu.assume_multiple %shift_left3A_445, 128 : i32
    %dma_start3A_447 = arith.constant 2 : i32
    %dma_start3A_448 = arith.constant 0 : i32
    %dma_start3A_449 = arith.constant 0 : i32
    %dma_start3A_450 = arith.constant 0 : i32
    %dma_start3A_451 = arith.constant 0 : i32
    %dma_start3A_452 = tpu.memref_slice %arg9[%dma_start3A_447, %dma_start3A_448, %dma_start3A_449, %dma_start3A_450, %dma_start3A_451] : memref<4x4x2x8x128xf32, #tpu.memory_space<vmem>> -> memref<1x1x2x8x128xf32, #tpu.memory_space<vmem>>
    %dma_start3A_453 = tpu.memref_squeeze %dma_start3A_452 : memref<1x1x2x8x128xf32, #tpu.memory_space<vmem>> -> memref<2x8x128xf32, #tpu.memory_space<vmem>>
    %dma_start3A_454 = tpu.memref_reshape %arg2 : memref<16x1000000xf32, #tpu.memory_space<hbm>> -> memref<2x8x1000000xf32, #tpu.memory_space<hbm>>
    %dma_start3A_455 = arith.constant 0 : i32
    %dma_start3A_456 = arith.constant 0 : i32
    %dma_start3A_457 = tpu.memref_slice %dma_start3A_454[%dma_start3A_455, %dma_start3A_456, %multiple_of3A_446] : memref<2x8x1000000xf32, #tpu.memory_space<hbm>> -> memref<2x8x128xf32, #tpu.memory_space<hbm>>
    %dma_start3A_458 = arith.constant 0 : i32
    %dma_start3A_459 = arith.constant 0 : i32
    %dma_start3A_460 = arith.constant 0 : i32
    %dma_start3A_461 = tpu.memref_slice %arg9[%dma_start3A_447, %dma_start3A_448, %dma_start3A_458, %dma_start3A_459, %dma_start3A_460] : memref<4x4x2x8x128xf32, #tpu.memory_space<vmem>> -> memref<1x1x2x8x128xf32, #tpu.memory_space<vmem>>
    %dma_start3A_462 = tpu.memref_squeeze %dma_start3A_461 : memref<1x1x2x8x128xf32, #tpu.memory_space<vmem>> -> memref<2x8x128xf32, #tpu.memory_space<vmem>>
    %dma_start3A_463 = tpu.memref_reshape %arg2 : memref<16x1000000xf32, #tpu.memory_space<hbm>> -> memref<2x8x1000000xf32, #tpu.memory_space<hbm>>
    %dma_start3A_464 = arith.constant 0 : i32
    %dma_start3A_465 = arith.constant 0 : i32
    %dma_start3A_466 = tpu.memref_slice %dma_start3A_463[%dma_start3A_464, %dma_start3A_465, %multiple_of3A_446] : memref<2x8x1000000xf32, #tpu.memory_space<hbm>> -> memref<2x8x128xf32, #tpu.memory_space<hbm>>
    tpu.enqueue_dma source(%dma_start3A_466 : memref<2x8x128xf32, #tpu.memory_space<hbm>>) target(%dma_start3A_462 : memref<2x8x128xf32, #tpu.memory_space<vmem>>) target_semaphore(%arg15 : memref<!tpu.dma_semaphore, #tpu.memory_space<semaphore_mem>>)
    %slice3A_467 = vector.extract_strided_slice %get3A_439 {offsets = [8], sizes = [1], strides = [1]} : vector<16xi32> to vector<1xi32>
    %squeeze3A_468 = vector.extract %slice3A_467[0] : i32 from vector<1xi32>
    %shift_right_arithmetic3A_469 = arith.constant 7 : i32
    %shift_right_arithmetic3A_470 = arith.shrsi %squeeze3A_468, %shift_right_arithmetic3A_469 : i32
    %shift_left3A_471 = arith.constant 7 : i32
    %shift_left3A_472 = arith.shli %shift_right_arithmetic3A_470, %shift_left3A_471 : i32
    %multiple_of3A_473 = tpu.assume_multiple %shift_left3A_472, 128 : i32
    %dma_start3A_474 = arith.constant 2 : i32
    %dma_start3A_475 = arith.constant 0 : i32
    %dma_start3A_476 = arith.constant 0 : i32
    %dma_start3A_477 = arith.constant 0 : i32
    %dma_start3A_478 = arith.constant 0 : i32
    %dma_start3A_479 = tpu.memref_slice %arg10[%dma_start3A_474, %dma_start3A_475, %dma_start3A_476, %dma_start3A_477, %dma_start3A_478] : memref<4x4x2x8x128xf32, #tpu.memory_space<vmem>> -> memref<1x1x2x8x128xf32, #tpu.memory_space<vmem>>
    %dma_start3A_480 = tpu.memref_squeeze %dma_start3A_479 : memref<1x1x2x8x128xf32, #tpu.memory_space<vmem>> -> memref<2x8x128xf32, #tpu.memory_space<vmem>>
    %dma_start3A_481 = tpu.memref_reshape %arg3 : memref<16x1000000xf32, #tpu.memory_space<hbm>> -> memref<2x8x1000000xf32, #tpu.memory_space<hbm>>
    %dma_start3A_482 = arith.constant 0 : i32
    %dma_start3A_483 = arith.constant 0 : i32
    %dma_start3A_484 = tpu.memref_slice %dma_start3A_481[%dma_start3A_482, %dma_start3A_483, %multiple_of3A_473] : memref<2x8x1000000xf32, #tpu.memory_space<hbm>> -> memref<2x8x128xf32, #tpu.memory_space<hbm>>
    %dma_start3A_485 = arith.constant 0 : i32
    %dma_start3A_486 = arith.constant 0 : i32
    %dma_start3A_487 = arith.constant 0 : i32
    %dma_start3A_488 = tpu.memref_slice %arg10[%dma_start3A_474, %dma_start3A_475, %dma_start3A_485, %dma_start3A_486, %dma_start3A_487] : memref<4x4x2x8x128xf32, #tpu.memory_space<vmem>> -> memref<1x1x2x8x128xf32, #tpu.memory_space<vmem>>
    %dma_start3A_489 = tpu.memref_squeeze %dma_start3A_488 : memref<1x1x2x8x128xf32, #tpu.memory_space<vmem>> -> memref<2x8x128xf32, #tpu.memory_space<vmem>>
    %dma_start3A_490 = tpu.memref_reshape %arg3 : memref<16x1000000xf32, #tpu.memory_space<hbm>> -> memref<2x8x1000000xf32, #tpu.memory_space<hbm>>
    %dma_start3A_491 = arith.constant 0 : i32
    %dma_start3A_492 = arith.constant 0 : i32
    %dma_start3A_493 = tpu.memref_slice %dma_start3A_490[%dma_start3A_491, %dma_start3A_492, %multiple_of3A_473] : memref<2x8x1000000xf32, #tpu.memory_space<hbm>> -> memref<2x8x128xf32, #tpu.memory_space<hbm>>
    tpu.enqueue_dma source(%dma_start3A_493 : memref<2x8x128xf32, #tpu.memory_space<hbm>>) target(%dma_start3A_489 : memref<2x8x128xf32, #tpu.memory_space<vmem>>) target_semaphore(%arg15 : memref<!tpu.dma_semaphore, #tpu.memory_space<semaphore_mem>>)
    %slice3A_494 = vector.extract_strided_slice %get3A_437 {offsets = [9], sizes = [1], strides = [1]} : vector<16xi32> to vector<1xi32>
    %squeeze3A_495 = vector.extract %slice3A_494[0] : i32 from vector<1xi32>
    %shift_right_arithmetic3A_496 = arith.constant 7 : i32
    %shift_right_arithmetic3A_497 = arith.shrsi %squeeze3A_495, %shift_right_arithmetic3A_496 : i32
    %shift_left3A_498 = arith.constant 7 : i32
    %shift_left3A_499 = arith.shli %shift_right_arithmetic3A_497, %shift_left3A_498 : i32
    %multiple_of3A_500 = tpu.assume_multiple %shift_left3A_499, 128 : i32
    %dma_start3A_501 = arith.constant 2 : i32
    %dma_start3A_502 = arith.constant 1 : i32
    %dma_start3A_503 = arith.constant 0 : i32
    %dma_start3A_504 = arith.constant 0 : i32
    %dma_start3A_505 = arith.constant 0 : i32
    %dma_start3A_506 = tpu.memref_slice %arg9[%dma_start3A_501, %dma_start3A_502, %dma_start3A_503, %dma_start3A_504, %dma_start3A_505] : memref<4x4x2x8x128xf32, #tpu.memory_space<vmem>> -> memref<1x1x2x8x128xf32, #tpu.memory_space<vmem>>
    %dma_start3A_507 = tpu.memref_squeeze %dma_start3A_506 : memref<1x1x2x8x128xf32, #tpu.memory_space<vmem>> -> memref<2x8x128xf32, #tpu.memory_space<vmem>>
    %dma_start3A_508 = tpu.memref_reshape %arg2 : memref<16x1000000xf32, #tpu.memory_space<hbm>> -> memref<2x8x1000000xf32, #tpu.memory_space<hbm>>
    %dma_start3A_509 = arith.constant 0 : i32
    %dma_start3A_510 = arith.constant 0 : i32
    %dma_start3A_511 = tpu.memref_slice %dma_start3A_508[%dma_start3A_509, %dma_start3A_510, %multiple_of3A_500] : memref<2x8x1000000xf32, #tpu.memory_space<hbm>> -> memref<2x8x128xf32, #tpu.memory_space<hbm>>
    %dma_start3A_512 = arith.constant 0 : i32
    %dma_start3A_513 = arith.constant 0 : i32
    %dma_start3A_514 = arith.constant 0 : i32
    %dma_start3A_515 = tpu.memref_slice %arg9[%dma_start3A_501, %dma_start3A_502, %dma_start3A_512, %dma_start3A_513, %dma_start3A_514] : memref<4x4x2x8x128xf32, #tpu.memory_space<vmem>> -> memref<1x1x2x8x128xf32, #tpu.memory_space<vmem>>
    %dma_start3A_516 = tpu.memref_squeeze %dma_start3A_515 : memref<1x1x2x8x128xf32, #tpu.memory_space<vmem>> -> memref<2x8x128xf32, #tpu.memory_space<vmem>>
    %dma_start3A_517 = tpu.memref_reshape %arg2 : memref<16x1000000xf32, #tpu.memory_space<hbm>> -> memref<2x8x1000000xf32, #tpu.memory_space<hbm>>
    %dma_start3A_518 = arith.constant 0 : i32
    %dma_start3A_519 = arith.constant 0 : i32
    %dma_start3A_520 = tpu.memref_slice %dma_start3A_517[%dma_start3A_518, %dma_start3A_519, %multiple_of3A_500] : memref<2x8x1000000xf32, #tpu.memory_space<hbm>> -> memref<2x8x128xf32, #tpu.memory_space<hbm>>
    tpu.enqueue_dma source(%dma_start3A_520 : memref<2x8x128xf32, #tpu.memory_space<hbm>>) target(%dma_start3A_516 : memref<2x8x128xf32, #tpu.memory_space<vmem>>) target_semaphore(%arg15 : memref<!tpu.dma_semaphore, #tpu.memory_space<semaphore_mem>>)
    %slice3A_521 = vector.extract_strided_slice %get3A_439 {offsets = [9], sizes = [1], strides = [1]} : vector<16xi32> to vector<1xi32>
    %squeeze3A_522 = vector.extract %slice3A_521[0] : i32 from vector<1xi32>
    %shift_right_arithmetic3A_523 = arith.constant 7 : i32
    %shift_right_arithmetic3A_524 = arith.shrsi %squeeze3A_522, %shift_right_arithmetic3A_523 : i32
    %shift_left3A_525 = arith.constant 7 : i32
    %shift_left3A_526 = arith.shli %shift_right_arithmetic3A_524, %shift_left3A_525 : i32
    %multiple_of3A_527 = tpu.assume_multiple %shift_left3A_526, 128 : i32
    %dma_start3A_528 = arith.constant 2 : i32
    %dma_start3A_529 = arith.constant 1 : i32
    %dma_start3A_530 = arith.constant 0 : i32
    %dma_start3A_531 = arith.constant 0 : i32
    %dma_start3A_532 = arith.constant 0 : i32
    %dma_start3A_533 = tpu.memref_slice %arg10[%dma_start3A_528, %dma_start3A_529, %dma_start3A_530, %dma_start3A_531, %dma_start3A_532] : memref<4x4x2x8x128xf32, #tpu.memory_space<vmem>> -> memref<1x1x2x8x128xf32, #tpu.memory_space<vmem>>
    %dma_start3A_534 = tpu.memref_squeeze %dma_start3A_533 : memref<1x1x2x8x128xf32, #tpu.memory_space<vmem>> -> memref<2x8x128xf32, #tpu.memory_space<vmem>>
    %dma_start3A_535 = tpu.memref_reshape %arg3 : memref<16x1000000xf32, #tpu.memory_space<hbm>> -> memref<2x8x1000000xf32, #tpu.memory_space<hbm>>
    %dma_start3A_536 = arith.constant 0 : i32
    %dma_start3A_537 = arith.constant 0 : i32
    %dma_start3A_538 = tpu.memref_slice %dma_start3A_535[%dma_start3A_536, %dma_start3A_537, %multiple_of3A_527] : memref<2x8x1000000xf32, #tpu.memory_space<hbm>> -> memref<2x8x128xf32, #tpu.memory_space<hbm>>
    %dma_start3A_539 = arith.constant 0 : i32
    %dma_start3A_540 = arith.constant 0 : i32
    %dma_start3A_541 = arith.constant 0 : i32
    %dma_start3A_542 = tpu.memref_slice %arg10[%dma_start3A_528, %dma_start3A_529, %dma_start3A_539, %dma_start3A_540, %dma_start3A_541] : memref<4x4x2x8x128xf32, #tpu.memory_space<vmem>> -> memref<1x1x2x8x128xf32, #tpu.memory_space<vmem>>
    %dma_start3A_543 = tpu.memref_squeeze %dma_start3A_542 : memref<1x1x2x8x128xf32, #tpu.memory_space<vmem>> -> memref<2x8x128xf32, #tpu.memory_space<vmem>>
    %dma_start3A_544 = tpu.memref_reshape %arg3 : memref<16x1000000xf32, #tpu.memory_space<hbm>> -> memref<2x8x1000000xf32, #tpu.memory_space<hbm>>
    %dma_start3A_545 = arith.constant 0 : i32
    %dma_start3A_546 = arith.constant 0 : i32
    %dma_start3A_547 = tpu.memref_slice %dma_start3A_544[%dma_start3A_545, %dma_start3A_546, %multiple_of3A_527] : memref<2x8x1000000xf32, #tpu.memory_space<hbm>> -> memref<2x8x128xf32, #tpu.memory_space<hbm>>
    tpu.enqueue_dma source(%dma_start3A_547 : memref<2x8x128xf32, #tpu.memory_space<hbm>>) target(%dma_start3A_543 : memref<2x8x128xf32, #tpu.memory_space<vmem>>) target_semaphore(%arg15 : memref<!tpu.dma_semaphore, #tpu.memory_space<semaphore_mem>>)
    %slice3A_548 = vector.extract_strided_slice %get3A_437 {offsets = [10], sizes = [1], strides = [1]} : vector<16xi32> to vector<1xi32>
    %squeeze3A_549 = vector.extract %slice3A_548[0] : i32 from vector<1xi32>
    %shift_right_arithmetic3A_550 = arith.constant 7 : i32
    %shift_right_arithmetic3A_551 = arith.shrsi %squeeze3A_549, %shift_right_arithmetic3A_550 : i32
    %shift_left3A_552 = arith.constant 7 : i32
    %shift_left3A_553 = arith.shli %shift_right_arithmetic3A_551, %shift_left3A_552 : i32
    %multiple_of3A_554 = tpu.assume_multiple %shift_left3A_553, 128 : i32
    %dma_start3A_555 = arith.constant 2 : i32
    %dma_start3A_556 = arith.constant 2 : i32
    %dma_start3A_557 = arith.constant 0 : i32
    %dma_start3A_558 = arith.constant 0 : i32
    %dma_start3A_559 = arith.constant 0 : i32
    %dma_start3A_560 = tpu.memref_slice %arg9[%dma_start3A_555, %dma_start3A_556, %dma_start3A_557, %dma_start3A_558, %dma_start3A_559] : memref<4x4x2x8x128xf32, #tpu.memory_space<vmem>> -> memref<1x1x2x8x128xf32, #tpu.memory_space<vmem>>
    %dma_start3A_561 = tpu.memref_squeeze %dma_start3A_560 : memref<1x1x2x8x128xf32, #tpu.memory_space<vmem>> -> memref<2x8x128xf32, #tpu.memory_space<vmem>>
    %dma_start3A_562 = tpu.memref_reshape %arg2 : memref<16x1000000xf32, #tpu.memory_space<hbm>> -> memref<2x8x1000000xf32, #tpu.memory_space<hbm>>
    %dma_start3A_563 = arith.constant 0 : i32
    %dma_start3A_564 = arith.constant 0 : i32
    %dma_start3A_565 = tpu.memref_slice %dma_start3A_562[%dma_start3A_563, %dma_start3A_564, %multiple_of3A_554] : memref<2x8x1000000xf32, #tpu.memory_space<hbm>> -> memref<2x8x128xf32, #tpu.memory_space<hbm>>
    %dma_start3A_566 = arith.constant 0 : i32
    %dma_start3A_567 = arith.constant 0 : i32
    %dma_start3A_568 = arith.constant 0 : i32
    %dma_start3A_569 = tpu.memref_slice %arg9[%dma_start3A_555, %dma_start3A_556, %dma_start3A_566, %dma_start3A_567, %dma_start3A_568] : memref<4x4x2x8x128xf32, #tpu.memory_space<vmem>> -> memref<1x1x2x8x128xf32, #tpu.memory_space<vmem>>
    %dma_start3A_570 = tpu.memref_squeeze %dma_start3A_569 : memref<1x1x2x8x128xf32, #tpu.memory_space<vmem>> -> memref<2x8x128xf32, #tpu.memory_space<vmem>>
    %dma_start3A_571 = tpu.memref_reshape %arg2 : memref<16x1000000xf32, #tpu.memory_space<hbm>> -> memref<2x8x1000000xf32, #tpu.memory_space<hbm>>
    %dma_start3A_572 = arith.constant 0 : i32
    %dma_start3A_573 = arith.constant 0 : i32
    %dma_start3A_574 = tpu.memref_slice %dma_start3A_571[%dma_start3A_572, %dma_start3A_573, %multiple_of3A_554] : memref<2x8x1000000xf32, #tpu.memory_space<hbm>> -> memref<2x8x128xf32, #tpu.memory_space<hbm>>
    tpu.enqueue_dma source(%dma_start3A_574 : memref<2x8x128xf32, #tpu.memory_space<hbm>>) target(%dma_start3A_570 : memref<2x8x128xf32, #tpu.memory_space<vmem>>) target_semaphore(%arg15 : memref<!tpu.dma_semaphore, #tpu.memory_space<semaphore_mem>>)
    %slice3A_575 = vector.extract_strided_slice %get3A_439 {offsets = [10], sizes = [1], strides = [1]} : vector<16xi32> to vector<1xi32>
    %squeeze3A_576 = vector.extract %slice3A_575[0] : i32 from vector<1xi32>
    %shift_right_arithmetic3A_577 = arith.constant 7 : i32
    %shift_right_arithmetic3A_578 = arith.shrsi %squeeze3A_576, %shift_right_arithmetic3A_577 : i32
    %shift_left3A_579 = arith.constant 7 : i32
    %shift_left3A_580 = arith.shli %shift_right_arithmetic3A_578, %shift_left3A_579 : i32
    %multiple_of3A_581 = tpu.assume_multiple %shift_left3A_580, 128 : i32
    %dma_start3A_582 = arith.constant 2 : i32
    %dma_start3A_583 = arith.constant 2 : i32
    %dma_start3A_584 = arith.constant 0 : i32
    %dma_start3A_585 = arith.constant 0 : i32
    %dma_start3A_586 = arith.constant 0 : i32
    %dma_start3A_587 = tpu.memref_slice %arg10[%dma_start3A_582, %dma_start3A_583, %dma_start3A_584, %dma_start3A_585, %dma_start3A_586] : memref<4x4x2x8x128xf32, #tpu.memory_space<vmem>> -> memref<1x1x2x8x128xf32, #tpu.memory_space<vmem>>
    %dma_start3A_588 = tpu.memref_squeeze %dma_start3A_587 : memref<1x1x2x8x128xf32, #tpu.memory_space<vmem>> -> memref<2x8x128xf32, #tpu.memory_space<vmem>>
    %dma_start3A_589 = tpu.memref_reshape %arg3 : memref<16x1000000xf32, #tpu.memory_space<hbm>> -> memref<2x8x1000000xf32, #tpu.memory_space<hbm>>
    %dma_start3A_590 = arith.constant 0 : i32
    %dma_start3A_591 = arith.constant 0 : i32
    %dma_start3A_592 = tpu.memref_slice %dma_start3A_589[%dma_start3A_590, %dma_start3A_591, %multiple_of3A_581] : memref<2x8x1000000xf32, #tpu.memory_space<hbm>> -> memref<2x8x128xf32, #tpu.memory_space<hbm>>
    %dma_start3A_593 = arith.constant 0 : i32
    %dma_start3A_594 = arith.constant 0 : i32
    %dma_start3A_595 = arith.constant 0 : i32
    %dma_start3A_596 = tpu.memref_slice %arg10[%dma_start3A_582, %dma_start3A_583, %dma_start3A_593, %dma_start3A_594, %dma_start3A_595] : memref<4x4x2x8x128xf32, #tpu.memory_space<vmem>> -> memref<1x1x2x8x128xf32, #tpu.memory_space<vmem>>
    %dma_start3A_597 = tpu.memref_squeeze %dma_start3A_596 : memref<1x1x2x8x128xf32, #tpu.memory_space<vmem>> -> memref<2x8x128xf32, #tpu.memory_space<vmem>>
    %dma_start3A_598 = tpu.memref_reshape %arg3 : memref<16x1000000xf32, #tpu.memory_space<hbm>> -> memref<2x8x1000000xf32, #tpu.memory_space<hbm>>
    %dma_start3A_599 = arith.constant 0 : i32
    %dma_start3A_600 = arith.constant 0 : i32
    %dma_start3A_601 = tpu.memref_slice %dma_start3A_598[%dma_start3A_599, %dma_start3A_600, %multiple_of3A_581] : memref<2x8x1000000xf32, #tpu.memory_space<hbm>> -> memref<2x8x128xf32, #tpu.memory_space<hbm>>
    tpu.enqueue_dma source(%dma_start3A_601 : memref<2x8x128xf32, #tpu.memory_space<hbm>>) target(%dma_start3A_597 : memref<2x8x128xf32, #tpu.memory_space<vmem>>) target_semaphore(%arg15 : memref<!tpu.dma_semaphore, #tpu.memory_space<semaphore_mem>>)
    %slice3A_602 = vector.extract_strided_slice %get3A_437 {offsets = [11], sizes = [1], strides = [1]} : vector<16xi32> to vector<1xi32>
    %squeeze3A_603 = vector.extract %slice3A_602[0] : i32 from vector<1xi32>
    %shift_right_arithmetic3A_604 = arith.constant 7 : i32
    %shift_right_arithmetic3A_605 = arith.shrsi %squeeze3A_603, %shift_right_arithmetic3A_604 : i32
    %shift_left3A_606 = arith.constant 7 : i32
    %shift_left3A_607 = arith.shli %shift_right_arithmetic3A_605, %shift_left3A_606 : i32
    %multiple_of3A_608 = tpu.assume_multiple %shift_left3A_607, 128 : i32
    %dma_start3A_609 = arith.constant 2 : i32
    %dma_start3A_610 = arith.constant 3 : i32
    %dma_start3A_611 = arith.constant 0 : i32
    %dma_start3A_612 = arith.constant 0 : i32
    %dma_start3A_613 = arith.constant 0 : i32
    %dma_start3A_614 = tpu.memref_slice %arg9[%dma_start3A_609, %dma_start3A_610, %dma_start3A_611, %dma_start3A_612, %dma_start3A_613] : memref<4x4x2x8x128xf32, #tpu.memory_space<vmem>> -> memref<1x1x2x8x128xf32, #tpu.memory_space<vmem>>
    %dma_start3A_615 = tpu.memref_squeeze %dma_start3A_614 : memref<1x1x2x8x128xf32, #tpu.memory_space<vmem>> -> memref<2x8x128xf32, #tpu.memory_space<vmem>>
    %dma_start3A_616 = tpu.memref_reshape %arg2 : memref<16x1000000xf32, #tpu.memory_space<hbm>> -> memref<2x8x1000000xf32, #tpu.memory_space<hbm>>
    %dma_start3A_617 = arith.constant 0 : i32
    %dma_start3A_618 = arith.constant 0 : i32
    %dma_start3A_619 = tpu.memref_slice %dma_start3A_616[%dma_start3A_617, %dma_start3A_618, %multiple_of3A_608] : memref<2x8x1000000xf32, #tpu.memory_space<hbm>> -> memref<2x8x128xf32, #tpu.memory_space<hbm>>
    %dma_start3A_620 = arith.constant 0 : i32
    %dma_start3A_621 = arith.constant 0 : i32
    %dma_start3A_622 = arith.constant 0 : i32
    %dma_start3A_623 = tpu.memref_slice %arg9[%dma_start3A_609, %dma_start3A_610, %dma_start3A_620, %dma_start3A_621, %dma_start3A_622] : memref<4x4x2x8x128xf32, #tpu.memory_space<vmem>> -> memref<1x1x2x8x128xf32, #tpu.memory_space<vmem>>
    %dma_start3A_624 = tpu.memref_squeeze %dma_start3A_623 : memref<1x1x2x8x128xf32, #tpu.memory_space<vmem>> -> memref<2x8x128xf32, #tpu.memory_space<vmem>>
    %dma_start3A_625 = tpu.memref_reshape %arg2 : memref<16x1000000xf32, #tpu.memory_space<hbm>> -> memref<2x8x1000000xf32, #tpu.memory_space<hbm>>
    %dma_start3A_626 = arith.constant 0 : i32
    %dma_start3A_627 = arith.constant 0 : i32
    %dma_start3A_628 = tpu.memref_slice %dma_start3A_625[%dma_start3A_626, %dma_start3A_627, %multiple_of3A_608] : memref<2x8x1000000xf32, #tpu.memory_space<hbm>> -> memref<2x8x128xf32, #tpu.memory_space<hbm>>
    tpu.enqueue_dma source(%dma_start3A_628 : memref<2x8x128xf32, #tpu.memory_space<hbm>>) target(%dma_start3A_624 : memref<2x8x128xf32, #tpu.memory_space<vmem>>) target_semaphore(%arg15 : memref<!tpu.dma_semaphore, #tpu.memory_space<semaphore_mem>>)
    %slice3A_629 = vector.extract_strided_slice %get3A_439 {offsets = [11], sizes = [1], strides = [1]} : vector<16xi32> to vector<1xi32>
    %squeeze3A_630 = vector.extract %slice3A_629[0] : i32 from vector<1xi32>
    %shift_right_arithmetic3A_631 = arith.constant 7 : i32
    %shift_right_arithmetic3A_632 = arith.shrsi %squeeze3A_630, %shift_right_arithmetic3A_631 : i32
    %shift_left3A_633 = arith.constant 7 : i32
    %shift_left3A_634 = arith.shli %shift_right_arithmetic3A_632, %shift_left3A_633 : i32
    %multiple_of3A_635 = tpu.assume_multiple %shift_left3A_634, 128 : i32
    %dma_start3A_636 = arith.constant 2 : i32
    %dma_start3A_637 = arith.constant 3 : i32
    %dma_start3A_638 = arith.constant 0 : i32
    %dma_start3A_639 = arith.constant 0 : i32
    %dma_start3A_640 = arith.constant 0 : i32
    %dma_start3A_641 = tpu.memref_slice %arg10[%dma_start3A_636, %dma_start3A_637, %dma_start3A_638, %dma_start3A_639, %dma_start3A_640] : memref<4x4x2x8x128xf32, #tpu.memory_space<vmem>> -> memref<1x1x2x8x128xf32, #tpu.memory_space<vmem>>
    %dma_start3A_642 = tpu.memref_squeeze %dma_start3A_641 : memref<1x1x2x8x128xf32, #tpu.memory_space<vmem>> -> memref<2x8x128xf32, #tpu.memory_space<vmem>>
    %dma_start3A_643 = tpu.memref_reshape %arg3 : memref<16x1000000xf32, #tpu.memory_space<hbm>> -> memref<2x8x1000000xf32, #tpu.memory_space<hbm>>
    %dma_start3A_644 = arith.constant 0 : i32
    %dma_start3A_645 = arith.constant 0 : i32
    %dma_start3A_646 = tpu.memref_slice %dma_start3A_643[%dma_start3A_644, %dma_start3A_645, %multiple_of3A_635] : memref<2x8x1000000xf32, #tpu.memory_space<hbm>> -> memref<2x8x128xf32, #tpu.memory_space<hbm>>
    %dma_start3A_647 = arith.constant 0 : i32
    %dma_start3A_648 = arith.constant 0 : i32
    %dma_start3A_649 = arith.constant 0 : i32
    %dma_start3A_650 = tpu.memref_slice %arg10[%dma_start3A_636, %dma_start3A_637, %dma_start3A_647, %dma_start3A_648, %dma_start3A_649] : memref<4x4x2x8x128xf32, #tpu.memory_space<vmem>> -> memref<1x1x2x8x128xf32, #tpu.memory_space<vmem>>
    %dma_start3A_651 = tpu.memref_squeeze %dma_start3A_650 : memref<1x1x2x8x128xf32, #tpu.memory_space<vmem>> -> memref<2x8x128xf32, #tpu.memory_space<vmem>>
    %dma_start3A_652 = tpu.memref_reshape %arg3 : memref<16x1000000xf32, #tpu.memory_space<hbm>> -> memref<2x8x1000000xf32, #tpu.memory_space<hbm>>
    %dma_start3A_653 = arith.constant 0 : i32
    %dma_start3A_654 = arith.constant 0 : i32
    %dma_start3A_655 = tpu.memref_slice %dma_start3A_652[%dma_start3A_653, %dma_start3A_654, %multiple_of3A_635] : memref<2x8x1000000xf32, #tpu.memory_space<hbm>> -> memref<2x8x128xf32, #tpu.memory_space<hbm>>
    tpu.enqueue_dma source(%dma_start3A_655 : memref<2x8x128xf32, #tpu.memory_space<hbm>>) target(%dma_start3A_651 : memref<2x8x128xf32, #tpu.memory_space<vmem>>) target_semaphore(%arg15 : memref<!tpu.dma_semaphore, #tpu.memory_space<semaphore_mem>>)
    %scan3A = arith.constant 0 : i32
    %scan3A_656 = arith.constant 0 : i32
    %scan3A_657 = arith.constant 32 : i32
    %scan3A_658 = arith.addi %scan3A_656, %scan3A_657 : i32
    %scan3A_659 = arith.constant 1 : i32
    %scan3A_660 = scf.for %scan3A_662 = %scan3A_656 to %scan3A_658 step %scan3A_659 iter_args(%scan3A_663 = %scan3A) -> (i32)  : i32 {
      %mul3A_664 = arith.constant 16 : i32
      %mul3A_665 = arith.muli %scan3A_662, %mul3A_664 : i32
      %mul3A_666 = arith.constant 4 : i32
      %mul3A_667 = arith.muli %scan3A_662, %mul3A_666 : i32
      %add3A_668 = arith.constant 0 : i32
      %add3A_669 = arith.addi %mul3A_667, %add3A_668 : i32
      %add3A_670 = arith.constant 3 : i32
      %add3A_671 = arith.addi %add3A_669, %add3A_670 : i32
      %add3A_672 = arith.constant 0 : i32
      %add3A_673 = arith.addi %mul3A_665, %add3A_672 : i32
      %lt3A = arith.constant 128 : i32
      %lt3A_674 = arith.cmpi slt, %add3A_671, %lt3A : i32
      %convert_element_type3A = arith.extui %lt3A_674 : i1 to i32
      %cond3A = arith.constant 0 : i32
      %cond3A_675 = arith.cmpi ne, %convert_element_type3A, %cond3A : i32
      scf.if %cond3A_675 {
        %get3A_1979 = arith.index_cast %add3A_673 : i32 to index
        %get3A_1980 = tpu.vector_load %arg7[%get3A_1979] {strides = array<i32>} : memref<512xi32, #tpu.memory_space<vmem>>, vector<16xi32>,
        %get3A_1981 = arith.index_cast %add3A_673 : i32 to index
        %get3A_1982 = tpu.vector_load %arg8[%get3A_1981] {strides = array<i32>} : memref<512xi32, #tpu.memory_space<vmem>>, vector<16xi32>,
        %slice3A_1983 = vector.extract_strided_slice %get3A_1980 {offsets = [12], sizes = [1], strides = [1]} : vector<16xi32> to vector<1xi32>
        %squeeze3A_1984 = vector.extract %slice3A_1983[0] : i32 from vector<1xi32>
        %shift_right_arithmetic3A_1985 = arith.constant 7 : i32
        %shift_right_arithmetic3A_1986 = arith.shrsi %squeeze3A_1984, %shift_right_arithmetic3A_1985 : i32
        %shift_left3A_1987 = arith.constant 7 : i32
        %shift_left3A_1988 = arith.shli %shift_right_arithmetic3A_1986, %shift_left3A_1987 : i32
        %multiple_of3A_1989 = tpu.assume_multiple %shift_left3A_1988, 128 : i32
        %dma_start3A_1990 = arith.constant 3 : i32
        %dma_start3A_1991 = arith.constant 0 : i32
        %dma_start3A_1992 = arith.constant 0 : i32
        %dma_start3A_1993 = arith.constant 0 : i32
        %dma_start3A_1994 = arith.constant 0 : i32
        %dma_start3A_1995 = tpu.memref_slice %arg9[%dma_start3A_1990, %dma_start3A_1991, %dma_start3A_1992, %dma_start3A_1993, %dma_start3A_1994] : memref<4x4x2x8x128xf32, #tpu.memory_space<vmem>> -> memref<1x1x2x8x128xf32, #tpu.memory_space<vmem>>
        %dma_start3A_1996 = tpu.memref_squeeze %dma_start3A_1995 : memref<1x1x2x8x128xf32, #tpu.memory_space<vmem>> -> memref<2x8x128xf32, #tpu.memory_space<vmem>>
        %dma_start3A_1997 = tpu.memref_reshape %arg2 : memref<16x1000000xf32, #tpu.memory_space<hbm>> -> memref<2x8x1000000xf32, #tpu.memory_space<hbm>>
        %dma_start3A_1998 = arith.constant 0 : i32
        %dma_start3A_1999 = arith.constant 0 : i32
        %dma_start3A_2000 = tpu.memref_slice %dma_start3A_1997[%dma_start3A_1998, %dma_start3A_1999, %multiple_of3A_1989] : memref<2x8x1000000xf32, #tpu.memory_space<hbm>> -> memref<2x8x128xf32, #tpu.memory_space<hbm>>
        %dma_start3A_2001 = arith.constant 0 : i32
        %dma_start3A_2002 = arith.constant 0 : i32
        %dma_start3A_2003 = arith.constant 0 : i32
        %dma_start3A_2004 = tpu.memref_slice %arg9[%dma_start3A_1990, %dma_start3A_1991, %dma_start3A_2001, %dma_start3A_2002, %dma_start3A_2003] : memref<4x4x2x8x128xf32, #tpu.memory_space<vmem>> -> memref<1x1x2x8x128xf32, #tpu.memory_space<vmem>>
        %dma_start3A_2005 = tpu.memref_squeeze %dma_start3A_2004 : memref<1x1x2x8x128xf32, #tpu.memory_space<vmem>> -> memref<2x8x128xf32, #tpu.memory_space<vmem>>
        %dma_start3A_2006 = tpu.memref_reshape %arg2 : memref<16x1000000xf32, #tpu.memory_space<hbm>> -> memref<2x8x1000000xf32, #tpu.memory_space<hbm>>
        %dma_start3A_2007 = arith.constant 0 : i32
        %dma_start3A_2008 = arith.constant 0 : i32
        %dma_start3A_2009 = tpu.memref_slice %dma_start3A_2006[%dma_start3A_2007, %dma_start3A_2008, %multiple_of3A_1989] : memref<2x8x1000000xf32, #tpu.memory_space<hbm>> -> memref<2x8x128xf32, #tpu.memory_space<hbm>>
        tpu.enqueue_dma source(%dma_start3A_2009 : memref<2x8x128xf32, #tpu.memory_space<hbm>>) target(%dma_start3A_2005 : memref<2x8x128xf32, #tpu.memory_space<vmem>>) target_semaphore(%arg16 : memref<!tpu.dma_semaphore, #tpu.memory_space<semaphore_mem>>)
        %slice3A_2010 = vector.extract_strided_slice %get3A_1982 {offsets = [12], sizes = [1], strides = [1]} : vector<16xi32> to vector<1xi32>
        %squeeze3A_2011 = vector.extract %slice3A_2010[0] : i32 from vector<1xi32>
        %shift_right_arithmetic3A_2012 = arith.constant 7 : i32
        %shift_right_arithmetic3A_2013 = arith.shrsi %squeeze3A_2011, %shift_right_arithmetic3A_2012 : i32
        %shift_left3A_2014 = arith.constant 7 : i32
        %shift_left3A_2015 = arith.shli %shift_right_arithmetic3A_2013, %shift_left3A_2014 : i32
        %multiple_of3A_2016 = tpu.assume_multiple %shift_left3A_2015, 128 : i32
        %dma_start3A_2017 = arith.constant 3 : i32
        %dma_start3A_2018 = arith.constant 0 : i32
        %dma_start3A_2019 = arith.constant 0 : i32
        %dma_start3A_2020 = arith.constant 0 : i32
        %dma_start3A_2021 = arith.constant 0 : i32
        %dma_start3A_2022 = tpu.memref_slice %arg10[%dma_start3A_2017, %dma_start3A_2018, %dma_start3A_2019, %dma_start3A_2020, %dma_start3A_2021] : memref<4x4x2x8x128xf32, #tpu.memory_space<vmem>> -> memref<1x1x2x8x128xf32, #tpu.memory_space<vmem>>
        %dma_start3A_2023 = tpu.memref_squeeze %dma_start3A_2022 : memref<1x1x2x8x128xf32, #tpu.memory_space<vmem>> -> memref<2x8x128xf32, #tpu.memory_space<vmem>>
        %dma_start3A_2024 = tpu.memref_reshape %arg3 : memref<16x1000000xf32, #tpu.memory_space<hbm>> -> memref<2x8x1000000xf32, #tpu.memory_space<hbm>>
        %dma_start3A_2025 = arith.constant 0 : i32
        %dma_start3A_2026 = arith.constant 0 : i32
        %dma_start3A_2027 = tpu.memref_slice %dma_start3A_2024[%dma_start3A_2025, %dma_start3A_2026, %multiple_of3A_2016] : memref<2x8x1000000xf32, #tpu.memory_space<hbm>> -> memref<2x8x128xf32, #tpu.memory_space<hbm>>
        %dma_start3A_2028 = arith.constant 0 : i32
        %dma_start3A_2029 = arith.constant 0 : i32
        %dma_start3A_2030 = arith.constant 0 : i32
        %dma_start3A_2031 = tpu.memref_slice %arg10[%dma_start3A_2017, %dma_start3A_2018, %dma_start3A_2028, %dma_start3A_2029, %dma_start3A_2030] : memref<4x4x2x8x128xf32, #tpu.memory_space<vmem>> -> memref<1x1x2x8x128xf32, #tpu.memory_space<vmem>>
        %dma_start3A_2032 = tpu.memref_squeeze %dma_start3A_2031 : memref<1x1x2x8x128xf32, #tpu.memory_space<vmem>> -> memref<2x8x128xf32, #tpu.memory_space<vmem>>
        %dma_start3A_2033 = tpu.memref_reshape %arg3 : memref<16x1000000xf32, #tpu.memory_space<hbm>> -> memref<2x8x1000000xf32, #tpu.memory_space<hbm>>
        %dma_start3A_2034 = arith.constant 0 : i32
        %dma_start3A_2035 = arith.constant 0 : i32
        %dma_start3A_2036 = tpu.memref_slice %dma_start3A_2033[%dma_start3A_2034, %dma_start3A_2035, %multiple_of3A_2016] : memref<2x8x1000000xf32, #tpu.memory_space<hbm>> -> memref<2x8x128xf32, #tpu.memory_space<hbm>>
        tpu.enqueue_dma source(%dma_start3A_2036 : memref<2x8x128xf32, #tpu.memory_space<hbm>>) target(%dma_start3A_2032 : memref<2x8x128xf32, #tpu.memory_space<vmem>>) target_semaphore(%arg16 : memref<!tpu.dma_semaphore, #tpu.memory_space<semaphore_mem>>)
        %slice3A_2037 = vector.extract_strided_slice %get3A_1980 {offsets = [13], sizes = [1], strides = [1]} : vector<16xi32> to vector<1xi32>
        %squeeze3A_2038 = vector.extract %slice3A_2037[0] : i32 from vector<1xi32>
        %shift_right_arithmetic3A_2039 = arith.constant 7 : i32
        %shift_right_arithmetic3A_2040 = arith.shrsi %squeeze3A_2038, %shift_right_arithmetic3A_2039 : i32
        %shift_left3A_2041 = arith.constant 7 : i32
        %shift_left3A_2042 = arith.shli %shift_right_arithmetic3A_2040, %shift_left3A_2041 : i32
        %multiple_of3A_2043 = tpu.assume_multiple %shift_left3A_2042, 128 : i32
        %dma_start3A_2044 = arith.constant 3 : i32
        %dma_start3A_2045 = arith.constant 1 : i32
        %dma_start3A_2046 = arith.constant 0 : i32
        %dma_start3A_2047 = arith.constant 0 : i32
        %dma_start3A_2048 = arith.constant 0 : i32
        %dma_start3A_2049 = tpu.memref_slice %arg9[%dma_start3A_2044, %dma_start3A_2045, %dma_start3A_2046, %dma_start3A_2047, %dma_start3A_2048] : memref<4x4x2x8x128xf32, #tpu.memory_space<vmem>> -> memref<1x1x2x8x128xf32, #tpu.memory_space<vmem>>
        %dma_start3A_2050 = tpu.memref_squeeze %dma_start3A_2049 : memref<1x1x2x8x128xf32, #tpu.memory_space<vmem>> -> memref<2x8x128xf32, #tpu.memory_space<vmem>>
        %dma_start3A_2051 = tpu.memref_reshape %arg2 : memref<16x1000000xf32, #tpu.memory_space<hbm>> -> memref<2x8x1000000xf32, #tpu.memory_space<hbm>>
        %dma_start3A_2052 = arith.constant 0 : i32
        %dma_start3A_2053 = arith.constant 0 : i32
        %dma_start3A_2054 = tpu.memref_slice %dma_start3A_2051[%dma_start3A_2052, %dma_start3A_2053, %multiple_of3A_2043] : memref<2x8x1000000xf32, #tpu.memory_space<hbm>> -> memref<2x8x128xf32, #tpu.memory_space<hbm>>
        %dma_start3A_2055 = arith.constant 0 : i32
        %dma_start3A_2056 = arith.constant 0 : i32
        %dma_start3A_2057 = arith.constant 0 : i32
        %dma_start3A_2058 = tpu.memref_slice %arg9[%dma_start3A_2044, %dma_start3A_2045, %dma_start3A_2055, %dma_start3A_2056, %dma_start3A_2057] : memref<4x4x2x8x128xf32, #tpu.memory_space<vmem>> -> memref<1x1x2x8x128xf32, #tpu.memory_space<vmem>>
        %dma_start3A_2059 = tpu.memref_squeeze %dma_start3A_2058 : memref<1x1x2x8x128xf32, #tpu.memory_space<vmem>> -> memref<2x8x128xf32, #tpu.memory_space<vmem>>
        %dma_start3A_2060 = tpu.memref_reshape %arg2 : memref<16x1000000xf32, #tpu.memory_space<hbm>> -> memref<2x8x1000000xf32, #tpu.memory_space<hbm>>
        %dma_start3A_2061 = arith.constant 0 : i32
        %dma_start3A_2062 = arith.constant 0 : i32
        %dma_start3A_2063 = tpu.memref_slice %dma_start3A_2060[%dma_start3A_2061, %dma_start3A_2062, %multiple_of3A_2043] : memref<2x8x1000000xf32, #tpu.memory_space<hbm>> -> memref<2x8x128xf32, #tpu.memory_space<hbm>>
        tpu.enqueue_dma source(%dma_start3A_2063 : memref<2x8x128xf32, #tpu.memory_space<hbm>>) target(%dma_start3A_2059 : memref<2x8x128xf32, #tpu.memory_space<vmem>>) target_semaphore(%arg16 : memref<!tpu.dma_semaphore, #tpu.memory_space<semaphore_mem>>)
        %slice3A_2064 = vector.extract_strided_slice %get3A_1982 {offsets = [13], sizes = [1], strides = [1]} : vector<16xi32> to vector<1xi32>
        %squeeze3A_2065 = vector.extract %slice3A_2064[0] : i32 from vector<1xi32>
        %shift_right_arithmetic3A_2066 = arith.constant 7 : i32
        %shift_right_arithmetic3A_2067 = arith.shrsi %squeeze3A_2065, %shift_right_arithmetic3A_2066 : i32
        %shift_left3A_2068 = arith.constant 7 : i32
        %shift_left3A_2069 = arith.shli %shift_right_arithmetic3A_2067, %shift_left3A_2068 : i32
        %multiple_of3A_2070 = tpu.assume_multiple %shift_left3A_2069, 128 : i32
        %dma_start3A_2071 = arith.constant 3 : i32
        %dma_start3A_2072 = arith.constant 1 : i32
        %dma_start3A_2073 = arith.constant 0 : i32
        %dma_start3A_2074 = arith.constant 0 : i32
        %dma_start3A_2075 = arith.constant 0 : i32
        %dma_start3A_2076 = tpu.memref_slice %arg10[%dma_start3A_2071, %dma_start3A_2072, %dma_start3A_2073, %dma_start3A_2074, %dma_start3A_2075] : memref<4x4x2x8x128xf32, #tpu.memory_space<vmem>> -> memref<1x1x2x8x128xf32, #tpu.memory_space<vmem>>
        %dma_start3A_2077 = tpu.memref_squeeze %dma_start3A_2076 : memref<1x1x2x8x128xf32, #tpu.memory_space<vmem>> -> memref<2x8x128xf32, #tpu.memory_space<vmem>>
        %dma_start3A_2078 = tpu.memref_reshape %arg3 : memref<16x1000000xf32, #tpu.memory_space<hbm>> -> memref<2x8x1000000xf32, #tpu.memory_space<hbm>>
        %dma_start3A_2079 = arith.constant 0 : i32
        %dma_start3A_2080 = arith.constant 0 : i32
        %dma_start3A_2081 = tpu.memref_slice %dma_start3A_2078[%dma_start3A_2079, %dma_start3A_2080, %multiple_of3A_2070] : memref<2x8x1000000xf32, #tpu.memory_space<hbm>> -> memref<2x8x128xf32, #tpu.memory_space<hbm>>
        %dma_start3A_2082 = arith.constant 0 : i32
        %dma_start3A_2083 = arith.constant 0 : i32
        %dma_start3A_2084 = arith.constant 0 : i32
        %dma_start3A_2085 = tpu.memref_slice %arg10[%dma_start3A_2071, %dma_start3A_2072, %dma_start3A_2082, %dma_start3A_2083, %dma_start3A_2084] : memref<4x4x2x8x128xf32, #tpu.memory_space<vmem>> -> memref<1x1x2x8x128xf32, #tpu.memory_space<vmem>>
        %dma_start3A_2086 = tpu.memref_squeeze %dma_start3A_2085 : memref<1x1x2x8x128xf32, #tpu.memory_space<vmem>> -> memref<2x8x128xf32, #tpu.memory_space<vmem>>
        %dma_start3A_2087 = tpu.memref_reshape %arg3 : memref<16x1000000xf32, #tpu.memory_space<hbm>> -> memref<2x8x1000000xf32, #tpu.memory_space<hbm>>
        %dma_start3A_2088 = arith.constant 0 : i32
        %dma_start3A_2089 = arith.constant 0 : i32
        %dma_start3A_2090 = tpu.memref_slice %dma_start3A_2087[%dma_start3A_2088, %dma_start3A_2089, %multiple_of3A_2070] : memref<2x8x1000000xf32, #tpu.memory_space<hbm>> -> memref<2x8x128xf32, #tpu.memory_space<hbm>>
        tpu.enqueue_dma source(%dma_start3A_2090 : memref<2x8x128xf32, #tpu.memory_space<hbm>>) target(%dma_start3A_2086 : memref<2x8x128xf32, #tpu.memory_space<vmem>>) target_semaphore(%arg16 : memref<!tpu.dma_semaphore, #tpu.memory_space<semaphore_mem>>)
        %slice3A_2091 = vector.extract_strided_slice %get3A_1980 {offsets = [14], sizes = [1], strides = [1]} : vector<16xi32> to vector<1xi32>
        %squeeze3A_2092 = vector.extract %slice3A_2091[0] : i32 from vector<1xi32>
        %shift_right_arithmetic3A_2093 = arith.constant 7 : i32
        %shift_right_arithmetic3A_2094 = arith.shrsi %squeeze3A_2092, %shift_right_arithmetic3A_2093 : i32
        %shift_left3A_2095 = arith.constant 7 : i32
        %shift_left3A_2096 = arith.shli %shift_right_arithmetic3A_2094, %shift_left3A_2095 : i32
        %multiple_of3A_2097 = tpu.assume_multiple %shift_left3A_2096, 128 : i32
        %dma_start3A_2098 = arith.constant 3 : i32
        %dma_start3A_2099 = arith.constant 2 : i32
        %dma_start3A_2100 = arith.constant 0 : i32
        %dma_start3A_2101 = arith.constant 0 : i32
        %dma_start3A_2102 = arith.constant 0 : i32
        %dma_start3A_2103 = tpu.memref_slice %arg9[%dma_start3A_2098, %dma_start3A_2099, %dma_start3A_2100, %dma_start3A_2101, %dma_start3A_2102] : memref<4x4x2x8x128xf32, #tpu.memory_space<vmem>> -> memref<1x1x2x8x128xf32, #tpu.memory_space<vmem>>
        %dma_start3A_2104 = tpu.memref_squeeze %dma_start3A_2103 : memref<1x1x2x8x128xf32, #tpu.memory_space<vmem>> -> memref<2x8x128xf32, #tpu.memory_space<vmem>>
        %dma_start3A_2105 = tpu.memref_reshape %arg2 : memref<16x1000000xf32, #tpu.memory_space<hbm>> -> memref<2x8x1000000xf32, #tpu.memory_space<hbm>>
        %dma_start3A_2106 = arith.constant 0 : i32
        %dma_start3A_2107 = arith.constant 0 : i32
        %dma_start3A_2108 = tpu.memref_slice %dma_start3A_2105[%dma_start3A_2106, %dma_start3A_2107, %multiple_of3A_2097] : memref<2x8x1000000xf32, #tpu.memory_space<hbm>> -> memref<2x8x128xf32, #tpu.memory_space<hbm>>
        %dma_start3A_2109 = arith.constant 0 : i32
        %dma_start3A_2110 = arith.constant 0 : i32
        %dma_start3A_2111 = arith.constant 0 : i32
        %dma_start3A_2112 = tpu.memref_slice %arg9[%dma_start3A_2098, %dma_start3A_2099, %dma_start3A_2109, %dma_start3A_2110, %dma_start3A_2111] : memref<4x4x2x8x128xf32, #tpu.memory_space<vmem>> -> memref<1x1x2x8x128xf32, #tpu.memory_space<vmem>>
        %dma_start3A_2113 = tpu.memref_squeeze %dma_start3A_2112 : memref<1x1x2x8x128xf32, #tpu.memory_space<vmem>> -> memref<2x8x128xf32, #tpu.memory_space<vmem>>
        %dma_start3A_2114 = tpu.memref_reshape %arg2 : memref<16x1000000xf32, #tpu.memory_space<hbm>> -> memref<2x8x1000000xf32, #tpu.memory_space<hbm>>
        %dma_start3A_2115 = arith.constant 0 : i32
        %dma_start3A_2116 = arith.constant 0 : i32
        %dma_start3A_2117 = tpu.memref_slice %dma_start3A_2114[%dma_start3A_2115, %dma_start3A_2116, %multiple_of3A_2097] : memref<2x8x1000000xf32, #tpu.memory_space<hbm>> -> memref<2x8x128xf32, #tpu.memory_space<hbm>>
        tpu.enqueue_dma source(%dma_start3A_2117 : memref<2x8x128xf32, #tpu.memory_space<hbm>>) target(%dma_start3A_2113 : memref<2x8x128xf32, #tpu.memory_space<vmem>>) target_semaphore(%arg16 : memref<!tpu.dma_semaphore, #tpu.memory_space<semaphore_mem>>)
        %slice3A_2118 = vector.extract_strided_slice %get3A_1982 {offsets = [14], sizes = [1], strides = [1]} : vector<16xi32> to vector<1xi32>
        %squeeze3A_2119 = vector.extract %slice3A_2118[0] : i32 from vector<1xi32>
        %shift_right_arithmetic3A_2120 = arith.constant 7 : i32
        %shift_right_arithmetic3A_2121 = arith.shrsi %squeeze3A_2119, %shift_right_arithmetic3A_2120 : i32
        %shift_left3A_2122 = arith.constant 7 : i32
        %shift_left3A_2123 = arith.shli %shift_right_arithmetic3A_2121, %shift_left3A_2122 : i32
        %multiple_of3A_2124 = tpu.assume_multiple %shift_left3A_2123, 128 : i32
        %dma_start3A_2125 = arith.constant 3 : i32
        %dma_start3A_2126 = arith.constant 2 : i32
        %dma_start3A_2127 = arith.constant 0 : i32
        %dma_start3A_2128 = arith.constant 0 : i32
        %dma_start3A_2129 = arith.constant 0 : i32
        %dma_start3A_2130 = tpu.memref_slice %arg10[%dma_start3A_2125, %dma_start3A_2126, %dma_start3A_2127, %dma_start3A_2128, %dma_start3A_2129] : memref<4x4x2x8x128xf32, #tpu.memory_space<vmem>> -> memref<1x1x2x8x128xf32, #tpu.memory_space<vmem>>
        %dma_start3A_2131 = tpu.memref_squeeze %dma_start3A_2130 : memref<1x1x2x8x128xf32, #tpu.memory_space<vmem>> -> memref<2x8x128xf32, #tpu.memory_space<vmem>>
        %dma_start3A_2132 = tpu.memref_reshape %arg3 : memref<16x1000000xf32, #tpu.memory_space<hbm>> -> memref<2x8x1000000xf32, #tpu.memory_space<hbm>>
        %dma_start3A_2133 = arith.constant 0 : i32
        %dma_start3A_2134 = arith.constant 0 : i32
        %dma_start3A_2135 = tpu.memref_slice %dma_start3A_2132[%dma_start3A_2133, %dma_start3A_2134, %multiple_of3A_2124] : memref<2x8x1000000xf32, #tpu.memory_space<hbm>> -> memref<2x8x128xf32, #tpu.memory_space<hbm>>
        %dma_start3A_2136 = arith.constant 0 : i32
        %dma_start3A_2137 = arith.constant 0 : i32
        %dma_start3A_2138 = arith.constant 0 : i32
        %dma_start3A_2139 = tpu.memref_slice %arg10[%dma_start3A_2125, %dma_start3A_2126, %dma_start3A_2136, %dma_start3A_2137, %dma_start3A_2138] : memref<4x4x2x8x128xf32, #tpu.memory_space<vmem>> -> memref<1x1x2x8x128xf32, #tpu.memory_space<vmem>>
        %dma_start3A_2140 = tpu.memref_squeeze %dma_start3A_2139 : memref<1x1x2x8x128xf32, #tpu.memory_space<vmem>> -> memref<2x8x128xf32, #tpu.memory_space<vmem>>
        %dma_start3A_2141 = tpu.memref_reshape %arg3 : memref<16x1000000xf32, #tpu.memory_space<hbm>> -> memref<2x8x1000000xf32, #tpu.memory_space<hbm>>
        %dma_start3A_2142 = arith.constant 0 : i32
        %dma_start3A_2143 = arith.constant 0 : i32
        %dma_start3A_2144 = tpu.memref_slice %dma_start3A_2141[%dma_start3A_2142, %dma_start3A_2143, %multiple_of3A_2124] : memref<2x8x1000000xf32, #tpu.memory_space<hbm>> -> memref<2x8x128xf32, #tpu.memory_space<hbm>>
        tpu.enqueue_dma source(%dma_start3A_2144 : memref<2x8x128xf32, #tpu.memory_space<hbm>>) target(%dma_start3A_2140 : memref<2x8x128xf32, #tpu.memory_space<vmem>>) target_semaphore(%arg16 : memref<!tpu.dma_semaphore, #tpu.memory_space<semaphore_mem>>)
        %slice3A_2145 = vector.extract_strided_slice %get3A_1980 {offsets = [15], sizes = [1], strides = [1]} : vector<16xi32> to vector<1xi32>
        %squeeze3A_2146 = vector.extract %slice3A_2145[0] : i32 from vector<1xi32>
        %shift_right_arithmetic3A_2147 = arith.constant 7 : i32
        %shift_right_arithmetic3A_2148 = arith.shrsi %squeeze3A_2146, %shift_right_arithmetic3A_2147 : i32
        %shift_left3A_2149 = arith.constant 7 : i32
        %shift_left3A_2150 = arith.shli %shift_right_arithmetic3A_2148, %shift_left3A_2149 : i32
        %multiple_of3A_2151 = tpu.assume_multiple %shift_left3A_2150, 128 : i32
        %dma_start3A_2152 = arith.constant 3 : i32
        %dma_start3A_2153 = arith.constant 3 : i32
        %dma_start3A_2154 = arith.constant 0 : i32
        %dma_start3A_2155 = arith.constant 0 : i32
        %dma_start3A_2156 = arith.constant 0 : i32
        %dma_start3A_2157 = tpu.memref_slice %arg9[%dma_start3A_2152, %dma_start3A_2153, %dma_start3A_2154, %dma_start3A_2155, %dma_start3A_2156] : memref<4x4x2x8x128xf32, #tpu.memory_space<vmem>> -> memref<1x1x2x8x128xf32, #tpu.memory_space<vmem>>
        %dma_start3A_2158 = tpu.memref_squeeze %dma_start3A_2157 : memref<1x1x2x8x128xf32, #tpu.memory_space<vmem>> -> memref<2x8x128xf32, #tpu.memory_space<vmem>>
        %dma_start3A_2159 = tpu.memref_reshape %arg2 : memref<16x1000000xf32, #tpu.memory_space<hbm>> -> memref<2x8x1000000xf32, #tpu.memory_space<hbm>>
        %dma_start3A_2160 = arith.constant 0 : i32
        %dma_start3A_2161 = arith.constant 0 : i32
        %dma_start3A_2162 = tpu.memref_slice %dma_start3A_2159[%dma_start3A_2160, %dma_start3A_2161, %multiple_of3A_2151] : memref<2x8x1000000xf32, #tpu.memory_space<hbm>> -> memref<2x8x128xf32, #tpu.memory_space<hbm>>
        %dma_start3A_2163 = arith.constant 0 : i32
        %dma_start3A_2164 = arith.constant 0 : i32
        %dma_start3A_2165 = arith.constant 0 : i32
        %dma_start3A_2166 = tpu.memref_slice %arg9[%dma_start3A_2152, %dma_start3A_2153, %dma_start3A_2163, %dma_start3A_2164, %dma_start3A_2165] : memref<4x4x2x8x128xf32, #tpu.memory_space<vmem>> -> memref<1x1x2x8x128xf32, #tpu.memory_space<vmem>>
        %dma_start3A_2167 = tpu.memref_squeeze %dma_start3A_2166 : memref<1x1x2x8x128xf32, #tpu.memory_space<vmem>> -> memref<2x8x128xf32, #tpu.memory_space<vmem>>
        %dma_start3A_2168 = tpu.memref_reshape %arg2 : memref<16x1000000xf32, #tpu.memory_space<hbm>> -> memref<2x8x1000000xf32, #tpu.memory_space<hbm>>
        %dma_start3A_2169 = arith.constant 0 : i32
        %dma_start3A_2170 = arith.constant 0 : i32
        %dma_start3A_2171 = tpu.memref_slice %dma_start3A_2168[%dma_start3A_2169, %dma_start3A_2170, %multiple_of3A_2151] : memref<2x8x1000000xf32, #tpu.memory_space<hbm>> -> memref<2x8x128xf32, #tpu.memory_space<hbm>>
        tpu.enqueue_dma source(%dma_start3A_2171 : memref<2x8x128xf32, #tpu.memory_space<hbm>>) target(%dma_start3A_2167 : memref<2x8x128xf32, #tpu.memory_space<vmem>>) target_semaphore(%arg16 : memref<!tpu.dma_semaphore, #tpu.memory_space<semaphore_mem>>)
        %slice3A_2172 = vector.extract_strided_slice %get3A_1982 {offsets = [15], sizes = [1], strides = [1]} : vector<16xi32> to vector<1xi32>
        %squeeze3A_2173 = vector.extract %slice3A_2172[0] : i32 from vector<1xi32>
        %shift_right_arithmetic3A_2174 = arith.constant 7 : i32
        %shift_right_arithmetic3A_2175 = arith.shrsi %squeeze3A_2173, %shift_right_arithmetic3A_2174 : i32
        %shift_left3A_2176 = arith.constant 7 : i32
        %shift_left3A_2177 = arith.shli %shift_right_arithmetic3A_2175, %shift_left3A_2176 : i32
        %multiple_of3A_2178 = tpu.assume_multiple %shift_left3A_2177, 128 : i32
        %dma_start3A_2179 = arith.constant 3 : i32
        %dma_start3A_2180 = arith.constant 3 : i32
        %dma_start3A_2181 = arith.constant 0 : i32
        %dma_start3A_2182 = arith.constant 0 : i32
        %dma_start3A_2183 = arith.constant 0 : i32
        %dma_start3A_2184 = tpu.memref_slice %arg10[%dma_start3A_2179, %dma_start3A_2180, %dma_start3A_2181, %dma_start3A_2182, %dma_start3A_2183] : memref<4x4x2x8x128xf32, #tpu.memory_space<vmem>> -> memref<1x1x2x8x128xf32, #tpu.memory_space<vmem>>
        %dma_start3A_2185 = tpu.memref_squeeze %dma_start3A_2184 : memref<1x1x2x8x128xf32, #tpu.memory_space<vmem>> -> memref<2x8x128xf32, #tpu.memory_space<vmem>>
        %dma_start3A_2186 = tpu.memref_reshape %arg3 : memref<16x1000000xf32, #tpu.memory_space<hbm>> -> memref<2x8x1000000xf32, #tpu.memory_space<hbm>>
        %dma_start3A_2187 = arith.constant 0 : i32
        %dma_start3A_2188 = arith.constant 0 : i32
        %dma_start3A_2189 = tpu.memref_slice %dma_start3A_2186[%dma_start3A_2187, %dma_start3A_2188, %multiple_of3A_2178] : memref<2x8x1000000xf32, #tpu.memory_space<hbm>> -> memref<2x8x128xf32, #tpu.memory_space<hbm>>
        %dma_start3A_2190 = arith.constant 0 : i32
        %dma_start3A_2191 = arith.constant 0 : i32
        %dma_start3A_2192 = arith.constant 0 : i32
        %dma_start3A_2193 = tpu.memref_slice %arg10[%dma_start3A_2179, %dma_start3A_2180, %dma_start3A_2190, %dma_start3A_2191, %dma_start3A_2192] : memref<4x4x2x8x128xf32, #tpu.memory_space<vmem>> -> memref<1x1x2x8x128xf32, #tpu.memory_space<vmem>>
        %dma_start3A_2194 = tpu.memref_squeeze %dma_start3A_2193 : memref<1x1x2x8x128xf32, #tpu.memory_space<vmem>> -> memref<2x8x128xf32, #tpu.memory_space<vmem>>
        %dma_start3A_2195 = tpu.memref_reshape %arg3 : memref<16x1000000xf32, #tpu.memory_space<hbm>> -> memref<2x8x1000000xf32, #tpu.memory_space<hbm>>
        %dma_start3A_2196 = arith.constant 0 : i32
        %dma_start3A_2197 = arith.constant 0 : i32
        %dma_start3A_2198 = tpu.memref_slice %dma_start3A_2195[%dma_start3A_2196, %dma_start3A_2197, %multiple_of3A_2178] : memref<2x8x1000000xf32, #tpu.memory_space<hbm>> -> memref<2x8x128xf32, #tpu.memory_space<hbm>>
        tpu.enqueue_dma source(%dma_start3A_2198 : memref<2x8x128xf32, #tpu.memory_space<hbm>>) target(%dma_start3A_2194 : memref<2x8x128xf32, #tpu.memory_space<vmem>>) target_semaphore(%arg16 : memref<!tpu.dma_semaphore, #tpu.memory_space<semaphore_mem>>)
      } else {
      }
      %dma_wait3A = arith.constant 0 : i32
      %dma_wait3A_676 = arith.constant 0 : i32
      %dma_wait3A_677 = arith.constant 0 : i32
      %dma_wait3A_678 = arith.constant 0 : i32
      %dma_wait3A_679 = arith.constant 0 : i32
      %dma_wait3A_680 = tpu.memref_slice %arg9[%dma_wait3A, %dma_wait3A_676, %dma_wait3A_677, %dma_wait3A_678, %dma_wait3A_679] : memref<4x4x2x8x128xf32, #tpu.memory_space<vmem>> -> memref<1x1x2x8x128xf32, #tpu.memory_space<vmem>>
      %dma_wait3A_681 = tpu.memref_squeeze %dma_wait3A_680 : memref<1x1x2x8x128xf32, #tpu.memory_space<vmem>> -> memref<2x8x128xf32, #tpu.memory_space<vmem>>
      %dma_wait3A_682 = tpu.memref_reshape %arg2 : memref<16x1000000xf32, #tpu.memory_space<hbm>> -> memref<2x8x1000000xf32, #tpu.memory_space<hbm>>
      %dma_wait3A_683 = arith.constant 0 : i32
      %dma_wait3A_684 = arith.constant 0 : i32
      %dma_wait3A_685 = arith.constant 0 : i32
      %dma_wait3A_686 = tpu.memref_slice %dma_wait3A_682[%dma_wait3A_683, %dma_wait3A_684, %dma_wait3A_685] : memref<2x8x1000000xf32, #tpu.memory_space<hbm>> -> memref<2x8x128xf32, #tpu.memory_space<hbm>>
      %dma_wait3A_687 = arith.constant 0 : i32
      %dma_wait3A_688 = arith.constant 0 : i32
      %dma_wait3A_689 = arith.constant 0 : i32
      %dma_wait3A_690 = tpu.memref_slice %arg9[%dma_wait3A, %dma_wait3A_676, %dma_wait3A_687, %dma_wait3A_688, %dma_wait3A_689] : memref<4x4x2x8x128xf32, #tpu.memory_space<vmem>> -> memref<1x1x2x8x128xf32, #tpu.memory_space<vmem>>
      %dma_wait3A_691 = tpu.memref_squeeze %dma_wait3A_690 : memref<1x1x2x8x128xf32, #tpu.memory_space<vmem>> -> memref<2x8x128xf32, #tpu.memory_space<vmem>>
      %dma_wait3A_692 = tpu.memref_reshape %arg2 : memref<16x1000000xf32, #tpu.memory_space<hbm>> -> memref<2x8x1000000xf32, #tpu.memory_space<hbm>>
      %dma_wait3A_693 = arith.constant 0 : i32
      %dma_wait3A_694 = arith.constant 0 : i32
      %dma_wait3A_695 = arith.constant 0 : i32
      %dma_wait3A_696 = tpu.memref_slice %dma_wait3A_692[%dma_wait3A_693, %dma_wait3A_694, %dma_wait3A_695] : memref<2x8x1000000xf32, #tpu.memory_space<hbm>> -> memref<2x8x128xf32, #tpu.memory_space<hbm>>
      tpu.wait_dma2 semaphore(%arg13 : memref<!tpu.dma_semaphore, #tpu.memory_space<semaphore_mem>>) src(%dma_wait3A_696 : memref<2x8x128xf32, #tpu.memory_space<hbm>>) dst(%dma_wait3A_691 : memref<2x8x128xf32, #tpu.memory_space<vmem>>)
      %dma_wait3A_697 = arith.constant 0 : i32
      %dma_wait3A_698 = arith.constant 0 : i32
      %dma_wait3A_699 = arith.constant 0 : i32
      %dma_wait3A_700 = arith.constant 0 : i32
      %dma_wait3A_701 = arith.constant 0 : i32
      %dma_wait3A_702 = tpu.memref_slice %arg10[%dma_wait3A_697, %dma_wait3A_698, %dma_wait3A_699, %dma_wait3A_700, %dma_wait3A_701] : memref<4x4x2x8x128xf32, #tpu.memory_space<vmem>> -> memref<1x1x2x8x128xf32, #tpu.memory_space<vmem>>
      %dma_wait3A_703 = tpu.memref_squeeze %dma_wait3A_702 : memref<1x1x2x8x128xf32, #tpu.memory_space<vmem>> -> memref<2x8x128xf32, #tpu.memory_space<vmem>>
      %dma_wait3A_704 = tpu.memref_reshape %arg3 : memref<16x1000000xf32, #tpu.memory_space<hbm>> -> memref<2x8x1000000xf32, #tpu.memory_space<hbm>>
      %dma_wait3A_705 = arith.constant 0 : i32
      %dma_wait3A_706 = arith.constant 0 : i32
      %dma_wait3A_707 = arith.constant 0 : i32
      %dma_wait3A_708 = tpu.memref_slice %dma_wait3A_704[%dma_wait3A_705, %dma_wait3A_706, %dma_wait3A_707] : memref<2x8x1000000xf32, #tpu.memory_space<hbm>> -> memref<2x8x128xf32, #tpu.memory_space<hbm>>
      %dma_wait3A_709 = arith.constant 0 : i32
      %dma_wait3A_710 = arith.constant 0 : i32
      %dma_wait3A_711 = arith.constant 0 : i32
      %dma_wait3A_712 = tpu.memref_slice %arg10[%dma_wait3A_697, %dma_wait3A_698, %dma_wait3A_709, %dma_wait3A_710, %dma_wait3A_711] : memref<4x4x2x8x128xf32, #tpu.memory_space<vmem>> -> memref<1x1x2x8x128xf32, #tpu.memory_space<vmem>>
      %dma_wait3A_713 = tpu.memref_squeeze %dma_wait3A_712 : memref<1x1x2x8x128xf32, #tpu.memory_space<vmem>> -> memref<2x8x128xf32, #tpu.memory_space<vmem>>
      %dma_wait3A_714 = tpu.memref_reshape %arg3 : memref<16x1000000xf32, #tpu.memory_space<hbm>> -> memref<2x8x1000000xf32, #tpu.memory_space<hbm>>
      %dma_wait3A_715 = arith.constant 0 : i32
      %dma_wait3A_716 = arith.constant 0 : i32
      %dma_wait3A_717 = arith.constant 0 : i32
      %dma_wait3A_718 = tpu.memref_slice %dma_wait3A_714[%dma_wait3A_715, %dma_wait3A_716, %dma_wait3A_717] : memref<2x8x1000000xf32, #tpu.memory_space<hbm>> -> memref<2x8x128xf32, #tpu.memory_space<hbm>>
      tpu.wait_dma2 semaphore(%arg13 : memref<!tpu.dma_semaphore, #tpu.memory_space<semaphore_mem>>) src(%dma_wait3A_718 : memref<2x8x128xf32, #tpu.memory_space<hbm>>) dst(%dma_wait3A_713 : memref<2x8x128xf32, #tpu.memory_space<vmem>>)
      %dma_wait3A_719 = arith.constant 0 : i32
      %dma_wait3A_720 = arith.constant 1 : i32
      %dma_wait3A_721 = arith.constant 0 : i32
      %dma_wait3A_722 = arith.constant 0 : i32
      %dma_wait3A_723 = arith.constant 0 : i32
      %dma_wait3A_724 = tpu.memref_slice %arg9[%dma_wait3A_719, %dma_wait3A_720, %dma_wait3A_721, %dma_wait3A_722, %dma_wait3A_723] : memref<4x4x2x8x128xf32, #tpu.memory_space<vmem>> -> memref<1x1x2x8x128xf32, #tpu.memory_space<vmem>>
      %dma_wait3A_725 = tpu.memref_squeeze %dma_wait3A_724 : memref<1x1x2x8x128xf32, #tpu.memory_space<vmem>> -> memref<2x8x128xf32, #tpu.memory_space<vmem>>
      %dma_wait3A_726 = tpu.memref_reshape %arg2 : memref<16x1000000xf32, #tpu.memory_space<hbm>> -> memref<2x8x1000000xf32, #tpu.memory_space<hbm>>
      %dma_wait3A_727 = arith.constant 0 : i32
      %dma_wait3A_728 = arith.constant 0 : i32
      %dma_wait3A_729 = arith.constant 0 : i32
      %dma_wait3A_730 = tpu.memref_slice %dma_wait3A_726[%dma_wait3A_727, %dma_wait3A_728, %dma_wait3A_729] : memref<2x8x1000000xf32, #tpu.memory_space<hbm>> -> memref<2x8x128xf32, #tpu.memory_space<hbm>>
      %dma_wait3A_731 = arith.constant 0 : i32
      %dma_wait3A_732 = arith.constant 0 : i32
      %dma_wait3A_733 = arith.constant 0 : i32
      %dma_wait3A_734 = tpu.memref_slice %arg9[%dma_wait3A_719, %dma_wait3A_720, %dma_wait3A_731, %dma_wait3A_732, %dma_wait3A_733] : memref<4x4x2x8x128xf32, #tpu.memory_space<vmem>> -> memref<1x1x2x8x128xf32, #tpu.memory_space<vmem>>
      %dma_wait3A_735 = tpu.memref_squeeze %dma_wait3A_734 : memref<1x1x2x8x128xf32, #tpu.memory_space<vmem>> -> memref<2x8x128xf32, #tpu.memory_space<vmem>>
      %dma_wait3A_736 = tpu.memref_reshape %arg2 : memref<16x1000000xf32, #tpu.memory_space<hbm>> -> memref<2x8x1000000xf32, #tpu.memory_space<hbm>>
      %dma_wait3A_737 = arith.constant 0 : i32
      %dma_wait3A_738 = arith.constant 0 : i32
      %dma_wait3A_739 = arith.constant 0 : i32
      %dma_wait3A_740 = tpu.memref_slice %dma_wait3A_736[%dma_wait3A_737, %dma_wait3A_738, %dma_wait3A_739] : memref<2x8x1000000xf32, #tpu.memory_space<hbm>> -> memref<2x8x128xf32, #tpu.memory_space<hbm>>
      tpu.wait_dma2 semaphore(%arg13 : memref<!tpu.dma_semaphore, #tpu.memory_space<semaphore_mem>>) src(%dma_wait3A_740 : memref<2x8x128xf32, #tpu.memory_space<hbm>>) dst(%dma_wait3A_735 : memref<2x8x128xf32, #tpu.memory_space<vmem>>)
      %dma_wait3A_741 = arith.constant 0 : i32
      %dma_wait3A_742 = arith.constant 1 : i32
      %dma_wait3A_743 = arith.constant 0 : i32
      %dma_wait3A_744 = arith.constant 0 : i32
      %dma_wait3A_745 = arith.constant 0 : i32
      %dma_wait3A_746 = tpu.memref_slice %arg10[%dma_wait3A_741, %dma_wait3A_742, %dma_wait3A_743, %dma_wait3A_744, %dma_wait3A_745] : memref<4x4x2x8x128xf32, #tpu.memory_space<vmem>> -> memref<1x1x2x8x128xf32, #tpu.memory_space<vmem>>
      %dma_wait3A_747 = tpu.memref_squeeze %dma_wait3A_746 : memref<1x1x2x8x128xf32, #tpu.memory_space<vmem>> -> memref<2x8x128xf32, #tpu.memory_space<vmem>>
      %dma_wait3A_748 = tpu.memref_reshape %arg3 : memref<16x1000000xf32, #tpu.memory_space<hbm>> -> memref<2x8x1000000xf32, #tpu.memory_space<hbm>>
      %dma_wait3A_749 = arith.constant 0 : i32
      %dma_wait3A_750 = arith.constant 0 : i32
      %dma_wait3A_751 = arith.constant 0 : i32
      %dma_wait3A_752 = tpu.memref_slice %dma_wait3A_748[%dma_wait3A_749, %dma_wait3A_750, %dma_wait3A_751] : memref<2x8x1000000xf32, #tpu.memory_space<hbm>> -> memref<2x8x128xf32, #tpu.memory_space<hbm>>
      %dma_wait3A_753 = arith.constant 0 : i32
      %dma_wait3A_754 = arith.constant 0 : i32
      %dma_wait3A_755 = arith.constant 0 : i32
      %dma_wait3A_756 = tpu.memref_slice %arg10[%dma_wait3A_741, %dma_wait3A_742, %dma_wait3A_753, %dma_wait3A_754, %dma_wait3A_755] : memref<4x4x2x8x128xf32, #tpu.memory_space<vmem>> -> memref<1x1x2x8x128xf32, #tpu.memory_space<vmem>>
      %dma_wait3A_757 = tpu.memref_squeeze %dma_wait3A_756 : memref<1x1x2x8x128xf32, #tpu.memory_space<vmem>> -> memref<2x8x128xf32, #tpu.memory_space<vmem>>
      %dma_wait3A_758 = tpu.memref_reshape %arg3 : memref<16x1000000xf32, #tpu.memory_space<hbm>> -> memref<2x8x1000000xf32, #tpu.memory_space<hbm>>
      %dma_wait3A_759 = arith.constant 0 : i32
      %dma_wait3A_760 = arith.constant 0 : i32
      %dma_wait3A_761 = arith.constant 0 : i32
      %dma_wait3A_762 = tpu.memref_slice %dma_wait3A_758[%dma_wait3A_759, %dma_wait3A_760, %dma_wait3A_761] : memref<2x8x1000000xf32, #tpu.memory_space<hbm>> -> memref<2x8x128xf32, #tpu.memory_space<hbm>>
      tpu.wait_dma2 semaphore(%arg13 : memref<!tpu.dma_semaphore, #tpu.memory_space<semaphore_mem>>) src(%dma_wait3A_762 : memref<2x8x128xf32, #tpu.memory_space<hbm>>) dst(%dma_wait3A_757 : memref<2x8x128xf32, #tpu.memory_space<vmem>>)
      %dma_wait3A_763 = arith.constant 0 : i32
      %dma_wait3A_764 = arith.constant 2 : i32
      %dma_wait3A_765 = arith.constant 0 : i32
      %dma_wait3A_766 = arith.constant 0 : i32
      %dma_wait3A_767 = arith.constant 0 : i32
      %dma_wait3A_768 = tpu.memref_slice %arg9[%dma_wait3A_763, %dma_wait3A_764, %dma_wait3A_765, %dma_wait3A_766, %dma_wait3A_767] : memref<4x4x2x8x128xf32, #tpu.memory_space<vmem>> -> memref<1x1x2x8x128xf32, #tpu.memory_space<vmem>>
      %dma_wait3A_769 = tpu.memref_squeeze %dma_wait3A_768 : memref<1x1x2x8x128xf32, #tpu.memory_space<vmem>> -> memref<2x8x128xf32, #tpu.memory_space<vmem>>
      %dma_wait3A_770 = tpu.memref_reshape %arg2 : memref<16x1000000xf32, #tpu.memory_space<hbm>> -> memref<2x8x1000000xf32, #tpu.memory_space<hbm>>
      %dma_wait3A_771 = arith.constant 0 : i32
      %dma_wait3A_772 = arith.constant 0 : i32
      %dma_wait3A_773 = arith.constant 0 : i32
      %dma_wait3A_774 = tpu.memref_slice %dma_wait3A_770[%dma_wait3A_771, %dma_wait3A_772, %dma_wait3A_773] : memref<2x8x1000000xf32, #tpu.memory_space<hbm>> -> memref<2x8x128xf32, #tpu.memory_space<hbm>>
      %dma_wait3A_775 = arith.constant 0 : i32
      %dma_wait3A_776 = arith.constant 0 : i32
      %dma_wait3A_777 = arith.constant 0 : i32
      %dma_wait3A_778 = tpu.memref_slice %arg9[%dma_wait3A_763, %dma_wait3A_764, %dma_wait3A_775, %dma_wait3A_776, %dma_wait3A_777] : memref<4x4x2x8x128xf32, #tpu.memory_space<vmem>> -> memref<1x1x2x8x128xf32, #tpu.memory_space<vmem>>
      %dma_wait3A_779 = tpu.memref_squeeze %dma_wait3A_778 : memref<1x1x2x8x128xf32, #tpu.memory_space<vmem>> -> memref<2x8x128xf32, #tpu.memory_space<vmem>>
      %dma_wait3A_780 = tpu.memref_reshape %arg2 : memref<16x1000000xf32, #tpu.memory_space<hbm>> -> memref<2x8x1000000xf32, #tpu.memory_space<hbm>>
      %dma_wait3A_781 = arith.constant 0 : i32
      %dma_wait3A_782 = arith.constant 0 : i32
      %dma_wait3A_783 = arith.constant 0 : i32
      %dma_wait3A_784 = tpu.memref_slice %dma_wait3A_780[%dma_wait3A_781, %dma_wait3A_782, %dma_wait3A_783] : memref<2x8x1000000xf32, #tpu.memory_space<hbm>> -> memref<2x8x128xf32, #tpu.memory_space<hbm>>
      tpu.wait_dma2 semaphore(%arg13 : memref<!tpu.dma_semaphore, #tpu.memory_space<semaphore_mem>>) src(%dma_wait3A_784 : memref<2x8x128xf32, #tpu.memory_space<hbm>>) dst(%dma_wait3A_779 : memref<2x8x128xf32, #tpu.memory_space<vmem>>)
      %dma_wait3A_785 = arith.constant 0 : i32
      %dma_wait3A_786 = arith.constant 2 : i32
      %dma_wait3A_787 = arith.constant 0 : i32
      %dma_wait3A_788 = arith.constant 0 : i32
      %dma_wait3A_789 = arith.constant 0 : i32
      %dma_wait3A_790 = tpu.memref_slice %arg10[%dma_wait3A_785, %dma_wait3A_786, %dma_wait3A_787, %dma_wait3A_788, %dma_wait3A_789] : memref<4x4x2x8x128xf32, #tpu.memory_space<vmem>> -> memref<1x1x2x8x128xf32, #tpu.memory_space<vmem>>
      %dma_wait3A_791 = tpu.memref_squeeze %dma_wait3A_790 : memref<1x1x2x8x128xf32, #tpu.memory_space<vmem>> -> memref<2x8x128xf32, #tpu.memory_space<vmem>>
      %dma_wait3A_792 = tpu.memref_reshape %arg3 : memref<16x1000000xf32, #tpu.memory_space<hbm>> -> memref<2x8x1000000xf32, #tpu.memory_space<hbm>>
      %dma_wait3A_793 = arith.constant 0 : i32
      %dma_wait3A_794 = arith.constant 0 : i32
      %dma_wait3A_795 = arith.constant 0 : i32
      %dma_wait3A_796 = tpu.memref_slice %dma_wait3A_792[%dma_wait3A_793, %dma_wait3A_794, %dma_wait3A_795] : memref<2x8x1000000xf32, #tpu.memory_space<hbm>> -> memref<2x8x128xf32, #tpu.memory_space<hbm>>
      %dma_wait3A_797 = arith.constant 0 : i32
      %dma_wait3A_798 = arith.constant 0 : i32
      %dma_wait3A_799 = arith.constant 0 : i32
      %dma_wait3A_800 = tpu.memref_slice %arg10[%dma_wait3A_785, %dma_wait3A_786, %dma_wait3A_797, %dma_wait3A_798, %dma_wait3A_799] : memref<4x4x2x8x128xf32, #tpu.memory_space<vmem>> -> memref<1x1x2x8x128xf32, #tpu.memory_space<vmem>>
      %dma_wait3A_801 = tpu.memref_squeeze %dma_wait3A_800 : memref<1x1x2x8x128xf32, #tpu.memory_space<vmem>> -> memref<2x8x128xf32, #tpu.memory_space<vmem>>
      %dma_wait3A_802 = tpu.memref_reshape %arg3 : memref<16x1000000xf32, #tpu.memory_space<hbm>> -> memref<2x8x1000000xf32, #tpu.memory_space<hbm>>
      %dma_wait3A_803 = arith.constant 0 : i32
      %dma_wait3A_804 = arith.constant 0 : i32
      %dma_wait3A_805 = arith.constant 0 : i32
      %dma_wait3A_806 = tpu.memref_slice %dma_wait3A_802[%dma_wait3A_803, %dma_wait3A_804, %dma_wait3A_805] : memref<2x8x1000000xf32, #tpu.memory_space<hbm>> -> memref<2x8x128xf32, #tpu.memory_space<hbm>>
      tpu.wait_dma2 semaphore(%arg13 : memref<!tpu.dma_semaphore, #tpu.memory_space<semaphore_mem>>) src(%dma_wait3A_806 : memref<2x8x128xf32, #tpu.memory_space<hbm>>) dst(%dma_wait3A_801 : memref<2x8x128xf32, #tpu.memory_space<vmem>>)
      %dma_wait3A_807 = arith.constant 0 : i32
      %dma_wait3A_808 = arith.constant 3 : i32
      %dma_wait3A_809 = arith.constant 0 : i32
      %dma_wait3A_810 = arith.constant 0 : i32
      %dma_wait3A_811 = arith.constant 0 : i32
      %dma_wait3A_812 = tpu.memref_slice %arg9[%dma_wait3A_807, %dma_wait3A_808, %dma_wait3A_809, %dma_wait3A_810, %dma_wait3A_811] : memref<4x4x2x8x128xf32, #tpu.memory_space<vmem>> -> memref<1x1x2x8x128xf32, #tpu.memory_space<vmem>>
      %dma_wait3A_813 = tpu.memref_squeeze %dma_wait3A_812 : memref<1x1x2x8x128xf32, #tpu.memory_space<vmem>> -> memref<2x8x128xf32, #tpu.memory_space<vmem>>
      %dma_wait3A_814 = tpu.memref_reshape %arg2 : memref<16x1000000xf32, #tpu.memory_space<hbm>> -> memref<2x8x1000000xf32, #tpu.memory_space<hbm>>
      %dma_wait3A_815 = arith.constant 0 : i32
      %dma_wait3A_816 = arith.constant 0 : i32
      %dma_wait3A_817 = arith.constant 0 : i32
      %dma_wait3A_818 = tpu.memref_slice %dma_wait3A_814[%dma_wait3A_815, %dma_wait3A_816, %dma_wait3A_817] : memref<2x8x1000000xf32, #tpu.memory_space<hbm>> -> memref<2x8x128xf32, #tpu.memory_space<hbm>>
      %dma_wait3A_819 = arith.constant 0 : i32
      %dma_wait3A_820 = arith.constant 0 : i32
      %dma_wait3A_821 = arith.constant 0 : i32
      %dma_wait3A_822 = tpu.memref_slice %arg9[%dma_wait3A_807, %dma_wait3A_808, %dma_wait3A_819, %dma_wait3A_820, %dma_wait3A_821] : memref<4x4x2x8x128xf32, #tpu.memory_space<vmem>> -> memref<1x1x2x8x128xf32, #tpu.memory_space<vmem>>
      %dma_wait3A_823 = tpu.memref_squeeze %dma_wait3A_822 : memref<1x1x2x8x128xf32, #tpu.memory_space<vmem>> -> memref<2x8x128xf32, #tpu.memory_space<vmem>>
      %dma_wait3A_824 = tpu.memref_reshape %arg2 : memref<16x1000000xf32, #tpu.memory_space<hbm>> -> memref<2x8x1000000xf32, #tpu.memory_space<hbm>>
      %dma_wait3A_825 = arith.constant 0 : i32
      %dma_wait3A_826 = arith.constant 0 : i32
      %dma_wait3A_827 = arith.constant 0 : i32
      %dma_wait3A_828 = tpu.memref_slice %dma_wait3A_824[%dma_wait3A_825, %dma_wait3A_826, %dma_wait3A_827] : memref<2x8x1000000xf32, #tpu.memory_space<hbm>> -> memref<2x8x128xf32, #tpu.memory_space<hbm>>
      tpu.wait_dma2 semaphore(%arg13 : memref<!tpu.dma_semaphore, #tpu.memory_space<semaphore_mem>>) src(%dma_wait3A_828 : memref<2x8x128xf32, #tpu.memory_space<hbm>>) dst(%dma_wait3A_823 : memref<2x8x128xf32, #tpu.memory_space<vmem>>)
      %dma_wait3A_829 = arith.constant 0 : i32
      %dma_wait3A_830 = arith.constant 3 : i32
      %dma_wait3A_831 = arith.constant 0 : i32
      %dma_wait3A_832 = arith.constant 0 : i32
      %dma_wait3A_833 = arith.constant 0 : i32
      %dma_wait3A_834 = tpu.memref_slice %arg10[%dma_wait3A_829, %dma_wait3A_830, %dma_wait3A_831, %dma_wait3A_832, %dma_wait3A_833] : memref<4x4x2x8x128xf32, #tpu.memory_space<vmem>> -> memref<1x1x2x8x128xf32, #tpu.memory_space<vmem>>
      %dma_wait3A_835 = tpu.memref_squeeze %dma_wait3A_834 : memref<1x1x2x8x128xf32, #tpu.memory_space<vmem>> -> memref<2x8x128xf32, #tpu.memory_space<vmem>>
      %dma_wait3A_836 = tpu.memref_reshape %arg3 : memref<16x1000000xf32, #tpu.memory_space<hbm>> -> memref<2x8x1000000xf32, #tpu.memory_space<hbm>>
      %dma_wait3A_837 = arith.constant 0 : i32
      %dma_wait3A_838 = arith.constant 0 : i32
      %dma_wait3A_839 = arith.constant 0 : i32
      %dma_wait3A_840 = tpu.memref_slice %dma_wait3A_836[%dma_wait3A_837, %dma_wait3A_838, %dma_wait3A_839] : memref<2x8x1000000xf32, #tpu.memory_space<hbm>> -> memref<2x8x128xf32, #tpu.memory_space<hbm>>
      %dma_wait3A_841 = arith.constant 0 : i32
      %dma_wait3A_842 = arith.constant 0 : i32
      %dma_wait3A_843 = arith.constant 0 : i32
      %dma_wait3A_844 = tpu.memref_slice %arg10[%dma_wait3A_829, %dma_wait3A_830, %dma_wait3A_841, %dma_wait3A_842, %dma_wait3A_843] : memref<4x4x2x8x128xf32, #tpu.memory_space<vmem>> -> memref<1x1x2x8x128xf32, #tpu.memory_space<vmem>>
      %dma_wait3A_845 = tpu.memref_squeeze %dma_wait3A_844 : memref<1x1x2x8x128xf32, #tpu.memory_space<vmem>> -> memref<2x8x128xf32, #tpu.memory_space<vmem>>
      %dma_wait3A_846 = tpu.memref_reshape %arg3 : memref<16x1000000xf32, #tpu.memory_space<hbm>> -> memref<2x8x1000000xf32, #tpu.memory_space<hbm>>
      %dma_wait3A_847 = arith.constant 0 : i32
      %dma_wait3A_848 = arith.constant 0 : i32
      %dma_wait3A_849 = arith.constant 0 : i32
      %dma_wait3A_850 = tpu.memref_slice %dma_wait3A_846[%dma_wait3A_847, %dma_wait3A_848, %dma_wait3A_849] : memref<2x8x1000000xf32, #tpu.memory_space<hbm>> -> memref<2x8x128xf32, #tpu.memory_space<hbm>>
      tpu.wait_dma2 semaphore(%arg13 : memref<!tpu.dma_semaphore, #tpu.memory_space<semaphore_mem>>) src(%dma_wait3A_850 : memref<2x8x128xf32, #tpu.memory_space<hbm>>) dst(%dma_wait3A_845 : memref<2x8x128xf32, #tpu.memory_space<vmem>>)
      %iota3A = tpu.iota {dimensions = array<i32: 0>} : vector<16xi32>
      %shift_right_arithmetic3A_851 = arith.constant 3 : i32
      %shift_right_arithmetic3A_852 = vector.broadcast %shift_right_arithmetic3A_851 : i32 to vector<16xi32>
      %shift_right_arithmetic3A_853 = arith.shrsi %iota3A, %shift_right_arithmetic3A_852 : vector<16xi32>
      %and3A = arith.constant 7 : i32
      %and3A_854 = vector.broadcast %and3A : i32 to vector<16xi32>
      %and3A_855 = arith.andi %iota3A, %and3A_854 : vector<16xi32>
      %get3A_856 = arith.index_cast %mul3A_665 : i32 to index
      %get3A_857 = tpu.vector_load %arg7[%get3A_856] {strides = array<i32>} : memref<512xi32, #tpu.memory_space<vmem>>, vector<16xi32>,
      %and3A_858 = arith.constant 127 : i32
      %and3A_859 = vector.broadcast %and3A_858 : i32 to vector<16xi32>
      %and3A_860 = arith.andi %get3A_857, %and3A_859 : vector<16xi32>
      %get3A_861 = arith.index_cast %mul3A_665 : i32 to index
      %get3A_862 = tpu.vector_load %arg8[%get3A_861] {strides = array<i32>} : memref<512xi32, #tpu.memory_space<vmem>>, vector<16xi32>,
      %and3A_863 = arith.constant 127 : i32
      %and3A_864 = vector.broadcast %and3A_863 : i32 to vector<16xi32>
      %and3A_865 = arith.andi %get3A_862, %and3A_864 : vector<16xi32>
      %slice3A_866 = vector.extract_strided_slice %and3A_860 {offsets = [0], sizes = [1], strides = [1]} : vector<16xi32> to vector<1xi32>
      %squeeze3A_867 = vector.extract %slice3A_866[0] : i32 from vector<1xi32>
      %broadcast_in_dim3A = vector.broadcast %squeeze3A_867 : i32 to vector<16xi32>
      %slice3A_868 = vector.extract_strided_slice %and3A_865 {offsets = [0], sizes = [1], strides = [1]} : vector<16xi32> to vector<1xi32>
      %squeeze3A_869 = vector.extract %slice3A_868[0] : i32 from vector<1xi32>
      %broadcast_in_dim3A_870 = vector.broadcast %squeeze3A_869 : i32 to vector<16xi32>
      %gather3A = arith.constant 0 : i32
      %gather3A_871 = arith.constant 0 : i32
      %gather3A_872 = arith.constant 0 : i32
      %gather3A_873 = arith.constant 0 : i32
      %gather3A_874 = arith.constant 0 : i32
      %gather3A_875 = tpu.memref_slice %arg9[%gather3A, %gather3A_871, %gather3A_872, %gather3A_873, %gather3A_874] : memref<4x4x2x8x128xf32, #tpu.memory_space<vmem>> -> memref<1x1x2x8x128xf32, #tpu.memory_space<vmem>>
      %gather3A_876 = tpu.memref_squeeze %gather3A_875 : memref<1x1x2x8x128xf32, #tpu.memory_space<vmem>> -> memref<2x8x128xf32, #tpu.memory_space<vmem>>
      %gather3A_877 = tpu.vector_load_idx %gather3A_876[%shift_right_arithmetic3A_853, %and3A_855, %broadcast_in_dim3A] : memref<2x8x128xf32, #tpu.memory_space<vmem>>[vector<16xi32>, vector<16xi32>, vector<16xi32>], vector<16xf32>,
      %gather3A_878 = arith.constant 0 : i32
      %gather3A_879 = arith.constant 0 : i32
      %gather3A_880 = arith.constant 0 : i32
      %gather3A_881 = arith.constant 0 : i32
      %gather3A_882 = arith.constant 0 : i32
      %gather3A_883 = tpu.memref_slice %arg10[%gather3A_878, %gather3A_879, %gather3A_880, %gather3A_881, %gather3A_882] : memref<4x4x2x8x128xf32, #tpu.memory_space<vmem>> -> memref<1x1x2x8x128xf32, #tpu.memory_space<vmem>>
      %gather3A_884 = tpu.memref_squeeze %gather3A_883 : memref<1x1x2x8x128xf32, #tpu.memory_space<vmem>> -> memref<2x8x128xf32, #tpu.memory_space<vmem>>
      %gather3A_885 = tpu.vector_load_idx %gather3A_884[%shift_right_arithmetic3A_853, %and3A_855, %broadcast_in_dim3A_870] : memref<2x8x128xf32, #tpu.memory_space<vmem>>[vector<16xi32>, vector<16xi32>, vector<16xi32>], vector<16xf32>,
      %mul3A_886 = arith.mulf %gather3A_877, %gather3A_885 : vector<16xf32>
      %swap3A = arith.constant 0 : i32
      %swap3A_887 = arith.index_cast %swap3A : i32 to index
      %swap3A_888 = arith.constant 0 : index
      %swap3A_889 = tpu.vector_load %arg11[%swap3A_887, %swap3A_888] {strides = array<i32>} : memref<16x16xf32, #tpu.memory_space<vmem>>, vector<16xf32>,
      tpu.vector_store %arg11[%swap3A_887, %swap3A_888], %mul3A_886 {strides = array<i32>} : memref<16x16xf32, #tpu.memory_space<vmem>>, vector<16xf32>,
      %slice3A_890 = vector.extract_strided_slice %and3A_860 {offsets = [1], sizes = [1], strides = [1]} : vector<16xi32> to vector<1xi32>
      %squeeze3A_891 = vector.extract %slice3A_890[0] : i32 from vector<1xi32>
      %broadcast_in_dim3A_892 = vector.broadcast %squeeze3A_891 : i32 to vector<16xi32>
      %slice3A_893 = vector.extract_strided_slice %and3A_865 {offsets = [1], sizes = [1], strides = [1]} : vector<16xi32> to vector<1xi32>
      %squeeze3A_894 = vector.extract %slice3A_893[0] : i32 from vector<1xi32>
      %broadcast_in_dim3A_895 = vector.broadcast %squeeze3A_894 : i32 to vector<16xi32>
      %gather3A_896 = arith.constant 0 : i32
      %gather3A_897 = arith.constant 1 : i32
      %gather3A_898 = arith.constant 0 : i32
      %gather3A_899 = arith.constant 0 : i32
      %gather3A_900 = arith.constant 0 : i32
      %gather3A_901 = tpu.memref_slice %arg9[%gather3A_896, %gather3A_897, %gather3A_898, %gather3A_899, %gather3A_900] : memref<4x4x2x8x128xf32, #tpu.memory_space<vmem>> -> memref<1x1x2x8x128xf32, #tpu.memory_space<vmem>>
      %gather3A_902 = tpu.memref_squeeze %gather3A_901 : memref<1x1x2x8x128xf32, #tpu.memory_space<vmem>> -> memref<2x8x128xf32, #tpu.memory_space<vmem>>
      %gather3A_903 = tpu.vector_load_idx %gather3A_902[%shift_right_arithmetic3A_853, %and3A_855, %broadcast_in_dim3A_892] : memref<2x8x128xf32, #tpu.memory_space<vmem>>[vector<16xi32>, vector<16xi32>, vector<16xi32>], vector<16xf32>,
      %gather3A_904 = arith.constant 0 : i32
      %gather3A_905 = arith.constant 1 : i32
      %gather3A_906 = arith.constant 0 : i32
      %gather3A_907 = arith.constant 0 : i32
      %gather3A_908 = arith.constant 0 : i32
      %gather3A_909 = tpu.memref_slice %arg10[%gather3A_904, %gather3A_905, %gather3A_906, %gather3A_907, %gather3A_908] : memref<4x4x2x8x128xf32, #tpu.memory_space<vmem>> -> memref<1x1x2x8x128xf32, #tpu.memory_space<vmem>>
      %gather3A_910 = tpu.memref_squeeze %gather3A_909 : memref<1x1x2x8x128xf32, #tpu.memory_space<vmem>> -> memref<2x8x128xf32, #tpu.memory_space<vmem>>
      %gather3A_911 = tpu.vector_load_idx %gather3A_910[%shift_right_arithmetic3A_853, %and3A_855, %broadcast_in_dim3A_895] : memref<2x8x128xf32, #tpu.memory_space<vmem>>[vector<16xi32>, vector<16xi32>, vector<16xi32>], vector<16xf32>,
      %mul3A_912 = arith.mulf %gather3A_903, %gather3A_911 : vector<16xf32>
      %swap3A_913 = arith.constant 1 : i32
      %swap3A_914 = arith.index_cast %swap3A_913 : i32 to index
      %swap3A_915 = arith.constant 0 : index
      %swap3A_916 = tpu.vector_load %arg11[%swap3A_914, %swap3A_915] {strides = array<i32>} : memref<16x16xf32, #tpu.memory_space<vmem>>, vector<16xf32>,
      tpu.vector_store %arg11[%swap3A_914, %swap3A_915], %mul3A_912 {strides = array<i32>} : memref<16x16xf32, #tpu.memory_space<vmem>>, vector<16xf32>,
      %slice3A_917 = vector.extract_strided_slice %and3A_860 {offsets = [2], sizes = [1], strides = [1]} : vector<16xi32> to vector<1xi32>
      %squeeze3A_918 = vector.extract %slice3A_917[0] : i32 from vector<1xi32>
      %broadcast_in_dim3A_919 = vector.broadcast %squeeze3A_918 : i32 to vector<16xi32>
      %slice3A_920 = vector.extract_strided_slice %and3A_865 {offsets = [2], sizes = [1], strides = [1]} : vector<16xi32> to vector<1xi32>
      %squeeze3A_921 = vector.extract %slice3A_920[0] : i32 from vector<1xi32>
      %broadcast_in_dim3A_922 = vector.broadcast %squeeze3A_921 : i32 to vector<16xi32>
      %gather3A_923 = arith.constant 0 : i32
      %gather3A_924 = arith.constant 2 : i32
      %gather3A_925 = arith.constant 0 : i32
      %gather3A_926 = arith.constant 0 : i32
      %gather3A_927 = arith.constant 0 : i32
      %gather3A_928 = tpu.memref_slice %arg9[%gather3A_923, %gather3A_924, %gather3A_925, %gather3A_926, %gather3A_927] : memref<4x4x2x8x128xf32, #tpu.memory_space<vmem>> -> memref<1x1x2x8x128xf32, #tpu.memory_space<vmem>>
      %gather3A_929 = tpu.memref_squeeze %gather3A_928 : memref<1x1x2x8x128xf32, #tpu.memory_space<vmem>> -> memref<2x8x128xf32, #tpu.memory_space<vmem>>
      %gather3A_930 = tpu.vector_load_idx %gather3A_929[%shift_right_arithmetic3A_853, %and3A_855, %broadcast_in_dim3A_919] : memref<2x8x128xf32, #tpu.memory_space<vmem>>[vector<16xi32>, vector<16xi32>, vector<16xi32>], vector<16xf32>,
      %gather3A_931 = arith.constant 0 : i32
      %gather3A_932 = arith.constant 2 : i32
      %gather3A_933 = arith.constant 0 : i32
      %gather3A_934 = arith.constant 0 : i32
      %gather3A_935 = arith.constant 0 : i32
      %gather3A_936 = tpu.memref_slice %arg10[%gather3A_931, %gather3A_932, %gather3A_933, %gather3A_934, %gather3A_935] : memref<4x4x2x8x128xf32, #tpu.memory_space<vmem>> -> memref<1x1x2x8x128xf32, #tpu.memory_space<vmem>>
      %gather3A_937 = tpu.memref_squeeze %gather3A_936 : memref<1x1x2x8x128xf32, #tpu.memory_space<vmem>> -> memref<2x8x128xf32, #tpu.memory_space<vmem>>
      %gather3A_938 = tpu.vector_load_idx %gather3A_937[%shift_right_arithmetic3A_853, %and3A_855, %broadcast_in_dim3A_922] : memref<2x8x128xf32, #tpu.memory_space<vmem>>[vector<16xi32>, vector<16xi32>, vector<16xi32>], vector<16xf32>,
      %mul3A_939 = arith.mulf %gather3A_930, %gather3A_938 : vector<16xf32>
      %swap3A_940 = arith.constant 2 : i32
      %swap3A_941 = arith.index_cast %swap3A_940 : i32 to index
      %swap3A_942 = arith.constant 0 : index
      %swap3A_943 = tpu.vector_load %arg11[%swap3A_941, %swap3A_942] {strides = array<i32>} : memref<16x16xf32, #tpu.memory_space<vmem>>, vector<16xf32>,
      tpu.vector_store %arg11[%swap3A_941, %swap3A_942], %mul3A_939 {strides = array<i32>} : memref<16x16xf32, #tpu.memory_space<vmem>>, vector<16xf32>,
      %slice3A_944 = vector.extract_strided_slice %and3A_860 {offsets = [3], sizes = [1], strides = [1]} : vector<16xi32> to vector<1xi32>
      %squeeze3A_945 = vector.extract %slice3A_944[0] : i32 from vector<1xi32>
      %broadcast_in_dim3A_946 = vector.broadcast %squeeze3A_945 : i32 to vector<16xi32>
      %slice3A_947 = vector.extract_strided_slice %and3A_865 {offsets = [3], sizes = [1], strides = [1]} : vector<16xi32> to vector<1xi32>
      %squeeze3A_948 = vector.extract %slice3A_947[0] : i32 from vector<1xi32>
      %broadcast_in_dim3A_949 = vector.broadcast %squeeze3A_948 : i32 to vector<16xi32>
      %gather3A_950 = arith.constant 0 : i32
      %gather3A_951 = arith.constant 3 : i32
      %gather3A_952 = arith.constant 0 : i32
      %gather3A_953 = arith.constant 0 : i32
      %gather3A_954 = arith.constant 0 : i32
      %gather3A_955 = tpu.memref_slice %arg9[%gather3A_950, %gather3A_951, %gather3A_952, %gather3A_953, %gather3A_954] : memref<4x4x2x8x128xf32, #tpu.memory_space<vmem>> -> memref<1x1x2x8x128xf32, #tpu.memory_space<vmem>>
      %gather3A_956 = tpu.memref_squeeze %gather3A_955 : memref<1x1x2x8x128xf32, #tpu.memory_space<vmem>> -> memref<2x8x128xf32, #tpu.memory_space<vmem>>
      %gather3A_957 = tpu.vector_load_idx %gather3A_956[%shift_right_arithmetic3A_853, %and3A_855, %broadcast_in_dim3A_946] : memref<2x8x128xf32, #tpu.memory_space<vmem>>[vector<16xi32>, vector<16xi32>, vector<16xi32>], vector<16xf32>,
      %gather3A_958 = arith.constant 0 : i32
      %gather3A_959 = arith.constant 3 : i32
      %gather3A_960 = arith.constant 0 : i32
      %gather3A_961 = arith.constant 0 : i32
      %gather3A_962 = arith.constant 0 : i32
      %gather3A_963 = tpu.memref_slice %arg10[%gather3A_958, %gather3A_959, %gather3A_960, %gather3A_961, %gather3A_962] : memref<4x4x2x8x128xf32, #tpu.memory_space<vmem>> -> memref<1x1x2x8x128xf32, #tpu.memory_space<vmem>>
      %gather3A_964 = tpu.memref_squeeze %gather3A_963 : memref<1x1x2x8x128xf32, #tpu.memory_space<vmem>> -> memref<2x8x128xf32, #tpu.memory_space<vmem>>
      %gather3A_965 = tpu.vector_load_idx %gather3A_964[%shift_right_arithmetic3A_853, %and3A_855, %broadcast_in_dim3A_949] : memref<2x8x128xf32, #tpu.memory_space<vmem>>[vector<16xi32>, vector<16xi32>, vector<16xi32>], vector<16xf32>,
      %mul3A_966 = arith.mulf %gather3A_957, %gather3A_965 : vector<16xf32>
      %swap3A_967 = arith.constant 3 : i32
      %swap3A_968 = arith.index_cast %swap3A_967 : i32 to index
      %swap3A_969 = arith.constant 0 : index
      %swap3A_970 = tpu.vector_load %arg11[%swap3A_968, %swap3A_969] {strides = array<i32>} : memref<16x16xf32, #tpu.memory_space<vmem>>, vector<16xf32>,
      tpu.vector_store %arg11[%swap3A_968, %swap3A_969], %mul3A_966 {strides = array<i32>} : memref<16x16xf32, #tpu.memory_space<vmem>>, vector<16xf32>,
      %add3A_971 = arith.constant 1 : i32
      %add3A_972 = arith.addi %mul3A_667, %add3A_971 : i32
      %add3A_973 = arith.constant 3 : i32
      %add3A_974 = arith.addi %add3A_972, %add3A_973 : i32
      %add3A_975 = arith.constant 16 : i32
      %add3A_976 = arith.addi %mul3A_665, %add3A_975 : i32
      %lt3A_977 = arith.constant 128 : i32
      %lt3A_978 = arith.cmpi slt, %add3A_974, %lt3A_977 : i32
      %convert_element_type3A_979 = arith.extui %lt3A_978 : i1 to i32
      %cond3A_980 = arith.constant 0 : i32
      %cond3A_981 = arith.cmpi ne, %convert_element_type3A_979, %cond3A_980 : i32
      scf.if %cond3A_981 {
        %get3A_1979 = arith.index_cast %add3A_976 : i32 to index
        %get3A_1980 = tpu.vector_load %arg7[%get3A_1979] {strides = array<i32>} : memref<512xi32, #tpu.memory_space<vmem>>, vector<16xi32>,
        %get3A_1981 = arith.index_cast %add3A_976 : i32 to index
        %get3A_1982 = tpu.vector_load %arg8[%get3A_1981] {strides = array<i32>} : memref<512xi32, #tpu.memory_space<vmem>>, vector<16xi32>,
        %slice3A_1983 = vector.extract_strided_slice %get3A_1980 {offsets = [0], sizes = [1], strides = [1]} : vector<16xi32> to vector<1xi32>
        %squeeze3A_1984 = vector.extract %slice3A_1983[0] : i32 from vector<1xi32>
        %shift_right_arithmetic3A_1985 = arith.constant 7 : i32
        %shift_right_arithmetic3A_1986 = arith.shrsi %squeeze3A_1984, %shift_right_arithmetic3A_1985 : i32
        %shift_left3A_1987 = arith.constant 7 : i32
        %shift_left3A_1988 = arith.shli %shift_right_arithmetic3A_1986, %shift_left3A_1987 : i32
        %multiple_of3A_1989 = tpu.assume_multiple %shift_left3A_1988, 128 : i32
        %dma_start3A_1990 = arith.constant 0 : i32
        %dma_start3A_1991 = arith.constant 0 : i32
        %dma_start3A_1992 = arith.constant 0 : i32
        %dma_start3A_1993 = arith.constant 0 : i32
        %dma_start3A_1994 = arith.constant 0 : i32
        %dma_start3A_1995 = tpu.memref_slice %arg9[%dma_start3A_1990, %dma_start3A_1991, %dma_start3A_1992, %dma_start3A_1993, %dma_start3A_1994] : memref<4x4x2x8x128xf32, #tpu.memory_space<vmem>> -> memref<1x1x2x8x128xf32, #tpu.memory_space<vmem>>
        %dma_start3A_1996 = tpu.memref_squeeze %dma_start3A_1995 : memref<1x1x2x8x128xf32, #tpu.memory_space<vmem>> -> memref<2x8x128xf32, #tpu.memory_space<vmem>>
        %dma_start3A_1997 = tpu.memref_reshape %arg2 : memref<16x1000000xf32, #tpu.memory_space<hbm>> -> memref<2x8x1000000xf32, #tpu.memory_space<hbm>>
        %dma_start3A_1998 = arith.constant 0 : i32
        %dma_start3A_1999 = arith.constant 0 : i32
        %dma_start3A_2000 = tpu.memref_slice %dma_start3A_1997[%dma_start3A_1998, %dma_start3A_1999, %multiple_of3A_1989] : memref<2x8x1000000xf32, #tpu.memory_space<hbm>> -> memref<2x8x128xf32, #tpu.memory_space<hbm>>
        %dma_start3A_2001 = arith.constant 0 : i32
        %dma_start3A_2002 = arith.constant 0 : i32
        %dma_start3A_2003 = arith.constant 0 : i32
        %dma_start3A_2004 = tpu.memref_slice %arg9[%dma_start3A_1990, %dma_start3A_1991, %dma_start3A_2001, %dma_start3A_2002, %dma_start3A_2003] : memref<4x4x2x8x128xf32, #tpu.memory_space<vmem>> -> memref<1x1x2x8x128xf32, #tpu.memory_space<vmem>>
        %dma_start3A_2005 = tpu.memref_squeeze %dma_start3A_2004 : memref<1x1x2x8x128xf32, #tpu.memory_space<vmem>> -> memref<2x8x128xf32, #tpu.memory_space<vmem>>
        %dma_start3A_2006 = tpu.memref_reshape %arg2 : memref<16x1000000xf32, #tpu.memory_space<hbm>> -> memref<2x8x1000000xf32, #tpu.memory_space<hbm>>
        %dma_start3A_2007 = arith.constant 0 : i32
        %dma_start3A_2008 = arith.constant 0 : i32
        %dma_start3A_2009 = tpu.memref_slice %dma_start3A_2006[%dma_start3A_2007, %dma_start3A_2008, %multiple_of3A_1989] : memref<2x8x1000000xf32, #tpu.memory_space<hbm>> -> memref<2x8x128xf32, #tpu.memory_space<hbm>>
        tpu.enqueue_dma source(%dma_start3A_2009 : memref<2x8x128xf32, #tpu.memory_space<hbm>>) target(%dma_start3A_2005 : memref<2x8x128xf32, #tpu.memory_space<vmem>>) target_semaphore(%arg13 : memref<!tpu.dma_semaphore, #tpu.memory_space<semaphore_mem>>)
        %slice3A_2010 = vector.extract_strided_slice %get3A_1982 {offsets = [0], sizes = [1], strides = [1]} : vector<16xi32> to vector<1xi32>
        %squeeze3A_2011 = vector.extract %slice3A_2010[0] : i32 from vector<1xi32>
        %shift_right_arithmetic3A_2012 = arith.constant 7 : i32
        %shift_right_arithmetic3A_2013 = arith.shrsi %squeeze3A_2011, %shift_right_arithmetic3A_2012 : i32
        %shift_left3A_2014 = arith.constant 7 : i32
        %shift_left3A_2015 = arith.shli %shift_right_arithmetic3A_2013, %shift_left3A_2014 : i32
        %multiple_of3A_2016 = tpu.assume_multiple %shift_left3A_2015, 128 : i32
        %dma_start3A_2017 = arith.constant 0 : i32
        %dma_start3A_2018 = arith.constant 0 : i32
        %dma_start3A_2019 = arith.constant 0 : i32
        %dma_start3A_2020 = arith.constant 0 : i32
        %dma_start3A_2021 = arith.constant 0 : i32
        %dma_start3A_2022 = tpu.memref_slice %arg10[%dma_start3A_2017, %dma_start3A_2018, %dma_start3A_2019, %dma_start3A_2020, %dma_start3A_2021] : memref<4x4x2x8x128xf32, #tpu.memory_space<vmem>> -> memref<1x1x2x8x128xf32, #tpu.memory_space<vmem>>
        %dma_start3A_2023 = tpu.memref_squeeze %dma_start3A_2022 : memref<1x1x2x8x128xf32, #tpu.memory_space<vmem>> -> memref<2x8x128xf32, #tpu.memory_space<vmem>>
        %dma_start3A_2024 = tpu.memref_reshape %arg3 : memref<16x1000000xf32, #tpu.memory_space<hbm>> -> memref<2x8x1000000xf32, #tpu.memory_space<hbm>>
        %dma_start3A_2025 = arith.constant 0 : i32
        %dma_start3A_2026 = arith.constant 0 : i32
        %dma_start3A_2027 = tpu.memref_slice %dma_start3A_2024[%dma_start3A_2025, %dma_start3A_2026, %multiple_of3A_2016] : memref<2x8x1000000xf32, #tpu.memory_space<hbm>> -> memref<2x8x128xf32, #tpu.memory_space<hbm>>
        %dma_start3A_2028 = arith.constant 0 : i32
        %dma_start3A_2029 = arith.constant 0 : i32
        %dma_start3A_2030 = arith.constant 0 : i32
        %dma_start3A_2031 = tpu.memref_slice %arg10[%dma_start3A_2017, %dma_start3A_2018, %dma_start3A_2028, %dma_start3A_2029, %dma_start3A_2030] : memref<4x4x2x8x128xf32, #tpu.memory_space<vmem>> -> memref<1x1x2x8x128xf32, #tpu.memory_space<vmem>>
        %dma_start3A_2032 = tpu.memref_squeeze %dma_start3A_2031 : memref<1x1x2x8x128xf32, #tpu.memory_space<vmem>> -> memref<2x8x128xf32, #tpu.memory_space<vmem>>
        %dma_start3A_2033 = tpu.memref_reshape %arg3 : memref<16x1000000xf32, #tpu.memory_space<hbm>> -> memref<2x8x1000000xf32, #tpu.memory_space<hbm>>
        %dma_start3A_2034 = arith.constant 0 : i32
        %dma_start3A_2035 = arith.constant 0 : i32
        %dma_start3A_2036 = tpu.memref_slice %dma_start3A_2033[%dma_start3A_2034, %dma_start3A_2035, %multiple_of3A_2016] : memref<2x8x1000000xf32, #tpu.memory_space<hbm>> -> memref<2x8x128xf32, #tpu.memory_space<hbm>>
        tpu.enqueue_dma source(%dma_start3A_2036 : memref<2x8x128xf32, #tpu.memory_space<hbm>>) target(%dma_start3A_2032 : memref<2x8x128xf32, #tpu.memory_space<vmem>>) target_semaphore(%arg13 : memref<!tpu.dma_semaphore, #tpu.memory_space<semaphore_mem>>)
        %slice3A_2037 = vector.extract_strided_slice %get3A_1980 {offsets = [1], sizes = [1], strides = [1]} : vector<16xi32> to vector<1xi32>
        %squeeze3A_2038 = vector.extract %slice3A_2037[0] : i32 from vector<1xi32>
        %shift_right_arithmetic3A_2039 = arith.constant 7 : i32
        %shift_right_arithmetic3A_2040 = arith.shrsi %squeeze3A_2038, %shift_right_arithmetic3A_2039 : i32
        %shift_left3A_2041 = arith.constant 7 : i32
        %shift_left3A_2042 = arith.shli %shift_right_arithmetic3A_2040, %shift_left3A_2041 : i32
        %multiple_of3A_2043 = tpu.assume_multiple %shift_left3A_2042, 128 : i32
        %dma_start3A_2044 = arith.constant 0 : i32
        %dma_start3A_2045 = arith.constant 1 : i32
        %dma_start3A_2046 = arith.constant 0 : i32
        %dma_start3A_2047 = arith.constant 0 : i32
        %dma_start3A_2048 = arith.constant 0 : i32
        %dma_start3A_2049 = tpu.memref_slice %arg9[%dma_start3A_2044, %dma_start3A_2045, %dma_start3A_2046, %dma_start3A_2047, %dma_start3A_2048] : memref<4x4x2x8x128xf32, #tpu.memory_space<vmem>> -> memref<1x1x2x8x128xf32, #tpu.memory_space<vmem>>
        %dma_start3A_2050 = tpu.memref_squeeze %dma_start3A_2049 : memref<1x1x2x8x128xf32, #tpu.memory_space<vmem>> -> memref<2x8x128xf32, #tpu.memory_space<vmem>>
        %dma_start3A_2051 = tpu.memref_reshape %arg2 : memref<16x1000000xf32, #tpu.memory_space<hbm>> -> memref<2x8x1000000xf32, #tpu.memory_space<hbm>>
        %dma_start3A_2052 = arith.constant 0 : i32
        %dma_start3A_2053 = arith.constant 0 : i32
        %dma_start3A_2054 = tpu.memref_slice %dma_start3A_2051[%dma_start3A_2052, %dma_start3A_2053, %multiple_of3A_2043] : memref<2x8x1000000xf32, #tpu.memory_space<hbm>> -> memref<2x8x128xf32, #tpu.memory_space<hbm>>
        %dma_start3A_2055 = arith.constant 0 : i32
        %dma_start3A_2056 = arith.constant 0 : i32
        %dma_start3A_2057 = arith.constant 0 : i32
        %dma_start3A_2058 = tpu.memref_slice %arg9[%dma_start3A_2044, %dma_start3A_2045, %dma_start3A_2055, %dma_start3A_2056, %dma_start3A_2057] : memref<4x4x2x8x128xf32, #tpu.memory_space<vmem>> -> memref<1x1x2x8x128xf32, #tpu.memory_space<vmem>>
        %dma_start3A_2059 = tpu.memref_squeeze %dma_start3A_2058 : memref<1x1x2x8x128xf32, #tpu.memory_space<vmem>> -> memref<2x8x128xf32, #tpu.memory_space<vmem>>
        %dma_start3A_2060 = tpu.memref_reshape %arg2 : memref<16x1000000xf32, #tpu.memory_space<hbm>> -> memref<2x8x1000000xf32, #tpu.memory_space<hbm>>
        %dma_start3A_2061 = arith.constant 0 : i32
        %dma_start3A_2062 = arith.constant 0 : i32
        %dma_start3A_2063 = tpu.memref_slice %dma_start3A_2060[%dma_start3A_2061, %dma_start3A_2062, %multiple_of3A_2043] : memref<2x8x1000000xf32, #tpu.memory_space<hbm>> -> memref<2x8x128xf32, #tpu.memory_space<hbm>>
        tpu.enqueue_dma source(%dma_start3A_2063 : memref<2x8x128xf32, #tpu.memory_space<hbm>>) target(%dma_start3A_2059 : memref<2x8x128xf32, #tpu.memory_space<vmem>>) target_semaphore(%arg13 : memref<!tpu.dma_semaphore, #tpu.memory_space<semaphore_mem>>)
        %slice3A_2064 = vector.extract_strided_slice %get3A_1982 {offsets = [1], sizes = [1], strides = [1]} : vector<16xi32> to vector<1xi32>
        %squeeze3A_2065 = vector.extract %slice3A_2064[0] : i32 from vector<1xi32>
        %shift_right_arithmetic3A_2066 = arith.constant 7 : i32
        %shift_right_arithmetic3A_2067 = arith.shrsi %squeeze3A_2065, %shift_right_arithmetic3A_2066 : i32
        %shift_left3A_2068 = arith.constant 7 : i32
        %shift_left3A_2069 = arith.shli %shift_right_arithmetic3A_2067, %shift_left3A_2068 : i32
        %multiple_of3A_2070 = tpu.assume_multiple %shift_left3A_2069, 128 : i32
        %dma_start3A_2071 = arith.constant 0 : i32
        %dma_start3A_2072 = arith.constant 1 : i32
        %dma_start3A_2073 = arith.constant 0 : i32
        %dma_start3A_2074 = arith.constant 0 : i32
        %dma_start3A_2075 = arith.constant 0 : i32
        %dma_start3A_2076 = tpu.memref_slice %arg10[%dma_start3A_2071, %dma_start3A_2072, %dma_start3A_2073, %dma_start3A_2074, %dma_start3A_2075] : memref<4x4x2x8x128xf32, #tpu.memory_space<vmem>> -> memref<1x1x2x8x128xf32, #tpu.memory_space<vmem>>
        %dma_start3A_2077 = tpu.memref_squeeze %dma_start3A_2076 : memref<1x1x2x8x128xf32, #tpu.memory_space<vmem>> -> memref<2x8x128xf32, #tpu.memory_space<vmem>>
        %dma_start3A_2078 = tpu.memref_reshape %arg3 : memref<16x1000000xf32, #tpu.memory_space<hbm>> -> memref<2x8x1000000xf32, #tpu.memory_space<hbm>>
        %dma_start3A_2079 = arith.constant 0 : i32
        %dma_start3A_2080 = arith.constant 0 : i32
        %dma_start3A_2081 = tpu.memref_slice %dma_start3A_2078[%dma_start3A_2079, %dma_start3A_2080, %multiple_of3A_2070] : memref<2x8x1000000xf32, #tpu.memory_space<hbm>> -> memref<2x8x128xf32, #tpu.memory_space<hbm>>
        %dma_start3A_2082 = arith.constant 0 : i32
        %dma_start3A_2083 = arith.constant 0 : i32
        %dma_start3A_2084 = arith.constant 0 : i32
        %dma_start3A_2085 = tpu.memref_slice %arg10[%dma_start3A_2071, %dma_start3A_2072, %dma_start3A_2082, %dma_start3A_2083, %dma_start3A_2084] : memref<4x4x2x8x128xf32, #tpu.memory_space<vmem>> -> memref<1x1x2x8x128xf32, #tpu.memory_space<vmem>>
        %dma_start3A_2086 = tpu.memref_squeeze %dma_start3A_2085 : memref<1x1x2x8x128xf32, #tpu.memory_space<vmem>> -> memref<2x8x128xf32, #tpu.memory_space<vmem>>
        %dma_start3A_2087 = tpu.memref_reshape %arg3 : memref<16x1000000xf32, #tpu.memory_space<hbm>> -> memref<2x8x1000000xf32, #tpu.memory_space<hbm>>
        %dma_start3A_2088 = arith.constant 0 : i32
        %dma_start3A_2089 = arith.constant 0 : i32
        %dma_start3A_2090 = tpu.memref_slice %dma_start3A_2087[%dma_start3A_2088, %dma_start3A_2089, %multiple_of3A_2070] : memref<2x8x1000000xf32, #tpu.memory_space<hbm>> -> memref<2x8x128xf32, #tpu.memory_space<hbm>>
        tpu.enqueue_dma source(%dma_start3A_2090 : memref<2x8x128xf32, #tpu.memory_space<hbm>>) target(%dma_start3A_2086 : memref<2x8x128xf32, #tpu.memory_space<vmem>>) target_semaphore(%arg13 : memref<!tpu.dma_semaphore, #tpu.memory_space<semaphore_mem>>)
        %slice3A_2091 = vector.extract_strided_slice %get3A_1980 {offsets = [2], sizes = [1], strides = [1]} : vector<16xi32> to vector<1xi32>
        %squeeze3A_2092 = vector.extract %slice3A_2091[0] : i32 from vector<1xi32>
        %shift_right_arithmetic3A_2093 = arith.constant 7 : i32
        %shift_right_arithmetic3A_2094 = arith.shrsi %squeeze3A_2092, %shift_right_arithmetic3A_2093 : i32
        %shift_left3A_2095 = arith.constant 7 : i32
        %shift_left3A_2096 = arith.shli %shift_right_arithmetic3A_2094, %shift_left3A_2095 : i32
        %multiple_of3A_2097 = tpu.assume_multiple %shift_left3A_2096, 128 : i32
        %dma_start3A_2098 = arith.constant 0 : i32
        %dma_start3A_2099 = arith.constant 2 : i32
        %dma_start3A_2100 = arith.constant 0 : i32
        %dma_start3A_2101 = arith.constant 0 : i32
        %dma_start3A_2102 = arith.constant 0 : i32
        %dma_start3A_2103 = tpu.memref_slice %arg9[%dma_start3A_2098, %dma_start3A_2099, %dma_start3A_2100, %dma_start3A_2101, %dma_start3A_2102] : memref<4x4x2x8x128xf32, #tpu.memory_space<vmem>> -> memref<1x1x2x8x128xf32, #tpu.memory_space<vmem>>
        %dma_start3A_2104 = tpu.memref_squeeze %dma_start3A_2103 : memref<1x1x2x8x128xf32, #tpu.memory_space<vmem>> -> memref<2x8x128xf32, #tpu.memory_space<vmem>>
        %dma_start3A_2105 = tpu.memref_reshape %arg2 : memref<16x1000000xf32, #tpu.memory_space<hbm>> -> memref<2x8x1000000xf32, #tpu.memory_space<hbm>>
        %dma_start3A_2106 = arith.constant 0 : i32
        %dma_start3A_2107 = arith.constant 0 : i32
        %dma_start3A_2108 = tpu.memref_slice %dma_start3A_2105[%dma_start3A_2106, %dma_start3A_2107, %multiple_of3A_2097] : memref<2x8x1000000xf32, #tpu.memory_space<hbm>> -> memref<2x8x128xf32, #tpu.memory_space<hbm>>
        %dma_start3A_2109 = arith.constant 0 : i32
        %dma_start3A_2110 = arith.constant 0 : i32
        %dma_start3A_2111 = arith.constant 0 : i32
        %dma_start3A_2112 = tpu.memref_slice %arg9[%dma_start3A_2098, %dma_start3A_2099, %dma_start3A_2109, %dma_start3A_2110, %dma_start3A_2111] : memref<4x4x2x8x128xf32, #tpu.memory_space<vmem>> -> memref<1x1x2x8x128xf32, #tpu.memory_space<vmem>>
        %dma_start3A_2113 = tpu.memref_squeeze %dma_start3A_2112 : memref<1x1x2x8x128xf32, #tpu.memory_space<vmem>> -> memref<2x8x128xf32, #tpu.memory_space<vmem>>
        %dma_start3A_2114 = tpu.memref_reshape %arg2 : memref<16x1000000xf32, #tpu.memory_space<hbm>> -> memref<2x8x1000000xf32, #tpu.memory_space<hbm>>
        %dma_start3A_2115 = arith.constant 0 : i32
        %dma_start3A_2116 = arith.constant 0 : i32
        %dma_start3A_2117 = tpu.memref_slice %dma_start3A_2114[%dma_start3A_2115, %dma_start3A_2116, %multiple_of3A_2097] : memref<2x8x1000000xf32, #tpu.memory_space<hbm>> -> memref<2x8x128xf32, #tpu.memory_space<hbm>>
        tpu.enqueue_dma source(%dma_start3A_2117 : memref<2x8x128xf32, #tpu.memory_space<hbm>>) target(%dma_start3A_2113 : memref<2x8x128xf32, #tpu.memory_space<vmem>>) target_semaphore(%arg13 : memref<!tpu.dma_semaphore, #tpu.memory_space<semaphore_mem>>)
        %slice3A_2118 = vector.extract_strided_slice %get3A_1982 {offsets = [2], sizes = [1], strides = [1]} : vector<16xi32> to vector<1xi32>
        %squeeze3A_2119 = vector.extract %slice3A_2118[0] : i32 from vector<1xi32>
        %shift_right_arithmetic3A_2120 = arith.constant 7 : i32
        %shift_right_arithmetic3A_2121 = arith.shrsi %squeeze3A_2119, %shift_right_arithmetic3A_2120 : i32
        %shift_left3A_2122 = arith.constant 7 : i32
        %shift_left3A_2123 = arith.shli %shift_right_arithmetic3A_2121, %shift_left3A_2122 : i32
        %multiple_of3A_2124 = tpu.assume_multiple %shift_left3A_2123, 128 : i32
        %dma_start3A_2125 = arith.constant 0 : i32
        %dma_start3A_2126 = arith.constant 2 : i32
        %dma_start3A_2127 = arith.constant 0 : i32
        %dma_start3A_2128 = arith.constant 0 : i32
        %dma_start3A_2129 = arith.constant 0 : i32
        %dma_start3A_2130 = tpu.memref_slice %arg10[%dma_start3A_2125, %dma_start3A_2126, %dma_start3A_2127, %dma_start3A_2128, %dma_start3A_2129] : memref<4x4x2x8x128xf32, #tpu.memory_space<vmem>> -> memref<1x1x2x8x128xf32, #tpu.memory_space<vmem>>
        %dma_start3A_2131 = tpu.memref_squeeze %dma_start3A_2130 : memref<1x1x2x8x128xf32, #tpu.memory_space<vmem>> -> memref<2x8x128xf32, #tpu.memory_space<vmem>>
        %dma_start3A_2132 = tpu.memref_reshape %arg3 : memref<16x1000000xf32, #tpu.memory_space<hbm>> -> memref<2x8x1000000xf32, #tpu.memory_space<hbm>>
        %dma_start3A_2133 = arith.constant 0 : i32
        %dma_start3A_2134 = arith.constant 0 : i32
        %dma_start3A_2135 = tpu.memref_slice %dma_start3A_2132[%dma_start3A_2133, %dma_start3A_2134, %multiple_of3A_2124] : memref<2x8x1000000xf32, #tpu.memory_space<hbm>> -> memref<2x8x128xf32, #tpu.memory_space<hbm>>
        %dma_start3A_2136 = arith.constant 0 : i32
        %dma_start3A_2137 = arith.constant 0 : i32
        %dma_start3A_2138 = arith.constant 0 : i32
        %dma_start3A_2139 = tpu.memref_slice %arg10[%dma_start3A_2125, %dma_start3A_2126, %dma_start3A_2136, %dma_start3A_2137, %dma_start3A_2138] : memref<4x4x2x8x128xf32, #tpu.memory_space<vmem>> -> memref<1x1x2x8x128xf32, #tpu.memory_space<vmem>>
        %dma_start3A_2140 = tpu.memref_squeeze %dma_start3A_2139 : memref<1x1x2x8x128xf32, #tpu.memory_space<vmem>> -> memref<2x8x128xf32, #tpu.memory_space<vmem>>
        %dma_start3A_2141 = tpu.memref_reshape %arg3 : memref<16x1000000xf32, #tpu.memory_space<hbm>> -> memref<2x8x1000000xf32, #tpu.memory_space<hbm>>
        %dma_start3A_2142 = arith.constant 0 : i32
        %dma_start3A_2143 = arith.constant 0 : i32
        %dma_start3A_2144 = tpu.memref_slice %dma_start3A_2141[%dma_start3A_2142, %dma_start3A_2143, %multiple_of3A_2124] : memref<2x8x1000000xf32, #tpu.memory_space<hbm>> -> memref<2x8x128xf32, #tpu.memory_space<hbm>>
        tpu.enqueue_dma source(%dma_start3A_2144 : memref<2x8x128xf32, #tpu.memory_space<hbm>>) target(%dma_start3A_2140 : memref<2x8x128xf32, #tpu.memory_space<vmem>>) target_semaphore(%arg13 : memref<!tpu.dma_semaphore, #tpu.memory_space<semaphore_mem>>)
        %slice3A_2145 = vector.extract_strided_slice %get3A_1980 {offsets = [3], sizes = [1], strides = [1]} : vector<16xi32> to vector<1xi32>
        %squeeze3A_2146 = vector.extract %slice3A_2145[0] : i32 from vector<1xi32>
        %shift_right_arithmetic3A_2147 = arith.constant 7 : i32
        %shift_right_arithmetic3A_2148 = arith.shrsi %squeeze3A_2146, %shift_right_arithmetic3A_2147 : i32
        %shift_left3A_2149 = arith.constant 7 : i32
        %shift_left3A_2150 = arith.shli %shift_right_arithmetic3A_2148, %shift_left3A_2149 : i32
        %multiple_of3A_2151 = tpu.assume_multiple %shift_left3A_2150, 128 : i32
        %dma_start3A_2152 = arith.constant 0 : i32
        %dma_start3A_2153 = arith.constant 3 : i32
        %dma_start3A_2154 = arith.constant 0 : i32
        %dma_start3A_2155 = arith.constant 0 : i32
        %dma_start3A_2156 = arith.constant 0 : i32
        %dma_start3A_2157 = tpu.memref_slice %arg9[%dma_start3A_2152, %dma_start3A_2153, %dma_start3A_2154, %dma_start3A_2155, %dma_start3A_2156] : memref<4x4x2x8x128xf32, #tpu.memory_space<vmem>> -> memref<1x1x2x8x128xf32, #tpu.memory_space<vmem>>
        %dma_start3A_2158 = tpu.memref_squeeze %dma_start3A_2157 : memref<1x1x2x8x128xf32, #tpu.memory_space<vmem>> -> memref<2x8x128xf32, #tpu.memory_space<vmem>>
        %dma_start3A_2159 = tpu.memref_reshape %arg2 : memref<16x1000000xf32, #tpu.memory_space<hbm>> -> memref<2x8x1000000xf32, #tpu.memory_space<hbm>>
        %dma_start3A_2160 = arith.constant 0 : i32
        %dma_start3A_2161 = arith.constant 0 : i32
        %dma_start3A_2162 = tpu.memref_slice %dma_start3A_2159[%dma_start3A_2160, %dma_start3A_2161, %multiple_of3A_2151] : memref<2x8x1000000xf32, #tpu.memory_space<hbm>> -> memref<2x8x128xf32, #tpu.memory_space<hbm>>
        %dma_start3A_2163 = arith.constant 0 : i32
        %dma_start3A_2164 = arith.constant 0 : i32
        %dma_start3A_2165 = arith.constant 0 : i32
        %dma_start3A_2166 = tpu.memref_slice %arg9[%dma_start3A_2152, %dma_start3A_2153, %dma_start3A_2163, %dma_start3A_2164, %dma_start3A_2165] : memref<4x4x2x8x128xf32, #tpu.memory_space<vmem>> -> memref<1x1x2x8x128xf32, #tpu.memory_space<vmem>>
        %dma_start3A_2167 = tpu.memref_squeeze %dma_start3A_2166 : memref<1x1x2x8x128xf32, #tpu.memory_space<vmem>> -> memref<2x8x128xf32, #tpu.memory_space<vmem>>
        %dma_start3A_2168 = tpu.memref_reshape %arg2 : memref<16x1000000xf32, #tpu.memory_space<hbm>> -> memref<2x8x1000000xf32, #tpu.memory_space<hbm>>
        %dma_start3A_2169 = arith.constant 0 : i32
        %dma_start3A_2170 = arith.constant 0 : i32
        %dma_start3A_2171 = tpu.memref_slice %dma_start3A_2168[%dma_start3A_2169, %dma_start3A_2170, %multiple_of3A_2151] : memref<2x8x1000000xf32, #tpu.memory_space<hbm>> -> memref<2x8x128xf32, #tpu.memory_space<hbm>>
        tpu.enqueue_dma source(%dma_start3A_2171 : memref<2x8x128xf32, #tpu.memory_space<hbm>>) target(%dma_start3A_2167 : memref<2x8x128xf32, #tpu.memory_space<vmem>>) target_semaphore(%arg13 : memref<!tpu.dma_semaphore, #tpu.memory_space<semaphore_mem>>)
        %slice3A_2172 = vector.extract_strided_slice %get3A_1982 {offsets = [3], sizes = [1], strides = [1]} : vector<16xi32> to vector<1xi32>
        %squeeze3A_2173 = vector.extract %slice3A_2172[0] : i32 from vector<1xi32>
        %shift_right_arithmetic3A_2174 = arith.constant 7 : i32
        %shift_right_arithmetic3A_2175 = arith.shrsi %squeeze3A_2173, %shift_right_arithmetic3A_2174 : i32
        %shift_left3A_2176 = arith.constant 7 : i32
        %shift_left3A_2177 = arith.shli %shift_right_arithmetic3A_2175, %shift_left3A_2176 : i32
        %multiple_of3A_2178 = tpu.assume_multiple %shift_left3A_2177, 128 : i32
        %dma_start3A_2179 = arith.constant 0 : i32
        %dma_start3A_2180 = arith.constant 3 : i32
        %dma_start3A_2181 = arith.constant 0 : i32
        %dma_start3A_2182 = arith.constant 0 : i32
        %dma_start3A_2183 = arith.constant 0 : i32
        %dma_start3A_2184 = tpu.memref_slice %arg10[%dma_start3A_2179, %dma_start3A_2180, %dma_start3A_2181, %dma_start3A_2182, %dma_start3A_2183] : memref<4x4x2x8x128xf32, #tpu.memory_space<vmem>> -> memref<1x1x2x8x128xf32, #tpu.memory_space<vmem>>
        %dma_start3A_2185 = tpu.memref_squeeze %dma_start3A_2184 : memref<1x1x2x8x128xf32, #tpu.memory_space<vmem>> -> memref<2x8x128xf32, #tpu.memory_space<vmem>>
        %dma_start3A_2186 = tpu.memref_reshape %arg3 : memref<16x1000000xf32, #tpu.memory_space<hbm>> -> memref<2x8x1000000xf32, #tpu.memory_space<hbm>>
        %dma_start3A_2187 = arith.constant 0 : i32
        %dma_start3A_2188 = arith.constant 0 : i32
        %dma_start3A_2189 = tpu.memref_slice %dma_start3A_2186[%dma_start3A_2187, %dma_start3A_2188, %multiple_of3A_2178] : memref<2x8x1000000xf32, #tpu.memory_space<hbm>> -> memref<2x8x128xf32, #tpu.memory_space<hbm>>
        %dma_start3A_2190 = arith.constant 0 : i32
        %dma_start3A_2191 = arith.constant 0 : i32
        %dma_start3A_2192 = arith.constant 0 : i32
        %dma_start3A_2193 = tpu.memref_slice %arg10[%dma_start3A_2179, %dma_start3A_2180, %dma_start3A_2190, %dma_start3A_2191, %dma_start3A_2192] : memref<4x4x2x8x128xf32, #tpu.memory_space<vmem>> -> memref<1x1x2x8x128xf32, #tpu.memory_space<vmem>>
        %dma_start3A_2194 = tpu.memref_squeeze %dma_start3A_2193 : memref<1x1x2x8x128xf32, #tpu.memory_space<vmem>> -> memref<2x8x128xf32, #tpu.memory_space<vmem>>
        %dma_start3A_2195 = tpu.memref_reshape %arg3 : memref<16x1000000xf32, #tpu.memory_space<hbm>> -> memref<2x8x1000000xf32, #tpu.memory_space<hbm>>
        %dma_start3A_2196 = arith.constant 0 : i32
        %dma_start3A_2197 = arith.constant 0 : i32
        %dma_start3A_2198 = tpu.memref_slice %dma_start3A_2195[%dma_start3A_2196, %dma_start3A_2197, %multiple_of3A_2178] : memref<2x8x1000000xf32, #tpu.memory_space<hbm>> -> memref<2x8x128xf32, #tpu.memory_space<hbm>>
        tpu.enqueue_dma source(%dma_start3A_2198 : memref<2x8x128xf32, #tpu.memory_space<hbm>>) target(%dma_start3A_2194 : memref<2x8x128xf32, #tpu.memory_space<vmem>>) target_semaphore(%arg13 : memref<!tpu.dma_semaphore, #tpu.memory_space<semaphore_mem>>)
      } else {
      }
      %dma_wait3A_982 = arith.constant 1 : i32
      %dma_wait3A_983 = arith.constant 0 : i32
      %dma_wait3A_984 = arith.constant 0 : i32
      %dma_wait3A_985 = arith.constant 0 : i32
      %dma_wait3A_986 = arith.constant 0 : i32
      %dma_wait3A_987 = tpu.memref_slice %arg9[%dma_wait3A_982, %dma_wait3A_983, %dma_wait3A_984, %dma_wait3A_985, %dma_wait3A_986] : memref<4x4x2x8x128xf32, #tpu.memory_space<vmem>> -> memref<1x1x2x8x128xf32, #tpu.memory_space<vmem>>
      %dma_wait3A_988 = tpu.memref_squeeze %dma_wait3A_987 : memref<1x1x2x8x128xf32, #tpu.memory_space<vmem>> -> memref<2x8x128xf32, #tpu.memory_space<vmem>>
      %dma_wait3A_989 = tpu.memref_reshape %arg2 : memref<16x1000000xf32, #tpu.memory_space<hbm>> -> memref<2x8x1000000xf32, #tpu.memory_space<hbm>>
      %dma_wait3A_990 = arith.constant 0 : i32
      %dma_wait3A_991 = arith.constant 0 : i32
      %dma_wait3A_992 = arith.constant 0 : i32
      %dma_wait3A_993 = tpu.memref_slice %dma_wait3A_989[%dma_wait3A_990, %dma_wait3A_991, %dma_wait3A_992] : memref<2x8x1000000xf32, #tpu.memory_space<hbm>> -> memref<2x8x128xf32, #tpu.memory_space<hbm>>
      %dma_wait3A_994 = arith.constant 0 : i32
      %dma_wait3A_995 = arith.constant 0 : i32
      %dma_wait3A_996 = arith.constant 0 : i32
      %dma_wait3A_997 = tpu.memref_slice %arg9[%dma_wait3A_982, %dma_wait3A_983, %dma_wait3A_994, %dma_wait3A_995, %dma_wait3A_996] : memref<4x4x2x8x128xf32, #tpu.memory_space<vmem>> -> memref<1x1x2x8x128xf32, #tpu.memory_space<vmem>>
      %dma_wait3A_998 = tpu.memref_squeeze %dma_wait3A_997 : memref<1x1x2x8x128xf32, #tpu.memory_space<vmem>> -> memref<2x8x128xf32, #tpu.memory_space<vmem>>
      %dma_wait3A_999 = tpu.memref_reshape %arg2 : memref<16x1000000xf32, #tpu.memory_space<hbm>> -> memref<2x8x1000000xf32, #tpu.memory_space<hbm>>
      %dma_wait3A_1000 = arith.constant 0 : i32
      %dma_wait3A_1001 = arith.constant 0 : i32
      %dma_wait3A_1002 = arith.constant 0 : i32
      %dma_wait3A_1003 = tpu.memref_slice %dma_wait3A_999[%dma_wait3A_1000, %dma_wait3A_1001, %dma_wait3A_1002] : memref<2x8x1000000xf32, #tpu.memory_space<hbm>> -> memref<2x8x128xf32, #tpu.memory_space<hbm>>
      tpu.wait_dma2 semaphore(%arg14 : memref<!tpu.dma_semaphore, #tpu.memory_space<semaphore_mem>>) src(%dma_wait3A_1003 : memref<2x8x128xf32, #tpu.memory_space<hbm>>) dst(%dma_wait3A_998 : memref<2x8x128xf32, #tpu.memory_space<vmem>>)
      %dma_wait3A_1004 = arith.constant 1 : i32
      %dma_wait3A_1005 = arith.constant 0 : i32
      %dma_wait3A_1006 = arith.constant 0 : i32
      %dma_wait3A_1007 = arith.constant 0 : i32
      %dma_wait3A_1008 = arith.constant 0 : i32
      %dma_wait3A_1009 = tpu.memref_slice %arg10[%dma_wait3A_1004, %dma_wait3A_1005, %dma_wait3A_1006, %dma_wait3A_1007, %dma_wait3A_1008] : memref<4x4x2x8x128xf32, #tpu.memory_space<vmem>> -> memref<1x1x2x8x128xf32, #tpu.memory_space<vmem>>
      %dma_wait3A_1010 = tpu.memref_squeeze %dma_wait3A_1009 : memref<1x1x2x8x128xf32, #tpu.memory_space<vmem>> -> memref<2x8x128xf32, #tpu.memory_space<vmem>>
      %dma_wait3A_1011 = tpu.memref_reshape %arg3 : memref<16x1000000xf32, #tpu.memory_space<hbm>> -> memref<2x8x1000000xf32, #tpu.memory_space<hbm>>
      %dma_wait3A_1012 = arith.constant 0 : i32
      %dma_wait3A_1013 = arith.constant 0 : i32
      %dma_wait3A_1014 = arith.constant 0 : i32
      %dma_wait3A_1015 = tpu.memref_slice %dma_wait3A_1011[%dma_wait3A_1012, %dma_wait3A_1013, %dma_wait3A_1014] : memref<2x8x1000000xf32, #tpu.memory_space<hbm>> -> memref<2x8x128xf32, #tpu.memory_space<hbm>>
      %dma_wait3A_1016 = arith.constant 0 : i32
      %dma_wait3A_1017 = arith.constant 0 : i32
      %dma_wait3A_1018 = arith.constant 0 : i32
      %dma_wait3A_1019 = tpu.memref_slice %arg10[%dma_wait3A_1004, %dma_wait3A_1005, %dma_wait3A_1016, %dma_wait3A_1017, %dma_wait3A_1018] : memref<4x4x2x8x128xf32, #tpu.memory_space<vmem>> -> memref<1x1x2x8x128xf32, #tpu.memory_space<vmem>>
      %dma_wait3A_1020 = tpu.memref_squeeze %dma_wait3A_1019 : memref<1x1x2x8x128xf32, #tpu.memory_space<vmem>> -> memref<2x8x128xf32, #tpu.memory_space<vmem>>
      %dma_wait3A_1021 = tpu.memref_reshape %arg3 : memref<16x1000000xf32, #tpu.memory_space<hbm>> -> memref<2x8x1000000xf32, #tpu.memory_space<hbm>>
      %dma_wait3A_1022 = arith.constant 0 : i32
      %dma_wait3A_1023 = arith.constant 0 : i32
      %dma_wait3A_1024 = arith.constant 0 : i32
      %dma_wait3A_1025 = tpu.memref_slice %dma_wait3A_1021[%dma_wait3A_1022, %dma_wait3A_1023, %dma_wait3A_1024] : memref<2x8x1000000xf32, #tpu.memory_space<hbm>> -> memref<2x8x128xf32, #tpu.memory_space<hbm>>
      tpu.wait_dma2 semaphore(%arg14 : memref<!tpu.dma_semaphore, #tpu.memory_space<semaphore_mem>>) src(%dma_wait3A_1025 : memref<2x8x128xf32, #tpu.memory_space<hbm>>) dst(%dma_wait3A_1020 : memref<2x8x128xf32, #tpu.memory_space<vmem>>)
      %dma_wait3A_1026 = arith.constant 1 : i32
      %dma_wait3A_1027 = arith.constant 1 : i32
      %dma_wait3A_1028 = arith.constant 0 : i32
      %dma_wait3A_1029 = arith.constant 0 : i32
      %dma_wait3A_1030 = arith.constant 0 : i32
      %dma_wait3A_1031 = tpu.memref_slice %arg9[%dma_wait3A_1026, %dma_wait3A_1027, %dma_wait3A_1028, %dma_wait3A_1029, %dma_wait3A_1030] : memref<4x4x2x8x128xf32, #tpu.memory_space<vmem>> -> memref<1x1x2x8x128xf32, #tpu.memory_space<vmem>>
      %dma_wait3A_1032 = tpu.memref_squeeze %dma_wait3A_1031 : memref<1x1x2x8x128xf32, #tpu.memory_space<vmem>> -> memref<2x8x128xf32, #tpu.memory_space<vmem>>
      %dma_wait3A_1033 = tpu.memref_reshape %arg2 : memref<16x1000000xf32, #tpu.memory_space<hbm>> -> memref<2x8x1000000xf32, #tpu.memory_space<hbm>>
      %dma_wait3A_1034 = arith.constant 0 : i32
      %dma_wait3A_1035 = arith.constant 0 : i32
      %dma_wait3A_1036 = arith.constant 0 : i32
      %dma_wait3A_1037 = tpu.memref_slice %dma_wait3A_1033[%dma_wait3A_1034, %dma_wait3A_1035, %dma_wait3A_1036] : memref<2x8x1000000xf32, #tpu.memory_space<hbm>> -> memref<2x8x128xf32, #tpu.memory_space<hbm>>
      %dma_wait3A_1038 = arith.constant 0 : i32
      %dma_wait3A_1039 = arith.constant 0 : i32
      %dma_wait3A_1040 = arith.constant 0 : i32
      %dma_wait3A_1041 = tpu.memref_slice %arg9[%dma_wait3A_1026, %dma_wait3A_1027, %dma_wait3A_1038, %dma_wait3A_1039, %dma_wait3A_1040] : memref<4x4x2x8x128xf32, #tpu.memory_space<vmem>> -> memref<1x1x2x8x128xf32, #tpu.memory_space<vmem>>
      %dma_wait3A_1042 = tpu.memref_squeeze %dma_wait3A_1041 : memref<1x1x2x8x128xf32, #tpu.memory_space<vmem>> -> memref<2x8x128xf32, #tpu.memory_space<vmem>>
      %dma_wait3A_1043 = tpu.memref_reshape %arg2 : memref<16x1000000xf32, #tpu.memory_space<hbm>> -> memref<2x8x1000000xf32, #tpu.memory_space<hbm>>
      %dma_wait3A_1044 = arith.constant 0 : i32
      %dma_wait3A_1045 = arith.constant 0 : i32
      %dma_wait3A_1046 = arith.constant 0 : i32
      %dma_wait3A_1047 = tpu.memref_slice %dma_wait3A_1043[%dma_wait3A_1044, %dma_wait3A_1045, %dma_wait3A_1046] : memref<2x8x1000000xf32, #tpu.memory_space<hbm>> -> memref<2x8x128xf32, #tpu.memory_space<hbm>>
      tpu.wait_dma2 semaphore(%arg14 : memref<!tpu.dma_semaphore, #tpu.memory_space<semaphore_mem>>) src(%dma_wait3A_1047 : memref<2x8x128xf32, #tpu.memory_space<hbm>>) dst(%dma_wait3A_1042 : memref<2x8x128xf32, #tpu.memory_space<vmem>>)
      %dma_wait3A_1048 = arith.constant 1 : i32
      %dma_wait3A_1049 = arith.constant 1 : i32
      %dma_wait3A_1050 = arith.constant 0 : i32
      %dma_wait3A_1051 = arith.constant 0 : i32
      %dma_wait3A_1052 = arith.constant 0 : i32
      %dma_wait3A_1053 = tpu.memref_slice %arg10[%dma_wait3A_1048, %dma_wait3A_1049, %dma_wait3A_1050, %dma_wait3A_1051, %dma_wait3A_1052] : memref<4x4x2x8x128xf32, #tpu.memory_space<vmem>> -> memref<1x1x2x8x128xf32, #tpu.memory_space<vmem>>
      %dma_wait3A_1054 = tpu.memref_squeeze %dma_wait3A_1053 : memref<1x1x2x8x128xf32, #tpu.memory_space<vmem>> -> memref<2x8x128xf32, #tpu.memory_space<vmem>>
      %dma_wait3A_1055 = tpu.memref_reshape %arg3 : memref<16x1000000xf32, #tpu.memory_space<hbm>> -> memref<2x8x1000000xf32, #tpu.memory_space<hbm>>
      %dma_wait3A_1056 = arith.constant 0 : i32
      %dma_wait3A_1057 = arith.constant 0 : i32
      %dma_wait3A_1058 = arith.constant 0 : i32
      %dma_wait3A_1059 = tpu.memref_slice %dma_wait3A_1055[%dma_wait3A_1056, %dma_wait3A_1057, %dma_wait3A_1058] : memref<2x8x1000000xf32, #tpu.memory_space<hbm>> -> memref<2x8x128xf32, #tpu.memory_space<hbm>>
      %dma_wait3A_1060 = arith.constant 0 : i32
      %dma_wait3A_1061 = arith.constant 0 : i32
      %dma_wait3A_1062 = arith.constant 0 : i32
      %dma_wait3A_1063 = tpu.memref_slice %arg10[%dma_wait3A_1048, %dma_wait3A_1049, %dma_wait3A_1060, %dma_wait3A_1061, %dma_wait3A_1062] : memref<4x4x2x8x128xf32, #tpu.memory_space<vmem>> -> memref<1x1x2x8x128xf32, #tpu.memory_space<vmem>>
      %dma_wait3A_1064 = tpu.memref_squeeze %dma_wait3A_1063 : memref<1x1x2x8x128xf32, #tpu.memory_space<vmem>> -> memref<2x8x128xf32, #tpu.memory_space<vmem>>
      %dma_wait3A_1065 = tpu.memref_reshape %arg3 : memref<16x1000000xf32, #tpu.memory_space<hbm>> -> memref<2x8x1000000xf32, #tpu.memory_space<hbm>>
      %dma_wait3A_1066 = arith.constant 0 : i32
      %dma_wait3A_1067 = arith.constant 0 : i32
      %dma_wait3A_1068 = arith.constant 0 : i32
      %dma_wait3A_1069 = tpu.memref_slice %dma_wait3A_1065[%dma_wait3A_1066, %dma_wait3A_1067, %dma_wait3A_1068] : memref<2x8x1000000xf32, #tpu.memory_space<hbm>> -> memref<2x8x128xf32, #tpu.memory_space<hbm>>
      tpu.wait_dma2 semaphore(%arg14 : memref<!tpu.dma_semaphore, #tpu.memory_space<semaphore_mem>>) src(%dma_wait3A_1069 : memref<2x8x128xf32, #tpu.memory_space<hbm>>) dst(%dma_wait3A_1064 : memref<2x8x128xf32, #tpu.memory_space<vmem>>)
      %dma_wait3A_1070 = arith.constant 1 : i32
      %dma_wait3A_1071 = arith.constant 2 : i32
      %dma_wait3A_1072 = arith.constant 0 : i32
      %dma_wait3A_1073 = arith.constant 0 : i32
      %dma_wait3A_1074 = arith.constant 0 : i32
      %dma_wait3A_1075 = tpu.memref_slice %arg9[%dma_wait3A_1070, %dma_wait3A_1071, %dma_wait3A_1072, %dma_wait3A_1073, %dma_wait3A_1074] : memref<4x4x2x8x128xf32, #tpu.memory_space<vmem>> -> memref<1x1x2x8x128xf32, #tpu.memory_space<vmem>>
      %dma_wait3A_1076 = tpu.memref_squeeze %dma_wait3A_1075 : memref<1x1x2x8x128xf32, #tpu.memory_space<vmem>> -> memref<2x8x128xf32, #tpu.memory_space<vmem>>
      %dma_wait3A_1077 = tpu.memref_reshape %arg2 : memref<16x1000000xf32, #tpu.memory_space<hbm>> -> memref<2x8x1000000xf32, #tpu.memory_space<hbm>>
      %dma_wait3A_1078 = arith.constant 0 : i32
      %dma_wait3A_1079 = arith.constant 0 : i32
      %dma_wait3A_1080 = arith.constant 0 : i32
      %dma_wait3A_1081 = tpu.memref_slice %dma_wait3A_1077[%dma_wait3A_1078, %dma_wait3A_1079, %dma_wait3A_1080] : memref<2x8x1000000xf32, #tpu.memory_space<hbm>> -> memref<2x8x128xf32, #tpu.memory_space<hbm>>
      %dma_wait3A_1082 = arith.constant 0 : i32
      %dma_wait3A_1083 = arith.constant 0 : i32
      %dma_wait3A_1084 = arith.constant 0 : i32
      %dma_wait3A_1085 = tpu.memref_slice %arg9[%dma_wait3A_1070, %dma_wait3A_1071, %dma_wait3A_1082, %dma_wait3A_1083, %dma_wait3A_1084] : memref<4x4x2x8x128xf32, #tpu.memory_space<vmem>> -> memref<1x1x2x8x128xf32, #tpu.memory_space<vmem>>
      %dma_wait3A_1086 = tpu.memref_squeeze %dma_wait3A_1085 : memref<1x1x2x8x128xf32, #tpu.memory_space<vmem>> -> memref<2x8x128xf32, #tpu.memory_space<vmem>>
      %dma_wait3A_1087 = tpu.memref_reshape %arg2 : memref<16x1000000xf32, #tpu.memory_space<hbm>> -> memref<2x8x1000000xf32, #tpu.memory_space<hbm>>
      %dma_wait3A_1088 = arith.constant 0 : i32
      %dma_wait3A_1089 = arith.constant 0 : i32
      %dma_wait3A_1090 = arith.constant 0 : i32
      %dma_wait3A_1091 = tpu.memref_slice %dma_wait3A_1087[%dma_wait3A_1088, %dma_wait3A_1089, %dma_wait3A_1090] : memref<2x8x1000000xf32, #tpu.memory_space<hbm>> -> memref<2x8x128xf32, #tpu.memory_space<hbm>>
      tpu.wait_dma2 semaphore(%arg14 : memref<!tpu.dma_semaphore, #tpu.memory_space<semaphore_mem>>) src(%dma_wait3A_1091 : memref<2x8x128xf32, #tpu.memory_space<hbm>>) dst(%dma_wait3A_1086 : memref<2x8x128xf32, #tpu.memory_space<vmem>>)
      %dma_wait3A_1092 = arith.constant 1 : i32
      %dma_wait3A_1093 = arith.constant 2 : i32
      %dma_wait3A_1094 = arith.constant 0 : i32
      %dma_wait3A_1095 = arith.constant 0 : i32
      %dma_wait3A_1096 = arith.constant 0 : i32
      %dma_wait3A_1097 = tpu.memref_slice %arg10[%dma_wait3A_1092, %dma_wait3A_1093, %dma_wait3A_1094, %dma_wait3A_1095, %dma_wait3A_1096] : memref<4x4x2x8x128xf32, #tpu.memory_space<vmem>> -> memref<1x1x2x8x128xf32, #tpu.memory_space<vmem>>
      %dma_wait3A_1098 = tpu.memref_squeeze %dma_wait3A_1097 : memref<1x1x2x8x128xf32, #tpu.memory_space<vmem>> -> memref<2x8x128xf32, #tpu.memory_space<vmem>>
      %dma_wait3A_1099 = tpu.memref_reshape %arg3 : memref<16x1000000xf32, #tpu.memory_space<hbm>> -> memref<2x8x1000000xf32, #tpu.memory_space<hbm>>
      %dma_wait3A_1100 = arith.constant 0 : i32
      %dma_wait3A_1101 = arith.constant 0 : i32
      %dma_wait3A_1102 = arith.constant 0 : i32
      %dma_wait3A_1103 = tpu.memref_slice %dma_wait3A_1099[%dma_wait3A_1100, %dma_wait3A_1101, %dma_wait3A_1102] : memref<2x8x1000000xf32, #tpu.memory_space<hbm>> -> memref<2x8x128xf32, #tpu.memory_space<hbm>>
      %dma_wait3A_1104 = arith.constant 0 : i32
      %dma_wait3A_1105 = arith.constant 0 : i32
      %dma_wait3A_1106 = arith.constant 0 : i32
      %dma_wait3A_1107 = tpu.memref_slice %arg10[%dma_wait3A_1092, %dma_wait3A_1093, %dma_wait3A_1104, %dma_wait3A_1105, %dma_wait3A_1106] : memref<4x4x2x8x128xf32, #tpu.memory_space<vmem>> -> memref<1x1x2x8x128xf32, #tpu.memory_space<vmem>>
      %dma_wait3A_1108 = tpu.memref_squeeze %dma_wait3A_1107 : memref<1x1x2x8x128xf32, #tpu.memory_space<vmem>> -> memref<2x8x128xf32, #tpu.memory_space<vmem>>
      %dma_wait3A_1109 = tpu.memref_reshape %arg3 : memref<16x1000000xf32, #tpu.memory_space<hbm>> -> memref<2x8x1000000xf32, #tpu.memory_space<hbm>>
      %dma_wait3A_1110 = arith.constant 0 : i32
      %dma_wait3A_1111 = arith.constant 0 : i32
      %dma_wait3A_1112 = arith.constant 0 : i32
      %dma_wait3A_1113 = tpu.memref_slice %dma_wait3A_1109[%dma_wait3A_1110, %dma_wait3A_1111, %dma_wait3A_1112] : memref<2x8x1000000xf32, #tpu.memory_space<hbm>> -> memref<2x8x128xf32, #tpu.memory_space<hbm>>
      tpu.wait_dma2 semaphore(%arg14 : memref<!tpu.dma_semaphore, #tpu.memory_space<semaphore_mem>>) src(%dma_wait3A_1113 : memref<2x8x128xf32, #tpu.memory_space<hbm>>) dst(%dma_wait3A_1108 : memref<2x8x128xf32, #tpu.memory_space<vmem>>)
      %dma_wait3A_1114 = arith.constant 1 : i32
      %dma_wait3A_1115 = arith.constant 3 : i32
      %dma_wait3A_1116 = arith.constant 0 : i32
      %dma_wait3A_1117 = arith.constant 0 : i32
      %dma_wait3A_1118 = arith.constant 0 : i32
      %dma_wait3A_1119 = tpu.memref_slice %arg9[%dma_wait3A_1114, %dma_wait3A_1115, %dma_wait3A_1116, %dma_wait3A_1117, %dma_wait3A_1118] : memref<4x4x2x8x128xf32, #tpu.memory_space<vmem>> -> memref<1x1x2x8x128xf32, #tpu.memory_space<vmem>>
      %dma_wait3A_1120 = tpu.memref_squeeze %dma_wait3A_1119 : memref<1x1x2x8x128xf32, #tpu.memory_space<vmem>> -> memref<2x8x128xf32, #tpu.memory_space<vmem>>
      %dma_wait3A_1121 = tpu.memref_reshape %arg2 : memref<16x1000000xf32, #tpu.memory_space<hbm>> -> memref<2x8x1000000xf32, #tpu.memory_space<hbm>>
      %dma_wait3A_1122 = arith.constant 0 : i32
      %dma_wait3A_1123 = arith.constant 0 : i32
      %dma_wait3A_1124 = arith.constant 0 : i32
      %dma_wait3A_1125 = tpu.memref_slice %dma_wait3A_1121[%dma_wait3A_1122, %dma_wait3A_1123, %dma_wait3A_1124] : memref<2x8x1000000xf32, #tpu.memory_space<hbm>> -> memref<2x8x128xf32, #tpu.memory_space<hbm>>
      %dma_wait3A_1126 = arith.constant 0 : i32
      %dma_wait3A_1127 = arith.constant 0 : i32
      %dma_wait3A_1128 = arith.constant 0 : i32
      %dma_wait3A_1129 = tpu.memref_slice %arg9[%dma_wait3A_1114, %dma_wait3A_1115, %dma_wait3A_1126, %dma_wait3A_1127, %dma_wait3A_1128] : memref<4x4x2x8x128xf32, #tpu.memory_space<vmem>> -> memref<1x1x2x8x128xf32, #tpu.memory_space<vmem>>
      %dma_wait3A_1130 = tpu.memref_squeeze %dma_wait3A_1129 : memref<1x1x2x8x128xf32, #tpu.memory_space<vmem>> -> memref<2x8x128xf32, #tpu.memory_space<vmem>>
      %dma_wait3A_1131 = tpu.memref_reshape %arg2 : memref<16x1000000xf32, #tpu.memory_space<hbm>> -> memref<2x8x1000000xf32, #tpu.memory_space<hbm>>
      %dma_wait3A_1132 = arith.constant 0 : i32
      %dma_wait3A_1133 = arith.constant 0 : i32
      %dma_wait3A_1134 = arith.constant 0 : i32
      %dma_wait3A_1135 = tpu.memref_slice %dma_wait3A_1131[%dma_wait3A_1132, %dma_wait3A_1133, %dma_wait3A_1134] : memref<2x8x1000000xf32, #tpu.memory_space<hbm>> -> memref<2x8x128xf32, #tpu.memory_space<hbm>>
      tpu.wait_dma2 semaphore(%arg14 : memref<!tpu.dma_semaphore, #tpu.memory_space<semaphore_mem>>) src(%dma_wait3A_1135 : memref<2x8x128xf32, #tpu.memory_space<hbm>>) dst(%dma_wait3A_1130 : memref<2x8x128xf32, #tpu.memory_space<vmem>>)
      %dma_wait3A_1136 = arith.constant 1 : i32
      %dma_wait3A_1137 = arith.constant 3 : i32
      %dma_wait3A_1138 = arith.constant 0 : i32
      %dma_wait3A_1139 = arith.constant 0 : i32
      %dma_wait3A_1140 = arith.constant 0 : i32
      %dma_wait3A_1141 = tpu.memref_slice %arg10[%dma_wait3A_1136, %dma_wait3A_1137, %dma_wait3A_1138, %dma_wait3A_1139, %dma_wait3A_1140] : memref<4x4x2x8x128xf32, #tpu.memory_space<vmem>> -> memref<1x1x2x8x128xf32, #tpu.memory_space<vmem>>
      %dma_wait3A_1142 = tpu.memref_squeeze %dma_wait3A_1141 : memref<1x1x2x8x128xf32, #tpu.memory_space<vmem>> -> memref<2x8x128xf32, #tpu.memory_space<vmem>>
      %dma_wait3A_1143 = tpu.memref_reshape %arg3 : memref<16x1000000xf32, #tpu.memory_space<hbm>> -> memref<2x8x1000000xf32, #tpu.memory_space<hbm>>
      %dma_wait3A_1144 = arith.constant 0 : i32
      %dma_wait3A_1145 = arith.constant 0 : i32
      %dma_wait3A_1146 = arith.constant 0 : i32
      %dma_wait3A_1147 = tpu.memref_slice %dma_wait3A_1143[%dma_wait3A_1144, %dma_wait3A_1145, %dma_wait3A_1146] : memref<2x8x1000000xf32, #tpu.memory_space<hbm>> -> memref<2x8x128xf32, #tpu.memory_space<hbm>>
      %dma_wait3A_1148 = arith.constant 0 : i32
      %dma_wait3A_1149 = arith.constant 0 : i32
      %dma_wait3A_1150 = arith.constant 0 : i32
      %dma_wait3A_1151 = tpu.memref_slice %arg10[%dma_wait3A_1136, %dma_wait3A_1137, %dma_wait3A_1148, %dma_wait3A_1149, %dma_wait3A_1150] : memref<4x4x2x8x128xf32, #tpu.memory_space<vmem>> -> memref<1x1x2x8x128xf32, #tpu.memory_space<vmem>>
      %dma_wait3A_1152 = tpu.memref_squeeze %dma_wait3A_1151 : memref<1x1x2x8x128xf32, #tpu.memory_space<vmem>> -> memref<2x8x128xf32, #tpu.memory_space<vmem>>
      %dma_wait3A_1153 = tpu.memref_reshape %arg3 : memref<16x1000000xf32, #tpu.memory_space<hbm>> -> memref<2x8x1000000xf32, #tpu.memory_space<hbm>>
      %dma_wait3A_1154 = arith.constant 0 : i32
      %dma_wait3A_1155 = arith.constant 0 : i32
      %dma_wait3A_1156 = arith.constant 0 : i32
      %dma_wait3A_1157 = tpu.memref_slice %dma_wait3A_1153[%dma_wait3A_1154, %dma_wait3A_1155, %dma_wait3A_1156] : memref<2x8x1000000xf32, #tpu.memory_space<hbm>> -> memref<2x8x128xf32, #tpu.memory_space<hbm>>
      tpu.wait_dma2 semaphore(%arg14 : memref<!tpu.dma_semaphore, #tpu.memory_space<semaphore_mem>>) src(%dma_wait3A_1157 : memref<2x8x128xf32, #tpu.memory_space<hbm>>) dst(%dma_wait3A_1152 : memref<2x8x128xf32, #tpu.memory_space<vmem>>)
      %iota3A_1158 = tpu.iota {dimensions = array<i32: 0>} : vector<16xi32>
      %shift_right_arithmetic3A_1159 = arith.constant 3 : i32
      %shift_right_arithmetic3A_1160 = vector.broadcast %shift_right_arithmetic3A_1159 : i32 to vector<16xi32>
      %shift_right_arithmetic3A_1161 = arith.shrsi %iota3A_1158, %shift_right_arithmetic3A_1160 : vector<16xi32>
      %and3A_1162 = arith.constant 7 : i32
      %and3A_1163 = vector.broadcast %and3A_1162 : i32 to vector<16xi32>
      %and3A_1164 = arith.andi %iota3A_1158, %and3A_1163 : vector<16xi32>
      %get3A_1165 = arith.index_cast %mul3A_665 : i32 to index
      %get3A_1166 = tpu.vector_load %arg7[%get3A_1165] {strides = array<i32>} : memref<512xi32, #tpu.memory_space<vmem>>, vector<16xi32>,
      %and3A_1167 = arith.constant 127 : i32
      %and3A_1168 = vector.broadcast %and3A_1167 : i32 to vector<16xi32>
      %and3A_1169 = arith.andi %get3A_1166, %and3A_1168 : vector<16xi32>
      %get3A_1170 = arith.index_cast %mul3A_665 : i32 to index
      %get3A_1171 = tpu.vector_load %arg8[%get3A_1170] {strides = array<i32>} : memref<512xi32, #tpu.memory_space<vmem>>, vector<16xi32>,
      %and3A_1172 = arith.constant 127 : i32
      %and3A_1173 = vector.broadcast %and3A_1172 : i32 to vector<16xi32>
      %and3A_1174 = arith.andi %get3A_1171, %and3A_1173 : vector<16xi32>
      %slice3A_1175 = vector.extract_strided_slice %and3A_1169 {offsets = [4], sizes = [1], strides = [1]} : vector<16xi32> to vector<1xi32>
      %squeeze3A_1176 = vector.extract %slice3A_1175[0] : i32 from vector<1xi32>
      %broadcast_in_dim3A_1177 = vector.broadcast %squeeze3A_1176 : i32 to vector<16xi32>
      %slice3A_1178 = vector.extract_strided_slice %and3A_1174 {offsets = [4], sizes = [1], strides = [1]} : vector<16xi32> to vector<1xi32>
      %squeeze3A_1179 = vector.extract %slice3A_1178[0] : i32 from vector<1xi32>
      %broadcast_in_dim3A_1180 = vector.broadcast %squeeze3A_1179 : i32 to vector<16xi32>
      %gather3A_1181 = arith.constant 1 : i32
      %gather3A_1182 = arith.constant 0 : i32
      %gather3A_1183 = arith.constant 0 : i32
      %gather3A_1184 = arith.constant 0 : i32
      %gather3A_1185 = arith.constant 0 : i32
      %gather3A_1186 = tpu.memref_slice %arg9[%gather3A_1181, %gather3A_1182, %gather3A_1183, %gather3A_1184, %gather3A_1185] : memref<4x4x2x8x128xf32, #tpu.memory_space<vmem>> -> memref<1x1x2x8x128xf32, #tpu.memory_space<vmem>>
      %gather3A_1187 = tpu.memref_squeeze %gather3A_1186 : memref<1x1x2x8x128xf32, #tpu.memory_space<vmem>> -> memref<2x8x128xf32, #tpu.memory_space<vmem>>
      %gather3A_1188 = tpu.vector_load_idx %gather3A_1187[%shift_right_arithmetic3A_1161, %and3A_1164, %broadcast_in_dim3A_1177] : memref<2x8x128xf32, #tpu.memory_space<vmem>>[vector<16xi32>, vector<16xi32>, vector<16xi32>], vector<16xf32>,
      %gather3A_1189 = arith.constant 1 : i32
      %gather3A_1190 = arith.constant 0 : i32
      %gather3A_1191 = arith.constant 0 : i32
      %gather3A_1192 = arith.constant 0 : i32
      %gather3A_1193 = arith.constant 0 : i32
      %gather3A_1194 = tpu.memref_slice %arg10[%gather3A_1189, %gather3A_1190, %gather3A_1191, %gather3A_1192, %gather3A_1193] : memref<4x4x2x8x128xf32, #tpu.memory_space<vmem>> -> memref<1x1x2x8x128xf32, #tpu.memory_space<vmem>>
      %gather3A_1195 = tpu.memref_squeeze %gather3A_1194 : memref<1x1x2x8x128xf32, #tpu.memory_space<vmem>> -> memref<2x8x128xf32, #tpu.memory_space<vmem>>
      %gather3A_1196 = tpu.vector_load_idx %gather3A_1195[%shift_right_arithmetic3A_1161, %and3A_1164, %broadcast_in_dim3A_1180] : memref<2x8x128xf32, #tpu.memory_space<vmem>>[vector<16xi32>, vector<16xi32>, vector<16xi32>], vector<16xf32>,
      %mul3A_1197 = arith.mulf %gather3A_1188, %gather3A_1196 : vector<16xf32>
      %swap3A_1198 = arith.constant 4 : i32
      %swap3A_1199 = arith.index_cast %swap3A_1198 : i32 to index
      %swap3A_1200 = arith.constant 0 : index
      %swap3A_1201 = tpu.vector_load %arg11[%swap3A_1199, %swap3A_1200] {strides = array<i32>} : memref<16x16xf32, #tpu.memory_space<vmem>>, vector<16xf32>,
      tpu.vector_store %arg11[%swap3A_1199, %swap3A_1200], %mul3A_1197 {strides = array<i32>} : memref<16x16xf32, #tpu.memory_space<vmem>>, vector<16xf32>,
      %slice3A_1202 = vector.extract_strided_slice %and3A_1169 {offsets = [5], sizes = [1], strides = [1]} : vector<16xi32> to vector<1xi32>
      %squeeze3A_1203 = vector.extract %slice3A_1202[0] : i32 from vector<1xi32>
      %broadcast_in_dim3A_1204 = vector.broadcast %squeeze3A_1203 : i32 to vector<16xi32>
      %slice3A_1205 = vector.extract_strided_slice %and3A_1174 {offsets = [5], sizes = [1], strides = [1]} : vector<16xi32> to vector<1xi32>
      %squeeze3A_1206 = vector.extract %slice3A_1205[0] : i32 from vector<1xi32>
      %broadcast_in_dim3A_1207 = vector.broadcast %squeeze3A_1206 : i32 to vector<16xi32>
      %gather3A_1208 = arith.constant 1 : i32
      %gather3A_1209 = arith.constant 1 : i32
      %gather3A_1210 = arith.constant 0 : i32
      %gather3A_1211 = arith.constant 0 : i32
      %gather3A_1212 = arith.constant 0 : i32
      %gather3A_1213 = tpu.memref_slice %arg9[%gather3A_1208, %gather3A_1209, %gather3A_1210, %gather3A_1211, %gather3A_1212] : memref<4x4x2x8x128xf32, #tpu.memory_space<vmem>> -> memref<1x1x2x8x128xf32, #tpu.memory_space<vmem>>
      %gather3A_1214 = tpu.memref_squeeze %gather3A_1213 : memref<1x1x2x8x128xf32, #tpu.memory_space<vmem>> -> memref<2x8x128xf32, #tpu.memory_space<vmem>>
      %gather3A_1215 = tpu.vector_load_idx %gather3A_1214[%shift_right_arithmetic3A_1161, %and3A_1164, %broadcast_in_dim3A_1204] : memref<2x8x128xf32, #tpu.memory_space<vmem>>[vector<16xi32>, vector<16xi32>, vector<16xi32>], vector<16xf32>,
      %gather3A_1216 = arith.constant 1 : i32
      %gather3A_1217 = arith.constant 1 : i32
      %gather3A_1218 = arith.constant 0 : i32
      %gather3A_1219 = arith.constant 0 : i32
      %gather3A_1220 = arith.constant 0 : i32
      %gather3A_1221 = tpu.memref_slice %arg10[%gather3A_1216, %gather3A_1217, %gather3A_1218, %gather3A_1219, %gather3A_1220] : memref<4x4x2x8x128xf32, #tpu.memory_space<vmem>> -> memref<1x1x2x8x128xf32, #tpu.memory_space<vmem>>
      %gather3A_1222 = tpu.memref_squeeze %gather3A_1221 : memref<1x1x2x8x128xf32, #tpu.memory_space<vmem>> -> memref<2x8x128xf32, #tpu.memory_space<vmem>>
      %gather3A_1223 = tpu.vector_load_idx %gather3A_1222[%shift_right_arithmetic3A_1161, %and3A_1164, %broadcast_in_dim3A_1207] : memref<2x8x128xf32, #tpu.memory_space<vmem>>[vector<16xi32>, vector<16xi32>, vector<16xi32>], vector<16xf32>,
      %mul3A_1224 = arith.mulf %gather3A_1215, %gather3A_1223 : vector<16xf32>
      %swap3A_1225 = arith.constant 5 : i32
      %swap3A_1226 = arith.index_cast %swap3A_1225 : i32 to index
      %swap3A_1227 = arith.constant 0 : index
      %swap3A_1228 = tpu.vector_load %arg11[%swap3A_1226, %swap3A_1227] {strides = array<i32>} : memref<16x16xf32, #tpu.memory_space<vmem>>, vector<16xf32>,
      tpu.vector_store %arg11[%swap3A_1226, %swap3A_1227], %mul3A_1224 {strides = array<i32>} : memref<16x16xf32, #tpu.memory_space<vmem>>, vector<16xf32>,
      %slice3A_1229 = vector.extract_strided_slice %and3A_1169 {offsets = [6], sizes = [1], strides = [1]} : vector<16xi32> to vector<1xi32>
      %squeeze3A_1230 = vector.extract %slice3A_1229[0] : i32 from vector<1xi32>
      %broadcast_in_dim3A_1231 = vector.broadcast %squeeze3A_1230 : i32 to vector<16xi32>
      %slice3A_1232 = vector.extract_strided_slice %and3A_1174 {offsets = [6], sizes = [1], strides = [1]} : vector<16xi32> to vector<1xi32>
      %squeeze3A_1233 = vector.extract %slice3A_1232[0] : i32 from vector<1xi32>
      %broadcast_in_dim3A_1234 = vector.broadcast %squeeze3A_1233 : i32 to vector<16xi32>
      %gather3A_1235 = arith.constant 1 : i32
      %gather3A_1236 = arith.constant 2 : i32
      %gather3A_1237 = arith.constant 0 : i32
      %gather3A_1238 = arith.constant 0 : i32
      %gather3A_1239 = arith.constant 0 : i32
      %gather3A_1240 = tpu.memref_slice %arg9[%gather3A_1235, %gather3A_1236, %gather3A_1237, %gather3A_1238, %gather3A_1239] : memref<4x4x2x8x128xf32, #tpu.memory_space<vmem>> -> memref<1x1x2x8x128xf32, #tpu.memory_space<vmem>>
      %gather3A_1241 = tpu.memref_squeeze %gather3A_1240 : memref<1x1x2x8x128xf32, #tpu.memory_space<vmem>> -> memref<2x8x128xf32, #tpu.memory_space<vmem>>
      %gather3A_1242 = tpu.vector_load_idx %gather3A_1241[%shift_right_arithmetic3A_1161, %and3A_1164, %broadcast_in_dim3A_1231] : memref<2x8x128xf32, #tpu.memory_space<vmem>>[vector<16xi32>, vector<16xi32>, vector<16xi32>], vector<16xf32>,
      %gather3A_1243 = arith.constant 1 : i32
      %gather3A_1244 = arith.constant 2 : i32
      %gather3A_1245 = arith.constant 0 : i32
      %gather3A_1246 = arith.constant 0 : i32
      %gather3A_1247 = arith.constant 0 : i32
      %gather3A_1248 = tpu.memref_slice %arg10[%gather3A_1243, %gather3A_1244, %gather3A_1245, %gather3A_1246, %gather3A_1247] : memref<4x4x2x8x128xf32, #tpu.memory_space<vmem>> -> memref<1x1x2x8x128xf32, #tpu.memory_space<vmem>>
      %gather3A_1249 = tpu.memref_squeeze %gather3A_1248 : memref<1x1x2x8x128xf32, #tpu.memory_space<vmem>> -> memref<2x8x128xf32, #tpu.memory_space<vmem>>
      %gather3A_1250 = tpu.vector_load_idx %gather3A_1249[%shift_right_arithmetic3A_1161, %and3A_1164, %broadcast_in_dim3A_1234] : memref<2x8x128xf32, #tpu.memory_space<vmem>>[vector<16xi32>, vector<16xi32>, vector<16xi32>], vector<16xf32>,
      %mul3A_1251 = arith.mulf %gather3A_1242, %gather3A_1250 : vector<16xf32>
      %swap3A_1252 = arith.constant 6 : i32
      %swap3A_1253 = arith.index_cast %swap3A_1252 : i32 to index
      %swap3A_1254 = arith.constant 0 : index
      %swap3A_1255 = tpu.vector_load %arg11[%swap3A_1253, %swap3A_1254] {strides = array<i32>} : memref<16x16xf32, #tpu.memory_space<vmem>>, vector<16xf32>,
      tpu.vector_store %arg11[%swap3A_1253, %swap3A_1254], %mul3A_1251 {strides = array<i32>} : memref<16x16xf32, #tpu.memory_space<vmem>>, vector<16xf32>,
      %slice3A_1256 = vector.extract_strided_slice %and3A_1169 {offsets = [7], sizes = [1], strides = [1]} : vector<16xi32> to vector<1xi32>
      %squeeze3A_1257 = vector.extract %slice3A_1256[0] : i32 from vector<1xi32>
      %broadcast_in_dim3A_1258 = vector.broadcast %squeeze3A_1257 : i32 to vector<16xi32>
      %slice3A_1259 = vector.extract_strided_slice %and3A_1174 {offsets = [7], sizes = [1], strides = [1]} : vector<16xi32> to vector<1xi32>
      %squeeze3A_1260 = vector.extract %slice3A_1259[0] : i32 from vector<1xi32>
      %broadcast_in_dim3A_1261 = vector.broadcast %squeeze3A_1260 : i32 to vector<16xi32>
      %gather3A_1262 = arith.constant 1 : i32
      %gather3A_1263 = arith.constant 3 : i32
      %gather3A_1264 = arith.constant 0 : i32
      %gather3A_1265 = arith.constant 0 : i32
      %gather3A_1266 = arith.constant 0 : i32
      %gather3A_1267 = tpu.memref_slice %arg9[%gather3A_1262, %gather3A_1263, %gather3A_1264, %gather3A_1265, %gather3A_1266] : memref<4x4x2x8x128xf32, #tpu.memory_space<vmem>> -> memref<1x1x2x8x128xf32, #tpu.memory_space<vmem>>
      %gather3A_1268 = tpu.memref_squeeze %gather3A_1267 : memref<1x1x2x8x128xf32, #tpu.memory_space<vmem>> -> memref<2x8x128xf32, #tpu.memory_space<vmem>>
      %gather3A_1269 = tpu.vector_load_idx %gather3A_1268[%shift_right_arithmetic3A_1161, %and3A_1164, %broadcast_in_dim3A_1258] : memref<2x8x128xf32, #tpu.memory_space<vmem>>[vector<16xi32>, vector<16xi32>, vector<16xi32>], vector<16xf32>,
      %gather3A_1270 = arith.constant 1 : i32
      %gather3A_1271 = arith.constant 3 : i32
      %gather3A_1272 = arith.constant 0 : i32
      %gather3A_1273 = arith.constant 0 : i32
      %gather3A_1274 = arith.constant 0 : i32
      %gather3A_1275 = tpu.memref_slice %arg10[%gather3A_1270, %gather3A_1271, %gather3A_1272, %gather3A_1273, %gather3A_1274] : memref<4x4x2x8x128xf32, #tpu.memory_space<vmem>> -> memref<1x1x2x8x128xf32, #tpu.memory_space<vmem>>
      %gather3A_1276 = tpu.memref_squeeze %gather3A_1275 : memref<1x1x2x8x128xf32, #tpu.memory_space<vmem>> -> memref<2x8x128xf32, #tpu.memory_space<vmem>>
      %gather3A_1277 = tpu.vector_load_idx %gather3A_1276[%shift_right_arithmetic3A_1161, %and3A_1164, %broadcast_in_dim3A_1261] : memref<2x8x128xf32, #tpu.memory_space<vmem>>[vector<16xi32>, vector<16xi32>, vector<16xi32>], vector<16xf32>,
      %mul3A_1278 = arith.mulf %gather3A_1269, %gather3A_1277 : vector<16xf32>
      %swap3A_1279 = arith.constant 7 : i32
      %swap3A_1280 = arith.index_cast %swap3A_1279 : i32 to index
      %swap3A_1281 = arith.constant 0 : index
      %swap3A_1282 = tpu.vector_load %arg11[%swap3A_1280, %swap3A_1281] {strides = array<i32>} : memref<16x16xf32, #tpu.memory_space<vmem>>, vector<16xf32>,
      tpu.vector_store %arg11[%swap3A_1280, %swap3A_1281], %mul3A_1278 {strides = array<i32>} : memref<16x16xf32, #tpu.memory_space<vmem>>, vector<16xf32>,
      %add3A_1283 = arith.constant 2 : i32
      %add3A_1284 = arith.addi %mul3A_667, %add3A_1283 : i32
      %add3A_1285 = arith.constant 3 : i32
      %add3A_1286 = arith.addi %add3A_1284, %add3A_1285 : i32
      %add3A_1287 = arith.constant 16 : i32
      %add3A_1288 = arith.addi %mul3A_665, %add3A_1287 : i32
      %lt3A_1289 = arith.constant 128 : i32
      %lt3A_1290 = arith.cmpi slt, %add3A_1286, %lt3A_1289 : i32
      %convert_element_type3A_1291 = arith.extui %lt3A_1290 : i1 to i32
      %cond3A_1292 = arith.constant 0 : i32
      %cond3A_1293 = arith.cmpi ne, %convert_element_type3A_1291, %cond3A_1292 : i32
      scf.if %cond3A_1293 {
        %get3A_1979 = arith.index_cast %add3A_1288 : i32 to index
        %get3A_1980 = tpu.vector_load %arg7[%get3A_1979] {strides = array<i32>} : memref<512xi32, #tpu.memory_space<vmem>>, vector<16xi32>,
        %get3A_1981 = arith.index_cast %add3A_1288 : i32 to index
        %get3A_1982 = tpu.vector_load %arg8[%get3A_1981] {strides = array<i32>} : memref<512xi32, #tpu.memory_space<vmem>>, vector<16xi32>,
        %slice3A_1983 = vector.extract_strided_slice %get3A_1980 {offsets = [4], sizes = [1], strides = [1]} : vector<16xi32> to vector<1xi32>
        %squeeze3A_1984 = vector.extract %slice3A_1983[0] : i32 from vector<1xi32>
        %shift_right_arithmetic3A_1985 = arith.constant 7 : i32
        %shift_right_arithmetic3A_1986 = arith.shrsi %squeeze3A_1984, %shift_right_arithmetic3A_1985 : i32
        %shift_left3A_1987 = arith.constant 7 : i32
        %shift_left3A_1988 = arith.shli %shift_right_arithmetic3A_1986, %shift_left3A_1987 : i32
        %multiple_of3A_1989 = tpu.assume_multiple %shift_left3A_1988, 128 : i32
        %dma_start3A_1990 = arith.constant 1 : i32
        %dma_start3A_1991 = arith.constant 0 : i32
        %dma_start3A_1992 = arith.constant 0 : i32
        %dma_start3A_1993 = arith.constant 0 : i32
        %dma_start3A_1994 = arith.constant 0 : i32
        %dma_start3A_1995 = tpu.memref_slice %arg9[%dma_start3A_1990, %dma_start3A_1991, %dma_start3A_1992, %dma_start3A_1993, %dma_start3A_1994] : memref<4x4x2x8x128xf32, #tpu.memory_space<vmem>> -> memref<1x1x2x8x128xf32, #tpu.memory_space<vmem>>
        %dma_start3A_1996 = tpu.memref_squeeze %dma_start3A_1995 : memref<1x1x2x8x128xf32, #tpu.memory_space<vmem>> -> memref<2x8x128xf32, #tpu.memory_space<vmem>>
        %dma_start3A_1997 = tpu.memref_reshape %arg2 : memref<16x1000000xf32, #tpu.memory_space<hbm>> -> memref<2x8x1000000xf32, #tpu.memory_space<hbm>>
        %dma_start3A_1998 = arith.constant 0 : i32
        %dma_start3A_1999 = arith.constant 0 : i32
        %dma_start3A_2000 = tpu.memref_slice %dma_start3A_1997[%dma_start3A_1998, %dma_start3A_1999, %multiple_of3A_1989] : memref<2x8x1000000xf32, #tpu.memory_space<hbm>> -> memref<2x8x128xf32, #tpu.memory_space<hbm>>
        %dma_start3A_2001 = arith.constant 0 : i32
        %dma_start3A_2002 = arith.constant 0 : i32
        %dma_start3A_2003 = arith.constant 0 : i32
        %dma_start3A_2004 = tpu.memref_slice %arg9[%dma_start3A_1990, %dma_start3A_1991, %dma_start3A_2001, %dma_start3A_2002, %dma_start3A_2003] : memref<4x4x2x8x128xf32, #tpu.memory_space<vmem>> -> memref<1x1x2x8x128xf32, #tpu.memory_space<vmem>>
        %dma_start3A_2005 = tpu.memref_squeeze %dma_start3A_2004 : memref<1x1x2x8x128xf32, #tpu.memory_space<vmem>> -> memref<2x8x128xf32, #tpu.memory_space<vmem>>
        %dma_start3A_2006 = tpu.memref_reshape %arg2 : memref<16x1000000xf32, #tpu.memory_space<hbm>> -> memref<2x8x1000000xf32, #tpu.memory_space<hbm>>
        %dma_start3A_2007 = arith.constant 0 : i32
        %dma_start3A_2008 = arith.constant 0 : i32
        %dma_start3A_2009 = tpu.memref_slice %dma_start3A_2006[%dma_start3A_2007, %dma_start3A_2008, %multiple_of3A_1989] : memref<2x8x1000000xf32, #tpu.memory_space<hbm>> -> memref<2x8x128xf32, #tpu.memory_space<hbm>>
        tpu.enqueue_dma source(%dma_start3A_2009 : memref<2x8x128xf32, #tpu.memory_space<hbm>>) target(%dma_start3A_2005 : memref<2x8x128xf32, #tpu.memory_space<vmem>>) target_semaphore(%arg14 : memref<!tpu.dma_semaphore, #tpu.memory_space<semaphore_mem>>)
        %slice3A_2010 = vector.extract_strided_slice %get3A_1982 {offsets = [4], sizes = [1], strides = [1]} : vector<16xi32> to vector<1xi32>
        %squeeze3A_2011 = vector.extract %slice3A_2010[0] : i32 from vector<1xi32>
        %shift_right_arithmetic3A_2012 = arith.constant 7 : i32
        %shift_right_arithmetic3A_2013 = arith.shrsi %squeeze3A_2011, %shift_right_arithmetic3A_2012 : i32
        %shift_left3A_2014 = arith.constant 7 : i32
        %shift_left3A_2015 = arith.shli %shift_right_arithmetic3A_2013, %shift_left3A_2014 : i32
        %multiple_of3A_2016 = tpu.assume_multiple %shift_left3A_2015, 128 : i32
        %dma_start3A_2017 = arith.constant 1 : i32
        %dma_start3A_2018 = arith.constant 0 : i32
        %dma_start3A_2019 = arith.constant 0 : i32
        %dma_start3A_2020 = arith.constant 0 : i32
        %dma_start3A_2021 = arith.constant 0 : i32
        %dma_start3A_2022 = tpu.memref_slice %arg10[%dma_start3A_2017, %dma_start3A_2018, %dma_start3A_2019, %dma_start3A_2020, %dma_start3A_2021] : memref<4x4x2x8x128xf32, #tpu.memory_space<vmem>> -> memref<1x1x2x8x128xf32, #tpu.memory_space<vmem>>
        %dma_start3A_2023 = tpu.memref_squeeze %dma_start3A_2022 : memref<1x1x2x8x128xf32, #tpu.memory_space<vmem>> -> memref<2x8x128xf32, #tpu.memory_space<vmem>>
        %dma_start3A_2024 = tpu.memref_reshape %arg3 : memref<16x1000000xf32, #tpu.memory_space<hbm>> -> memref<2x8x1000000xf32, #tpu.memory_space<hbm>>
        %dma_start3A_2025 = arith.constant 0 : i32
        %dma_start3A_2026 = arith.constant 0 : i32
        %dma_start3A_2027 = tpu.memref_slice %dma_start3A_2024[%dma_start3A_2025, %dma_start3A_2026, %multiple_of3A_2016] : memref<2x8x1000000xf32, #tpu.memory_space<hbm>> -> memref<2x8x128xf32, #tpu.memory_space<hbm>>
        %dma_start3A_2028 = arith.constant 0 : i32
        %dma_start3A_2029 = arith.constant 0 : i32
        %dma_start3A_2030 = arith.constant 0 : i32
        %dma_start3A_2031 = tpu.memref_slice %arg10[%dma_start3A_2017, %dma_start3A_2018, %dma_start3A_2028, %dma_start3A_2029, %dma_start3A_2030] : memref<4x4x2x8x128xf32, #tpu.memory_space<vmem>> -> memref<1x1x2x8x128xf32, #tpu.memory_space<vmem>>
        %dma_start3A_2032 = tpu.memref_squeeze %dma_start3A_2031 : memref<1x1x2x8x128xf32, #tpu.memory_space<vmem>> -> memref<2x8x128xf32, #tpu.memory_space<vmem>>
        %dma_start3A_2033 = tpu.memref_reshape %arg3 : memref<16x1000000xf32, #tpu.memory_space<hbm>> -> memref<2x8x1000000xf32, #tpu.memory_space<hbm>>
        %dma_start3A_2034 = arith.constant 0 : i32
        %dma_start3A_2035 = arith.constant 0 : i32
        %dma_start3A_2036 = tpu.memref_slice %dma_start3A_2033[%dma_start3A_2034, %dma_start3A_2035, %multiple_of3A_2016] : memref<2x8x1000000xf32, #tpu.memory_space<hbm>> -> memref<2x8x128xf32, #tpu.memory_space<hbm>>
        tpu.enqueue_dma source(%dma_start3A_2036 : memref<2x8x128xf32, #tpu.memory_space<hbm>>) target(%dma_start3A_2032 : memref<2x8x128xf32, #tpu.memory_space<vmem>>) target_semaphore(%arg14 : memref<!tpu.dma_semaphore, #tpu.memory_space<semaphore_mem>>)
        %slice3A_2037 = vector.extract_strided_slice %get3A_1980 {offsets = [5], sizes = [1], strides = [1]} : vector<16xi32> to vector<1xi32>
        %squeeze3A_2038 = vector.extract %slice3A_2037[0] : i32 from vector<1xi32>
        %shift_right_arithmetic3A_2039 = arith.constant 7 : i32
        %shift_right_arithmetic3A_2040 = arith.shrsi %squeeze3A_2038, %shift_right_arithmetic3A_2039 : i32
        %shift_left3A_2041 = arith.constant 7 : i32
        %shift_left3A_2042 = arith.shli %shift_right_arithmetic3A_2040, %shift_left3A_2041 : i32
        %multiple_of3A_2043 = tpu.assume_multiple %shift_left3A_2042, 128 : i32
        %dma_start3A_2044 = arith.constant 1 : i32
        %dma_start3A_2045 = arith.constant 1 : i32
        %dma_start3A_2046 = arith.constant 0 : i32
        %dma_start3A_2047 = arith.constant 0 : i32
        %dma_start3A_2048 = arith.constant 0 : i32
        %dma_start3A_2049 = tpu.memref_slice %arg9[%dma_start3A_2044, %dma_start3A_2045, %dma_start3A_2046, %dma_start3A_2047, %dma_start3A_2048] : memref<4x4x2x8x128xf32, #tpu.memory_space<vmem>> -> memref<1x1x2x8x128xf32, #tpu.memory_space<vmem>>
        %dma_start3A_2050 = tpu.memref_squeeze %dma_start3A_2049 : memref<1x1x2x8x128xf32, #tpu.memory_space<vmem>> -> memref<2x8x128xf32, #tpu.memory_space<vmem>>
        %dma_start3A_2051 = tpu.memref_reshape %arg2 : memref<16x1000000xf32, #tpu.memory_space<hbm>> -> memref<2x8x1000000xf32, #tpu.memory_space<hbm>>
        %dma_start3A_2052 = arith.constant 0 : i32
        %dma_start3A_2053 = arith.constant 0 : i32
        %dma_start3A_2054 = tpu.memref_slice %dma_start3A_2051[%dma_start3A_2052, %dma_start3A_2053, %multiple_of3A_2043] : memref<2x8x1000000xf32, #tpu.memory_space<hbm>> -> memref<2x8x128xf32, #tpu.memory_space<hbm>>
        %dma_start3A_2055 = arith.constant 0 : i32
        %dma_start3A_2056 = arith.constant 0 : i32
        %dma_start3A_2057 = arith.constant 0 : i32
        %dma_start3A_2058 = tpu.memref_slice %arg9[%dma_start3A_2044, %dma_start3A_2045, %dma_start3A_2055, %dma_start3A_2056, %dma_start3A_2057] : memref<4x4x2x8x128xf32, #tpu.memory_space<vmem>> -> memref<1x1x2x8x128xf32, #tpu.memory_space<vmem>>
        %dma_start3A_2059 = tpu.memref_squeeze %dma_start3A_2058 : memref<1x1x2x8x128xf32, #tpu.memory_space<vmem>> -> memref<2x8x128xf32, #tpu.memory_space<vmem>>
        %dma_start3A_2060 = tpu.memref_reshape %arg2 : memref<16x1000000xf32, #tpu.memory_space<hbm>> -> memref<2x8x1000000xf32, #tpu.memory_space<hbm>>
        %dma_start3A_2061 = arith.constant 0 : i32
        %dma_start3A_2062 = arith.constant 0 : i32
        %dma_start3A_2063 = tpu.memref_slice %dma_start3A_2060[%dma_start3A_2061, %dma_start3A_2062, %multiple_of3A_2043] : memref<2x8x1000000xf32, #tpu.memory_space<hbm>> -> memref<2x8x128xf32, #tpu.memory_space<hbm>>
        tpu.enqueue_dma source(%dma_start3A_2063 : memref<2x8x128xf32, #tpu.memory_space<hbm>>) target(%dma_start3A_2059 : memref<2x8x128xf32, #tpu.memory_space<vmem>>) target_semaphore(%arg14 : memref<!tpu.dma_semaphore, #tpu.memory_space<semaphore_mem>>)
        %slice3A_2064 = vector.extract_strided_slice %get3A_1982 {offsets = [5], sizes = [1], strides = [1]} : vector<16xi32> to vector<1xi32>
        %squeeze3A_2065 = vector.extract %slice3A_2064[0] : i32 from vector<1xi32>
        %shift_right_arithmetic3A_2066 = arith.constant 7 : i32
        %shift_right_arithmetic3A_2067 = arith.shrsi %squeeze3A_2065, %shift_right_arithmetic3A_2066 : i32
        %shift_left3A_2068 = arith.constant 7 : i32
        %shift_left3A_2069 = arith.shli %shift_right_arithmetic3A_2067, %shift_left3A_2068 : i32
        %multiple_of3A_2070 = tpu.assume_multiple %shift_left3A_2069, 128 : i32
        %dma_start3A_2071 = arith.constant 1 : i32
        %dma_start3A_2072 = arith.constant 1 : i32
        %dma_start3A_2073 = arith.constant 0 : i32
        %dma_start3A_2074 = arith.constant 0 : i32
        %dma_start3A_2075 = arith.constant 0 : i32
        %dma_start3A_2076 = tpu.memref_slice %arg10[%dma_start3A_2071, %dma_start3A_2072, %dma_start3A_2073, %dma_start3A_2074, %dma_start3A_2075] : memref<4x4x2x8x128xf32, #tpu.memory_space<vmem>> -> memref<1x1x2x8x128xf32, #tpu.memory_space<vmem>>
        %dma_start3A_2077 = tpu.memref_squeeze %dma_start3A_2076 : memref<1x1x2x8x128xf32, #tpu.memory_space<vmem>> -> memref<2x8x128xf32, #tpu.memory_space<vmem>>
        %dma_start3A_2078 = tpu.memref_reshape %arg3 : memref<16x1000000xf32, #tpu.memory_space<hbm>> -> memref<2x8x1000000xf32, #tpu.memory_space<hbm>>
        %dma_start3A_2079 = arith.constant 0 : i32
        %dma_start3A_2080 = arith.constant 0 : i32
        %dma_start3A_2081 = tpu.memref_slice %dma_start3A_2078[%dma_start3A_2079, %dma_start3A_2080, %multiple_of3A_2070] : memref<2x8x1000000xf32, #tpu.memory_space<hbm>> -> memref<2x8x128xf32, #tpu.memory_space<hbm>>
        %dma_start3A_2082 = arith.constant 0 : i32
        %dma_start3A_2083 = arith.constant 0 : i32
        %dma_start3A_2084 = arith.constant 0 : i32
        %dma_start3A_2085 = tpu.memref_slice %arg10[%dma_start3A_2071, %dma_start3A_2072, %dma_start3A_2082, %dma_start3A_2083, %dma_start3A_2084] : memref<4x4x2x8x128xf32, #tpu.memory_space<vmem>> -> memref<1x1x2x8x128xf32, #tpu.memory_space<vmem>>
        %dma_start3A_2086 = tpu.memref_squeeze %dma_start3A_2085 : memref<1x1x2x8x128xf32, #tpu.memory_space<vmem>> -> memref<2x8x128xf32, #tpu.memory_space<vmem>>
        %dma_start3A_2087 = tpu.memref_reshape %arg3 : memref<16x1000000xf32, #tpu.memory_space<hbm>> -> memref<2x8x1000000xf32, #tpu.memory_space<hbm>>
        %dma_start3A_2088 = arith.constant 0 : i32
        %dma_start3A_2089 = arith.constant 0 : i32
        %dma_start3A_2090 = tpu.memref_slice %dma_start3A_2087[%dma_start3A_2088, %dma_start3A_2089, %multiple_of3A_2070] : memref<2x8x1000000xf32, #tpu.memory_space<hbm>> -> memref<2x8x128xf32, #tpu.memory_space<hbm>>
        tpu.enqueue_dma source(%dma_start3A_2090 : memref<2x8x128xf32, #tpu.memory_space<hbm>>) target(%dma_start3A_2086 : memref<2x8x128xf32, #tpu.memory_space<vmem>>) target_semaphore(%arg14 : memref<!tpu.dma_semaphore, #tpu.memory_space<semaphore_mem>>)
        %slice3A_2091 = vector.extract_strided_slice %get3A_1980 {offsets = [6], sizes = [1], strides = [1]} : vector<16xi32> to vector<1xi32>
        %squeeze3A_2092 = vector.extract %slice3A_2091[0] : i32 from vector<1xi32>
        %shift_right_arithmetic3A_2093 = arith.constant 7 : i32
        %shift_right_arithmetic3A_2094 = arith.shrsi %squeeze3A_2092, %shift_right_arithmetic3A_2093 : i32
        %shift_left3A_2095 = arith.constant 7 : i32
        %shift_left3A_2096 = arith.shli %shift_right_arithmetic3A_2094, %shift_left3A_2095 : i32
        %multiple_of3A_2097 = tpu.assume_multiple %shift_left3A_2096, 128 : i32
        %dma_start3A_2098 = arith.constant 1 : i32
        %dma_start3A_2099 = arith.constant 2 : i32
        %dma_start3A_2100 = arith.constant 0 : i32
        %dma_start3A_2101 = arith.constant 0 : i32
        %dma_start3A_2102 = arith.constant 0 : i32
        %dma_start3A_2103 = tpu.memref_slice %arg9[%dma_start3A_2098, %dma_start3A_2099, %dma_start3A_2100, %dma_start3A_2101, %dma_start3A_2102] : memref<4x4x2x8x128xf32, #tpu.memory_space<vmem>> -> memref<1x1x2x8x128xf32, #tpu.memory_space<vmem>>
        %dma_start3A_2104 = tpu.memref_squeeze %dma_start3A_2103 : memref<1x1x2x8x128xf32, #tpu.memory_space<vmem>> -> memref<2x8x128xf32, #tpu.memory_space<vmem>>
        %dma_start3A_2105 = tpu.memref_reshape %arg2 : memref<16x1000000xf32, #tpu.memory_space<hbm>> -> memref<2x8x1000000xf32, #tpu.memory_space<hbm>>
        %dma_start3A_2106 = arith.constant 0 : i32
        %dma_start3A_2107 = arith.constant 0 : i32
        %dma_start3A_2108 = tpu.memref_slice %dma_start3A_2105[%dma_start3A_2106, %dma_start3A_2107, %multiple_of3A_2097] : memref<2x8x1000000xf32, #tpu.memory_space<hbm>> -> memref<2x8x128xf32, #tpu.memory_space<hbm>>
        %dma_start3A_2109 = arith.constant 0 : i32
        %dma_start3A_2110 = arith.constant 0 : i32
        %dma_start3A_2111 = arith.constant 0 : i32
        %dma_start3A_2112 = tpu.memref_slice %arg9[%dma_start3A_2098, %dma_start3A_2099, %dma_start3A_2109, %dma_start3A_2110, %dma_start3A_2111] : memref<4x4x2x8x128xf32, #tpu.memory_space<vmem>> -> memref<1x1x2x8x128xf32, #tpu.memory_space<vmem>>
        %dma_start3A_2113 = tpu.memref_squeeze %dma_start3A_2112 : memref<1x1x2x8x128xf32, #tpu.memory_space<vmem>> -> memref<2x8x128xf32, #tpu.memory_space<vmem>>
        %dma_start3A_2114 = tpu.memref_reshape %arg2 : memref<16x1000000xf32, #tpu.memory_space<hbm>> -> memref<2x8x1000000xf32, #tpu.memory_space<hbm>>
        %dma_start3A_2115 = arith.constant 0 : i32
        %dma_start3A_2116 = arith.constant 0 : i32
        %dma_start3A_2117 = tpu.memref_slice %dma_start3A_2114[%dma_start3A_2115, %dma_start3A_2116, %multiple_of3A_2097] : memref<2x8x1000000xf32, #tpu.memory_space<hbm>> -> memref<2x8x128xf32, #tpu.memory_space<hbm>>
        tpu.enqueue_dma source(%dma_start3A_2117 : memref<2x8x128xf32, #tpu.memory_space<hbm>>) target(%dma_start3A_2113 : memref<2x8x128xf32, #tpu.memory_space<vmem>>) target_semaphore(%arg14 : memref<!tpu.dma_semaphore, #tpu.memory_space<semaphore_mem>>)
        %slice3A_2118 = vector.extract_strided_slice %get3A_1982 {offsets = [6], sizes = [1], strides = [1]} : vector<16xi32> to vector<1xi32>
        %squeeze3A_2119 = vector.extract %slice3A_2118[0] : i32 from vector<1xi32>
        %shift_right_arithmetic3A_2120 = arith.constant 7 : i32
        %shift_right_arithmetic3A_2121 = arith.shrsi %squeeze3A_2119, %shift_right_arithmetic3A_2120 : i32
        %shift_left3A_2122 = arith.constant 7 : i32
        %shift_left3A_2123 = arith.shli %shift_right_arithmetic3A_2121, %shift_left3A_2122 : i32
        %multiple_of3A_2124 = tpu.assume_multiple %shift_left3A_2123, 128 : i32
        %dma_start3A_2125 = arith.constant 1 : i32
        %dma_start3A_2126 = arith.constant 2 : i32
        %dma_start3A_2127 = arith.constant 0 : i32
        %dma_start3A_2128 = arith.constant 0 : i32
        %dma_start3A_2129 = arith.constant 0 : i32
        %dma_start3A_2130 = tpu.memref_slice %arg10[%dma_start3A_2125, %dma_start3A_2126, %dma_start3A_2127, %dma_start3A_2128, %dma_start3A_2129] : memref<4x4x2x8x128xf32, #tpu.memory_space<vmem>> -> memref<1x1x2x8x128xf32, #tpu.memory_space<vmem>>
        %dma_start3A_2131 = tpu.memref_squeeze %dma_start3A_2130 : memref<1x1x2x8x128xf32, #tpu.memory_space<vmem>> -> memref<2x8x128xf32, #tpu.memory_space<vmem>>
        %dma_start3A_2132 = tpu.memref_reshape %arg3 : memref<16x1000000xf32, #tpu.memory_space<hbm>> -> memref<2x8x1000000xf32, #tpu.memory_space<hbm>>
        %dma_start3A_2133 = arith.constant 0 : i32
        %dma_start3A_2134 = arith.constant 0 : i32
        %dma_start3A_2135 = tpu.memref_slice %dma_start3A_2132[%dma_start3A_2133, %dma_start3A_2134, %multiple_of3A_2124] : memref<2x8x1000000xf32, #tpu.memory_space<hbm>> -> memref<2x8x128xf32, #tpu.memory_space<hbm>>
        %dma_start3A_2136 = arith.constant 0 : i32
        %dma_start3A_2137 = arith.constant 0 : i32
        %dma_start3A_2138 = arith.constant 0 : i32
        %dma_start3A_2139 = tpu.memref_slice %arg10[%dma_start3A_2125, %dma_start3A_2126, %dma_start3A_2136, %dma_start3A_2137, %dma_start3A_2138] : memref<4x4x2x8x128xf32, #tpu.memory_space<vmem>> -> memref<1x1x2x8x128xf32, #tpu.memory_space<vmem>>
        %dma_start3A_2140 = tpu.memref_squeeze %dma_start3A_2139 : memref<1x1x2x8x128xf32, #tpu.memory_space<vmem>> -> memref<2x8x128xf32, #tpu.memory_space<vmem>>
        %dma_start3A_2141 = tpu.memref_reshape %arg3 : memref<16x1000000xf32, #tpu.memory_space<hbm>> -> memref<2x8x1000000xf32, #tpu.memory_space<hbm>>
        %dma_start3A_2142 = arith.constant 0 : i32
        %dma_start3A_2143 = arith.constant 0 : i32
        %dma_start3A_2144 = tpu.memref_slice %dma_start3A_2141[%dma_start3A_2142, %dma_start3A_2143, %multiple_of3A_2124] : memref<2x8x1000000xf32, #tpu.memory_space<hbm>> -> memref<2x8x128xf32, #tpu.memory_space<hbm>>
        tpu.enqueue_dma source(%dma_start3A_2144 : memref<2x8x128xf32, #tpu.memory_space<hbm>>) target(%dma_start3A_2140 : memref<2x8x128xf32, #tpu.memory_space<vmem>>) target_semaphore(%arg14 : memref<!tpu.dma_semaphore, #tpu.memory_space<semaphore_mem>>)
        %slice3A_2145 = vector.extract_strided_slice %get3A_1980 {offsets = [7], sizes = [1], strides = [1]} : vector<16xi32> to vector<1xi32>
        %squeeze3A_2146 = vector.extract %slice3A_2145[0] : i32 from vector<1xi32>
        %shift_right_arithmetic3A_2147 = arith.constant 7 : i32
        %shift_right_arithmetic3A_2148 = arith.shrsi %squeeze3A_2146, %shift_right_arithmetic3A_2147 : i32
        %shift_left3A_2149 = arith.constant 7 : i32
        %shift_left3A_2150 = arith.shli %shift_right_arithmetic3A_2148, %shift_left3A_2149 : i32
        %multiple_of3A_2151 = tpu.assume_multiple %shift_left3A_2150, 128 : i32
        %dma_start3A_2152 = arith.constant 1 : i32
        %dma_start3A_2153 = arith.constant 3 : i32
        %dma_start3A_2154 = arith.constant 0 : i32
        %dma_start3A_2155 = arith.constant 0 : i32
        %dma_start3A_2156 = arith.constant 0 : i32
        %dma_start3A_2157 = tpu.memref_slice %arg9[%dma_start3A_2152, %dma_start3A_2153, %dma_start3A_2154, %dma_start3A_2155, %dma_start3A_2156] : memref<4x4x2x8x128xf32, #tpu.memory_space<vmem>> -> memref<1x1x2x8x128xf32, #tpu.memory_space<vmem>>
        %dma_start3A_2158 = tpu.memref_squeeze %dma_start3A_2157 : memref<1x1x2x8x128xf32, #tpu.memory_space<vmem>> -> memref<2x8x128xf32, #tpu.memory_space<vmem>>
        %dma_start3A_2159 = tpu.memref_reshape %arg2 : memref<16x1000000xf32, #tpu.memory_space<hbm>> -> memref<2x8x1000000xf32, #tpu.memory_space<hbm>>
        %dma_start3A_2160 = arith.constant 0 : i32
        %dma_start3A_2161 = arith.constant 0 : i32
        %dma_start3A_2162 = tpu.memref_slice %dma_start3A_2159[%dma_start3A_2160, %dma_start3A_2161, %multiple_of3A_2151] : memref<2x8x1000000xf32, #tpu.memory_space<hbm>> -> memref<2x8x128xf32, #tpu.memory_space<hbm>>
        %dma_start3A_2163 = arith.constant 0 : i32
        %dma_start3A_2164 = arith.constant 0 : i32
        %dma_start3A_2165 = arith.constant 0 : i32
        %dma_start3A_2166 = tpu.memref_slice %arg9[%dma_start3A_2152, %dma_start3A_2153, %dma_start3A_2163, %dma_start3A_2164, %dma_start3A_2165] : memref<4x4x2x8x128xf32, #tpu.memory_space<vmem>> -> memref<1x1x2x8x128xf32, #tpu.memory_space<vmem>>
        %dma_start3A_2167 = tpu.memref_squeeze %dma_start3A_2166 : memref<1x1x2x8x128xf32, #tpu.memory_space<vmem>> -> memref<2x8x128xf32, #tpu.memory_space<vmem>>
        %dma_start3A_2168 = tpu.memref_reshape %arg2 : memref<16x1000000xf32, #tpu.memory_space<hbm>> -> memref<2x8x1000000xf32, #tpu.memory_space<hbm>>
        %dma_start3A_2169 = arith.constant 0 : i32
        %dma_start3A_2170 = arith.constant 0 : i32
        %dma_start3A_2171 = tpu.memref_slice %dma_start3A_2168[%dma_start3A_2169, %dma_start3A_2170, %multiple_of3A_2151] : memref<2x8x1000000xf32, #tpu.memory_space<hbm>> -> memref<2x8x128xf32, #tpu.memory_space<hbm>>
        tpu.enqueue_dma source(%dma_start3A_2171 : memref<2x8x128xf32, #tpu.memory_space<hbm>>) target(%dma_start3A_2167 : memref<2x8x128xf32, #tpu.memory_space<vmem>>) target_semaphore(%arg14 : memref<!tpu.dma_semaphore, #tpu.memory_space<semaphore_mem>>)
        %slice3A_2172 = vector.extract_strided_slice %get3A_1982 {offsets = [7], sizes = [1], strides = [1]} : vector<16xi32> to vector<1xi32>
        %squeeze3A_2173 = vector.extract %slice3A_2172[0] : i32 from vector<1xi32>
        %shift_right_arithmetic3A_2174 = arith.constant 7 : i32
        %shift_right_arithmetic3A_2175 = arith.shrsi %squeeze3A_2173, %shift_right_arithmetic3A_2174 : i32
        %shift_left3A_2176 = arith.constant 7 : i32
        %shift_left3A_2177 = arith.shli %shift_right_arithmetic3A_2175, %shift_left3A_2176 : i32
        %multiple_of3A_2178 = tpu.assume_multiple %shift_left3A_2177, 128 : i32
        %dma_start3A_2179 = arith.constant 1 : i32
        %dma_start3A_2180 = arith.constant 3 : i32
        %dma_start3A_2181 = arith.constant 0 : i32
        %dma_start3A_2182 = arith.constant 0 : i32
        %dma_start3A_2183 = arith.constant 0 : i32
        %dma_start3A_2184 = tpu.memref_slice %arg10[%dma_start3A_2179, %dma_start3A_2180, %dma_start3A_2181, %dma_start3A_2182, %dma_start3A_2183] : memref<4x4x2x8x128xf32, #tpu.memory_space<vmem>> -> memref<1x1x2x8x128xf32, #tpu.memory_space<vmem>>
        %dma_start3A_2185 = tpu.memref_squeeze %dma_start3A_2184 : memref<1x1x2x8x128xf32, #tpu.memory_space<vmem>> -> memref<2x8x128xf32, #tpu.memory_space<vmem>>
        %dma_start3A_2186 = tpu.memref_reshape %arg3 : memref<16x1000000xf32, #tpu.memory_space<hbm>> -> memref<2x8x1000000xf32, #tpu.memory_space<hbm>>
        %dma_start3A_2187 = arith.constant 0 : i32
        %dma_start3A_2188 = arith.constant 0 : i32
        %dma_start3A_2189 = tpu.memref_slice %dma_start3A_2186[%dma_start3A_2187, %dma_start3A_2188, %multiple_of3A_2178] : memref<2x8x1000000xf32, #tpu.memory_space<hbm>> -> memref<2x8x128xf32, #tpu.memory_space<hbm>>
        %dma_start3A_2190 = arith.constant 0 : i32
        %dma_start3A_2191 = arith.constant 0 : i32
        %dma_start3A_2192 = arith.constant 0 : i32
        %dma_start3A_2193 = tpu.memref_slice %arg10[%dma_start3A_2179, %dma_start3A_2180, %dma_start3A_2190, %dma_start3A_2191, %dma_start3A_2192] : memref<4x4x2x8x128xf32, #tpu.memory_space<vmem>> -> memref<1x1x2x8x128xf32, #tpu.memory_space<vmem>>
        %dma_start3A_2194 = tpu.memref_squeeze %dma_start3A_2193 : memref<1x1x2x8x128xf32, #tpu.memory_space<vmem>> -> memref<2x8x128xf32, #tpu.memory_space<vmem>>
        %dma_start3A_2195 = tpu.memref_reshape %arg3 : memref<16x1000000xf32, #tpu.memory_space<hbm>> -> memref<2x8x1000000xf32, #tpu.memory_space<hbm>>
        %dma_start3A_2196 = arith.constant 0 : i32
        %dma_start3A_2197 = arith.constant 0 : i32
        %dma_start3A_2198 = tpu.memref_slice %dma_start3A_2195[%dma_start3A_2196, %dma_start3A_2197, %multiple_of3A_2178] : memref<2x8x1000000xf32, #tpu.memory_space<hbm>> -> memref<2x8x128xf32, #tpu.memory_space<hbm>>
        tpu.enqueue_dma source(%dma_start3A_2198 : memref<2x8x128xf32, #tpu.memory_space<hbm>>) target(%dma_start3A_2194 : memref<2x8x128xf32, #tpu.memory_space<vmem>>) target_semaphore(%arg14 : memref<!tpu.dma_semaphore, #tpu.memory_space<semaphore_mem>>)
      } else {
      }
      %dma_wait3A_1294 = arith.constant 2 : i32
      %dma_wait3A_1295 = arith.constant 0 : i32
      %dma_wait3A_1296 = arith.constant 0 : i32
      %dma_wait3A_1297 = arith.constant 0 : i32
      %dma_wait3A_1298 = arith.constant 0 : i32
      %dma_wait3A_1299 = tpu.memref_slice %arg9[%dma_wait3A_1294, %dma_wait3A_1295, %dma_wait3A_1296, %dma_wait3A_1297, %dma_wait3A_1298] : memref<4x4x2x8x128xf32, #tpu.memory_space<vmem>> -> memref<1x1x2x8x128xf32, #tpu.memory_space<vmem>>
      %dma_wait3A_1300 = tpu.memref_squeeze %dma_wait3A_1299 : memref<1x1x2x8x128xf32, #tpu.memory_space<vmem>> -> memref<2x8x128xf32, #tpu.memory_space<vmem>>
      %dma_wait3A_1301 = tpu.memref_reshape %arg2 : memref<16x1000000xf32, #tpu.memory_space<hbm>> -> memref<2x8x1000000xf32, #tpu.memory_space<hbm>>
      %dma_wait3A_1302 = arith.constant 0 : i32
      %dma_wait3A_1303 = arith.constant 0 : i32
      %dma_wait3A_1304 = arith.constant 0 : i32
      %dma_wait3A_1305 = tpu.memref_slice %dma_wait3A_1301[%dma_wait3A_1302, %dma_wait3A_1303, %dma_wait3A_1304] : memref<2x8x1000000xf32, #tpu.memory_space<hbm>> -> memref<2x8x128xf32, #tpu.memory_space<hbm>>
      %dma_wait3A_1306 = arith.constant 0 : i32
      %dma_wait3A_1307 = arith.constant 0 : i32
      %dma_wait3A_1308 = arith.constant 0 : i32
      %dma_wait3A_1309 = tpu.memref_slice %arg9[%dma_wait3A_1294, %dma_wait3A_1295, %dma_wait3A_1306, %dma_wait3A_1307, %dma_wait3A_1308] : memref<4x4x2x8x128xf32, #tpu.memory_space<vmem>> -> memref<1x1x2x8x128xf32, #tpu.memory_space<vmem>>
      %dma_wait3A_1310 = tpu.memref_squeeze %dma_wait3A_1309 : memref<1x1x2x8x128xf32, #tpu.memory_space<vmem>> -> memref<2x8x128xf32, #tpu.memory_space<vmem>>
      %dma_wait3A_1311 = tpu.memref_reshape %arg2 : memref<16x1000000xf32, #tpu.memory_space<hbm>> -> memref<2x8x1000000xf32, #tpu.memory_space<hbm>>
      %dma_wait3A_1312 = arith.constant 0 : i32
      %dma_wait3A_1313 = arith.constant 0 : i32
      %dma_wait3A_1314 = arith.constant 0 : i32
      %dma_wait3A_1315 = tpu.memref_slice %dma_wait3A_1311[%dma_wait3A_1312, %dma_wait3A_1313, %dma_wait3A_1314] : memref<2x8x1000000xf32, #tpu.memory_space<hbm>> -> memref<2x8x128xf32, #tpu.memory_space<hbm>>
      tpu.wait_dma2 semaphore(%arg15 : memref<!tpu.dma_semaphore, #tpu.memory_space<semaphore_mem>>) src(%dma_wait3A_1315 : memref<2x8x128xf32, #tpu.memory_space<hbm>>) dst(%dma_wait3A_1310 : memref<2x8x128xf32, #tpu.memory_space<vmem>>)
      %dma_wait3A_1316 = arith.constant 2 : i32
      %dma_wait3A_1317 = arith.constant 0 : i32
      %dma_wait3A_1318 = arith.constant 0 : i32
      %dma_wait3A_1319 = arith.constant 0 : i32
      %dma_wait3A_1320 = arith.constant 0 : i32
      %dma_wait3A_1321 = tpu.memref_slice %arg10[%dma_wait3A_1316, %dma_wait3A_1317, %dma_wait3A_1318, %dma_wait3A_1319, %dma_wait3A_1320] : memref<4x4x2x8x128xf32, #tpu.memory_space<vmem>> -> memref<1x1x2x8x128xf32, #tpu.memory_space<vmem>>
      %dma_wait3A_1322 = tpu.memref_squeeze %dma_wait3A_1321 : memref<1x1x2x8x128xf32, #tpu.memory_space<vmem>> -> memref<2x8x128xf32, #tpu.memory_space<vmem>>
      %dma_wait3A_1323 = tpu.memref_reshape %arg3 : memref<16x1000000xf32, #tpu.memory_space<hbm>> -> memref<2x8x1000000xf32, #tpu.memory_space<hbm>>
      %dma_wait3A_1324 = arith.constant 0 : i32
      %dma_wait3A_1325 = arith.constant 0 : i32
      %dma_wait3A_1326 = arith.constant 0 : i32
      %dma_wait3A_1327 = tpu.memref_slice %dma_wait3A_1323[%dma_wait3A_1324, %dma_wait3A_1325, %dma_wait3A_1326] : memref<2x8x1000000xf32, #tpu.memory_space<hbm>> -> memref<2x8x128xf32, #tpu.memory_space<hbm>>
      %dma_wait3A_1328 = arith.constant 0 : i32
      %dma_wait3A_1329 = arith.constant 0 : i32
      %dma_wait3A_1330 = arith.constant 0 : i32
      %dma_wait3A_1331 = tpu.memref_slice %arg10[%dma_wait3A_1316, %dma_wait3A_1317, %dma_wait3A_1328, %dma_wait3A_1329, %dma_wait3A_1330] : memref<4x4x2x8x128xf32, #tpu.memory_space<vmem>> -> memref<1x1x2x8x128xf32, #tpu.memory_space<vmem>>
      %dma_wait3A_1332 = tpu.memref_squeeze %dma_wait3A_1331 : memref<1x1x2x8x128xf32, #tpu.memory_space<vmem>> -> memref<2x8x128xf32, #tpu.memory_space<vmem>>
      %dma_wait3A_1333 = tpu.memref_reshape %arg3 : memref<16x1000000xf32, #tpu.memory_space<hbm>> -> memref<2x8x1000000xf32, #tpu.memory_space<hbm>>
      %dma_wait3A_1334 = arith.constant 0 : i32
      %dma_wait3A_1335 = arith.constant 0 : i32
      %dma_wait3A_1336 = arith.constant 0 : i32
      %dma_wait3A_1337 = tpu.memref_slice %dma_wait3A_1333[%dma_wait3A_1334, %dma_wait3A_1335, %dma_wait3A_1336] : memref<2x8x1000000xf32, #tpu.memory_space<hbm>> -> memref<2x8x128xf32, #tpu.memory_space<hbm>>
      tpu.wait_dma2 semaphore(%arg15 : memref<!tpu.dma_semaphore, #tpu.memory_space<semaphore_mem>>) src(%dma_wait3A_1337 : memref<2x8x128xf32, #tpu.memory_space<hbm>>) dst(%dma_wait3A_1332 : memref<2x8x128xf32, #tpu.memory_space<vmem>>)
      %dma_wait3A_1338 = arith.constant 2 : i32
      %dma_wait3A_1339 = arith.constant 1 : i32
      %dma_wait3A_1340 = arith.constant 0 : i32
      %dma_wait3A_1341 = arith.constant 0 : i32
      %dma_wait3A_1342 = arith.constant 0 : i32
      %dma_wait3A_1343 = tpu.memref_slice %arg9[%dma_wait3A_1338, %dma_wait3A_1339, %dma_wait3A_1340, %dma_wait3A_1341, %dma_wait3A_1342] : memref<4x4x2x8x128xf32, #tpu.memory_space<vmem>> -> memref<1x1x2x8x128xf32, #tpu.memory_space<vmem>>
      %dma_wait3A_1344 = tpu.memref_squeeze %dma_wait3A_1343 : memref<1x1x2x8x128xf32, #tpu.memory_space<vmem>> -> memref<2x8x128xf32, #tpu.memory_space<vmem>>
      %dma_wait3A_1345 = tpu.memref_reshape %arg2 : memref<16x1000000xf32, #tpu.memory_space<hbm>> -> memref<2x8x1000000xf32, #tpu.memory_space<hbm>>
      %dma_wait3A_1346 = arith.constant 0 : i32
      %dma_wait3A_1347 = arith.constant 0 : i32
      %dma_wait3A_1348 = arith.constant 0 : i32
      %dma_wait3A_1349 = tpu.memref_slice %dma_wait3A_1345[%dma_wait3A_1346, %dma_wait3A_1347, %dma_wait3A_1348] : memref<2x8x1000000xf32, #tpu.memory_space<hbm>> -> memref<2x8x128xf32, #tpu.memory_space<hbm>>
      %dma_wait3A_1350 = arith.constant 0 : i32
      %dma_wait3A_1351 = arith.constant 0 : i32
      %dma_wait3A_1352 = arith.constant 0 : i32
      %dma_wait3A_1353 = tpu.memref_slice %arg9[%dma_wait3A_1338, %dma_wait3A_1339, %dma_wait3A_1350, %dma_wait3A_1351, %dma_wait3A_1352] : memref<4x4x2x8x128xf32, #tpu.memory_space<vmem>> -> memref<1x1x2x8x128xf32, #tpu.memory_space<vmem>>
      %dma_wait3A_1354 = tpu.memref_squeeze %dma_wait3A_1353 : memref<1x1x2x8x128xf32, #tpu.memory_space<vmem>> -> memref<2x8x128xf32, #tpu.memory_space<vmem>>
      %dma_wait3A_1355 = tpu.memref_reshape %arg2 : memref<16x1000000xf32, #tpu.memory_space<hbm>> -> memref<2x8x1000000xf32, #tpu.memory_space<hbm>>
      %dma_wait3A_1356 = arith.constant 0 : i32
      %dma_wait3A_1357 = arith.constant 0 : i32
      %dma_wait3A_1358 = arith.constant 0 : i32
      %dma_wait3A_1359 = tpu.memref_slice %dma_wait3A_1355[%dma_wait3A_1356, %dma_wait3A_1357, %dma_wait3A_1358] : memref<2x8x1000000xf32, #tpu.memory_space<hbm>> -> memref<2x8x128xf32, #tpu.memory_space<hbm>>
      tpu.wait_dma2 semaphore(%arg15 : memref<!tpu.dma_semaphore, #tpu.memory_space<semaphore_mem>>) src(%dma_wait3A_1359 : memref<2x8x128xf32, #tpu.memory_space<hbm>>) dst(%dma_wait3A_1354 : memref<2x8x128xf32, #tpu.memory_space<vmem>>)
      %dma_wait3A_1360 = arith.constant 2 : i32
      %dma_wait3A_1361 = arith.constant 1 : i32
      %dma_wait3A_1362 = arith.constant 0 : i32
      %dma_wait3A_1363 = arith.constant 0 : i32
      %dma_wait3A_1364 = arith.constant 0 : i32
      %dma_wait3A_1365 = tpu.memref_slice %arg10[%dma_wait3A_1360, %dma_wait3A_1361, %dma_wait3A_1362, %dma_wait3A_1363, %dma_wait3A_1364] : memref<4x4x2x8x128xf32, #tpu.memory_space<vmem>> -> memref<1x1x2x8x128xf32, #tpu.memory_space<vmem>>
      %dma_wait3A_1366 = tpu.memref_squeeze %dma_wait3A_1365 : memref<1x1x2x8x128xf32, #tpu.memory_space<vmem>> -> memref<2x8x128xf32, #tpu.memory_space<vmem>>
      %dma_wait3A_1367 = tpu.memref_reshape %arg3 : memref<16x1000000xf32, #tpu.memory_space<hbm>> -> memref<2x8x1000000xf32, #tpu.memory_space<hbm>>
      %dma_wait3A_1368 = arith.constant 0 : i32
      %dma_wait3A_1369 = arith.constant 0 : i32
      %dma_wait3A_1370 = arith.constant 0 : i32
      %dma_wait3A_1371 = tpu.memref_slice %dma_wait3A_1367[%dma_wait3A_1368, %dma_wait3A_1369, %dma_wait3A_1370] : memref<2x8x1000000xf32, #tpu.memory_space<hbm>> -> memref<2x8x128xf32, #tpu.memory_space<hbm>>
      %dma_wait3A_1372 = arith.constant 0 : i32
      %dma_wait3A_1373 = arith.constant 0 : i32
      %dma_wait3A_1374 = arith.constant 0 : i32
      %dma_wait3A_1375 = tpu.memref_slice %arg10[%dma_wait3A_1360, %dma_wait3A_1361, %dma_wait3A_1372, %dma_wait3A_1373, %dma_wait3A_1374] : memref<4x4x2x8x128xf32, #tpu.memory_space<vmem>> -> memref<1x1x2x8x128xf32, #tpu.memory_space<vmem>>
      %dma_wait3A_1376 = tpu.memref_squeeze %dma_wait3A_1375 : memref<1x1x2x8x128xf32, #tpu.memory_space<vmem>> -> memref<2x8x128xf32, #tpu.memory_space<vmem>>
      %dma_wait3A_1377 = tpu.memref_reshape %arg3 : memref<16x1000000xf32, #tpu.memory_space<hbm>> -> memref<2x8x1000000xf32, #tpu.memory_space<hbm>>
      %dma_wait3A_1378 = arith.constant 0 : i32
      %dma_wait3A_1379 = arith.constant 0 : i32
      %dma_wait3A_1380 = arith.constant 0 : i32
      %dma_wait3A_1381 = tpu.memref_slice %dma_wait3A_1377[%dma_wait3A_1378, %dma_wait3A_1379, %dma_wait3A_1380] : memref<2x8x1000000xf32, #tpu.memory_space<hbm>> -> memref<2x8x128xf32, #tpu.memory_space<hbm>>
      tpu.wait_dma2 semaphore(%arg15 : memref<!tpu.dma_semaphore, #tpu.memory_space<semaphore_mem>>) src(%dma_wait3A_1381 : memref<2x8x128xf32, #tpu.memory_space<hbm>>) dst(%dma_wait3A_1376 : memref<2x8x128xf32, #tpu.memory_space<vmem>>)
      %dma_wait3A_1382 = arith.constant 2 : i32
      %dma_wait3A_1383 = arith.constant 2 : i32
      %dma_wait3A_1384 = arith.constant 0 : i32
      %dma_wait3A_1385 = arith.constant 0 : i32
      %dma_wait3A_1386 = arith.constant 0 : i32
      %dma_wait3A_1387 = tpu.memref_slice %arg9[%dma_wait3A_1382, %dma_wait3A_1383, %dma_wait3A_1384, %dma_wait3A_1385, %dma_wait3A_1386] : memref<4x4x2x8x128xf32, #tpu.memory_space<vmem>> -> memref<1x1x2x8x128xf32, #tpu.memory_space<vmem>>
      %dma_wait3A_1388 = tpu.memref_squeeze %dma_wait3A_1387 : memref<1x1x2x8x128xf32, #tpu.memory_space<vmem>> -> memref<2x8x128xf32, #tpu.memory_space<vmem>>
      %dma_wait3A_1389 = tpu.memref_reshape %arg2 : memref<16x1000000xf32, #tpu.memory_space<hbm>> -> memref<2x8x1000000xf32, #tpu.memory_space<hbm>>
      %dma_wait3A_1390 = arith.constant 0 : i32
      %dma_wait3A_1391 = arith.constant 0 : i32
      %dma_wait3A_1392 = arith.constant 0 : i32
      %dma_wait3A_1393 = tpu.memref_slice %dma_wait3A_1389[%dma_wait3A_1390, %dma_wait3A_1391, %dma_wait3A_1392] : memref<2x8x1000000xf32, #tpu.memory_space<hbm>> -> memref<2x8x128xf32, #tpu.memory_space<hbm>>
      %dma_wait3A_1394 = arith.constant 0 : i32
      %dma_wait3A_1395 = arith.constant 0 : i32
      %dma_wait3A_1396 = arith.constant 0 : i32
      %dma_wait3A_1397 = tpu.memref_slice %arg9[%dma_wait3A_1382, %dma_wait3A_1383, %dma_wait3A_1394, %dma_wait3A_1395, %dma_wait3A_1396] : memref<4x4x2x8x128xf32, #tpu.memory_space<vmem>> -> memref<1x1x2x8x128xf32, #tpu.memory_space<vmem>>
      %dma_wait3A_1398 = tpu.memref_squeeze %dma_wait3A_1397 : memref<1x1x2x8x128xf32, #tpu.memory_space<vmem>> -> memref<2x8x128xf32, #tpu.memory_space<vmem>>
      %dma_wait3A_1399 = tpu.memref_reshape %arg2 : memref<16x1000000xf32, #tpu.memory_space<hbm>> -> memref<2x8x1000000xf32, #tpu.memory_space<hbm>>
      %dma_wait3A_1400 = arith.constant 0 : i32
      %dma_wait3A_1401 = arith.constant 0 : i32
      %dma_wait3A_1402 = arith.constant 0 : i32
      %dma_wait3A_1403 = tpu.memref_slice %dma_wait3A_1399[%dma_wait3A_1400, %dma_wait3A_1401, %dma_wait3A_1402] : memref<2x8x1000000xf32, #tpu.memory_space<hbm>> -> memref<2x8x128xf32, #tpu.memory_space<hbm>>
      tpu.wait_dma2 semaphore(%arg15 : memref<!tpu.dma_semaphore, #tpu.memory_space<semaphore_mem>>) src(%dma_wait3A_1403 : memref<2x8x128xf32, #tpu.memory_space<hbm>>) dst(%dma_wait3A_1398 : memref<2x8x128xf32, #tpu.memory_space<vmem>>)
      %dma_wait3A_1404 = arith.constant 2 : i32
      %dma_wait3A_1405 = arith.constant 2 : i32
      %dma_wait3A_1406 = arith.constant 0 : i32
      %dma_wait3A_1407 = arith.constant 0 : i32
      %dma_wait3A_1408 = arith.constant 0 : i32
      %dma_wait3A_1409 = tpu.memref_slice %arg10[%dma_wait3A_1404, %dma_wait3A_1405, %dma_wait3A_1406, %dma_wait3A_1407, %dma_wait3A_1408] : memref<4x4x2x8x128xf32, #tpu.memory_space<vmem>> -> memref<1x1x2x8x128xf32, #tpu.memory_space<vmem>>
      %dma_wait3A_1410 = tpu.memref_squeeze %dma_wait3A_1409 : memref<1x1x2x8x128xf32, #tpu.memory_space<vmem>> -> memref<2x8x128xf32, #tpu.memory_space<vmem>>
      %dma_wait3A_1411 = tpu.memref_reshape %arg3 : memref<16x1000000xf32, #tpu.memory_space<hbm>> -> memref<2x8x1000000xf32, #tpu.memory_space<hbm>>
      %dma_wait3A_1412 = arith.constant 0 : i32
      %dma_wait3A_1413 = arith.constant 0 : i32
      %dma_wait3A_1414 = arith.constant 0 : i32
      %dma_wait3A_1415 = tpu.memref_slice %dma_wait3A_1411[%dma_wait3A_1412, %dma_wait3A_1413, %dma_wait3A_1414] : memref<2x8x1000000xf32, #tpu.memory_space<hbm>> -> memref<2x8x128xf32, #tpu.memory_space<hbm>>
      %dma_wait3A_1416 = arith.constant 0 : i32
      %dma_wait3A_1417 = arith.constant 0 : i32
      %dma_wait3A_1418 = arith.constant 0 : i32
      %dma_wait3A_1419 = tpu.memref_slice %arg10[%dma_wait3A_1404, %dma_wait3A_1405, %dma_wait3A_1416, %dma_wait3A_1417, %dma_wait3A_1418] : memref<4x4x2x8x128xf32, #tpu.memory_space<vmem>> -> memref<1x1x2x8x128xf32, #tpu.memory_space<vmem>>
      %dma_wait3A_1420 = tpu.memref_squeeze %dma_wait3A_1419 : memref<1x1x2x8x128xf32, #tpu.memory_space<vmem>> -> memref<2x8x128xf32, #tpu.memory_space<vmem>>
      %dma_wait3A_1421 = tpu.memref_reshape %arg3 : memref<16x1000000xf32, #tpu.memory_space<hbm>> -> memref<2x8x1000000xf32, #tpu.memory_space<hbm>>
      %dma_wait3A_1422 = arith.constant 0 : i32
      %dma_wait3A_1423 = arith.constant 0 : i32
      %dma_wait3A_1424 = arith.constant 0 : i32
      %dma_wait3A_1425 = tpu.memref_slice %dma_wait3A_1421[%dma_wait3A_1422, %dma_wait3A_1423, %dma_wait3A_1424] : memref<2x8x1000000xf32, #tpu.memory_space<hbm>> -> memref<2x8x128xf32, #tpu.memory_space<hbm>>
      tpu.wait_dma2 semaphore(%arg15 : memref<!tpu.dma_semaphore, #tpu.memory_space<semaphore_mem>>) src(%dma_wait3A_1425 : memref<2x8x128xf32, #tpu.memory_space<hbm>>) dst(%dma_wait3A_1420 : memref<2x8x128xf32, #tpu.memory_space<vmem>>)
      %dma_wait3A_1426 = arith.constant 2 : i32
      %dma_wait3A_1427 = arith.constant 3 : i32
      %dma_wait3A_1428 = arith.constant 0 : i32
      %dma_wait3A_1429 = arith.constant 0 : i32
      %dma_wait3A_1430 = arith.constant 0 : i32
      %dma_wait3A_1431 = tpu.memref_slice %arg9[%dma_wait3A_1426, %dma_wait3A_1427, %dma_wait3A_1428, %dma_wait3A_1429, %dma_wait3A_1430] : memref<4x4x2x8x128xf32, #tpu.memory_space<vmem>> -> memref<1x1x2x8x128xf32, #tpu.memory_space<vmem>>
      %dma_wait3A_1432 = tpu.memref_squeeze %dma_wait3A_1431 : memref<1x1x2x8x128xf32, #tpu.memory_space<vmem>> -> memref<2x8x128xf32, #tpu.memory_space<vmem>>
      %dma_wait3A_1433 = tpu.memref_reshape %arg2 : memref<16x1000000xf32, #tpu.memory_space<hbm>> -> memref<2x8x1000000xf32, #tpu.memory_space<hbm>>
      %dma_wait3A_1434 = arith.constant 0 : i32
      %dma_wait3A_1435 = arith.constant 0 : i32
      %dma_wait3A_1436 = arith.constant 0 : i32
      %dma_wait3A_1437 = tpu.memref_slice %dma_wait3A_1433[%dma_wait3A_1434, %dma_wait3A_1435, %dma_wait3A_1436] : memref<2x8x1000000xf32, #tpu.memory_space<hbm>> -> memref<2x8x128xf32, #tpu.memory_space<hbm>>
      %dma_wait3A_1438 = arith.constant 0 : i32
      %dma_wait3A_1439 = arith.constant 0 : i32
      %dma_wait3A_1440 = arith.constant 0 : i32
      %dma_wait3A_1441 = tpu.memref_slice %arg9[%dma_wait3A_1426, %dma_wait3A_1427, %dma_wait3A_1438, %dma_wait3A_1439, %dma_wait3A_1440] : memref<4x4x2x8x128xf32, #tpu.memory_space<vmem>> -> memref<1x1x2x8x128xf32, #tpu.memory_space<vmem>>
      %dma_wait3A_1442 = tpu.memref_squeeze %dma_wait3A_1441 : memref<1x1x2x8x128xf32, #tpu.memory_space<vmem>> -> memref<2x8x128xf32, #tpu.memory_space<vmem>>
      %dma_wait3A_1443 = tpu.memref_reshape %arg2 : memref<16x1000000xf32, #tpu.memory_space<hbm>> -> memref<2x8x1000000xf32, #tpu.memory_space<hbm>>
      %dma_wait3A_1444 = arith.constant 0 : i32
      %dma_wait3A_1445 = arith.constant 0 : i32
      %dma_wait3A_1446 = arith.constant 0 : i32
      %dma_wait3A_1447 = tpu.memref_slice %dma_wait3A_1443[%dma_wait3A_1444, %dma_wait3A_1445, %dma_wait3A_1446] : memref<2x8x1000000xf32, #tpu.memory_space<hbm>> -> memref<2x8x128xf32, #tpu.memory_space<hbm>>
      tpu.wait_dma2 semaphore(%arg15 : memref<!tpu.dma_semaphore, #tpu.memory_space<semaphore_mem>>) src(%dma_wait3A_1447 : memref<2x8x128xf32, #tpu.memory_space<hbm>>) dst(%dma_wait3A_1442 : memref<2x8x128xf32, #tpu.memory_space<vmem>>)
      %dma_wait3A_1448 = arith.constant 2 : i32
      %dma_wait3A_1449 = arith.constant 3 : i32
      %dma_wait3A_1450 = arith.constant 0 : i32
      %dma_wait3A_1451 = arith.constant 0 : i32
      %dma_wait3A_1452 = arith.constant 0 : i32
      %dma_wait3A_1453 = tpu.memref_slice %arg10[%dma_wait3A_1448, %dma_wait3A_1449, %dma_wait3A_1450, %dma_wait3A_1451, %dma_wait3A_1452] : memref<4x4x2x8x128xf32, #tpu.memory_space<vmem>> -> memref<1x1x2x8x128xf32, #tpu.memory_space<vmem>>
      %dma_wait3A_1454 = tpu.memref_squeeze %dma_wait3A_1453 : memref<1x1x2x8x128xf32, #tpu.memory_space<vmem>> -> memref<2x8x128xf32, #tpu.memory_space<vmem>>
      %dma_wait3A_1455 = tpu.memref_reshape %arg3 : memref<16x1000000xf32, #tpu.memory_space<hbm>> -> memref<2x8x1000000xf32, #tpu.memory_space<hbm>>
      %dma_wait3A_1456 = arith.constant 0 : i32
      %dma_wait3A_1457 = arith.constant 0 : i32
      %dma_wait3A_1458 = arith.constant 0 : i32
      %dma_wait3A_1459 = tpu.memref_slice %dma_wait3A_1455[%dma_wait3A_1456, %dma_wait3A_1457, %dma_wait3A_1458] : memref<2x8x1000000xf32, #tpu.memory_space<hbm>> -> memref<2x8x128xf32, #tpu.memory_space<hbm>>
      %dma_wait3A_1460 = arith.constant 0 : i32
      %dma_wait3A_1461 = arith.constant 0 : i32
      %dma_wait3A_1462 = arith.constant 0 : i32
      %dma_wait3A_1463 = tpu.memref_slice %arg10[%dma_wait3A_1448, %dma_wait3A_1449, %dma_wait3A_1460, %dma_wait3A_1461, %dma_wait3A_1462] : memref<4x4x2x8x128xf32, #tpu.memory_space<vmem>> -> memref<1x1x2x8x128xf32, #tpu.memory_space<vmem>>
      %dma_wait3A_1464 = tpu.memref_squeeze %dma_wait3A_1463 : memref<1x1x2x8x128xf32, #tpu.memory_space<vmem>> -> memref<2x8x128xf32, #tpu.memory_space<vmem>>
      %dma_wait3A_1465 = tpu.memref_reshape %arg3 : memref<16x1000000xf32, #tpu.memory_space<hbm>> -> memref<2x8x1000000xf32, #tpu.memory_space<hbm>>
      %dma_wait3A_1466 = arith.constant 0 : i32
      %dma_wait3A_1467 = arith.constant 0 : i32
      %dma_wait3A_1468 = arith.constant 0 : i32
      %dma_wait3A_1469 = tpu.memref_slice %dma_wait3A_1465[%dma_wait3A_1466, %dma_wait3A_1467, %dma_wait3A_1468] : memref<2x8x1000000xf32, #tpu.memory_space<hbm>> -> memref<2x8x128xf32, #tpu.memory_space<hbm>>
      tpu.wait_dma2 semaphore(%arg15 : memref<!tpu.dma_semaphore, #tpu.memory_space<semaphore_mem>>) src(%dma_wait3A_1469 : memref<2x8x128xf32, #tpu.memory_space<hbm>>) dst(%dma_wait3A_1464 : memref<2x8x128xf32, #tpu.memory_space<vmem>>)
      %iota3A_1470 = tpu.iota {dimensions = array<i32: 0>} : vector<16xi32>
      %shift_right_arithmetic3A_1471 = arith.constant 3 : i32
      %shift_right_arithmetic3A_1472 = vector.broadcast %shift_right_arithmetic3A_1471 : i32 to vector<16xi32>
      %shift_right_arithmetic3A_1473 = arith.shrsi %iota3A_1470, %shift_right_arithmetic3A_1472 : vector<16xi32>
      %and3A_1474 = arith.constant 7 : i32
      %and3A_1475 = vector.broadcast %and3A_1474 : i32 to vector<16xi32>
      %and3A_1476 = arith.andi %iota3A_1470, %and3A_1475 : vector<16xi32>
      %get3A_1477 = arith.index_cast %mul3A_665 : i32 to index
      %get3A_1478 = tpu.vector_load %arg7[%get3A_1477] {strides = array<i32>} : memref<512xi32, #tpu.memory_space<vmem>>, vector<16xi32>,
      %and3A_1479 = arith.constant 127 : i32
      %and3A_1480 = vector.broadcast %and3A_1479 : i32 to vector<16xi32>
      %and3A_1481 = arith.andi %get3A_1478, %and3A_1480 : vector<16xi32>
      %get3A_1482 = arith.index_cast %mul3A_665 : i32 to index
      %get3A_1483 = tpu.vector_load %arg8[%get3A_1482] {strides = array<i32>} : memref<512xi32, #tpu.memory_space<vmem>>, vector<16xi32>,
      %and3A_1484 = arith.constant 127 : i32
      %and3A_1485 = vector.broadcast %and3A_1484 : i32 to vector<16xi32>
      %and3A_1486 = arith.andi %get3A_1483, %and3A_1485 : vector<16xi32>
      %slice3A_1487 = vector.extract_strided_slice %and3A_1481 {offsets = [8], sizes = [1], strides = [1]} : vector<16xi32> to vector<1xi32>
      %squeeze3A_1488 = vector.extract %slice3A_1487[0] : i32 from vector<1xi32>
      %broadcast_in_dim3A_1489 = vector.broadcast %squeeze3A_1488 : i32 to vector<16xi32>
      %slice3A_1490 = vector.extract_strided_slice %and3A_1486 {offsets = [8], sizes = [1], strides = [1]} : vector<16xi32> to vector<1xi32>
      %squeeze3A_1491 = vector.extract %slice3A_1490[0] : i32 from vector<1xi32>
      %broadcast_in_dim3A_1492 = vector.broadcast %squeeze3A_1491 : i32 to vector<16xi32>
      %gather3A_1493 = arith.constant 2 : i32
      %gather3A_1494 = arith.constant 0 : i32
      %gather3A_1495 = arith.constant 0 : i32
      %gather3A_1496 = arith.constant 0 : i32
      %gather3A_1497 = arith.constant 0 : i32
      %gather3A_1498 = tpu.memref_slice %arg9[%gather3A_1493, %gather3A_1494, %gather3A_1495, %gather3A_1496, %gather3A_1497] : memref<4x4x2x8x128xf32, #tpu.memory_space<vmem>> -> memref<1x1x2x8x128xf32, #tpu.memory_space<vmem>>
      %gather3A_1499 = tpu.memref_squeeze %gather3A_1498 : memref<1x1x2x8x128xf32, #tpu.memory_space<vmem>> -> memref<2x8x128xf32, #tpu.memory_space<vmem>>
      %gather3A_1500 = tpu.vector_load_idx %gather3A_1499[%shift_right_arithmetic3A_1473, %and3A_1476, %broadcast_in_dim3A_1489] : memref<2x8x128xf32, #tpu.memory_space<vmem>>[vector<16xi32>, vector<16xi32>, vector<16xi32>], vector<16xf32>,
      %gather3A_1501 = arith.constant 2 : i32
      %gather3A_1502 = arith.constant 0 : i32
      %gather3A_1503 = arith.constant 0 : i32
      %gather3A_1504 = arith.constant 0 : i32
      %gather3A_1505 = arith.constant 0 : i32
      %gather3A_1506 = tpu.memref_slice %arg10[%gather3A_1501, %gather3A_1502, %gather3A_1503, %gather3A_1504, %gather3A_1505] : memref<4x4x2x8x128xf32, #tpu.memory_space<vmem>> -> memref<1x1x2x8x128xf32, #tpu.memory_space<vmem>>
      %gather3A_1507 = tpu.memref_squeeze %gather3A_1506 : memref<1x1x2x8x128xf32, #tpu.memory_space<vmem>> -> memref<2x8x128xf32, #tpu.memory_space<vmem>>
      %gather3A_1508 = tpu.vector_load_idx %gather3A_1507[%shift_right_arithmetic3A_1473, %and3A_1476, %broadcast_in_dim3A_1492] : memref<2x8x128xf32, #tpu.memory_space<vmem>>[vector<16xi32>, vector<16xi32>, vector<16xi32>], vector<16xf32>,
      %mul3A_1509 = arith.mulf %gather3A_1500, %gather3A_1508 : vector<16xf32>
      %swap3A_1510 = arith.constant 8 : i32
      %swap3A_1511 = arith.index_cast %swap3A_1510 : i32 to index
      %swap3A_1512 = arith.constant 0 : index
      %swap3A_1513 = tpu.vector_load %arg11[%swap3A_1511, %swap3A_1512] {strides = array<i32>} : memref<16x16xf32, #tpu.memory_space<vmem>>, vector<16xf32>,
      tpu.vector_store %arg11[%swap3A_1511, %swap3A_1512], %mul3A_1509 {strides = array<i32>} : memref<16x16xf32, #tpu.memory_space<vmem>>, vector<16xf32>,
      %slice3A_1514 = vector.extract_strided_slice %and3A_1481 {offsets = [9], sizes = [1], strides = [1]} : vector<16xi32> to vector<1xi32>
      %squeeze3A_1515 = vector.extract %slice3A_1514[0] : i32 from vector<1xi32>
      %broadcast_in_dim3A_1516 = vector.broadcast %squeeze3A_1515 : i32 to vector<16xi32>
      %slice3A_1517 = vector.extract_strided_slice %and3A_1486 {offsets = [9], sizes = [1], strides = [1]} : vector<16xi32> to vector<1xi32>
      %squeeze3A_1518 = vector.extract %slice3A_1517[0] : i32 from vector<1xi32>
      %broadcast_in_dim3A_1519 = vector.broadcast %squeeze3A_1518 : i32 to vector<16xi32>
      %gather3A_1520 = arith.constant 2 : i32
      %gather3A_1521 = arith.constant 1 : i32
      %gather3A_1522 = arith.constant 0 : i32
      %gather3A_1523 = arith.constant 0 : i32
      %gather3A_1524 = arith.constant 0 : i32
      %gather3A_1525 = tpu.memref_slice %arg9[%gather3A_1520, %gather3A_1521, %gather3A_1522, %gather3A_1523, %gather3A_1524] : memref<4x4x2x8x128xf32, #tpu.memory_space<vmem>> -> memref<1x1x2x8x128xf32, #tpu.memory_space<vmem>>
      %gather3A_1526 = tpu.memref_squeeze %gather3A_1525 : memref<1x1x2x8x128xf32, #tpu.memory_space<vmem>> -> memref<2x8x128xf32, #tpu.memory_space<vmem>>
      %gather3A_1527 = tpu.vector_load_idx %gather3A_1526[%shift_right_arithmetic3A_1473, %and3A_1476, %broadcast_in_dim3A_1516] : memref<2x8x128xf32, #tpu.memory_space<vmem>>[vector<16xi32>, vector<16xi32>, vector<16xi32>], vector<16xf32>,
      %gather3A_1528 = arith.constant 2 : i32
      %gather3A_1529 = arith.constant 1 : i32
      %gather3A_1530 = arith.constant 0 : i32
      %gather3A_1531 = arith.constant 0 : i32
      %gather3A_1532 = arith.constant 0 : i32
      %gather3A_1533 = tpu.memref_slice %arg10[%gather3A_1528, %gather3A_1529, %gather3A_1530, %gather3A_1531, %gather3A_1532] : memref<4x4x2x8x128xf32, #tpu.memory_space<vmem>> -> memref<1x1x2x8x128xf32, #tpu.memory_space<vmem>>
      %gather3A_1534 = tpu.memref_squeeze %gather3A_1533 : memref<1x1x2x8x128xf32, #tpu.memory_space<vmem>> -> memref<2x8x128xf32, #tpu.memory_space<vmem>>
      %gather3A_1535 = tpu.vector_load_idx %gather3A_1534[%shift_right_arithmetic3A_1473, %and3A_1476, %broadcast_in_dim3A_1519] : memref<2x8x128xf32, #tpu.memory_space<vmem>>[vector<16xi32>, vector<16xi32>, vector<16xi32>], vector<16xf32>,
      %mul3A_1536 = arith.mulf %gather3A_1527, %gather3A_1535 : vector<16xf32>
      %swap3A_1537 = arith.constant 9 : i32
      %swap3A_1538 = arith.index_cast %swap3A_1537 : i32 to index
      %swap3A_1539 = arith.constant 0 : index
      %swap3A_1540 = tpu.vector_load %arg11[%swap3A_1538, %swap3A_1539] {strides = array<i32>} : memref<16x16xf32, #tpu.memory_space<vmem>>, vector<16xf32>,
      tpu.vector_store %arg11[%swap3A_1538, %swap3A_1539], %mul3A_1536 {strides = array<i32>} : memref<16x16xf32, #tpu.memory_space<vmem>>, vector<16xf32>,
      %slice3A_1541 = vector.extract_strided_slice %and3A_1481 {offsets = [10], sizes = [1], strides = [1]} : vector<16xi32> to vector<1xi32>
      %squeeze3A_1542 = vector.extract %slice3A_1541[0] : i32 from vector<1xi32>
      %broadcast_in_dim3A_1543 = vector.broadcast %squeeze3A_1542 : i32 to vector<16xi32>
      %slice3A_1544 = vector.extract_strided_slice %and3A_1486 {offsets = [10], sizes = [1], strides = [1]} : vector<16xi32> to vector<1xi32>
      %squeeze3A_1545 = vector.extract %slice3A_1544[0] : i32 from vector<1xi32>
      %broadcast_in_dim3A_1546 = vector.broadcast %squeeze3A_1545 : i32 to vector<16xi32>
      %gather3A_1547 = arith.constant 2 : i32
      %gather3A_1548 = arith.constant 2 : i32
      %gather3A_1549 = arith.constant 0 : i32
      %gather3A_1550 = arith.constant 0 : i32
      %gather3A_1551 = arith.constant 0 : i32
      %gather3A_1552 = tpu.memref_slice %arg9[%gather3A_1547, %gather3A_1548, %gather3A_1549, %gather3A_1550, %gather3A_1551] : memref<4x4x2x8x128xf32, #tpu.memory_space<vmem>> -> memref<1x1x2x8x128xf32, #tpu.memory_space<vmem>>
      %gather3A_1553 = tpu.memref_squeeze %gather3A_1552 : memref<1x1x2x8x128xf32, #tpu.memory_space<vmem>> -> memref<2x8x128xf32, #tpu.memory_space<vmem>>
      %gather3A_1554 = tpu.vector_load_idx %gather3A_1553[%shift_right_arithmetic3A_1473, %and3A_1476, %broadcast_in_dim3A_1543] : memref<2x8x128xf32, #tpu.memory_space<vmem>>[vector<16xi32>, vector<16xi32>, vector<16xi32>], vector<16xf32>,
      %gather3A_1555 = arith.constant 2 : i32
      %gather3A_1556 = arith.constant 2 : i32
      %gather3A_1557 = arith.constant 0 : i32
      %gather3A_1558 = arith.constant 0 : i32
      %gather3A_1559 = arith.constant 0 : i32
      %gather3A_1560 = tpu.memref_slice %arg10[%gather3A_1555, %gather3A_1556, %gather3A_1557, %gather3A_1558, %gather3A_1559] : memref<4x4x2x8x128xf32, #tpu.memory_space<vmem>> -> memref<1x1x2x8x128xf32, #tpu.memory_space<vmem>>
      %gather3A_1561 = tpu.memref_squeeze %gather3A_1560 : memref<1x1x2x8x128xf32, #tpu.memory_space<vmem>> -> memref<2x8x128xf32, #tpu.memory_space<vmem>>
      %gather3A_1562 = tpu.vector_load_idx %gather3A_1561[%shift_right_arithmetic3A_1473, %and3A_1476, %broadcast_in_dim3A_1546] : memref<2x8x128xf32, #tpu.memory_space<vmem>>[vector<16xi32>, vector<16xi32>, vector<16xi32>], vector<16xf32>,
      %mul3A_1563 = arith.mulf %gather3A_1554, %gather3A_1562 : vector<16xf32>
      %swap3A_1564 = arith.constant 10 : i32
      %swap3A_1565 = arith.index_cast %swap3A_1564 : i32 to index
      %swap3A_1566 = arith.constant 0 : index
      %swap3A_1567 = tpu.vector_load %arg11[%swap3A_1565, %swap3A_1566] {strides = array<i32>} : memref<16x16xf32, #tpu.memory_space<vmem>>, vector<16xf32>,
      tpu.vector_store %arg11[%swap3A_1565, %swap3A_1566], %mul3A_1563 {strides = array<i32>} : memref<16x16xf32, #tpu.memory_space<vmem>>, vector<16xf32>,
      %slice3A_1568 = vector.extract_strided_slice %and3A_1481 {offsets = [11], sizes = [1], strides = [1]} : vector<16xi32> to vector<1xi32>
      %squeeze3A_1569 = vector.extract %slice3A_1568[0] : i32 from vector<1xi32>
      %broadcast_in_dim3A_1570 = vector.broadcast %squeeze3A_1569 : i32 to vector<16xi32>
      %slice3A_1571 = vector.extract_strided_slice %and3A_1486 {offsets = [11], sizes = [1], strides = [1]} : vector<16xi32> to vector<1xi32>
      %squeeze3A_1572 = vector.extract %slice3A_1571[0] : i32 from vector<1xi32>
      %broadcast_in_dim3A_1573 = vector.broadcast %squeeze3A_1572 : i32 to vector<16xi32>
      %gather3A_1574 = arith.constant 2 : i32
      %gather3A_1575 = arith.constant 3 : i32
      %gather3A_1576 = arith.constant 0 : i32
      %gather3A_1577 = arith.constant 0 : i32
      %gather3A_1578 = arith.constant 0 : i32
      %gather3A_1579 = tpu.memref_slice %arg9[%gather3A_1574, %gather3A_1575, %gather3A_1576, %gather3A_1577, %gather3A_1578] : memref<4x4x2x8x128xf32, #tpu.memory_space<vmem>> -> memref<1x1x2x8x128xf32, #tpu.memory_space<vmem>>
      %gather3A_1580 = tpu.memref_squeeze %gather3A_1579 : memref<1x1x2x8x128xf32, #tpu.memory_space<vmem>> -> memref<2x8x128xf32, #tpu.memory_space<vmem>>
      %gather3A_1581 = tpu.vector_load_idx %gather3A_1580[%shift_right_arithmetic3A_1473, %and3A_1476, %broadcast_in_dim3A_1570] : memref<2x8x128xf32, #tpu.memory_space<vmem>>[vector<16xi32>, vector<16xi32>, vector<16xi32>], vector<16xf32>,
      %gather3A_1582 = arith.constant 2 : i32
      %gather3A_1583 = arith.constant 3 : i32
      %gather3A_1584 = arith.constant 0 : i32
      %gather3A_1585 = arith.constant 0 : i32
      %gather3A_1586 = arith.constant 0 : i32
      %gather3A_1587 = tpu.memref_slice %arg10[%gather3A_1582, %gather3A_1583, %gather3A_1584, %gather3A_1585, %gather3A_1586] : memref<4x4x2x8x128xf32, #tpu.memory_space<vmem>> -> memref<1x1x2x8x128xf32, #tpu.memory_space<vmem>>
      %gather3A_1588 = tpu.memref_squeeze %gather3A_1587 : memref<1x1x2x8x128xf32, #tpu.memory_space<vmem>> -> memref<2x8x128xf32, #tpu.memory_space<vmem>>
      %gather3A_1589 = tpu.vector_load_idx %gather3A_1588[%shift_right_arithmetic3A_1473, %and3A_1476, %broadcast_in_dim3A_1573] : memref<2x8x128xf32, #tpu.memory_space<vmem>>[vector<16xi32>, vector<16xi32>, vector<16xi32>], vector<16xf32>,
      %mul3A_1590 = arith.mulf %gather3A_1581, %gather3A_1589 : vector<16xf32>
      %swap3A_1591 = arith.constant 11 : i32
      %swap3A_1592 = arith.index_cast %swap3A_1591 : i32 to index
      %swap3A_1593 = arith.constant 0 : index
      %swap3A_1594 = tpu.vector_load %arg11[%swap3A_1592, %swap3A_1593] {strides = array<i32>} : memref<16x16xf32, #tpu.memory_space<vmem>>, vector<16xf32>,
      tpu.vector_store %arg11[%swap3A_1592, %swap3A_1593], %mul3A_1590 {strides = array<i32>} : memref<16x16xf32, #tpu.memory_space<vmem>>, vector<16xf32>,
      %add3A_1595 = arith.constant 3 : i32
      %add3A_1596 = arith.addi %mul3A_667, %add3A_1595 : i32
      %add3A_1597 = arith.constant 3 : i32
      %add3A_1598 = arith.addi %add3A_1596, %add3A_1597 : i32
      %add3A_1599 = arith.constant 16 : i32
      %add3A_1600 = arith.addi %mul3A_665, %add3A_1599 : i32
      %lt3A_1601 = arith.constant 128 : i32
      %lt3A_1602 = arith.cmpi slt, %add3A_1598, %lt3A_1601 : i32
      %convert_element_type3A_1603 = arith.extui %lt3A_1602 : i1 to i32
      %cond3A_1604 = arith.constant 0 : i32
      %cond3A_1605 = arith.cmpi ne, %convert_element_type3A_1603, %cond3A_1604 : i32
      scf.if %cond3A_1605 {
        %get3A_1979 = arith.index_cast %add3A_1600 : i32 to index
        %get3A_1980 = tpu.vector_load %arg7[%get3A_1979] {strides = array<i32>} : memref<512xi32, #tpu.memory_space<vmem>>, vector<16xi32>,
        %get3A_1981 = arith.index_cast %add3A_1600 : i32 to index
        %get3A_1982 = tpu.vector_load %arg8[%get3A_1981] {strides = array<i32>} : memref<512xi32, #tpu.memory_space<vmem>>, vector<16xi32>,
        %slice3A_1983 = vector.extract_strided_slice %get3A_1980 {offsets = [8], sizes = [1], strides = [1]} : vector<16xi32> to vector<1xi32>
        %squeeze3A_1984 = vector.extract %slice3A_1983[0] : i32 from vector<1xi32>
        %shift_right_arithmetic3A_1985 = arith.constant 7 : i32
        %shift_right_arithmetic3A_1986 = arith.shrsi %squeeze3A_1984, %shift_right_arithmetic3A_1985 : i32
        %shift_left3A_1987 = arith.constant 7 : i32
        %shift_left3A_1988 = arith.shli %shift_right_arithmetic3A_1986, %shift_left3A_1987 : i32
        %multiple_of3A_1989 = tpu.assume_multiple %shift_left3A_1988, 128 : i32
        %dma_start3A_1990 = arith.constant 2 : i32
        %dma_start3A_1991 = arith.constant 0 : i32
        %dma_start3A_1992 = arith.constant 0 : i32
        %dma_start3A_1993 = arith.constant 0 : i32
        %dma_start3A_1994 = arith.constant 0 : i32
        %dma_start3A_1995 = tpu.memref_slice %arg9[%dma_start3A_1990, %dma_start3A_1991, %dma_start3A_1992, %dma_start3A_1993, %dma_start3A_1994] : memref<4x4x2x8x128xf32, #tpu.memory_space<vmem>> -> memref<1x1x2x8x128xf32, #tpu.memory_space<vmem>>
        %dma_start3A_1996 = tpu.memref_squeeze %dma_start3A_1995 : memref<1x1x2x8x128xf32, #tpu.memory_space<vmem>> -> memref<2x8x128xf32, #tpu.memory_space<vmem>>
        %dma_start3A_1997 = tpu.memref_reshape %arg2 : memref<16x1000000xf32, #tpu.memory_space<hbm>> -> memref<2x8x1000000xf32, #tpu.memory_space<hbm>>
        %dma_start3A_1998 = arith.constant 0 : i32
        %dma_start3A_1999 = arith.constant 0 : i32
        %dma_start3A_2000 = tpu.memref_slice %dma_start3A_1997[%dma_start3A_1998, %dma_start3A_1999, %multiple_of3A_1989] : memref<2x8x1000000xf32, #tpu.memory_space<hbm>> -> memref<2x8x128xf32, #tpu.memory_space<hbm>>
        %dma_start3A_2001 = arith.constant 0 : i32
        %dma_start3A_2002 = arith.constant 0 : i32
        %dma_start3A_2003 = arith.constant 0 : i32
        %dma_start3A_2004 = tpu.memref_slice %arg9[%dma_start3A_1990, %dma_start3A_1991, %dma_start3A_2001, %dma_start3A_2002, %dma_start3A_2003] : memref<4x4x2x8x128xf32, #tpu.memory_space<vmem>> -> memref<1x1x2x8x128xf32, #tpu.memory_space<vmem>>
        %dma_start3A_2005 = tpu.memref_squeeze %dma_start3A_2004 : memref<1x1x2x8x128xf32, #tpu.memory_space<vmem>> -> memref<2x8x128xf32, #tpu.memory_space<vmem>>
        %dma_start3A_2006 = tpu.memref_reshape %arg2 : memref<16x1000000xf32, #tpu.memory_space<hbm>> -> memref<2x8x1000000xf32, #tpu.memory_space<hbm>>
        %dma_start3A_2007 = arith.constant 0 : i32
        %dma_start3A_2008 = arith.constant 0 : i32
        %dma_start3A_2009 = tpu.memref_slice %dma_start3A_2006[%dma_start3A_2007, %dma_start3A_2008, %multiple_of3A_1989] : memref<2x8x1000000xf32, #tpu.memory_space<hbm>> -> memref<2x8x128xf32, #tpu.memory_space<hbm>>
        tpu.enqueue_dma source(%dma_start3A_2009 : memref<2x8x128xf32, #tpu.memory_space<hbm>>) target(%dma_start3A_2005 : memref<2x8x128xf32, #tpu.memory_space<vmem>>) target_semaphore(%arg15 : memref<!tpu.dma_semaphore, #tpu.memory_space<semaphore_mem>>)
        %slice3A_2010 = vector.extract_strided_slice %get3A_1982 {offsets = [8], sizes = [1], strides = [1]} : vector<16xi32> to vector<1xi32>
        %squeeze3A_2011 = vector.extract %slice3A_2010[0] : i32 from vector<1xi32>
        %shift_right_arithmetic3A_2012 = arith.constant 7 : i32
        %shift_right_arithmetic3A_2013 = arith.shrsi %squeeze3A_2011, %shift_right_arithmetic3A_2012 : i32
        %shift_left3A_2014 = arith.constant 7 : i32
        %shift_left3A_2015 = arith.shli %shift_right_arithmetic3A_2013, %shift_left3A_2014 : i32
        %multiple_of3A_2016 = tpu.assume_multiple %shift_left3A_2015, 128 : i32
        %dma_start3A_2017 = arith.constant 2 : i32
        %dma_start3A_2018 = arith.constant 0 : i32
        %dma_start3A_2019 = arith.constant 0 : i32
        %dma_start3A_2020 = arith.constant 0 : i32
        %dma_start3A_2021 = arith.constant 0 : i32
        %dma_start3A_2022 = tpu.memref_slice %arg10[%dma_start3A_2017, %dma_start3A_2018, %dma_start3A_2019, %dma_start3A_2020, %dma_start3A_2021] : memref<4x4x2x8x128xf32, #tpu.memory_space<vmem>> -> memref<1x1x2x8x128xf32, #tpu.memory_space<vmem>>
        %dma_start3A_2023 = tpu.memref_squeeze %dma_start3A_2022 : memref<1x1x2x8x128xf32, #tpu.memory_space<vmem>> -> memref<2x8x128xf32, #tpu.memory_space<vmem>>
        %dma_start3A_2024 = tpu.memref_reshape %arg3 : memref<16x1000000xf32, #tpu.memory_space<hbm>> -> memref<2x8x1000000xf32, #tpu.memory_space<hbm>>
        %dma_start3A_2025 = arith.constant 0 : i32
        %dma_start3A_2026 = arith.constant 0 : i32
        %dma_start3A_2027 = tpu.memref_slice %dma_start3A_2024[%dma_start3A_2025, %dma_start3A_2026, %multiple_of3A_2016] : memref<2x8x1000000xf32, #tpu.memory_space<hbm>> -> memref<2x8x128xf32, #tpu.memory_space<hbm>>
        %dma_start3A_2028 = arith.constant 0 : i32
        %dma_start3A_2029 = arith.constant 0 : i32
        %dma_start3A_2030 = arith.constant 0 : i32
        %dma_start3A_2031 = tpu.memref_slice %arg10[%dma_start3A_2017, %dma_start3A_2018, %dma_start3A_2028, %dma_start3A_2029, %dma_start3A_2030] : memref<4x4x2x8x128xf32, #tpu.memory_space<vmem>> -> memref<1x1x2x8x128xf32, #tpu.memory_space<vmem>>
        %dma_start3A_2032 = tpu.memref_squeeze %dma_start3A_2031 : memref<1x1x2x8x128xf32, #tpu.memory_space<vmem>> -> memref<2x8x128xf32, #tpu.memory_space<vmem>>
        %dma_start3A_2033 = tpu.memref_reshape %arg3 : memref<16x1000000xf32, #tpu.memory_space<hbm>> -> memref<2x8x1000000xf32, #tpu.memory_space<hbm>>
        %dma_start3A_2034 = arith.constant 0 : i32
        %dma_start3A_2035 = arith.constant 0 : i32
        %dma_start3A_2036 = tpu.memref_slice %dma_start3A_2033[%dma_start3A_2034, %dma_start3A_2035, %multiple_of3A_2016] : memref<2x8x1000000xf32, #tpu.memory_space<hbm>> -> memref<2x8x128xf32, #tpu.memory_space<hbm>>
        tpu.enqueue_dma source(%dma_start3A_2036 : memref<2x8x128xf32, #tpu.memory_space<hbm>>) target(%dma_start3A_2032 : memref<2x8x128xf32, #tpu.memory_space<vmem>>) target_semaphore(%arg15 : memref<!tpu.dma_semaphore, #tpu.memory_space<semaphore_mem>>)
        %slice3A_2037 = vector.extract_strided_slice %get3A_1980 {offsets = [9], sizes = [1], strides = [1]} : vector<16xi32> to vector<1xi32>
        %squeeze3A_2038 = vector.extract %slice3A_2037[0] : i32 from vector<1xi32>
        %shift_right_arithmetic3A_2039 = arith.constant 7 : i32
        %shift_right_arithmetic3A_2040 = arith.shrsi %squeeze3A_2038, %shift_right_arithmetic3A_2039 : i32
        %shift_left3A_2041 = arith.constant 7 : i32
        %shift_left3A_2042 = arith.shli %shift_right_arithmetic3A_2040, %shift_left3A_2041 : i32
        %multiple_of3A_2043 = tpu.assume_multiple %shift_left3A_2042, 128 : i32
        %dma_start3A_2044 = arith.constant 2 : i32
        %dma_start3A_2045 = arith.constant 1 : i32
        %dma_start3A_2046 = arith.constant 0 : i32
        %dma_start3A_2047 = arith.constant 0 : i32
        %dma_start3A_2048 = arith.constant 0 : i32
        %dma_start3A_2049 = tpu.memref_slice %arg9[%dma_start3A_2044, %dma_start3A_2045, %dma_start3A_2046, %dma_start3A_2047, %dma_start3A_2048] : memref<4x4x2x8x128xf32, #tpu.memory_space<vmem>> -> memref<1x1x2x8x128xf32, #tpu.memory_space<vmem>>
        %dma_start3A_2050 = tpu.memref_squeeze %dma_start3A_2049 : memref<1x1x2x8x128xf32, #tpu.memory_space<vmem>> -> memref<2x8x128xf32, #tpu.memory_space<vmem>>
        %dma_start3A_2051 = tpu.memref_reshape %arg2 : memref<16x1000000xf32, #tpu.memory_space<hbm>> -> memref<2x8x1000000xf32, #tpu.memory_space<hbm>>
        %dma_start3A_2052 = arith.constant 0 : i32
        %dma_start3A_2053 = arith.constant 0 : i32
        %dma_start3A_2054 = tpu.memref_slice %dma_start3A_2051[%dma_start3A_2052, %dma_start3A_2053, %multiple_of3A_2043] : memref<2x8x1000000xf32, #tpu.memory_space<hbm>> -> memref<2x8x128xf32, #tpu.memory_space<hbm>>
        %dma_start3A_2055 = arith.constant 0 : i32
        %dma_start3A_2056 = arith.constant 0 : i32
        %dma_start3A_2057 = arith.constant 0 : i32
        %dma_start3A_2058 = tpu.memref_slice %arg9[%dma_start3A_2044, %dma_start3A_2045, %dma_start3A_2055, %dma_start3A_2056, %dma_start3A_2057] : memref<4x4x2x8x128xf32, #tpu.memory_space<vmem>> -> memref<1x1x2x8x128xf32, #tpu.memory_space<vmem>>
        %dma_start3A_2059 = tpu.memref_squeeze %dma_start3A_2058 : memref<1x1x2x8x128xf32, #tpu.memory_space<vmem>> -> memref<2x8x128xf32, #tpu.memory_space<vmem>>
        %dma_start3A_2060 = tpu.memref_reshape %arg2 : memref<16x1000000xf32, #tpu.memory_space<hbm>> -> memref<2x8x1000000xf32, #tpu.memory_space<hbm>>
        %dma_start3A_2061 = arith.constant 0 : i32
        %dma_start3A_2062 = arith.constant 0 : i32
        %dma_start3A_2063 = tpu.memref_slice %dma_start3A_2060[%dma_start3A_2061, %dma_start3A_2062, %multiple_of3A_2043] : memref<2x8x1000000xf32, #tpu.memory_space<hbm>> -> memref<2x8x128xf32, #tpu.memory_space<hbm>>
        tpu.enqueue_dma source(%dma_start3A_2063 : memref<2x8x128xf32, #tpu.memory_space<hbm>>) target(%dma_start3A_2059 : memref<2x8x128xf32, #tpu.memory_space<vmem>>) target_semaphore(%arg15 : memref<!tpu.dma_semaphore, #tpu.memory_space<semaphore_mem>>)
        %slice3A_2064 = vector.extract_strided_slice %get3A_1982 {offsets = [9], sizes = [1], strides = [1]} : vector<16xi32> to vector<1xi32>
        %squeeze3A_2065 = vector.extract %slice3A_2064[0] : i32 from vector<1xi32>
        %shift_right_arithmetic3A_2066 = arith.constant 7 : i32
        %shift_right_arithmetic3A_2067 = arith.shrsi %squeeze3A_2065, %shift_right_arithmetic3A_2066 : i32
        %shift_left3A_2068 = arith.constant 7 : i32
        %shift_left3A_2069 = arith.shli %shift_right_arithmetic3A_2067, %shift_left3A_2068 : i32
        %multiple_of3A_2070 = tpu.assume_multiple %shift_left3A_2069, 128 : i32
        %dma_start3A_2071 = arith.constant 2 : i32
        %dma_start3A_2072 = arith.constant 1 : i32
        %dma_start3A_2073 = arith.constant 0 : i32
        %dma_start3A_2074 = arith.constant 0 : i32
        %dma_start3A_2075 = arith.constant 0 : i32
        %dma_start3A_2076 = tpu.memref_slice %arg10[%dma_start3A_2071, %dma_start3A_2072, %dma_start3A_2073, %dma_start3A_2074, %dma_start3A_2075] : memref<4x4x2x8x128xf32, #tpu.memory_space<vmem>> -> memref<1x1x2x8x128xf32, #tpu.memory_space<vmem>>
        %dma_start3A_2077 = tpu.memref_squeeze %dma_start3A_2076 : memref<1x1x2x8x128xf32, #tpu.memory_space<vmem>> -> memref<2x8x128xf32, #tpu.memory_space<vmem>>
        %dma_start3A_2078 = tpu.memref_reshape %arg3 : memref<16x1000000xf32, #tpu.memory_space<hbm>> -> memref<2x8x1000000xf32, #tpu.memory_space<hbm>>
        %dma_start3A_2079 = arith.constant 0 : i32
        %dma_start3A_2080 = arith.constant 0 : i32
        %dma_start3A_2081 = tpu.memref_slice %dma_start3A_2078[%dma_start3A_2079, %dma_start3A_2080, %multiple_of3A_2070] : memref<2x8x1000000xf32, #tpu.memory_space<hbm>> -> memref<2x8x128xf32, #tpu.memory_space<hbm>>
        %dma_start3A_2082 = arith.constant 0 : i32
        %dma_start3A_2083 = arith.constant 0 : i32
        %dma_start3A_2084 = arith.constant 0 : i32
        %dma_start3A_2085 = tpu.memref_slice %arg10[%dma_start3A_2071, %dma_start3A_2072, %dma_start3A_2082, %dma_start3A_2083, %dma_start3A_2084] : memref<4x4x2x8x128xf32, #tpu.memory_space<vmem>> -> memref<1x1x2x8x128xf32, #tpu.memory_space<vmem>>
        %dma_start3A_2086 = tpu.memref_squeeze %dma_start3A_2085 : memref<1x1x2x8x128xf32, #tpu.memory_space<vmem>> -> memref<2x8x128xf32, #tpu.memory_space<vmem>>
        %dma_start3A_2087 = tpu.memref_reshape %arg3 : memref<16x1000000xf32, #tpu.memory_space<hbm>> -> memref<2x8x1000000xf32, #tpu.memory_space<hbm>>
        %dma_start3A_2088 = arith.constant 0 : i32
        %dma_start3A_2089 = arith.constant 0 : i32
        %dma_start3A_2090 = tpu.memref_slice %dma_start3A_2087[%dma_start3A_2088, %dma_start3A_2089, %multiple_of3A_2070] : memref<2x8x1000000xf32, #tpu.memory_space<hbm>> -> memref<2x8x128xf32, #tpu.memory_space<hbm>>
        tpu.enqueue_dma source(%dma_start3A_2090 : memref<2x8x128xf32, #tpu.memory_space<hbm>>) target(%dma_start3A_2086 : memref<2x8x128xf32, #tpu.memory_space<vmem>>) target_semaphore(%arg15 : memref<!tpu.dma_semaphore, #tpu.memory_space<semaphore_mem>>)
        %slice3A_2091 = vector.extract_strided_slice %get3A_1980 {offsets = [10], sizes = [1], strides = [1]} : vector<16xi32> to vector<1xi32>
        %squeeze3A_2092 = vector.extract %slice3A_2091[0] : i32 from vector<1xi32>
        %shift_right_arithmetic3A_2093 = arith.constant 7 : i32
        %shift_right_arithmetic3A_2094 = arith.shrsi %squeeze3A_2092, %shift_right_arithmetic3A_2093 : i32
        %shift_left3A_2095 = arith.constant 7 : i32
        %shift_left3A_2096 = arith.shli %shift_right_arithmetic3A_2094, %shift_left3A_2095 : i32
        %multiple_of3A_2097 = tpu.assume_multiple %shift_left3A_2096, 128 : i32
        %dma_start3A_2098 = arith.constant 2 : i32
        %dma_start3A_2099 = arith.constant 2 : i32
        %dma_start3A_2100 = arith.constant 0 : i32
        %dma_start3A_2101 = arith.constant 0 : i32
        %dma_start3A_2102 = arith.constant 0 : i32
        %dma_start3A_2103 = tpu.memref_slice %arg9[%dma_start3A_2098, %dma_start3A_2099, %dma_start3A_2100, %dma_start3A_2101, %dma_start3A_2102] : memref<4x4x2x8x128xf32, #tpu.memory_space<vmem>> -> memref<1x1x2x8x128xf32, #tpu.memory_space<vmem>>
        %dma_start3A_2104 = tpu.memref_squeeze %dma_start3A_2103 : memref<1x1x2x8x128xf32, #tpu.memory_space<vmem>> -> memref<2x8x128xf32, #tpu.memory_space<vmem>>
        %dma_start3A_2105 = tpu.memref_reshape %arg2 : memref<16x1000000xf32, #tpu.memory_space<hbm>> -> memref<2x8x1000000xf32, #tpu.memory_space<hbm>>
        %dma_start3A_2106 = arith.constant 0 : i32
        %dma_start3A_2107 = arith.constant 0 : i32
        %dma_start3A_2108 = tpu.memref_slice %dma_start3A_2105[%dma_start3A_2106, %dma_start3A_2107, %multiple_of3A_2097] : memref<2x8x1000000xf32, #tpu.memory_space<hbm>> -> memref<2x8x128xf32, #tpu.memory_space<hbm>>
        %dma_start3A_2109 = arith.constant 0 : i32
        %dma_start3A_2110 = arith.constant 0 : i32
        %dma_start3A_2111 = arith.constant 0 : i32
        %dma_start3A_2112 = tpu.memref_slice %arg9[%dma_start3A_2098, %dma_start3A_2099, %dma_start3A_2109, %dma_start3A_2110, %dma_start3A_2111] : memref<4x4x2x8x128xf32, #tpu.memory_space<vmem>> -> memref<1x1x2x8x128xf32, #tpu.memory_space<vmem>>
        %dma_start3A_2113 = tpu.memref_squeeze %dma_start3A_2112 : memref<1x1x2x8x128xf32, #tpu.memory_space<vmem>> -> memref<2x8x128xf32, #tpu.memory_space<vmem>>
        %dma_start3A_2114 = tpu.memref_reshape %arg2 : memref<16x1000000xf32, #tpu.memory_space<hbm>> -> memref<2x8x1000000xf32, #tpu.memory_space<hbm>>
        %dma_start3A_2115 = arith.constant 0 : i32
        %dma_start3A_2116 = arith.constant 0 : i32
        %dma_start3A_2117 = tpu.memref_slice %dma_start3A_2114[%dma_start3A_2115, %dma_start3A_2116, %multiple_of3A_2097] : memref<2x8x1000000xf32, #tpu.memory_space<hbm>> -> memref<2x8x128xf32, #tpu.memory_space<hbm>>
        tpu.enqueue_dma source(%dma_start3A_2117 : memref<2x8x128xf32, #tpu.memory_space<hbm>>) target(%dma_start3A_2113 : memref<2x8x128xf32, #tpu.memory_space<vmem>>) target_semaphore(%arg15 : memref<!tpu.dma_semaphore, #tpu.memory_space<semaphore_mem>>)
        %slice3A_2118 = vector.extract_strided_slice %get3A_1982 {offsets = [10], sizes = [1], strides = [1]} : vector<16xi32> to vector<1xi32>
        %squeeze3A_2119 = vector.extract %slice3A_2118[0] : i32 from vector<1xi32>
        %shift_right_arithmetic3A_2120 = arith.constant 7 : i32
        %shift_right_arithmetic3A_2121 = arith.shrsi %squeeze3A_2119, %shift_right_arithmetic3A_2120 : i32
        %shift_left3A_2122 = arith.constant 7 : i32
        %shift_left3A_2123 = arith.shli %shift_right_arithmetic3A_2121, %shift_left3A_2122 : i32
        %multiple_of3A_2124 = tpu.assume_multiple %shift_left3A_2123, 128 : i32
        %dma_start3A_2125 = arith.constant 2 : i32
        %dma_start3A_2126 = arith.constant 2 : i32
        %dma_start3A_2127 = arith.constant 0 : i32
        %dma_start3A_2128 = arith.constant 0 : i32
        %dma_start3A_2129 = arith.constant 0 : i32
        %dma_start3A_2130 = tpu.memref_slice %arg10[%dma_start3A_2125, %dma_start3A_2126, %dma_start3A_2127, %dma_start3A_2128, %dma_start3A_2129] : memref<4x4x2x8x128xf32, #tpu.memory_space<vmem>> -> memref<1x1x2x8x128xf32, #tpu.memory_space<vmem>>
        %dma_start3A_2131 = tpu.memref_squeeze %dma_start3A_2130 : memref<1x1x2x8x128xf32, #tpu.memory_space<vmem>> -> memref<2x8x128xf32, #tpu.memory_space<vmem>>
        %dma_start3A_2132 = tpu.memref_reshape %arg3 : memref<16x1000000xf32, #tpu.memory_space<hbm>> -> memref<2x8x1000000xf32, #tpu.memory_space<hbm>>
        %dma_start3A_2133 = arith.constant 0 : i32
        %dma_start3A_2134 = arith.constant 0 : i32
        %dma_start3A_2135 = tpu.memref_slice %dma_start3A_2132[%dma_start3A_2133, %dma_start3A_2134, %multiple_of3A_2124] : memref<2x8x1000000xf32, #tpu.memory_space<hbm>> -> memref<2x8x128xf32, #tpu.memory_space<hbm>>
        %dma_start3A_2136 = arith.constant 0 : i32
        %dma_start3A_2137 = arith.constant 0 : i32
        %dma_start3A_2138 = arith.constant 0 : i32
        %dma_start3A_2139 = tpu.memref_slice %arg10[%dma_start3A_2125, %dma_start3A_2126, %dma_start3A_2136, %dma_start3A_2137, %dma_start3A_2138] : memref<4x4x2x8x128xf32, #tpu.memory_space<vmem>> -> memref<1x1x2x8x128xf32, #tpu.memory_space<vmem>>
        %dma_start3A_2140 = tpu.memref_squeeze %dma_start3A_2139 : memref<1x1x2x8x128xf32, #tpu.memory_space<vmem>> -> memref<2x8x128xf32, #tpu.memory_space<vmem>>
        %dma_start3A_2141 = tpu.memref_reshape %arg3 : memref<16x1000000xf32, #tpu.memory_space<hbm>> -> memref<2x8x1000000xf32, #tpu.memory_space<hbm>>
        %dma_start3A_2142 = arith.constant 0 : i32
        %dma_start3A_2143 = arith.constant 0 : i32
        %dma_start3A_2144 = tpu.memref_slice %dma_start3A_2141[%dma_start3A_2142, %dma_start3A_2143, %multiple_of3A_2124] : memref<2x8x1000000xf32, #tpu.memory_space<hbm>> -> memref<2x8x128xf32, #tpu.memory_space<hbm>>
        tpu.enqueue_dma source(%dma_start3A_2144 : memref<2x8x128xf32, #tpu.memory_space<hbm>>) target(%dma_start3A_2140 : memref<2x8x128xf32, #tpu.memory_space<vmem>>) target_semaphore(%arg15 : memref<!tpu.dma_semaphore, #tpu.memory_space<semaphore_mem>>)
        %slice3A_2145 = vector.extract_strided_slice %get3A_1980 {offsets = [11], sizes = [1], strides = [1]} : vector<16xi32> to vector<1xi32>
        %squeeze3A_2146 = vector.extract %slice3A_2145[0] : i32 from vector<1xi32>
        %shift_right_arithmetic3A_2147 = arith.constant 7 : i32
        %shift_right_arithmetic3A_2148 = arith.shrsi %squeeze3A_2146, %shift_right_arithmetic3A_2147 : i32
        %shift_left3A_2149 = arith.constant 7 : i32
        %shift_left3A_2150 = arith.shli %shift_right_arithmetic3A_2148, %shift_left3A_2149 : i32
        %multiple_of3A_2151 = tpu.assume_multiple %shift_left3A_2150, 128 : i32
        %dma_start3A_2152 = arith.constant 2 : i32
        %dma_start3A_2153 = arith.constant 3 : i32
        %dma_start3A_2154 = arith.constant 0 : i32
        %dma_start3A_2155 = arith.constant 0 : i32
        %dma_start3A_2156 = arith.constant 0 : i32
        %dma_start3A_2157 = tpu.memref_slice %arg9[%dma_start3A_2152, %dma_start3A_2153, %dma_start3A_2154, %dma_start3A_2155, %dma_start3A_2156] : memref<4x4x2x8x128xf32, #tpu.memory_space<vmem>> -> memref<1x1x2x8x128xf32, #tpu.memory_space<vmem>>
        %dma_start3A_2158 = tpu.memref_squeeze %dma_start3A_2157 : memref<1x1x2x8x128xf32, #tpu.memory_space<vmem>> -> memref<2x8x128xf32, #tpu.memory_space<vmem>>
        %dma_start3A_2159 = tpu.memref_reshape %arg2 : memref<16x1000000xf32, #tpu.memory_space<hbm>> -> memref<2x8x1000000xf32, #tpu.memory_space<hbm>>
        %dma_start3A_2160 = arith.constant 0 : i32
        %dma_start3A_2161 = arith.constant 0 : i32
        %dma_start3A_2162 = tpu.memref_slice %dma_start3A_2159[%dma_start3A_2160, %dma_start3A_2161, %multiple_of3A_2151] : memref<2x8x1000000xf32, #tpu.memory_space<hbm>> -> memref<2x8x128xf32, #tpu.memory_space<hbm>>
        %dma_start3A_2163 = arith.constant 0 : i32
        %dma_start3A_2164 = arith.constant 0 : i32
        %dma_start3A_2165 = arith.constant 0 : i32
        %dma_start3A_2166 = tpu.memref_slice %arg9[%dma_start3A_2152, %dma_start3A_2153, %dma_start3A_2163, %dma_start3A_2164, %dma_start3A_2165] : memref<4x4x2x8x128xf32, #tpu.memory_space<vmem>> -> memref<1x1x2x8x128xf32, #tpu.memory_space<vmem>>
        %dma_start3A_2167 = tpu.memref_squeeze %dma_start3A_2166 : memref<1x1x2x8x128xf32, #tpu.memory_space<vmem>> -> memref<2x8x128xf32, #tpu.memory_space<vmem>>
        %dma_start3A_2168 = tpu.memref_reshape %arg2 : memref<16x1000000xf32, #tpu.memory_space<hbm>> -> memref<2x8x1000000xf32, #tpu.memory_space<hbm>>
        %dma_start3A_2169 = arith.constant 0 : i32
        %dma_start3A_2170 = arith.constant 0 : i32
        %dma_start3A_2171 = tpu.memref_slice %dma_start3A_2168[%dma_start3A_2169, %dma_start3A_2170, %multiple_of3A_2151] : memref<2x8x1000000xf32, #tpu.memory_space<hbm>> -> memref<2x8x128xf32, #tpu.memory_space<hbm>>
        tpu.enqueue_dma source(%dma_start3A_2171 : memref<2x8x128xf32, #tpu.memory_space<hbm>>) target(%dma_start3A_2167 : memref<2x8x128xf32, #tpu.memory_space<vmem>>) target_semaphore(%arg15 : memref<!tpu.dma_semaphore, #tpu.memory_space<semaphore_mem>>)
        %slice3A_2172 = vector.extract_strided_slice %get3A_1982 {offsets = [11], sizes = [1], strides = [1]} : vector<16xi32> to vector<1xi32>
        %squeeze3A_2173 = vector.extract %slice3A_2172[0] : i32 from vector<1xi32>
        %shift_right_arithmetic3A_2174 = arith.constant 7 : i32
        %shift_right_arithmetic3A_2175 = arith.shrsi %squeeze3A_2173, %shift_right_arithmetic3A_2174 : i32
        %shift_left3A_2176 = arith.constant 7 : i32
        %shift_left3A_2177 = arith.shli %shift_right_arithmetic3A_2175, %shift_left3A_2176 : i32
        %multiple_of3A_2178 = tpu.assume_multiple %shift_left3A_2177, 128 : i32
        %dma_start3A_2179 = arith.constant 2 : i32
        %dma_start3A_2180 = arith.constant 3 : i32
        %dma_start3A_2181 = arith.constant 0 : i32
        %dma_start3A_2182 = arith.constant 0 : i32
        %dma_start3A_2183 = arith.constant 0 : i32
        %dma_start3A_2184 = tpu.memref_slice %arg10[%dma_start3A_2179, %dma_start3A_2180, %dma_start3A_2181, %dma_start3A_2182, %dma_start3A_2183] : memref<4x4x2x8x128xf32, #tpu.memory_space<vmem>> -> memref<1x1x2x8x128xf32, #tpu.memory_space<vmem>>
        %dma_start3A_2185 = tpu.memref_squeeze %dma_start3A_2184 : memref<1x1x2x8x128xf32, #tpu.memory_space<vmem>> -> memref<2x8x128xf32, #tpu.memory_space<vmem>>
        %dma_start3A_2186 = tpu.memref_reshape %arg3 : memref<16x1000000xf32, #tpu.memory_space<hbm>> -> memref<2x8x1000000xf32, #tpu.memory_space<hbm>>
        %dma_start3A_2187 = arith.constant 0 : i32
        %dma_start3A_2188 = arith.constant 0 : i32
        %dma_start3A_2189 = tpu.memref_slice %dma_start3A_2186[%dma_start3A_2187, %dma_start3A_2188, %multiple_of3A_2178] : memref<2x8x1000000xf32, #tpu.memory_space<hbm>> -> memref<2x8x128xf32, #tpu.memory_space<hbm>>
        %dma_start3A_2190 = arith.constant 0 : i32
        %dma_start3A_2191 = arith.constant 0 : i32
        %dma_start3A_2192 = arith.constant 0 : i32
        %dma_start3A_2193 = tpu.memref_slice %arg10[%dma_start3A_2179, %dma_start3A_2180, %dma_start3A_2190, %dma_start3A_2191, %dma_start3A_2192] : memref<4x4x2x8x128xf32, #tpu.memory_space<vmem>> -> memref<1x1x2x8x128xf32, #tpu.memory_space<vmem>>
        %dma_start3A_2194 = tpu.memref_squeeze %dma_start3A_2193 : memref<1x1x2x8x128xf32, #tpu.memory_space<vmem>> -> memref<2x8x128xf32, #tpu.memory_space<vmem>>
        %dma_start3A_2195 = tpu.memref_reshape %arg3 : memref<16x1000000xf32, #tpu.memory_space<hbm>> -> memref<2x8x1000000xf32, #tpu.memory_space<hbm>>
        %dma_start3A_2196 = arith.constant 0 : i32
        %dma_start3A_2197 = arith.constant 0 : i32
        %dma_start3A_2198 = tpu.memref_slice %dma_start3A_2195[%dma_start3A_2196, %dma_start3A_2197, %multiple_of3A_2178] : memref<2x8x1000000xf32, #tpu.memory_space<hbm>> -> memref<2x8x128xf32, #tpu.memory_space<hbm>>
        tpu.enqueue_dma source(%dma_start3A_2198 : memref<2x8x128xf32, #tpu.memory_space<hbm>>) target(%dma_start3A_2194 : memref<2x8x128xf32, #tpu.memory_space<vmem>>) target_semaphore(%arg15 : memref<!tpu.dma_semaphore, #tpu.memory_space<semaphore_mem>>)
      } else {
      }
      %dma_wait3A_1606 = arith.constant 3 : i32
      %dma_wait3A_1607 = arith.constant 0 : i32
      %dma_wait3A_1608 = arith.constant 0 : i32
      %dma_wait3A_1609 = arith.constant 0 : i32
      %dma_wait3A_1610 = arith.constant 0 : i32
      %dma_wait3A_1611 = tpu.memref_slice %arg9[%dma_wait3A_1606, %dma_wait3A_1607, %dma_wait3A_1608, %dma_wait3A_1609, %dma_wait3A_1610] : memref<4x4x2x8x128xf32, #tpu.memory_space<vmem>> -> memref<1x1x2x8x128xf32, #tpu.memory_space<vmem>>
      %dma_wait3A_1612 = tpu.memref_squeeze %dma_wait3A_1611 : memref<1x1x2x8x128xf32, #tpu.memory_space<vmem>> -> memref<2x8x128xf32, #tpu.memory_space<vmem>>
      %dma_wait3A_1613 = tpu.memref_reshape %arg2 : memref<16x1000000xf32, #tpu.memory_space<hbm>> -> memref<2x8x1000000xf32, #tpu.memory_space<hbm>>
      %dma_wait3A_1614 = arith.constant 0 : i32
      %dma_wait3A_1615 = arith.constant 0 : i32
      %dma_wait3A_1616 = arith.constant 0 : i32
      %dma_wait3A_1617 = tpu.memref_slice %dma_wait3A_1613[%dma_wait3A_1614, %dma_wait3A_1615, %dma_wait3A_1616] : memref<2x8x1000000xf32, #tpu.memory_space<hbm>> -> memref<2x8x128xf32, #tpu.memory_space<hbm>>
      %dma_wait3A_1618 = arith.constant 0 : i32
      %dma_wait3A_1619 = arith.constant 0 : i32
      %dma_wait3A_1620 = arith.constant 0 : i32
      %dma_wait3A_1621 = tpu.memref_slice %arg9[%dma_wait3A_1606, %dma_wait3A_1607, %dma_wait3A_1618, %dma_wait3A_1619, %dma_wait3A_1620] : memref<4x4x2x8x128xf32, #tpu.memory_space<vmem>> -> memref<1x1x2x8x128xf32, #tpu.memory_space<vmem>>
      %dma_wait3A_1622 = tpu.memref_squeeze %dma_wait3A_1621 : memref<1x1x2x8x128xf32, #tpu.memory_space<vmem>> -> memref<2x8x128xf32, #tpu.memory_space<vmem>>
      %dma_wait3A_1623 = tpu.memref_reshape %arg2 : memref<16x1000000xf32, #tpu.memory_space<hbm>> -> memref<2x8x1000000xf32, #tpu.memory_space<hbm>>
      %dma_wait3A_1624 = arith.constant 0 : i32
      %dma_wait3A_1625 = arith.constant 0 : i32
      %dma_wait3A_1626 = arith.constant 0 : i32
      %dma_wait3A_1627 = tpu.memref_slice %dma_wait3A_1623[%dma_wait3A_1624, %dma_wait3A_1625, %dma_wait3A_1626] : memref<2x8x1000000xf32, #tpu.memory_space<hbm>> -> memref<2x8x128xf32, #tpu.memory_space<hbm>>
      tpu.wait_dma2 semaphore(%arg16 : memref<!tpu.dma_semaphore, #tpu.memory_space<semaphore_mem>>) src(%dma_wait3A_1627 : memref<2x8x128xf32, #tpu.memory_space<hbm>>) dst(%dma_wait3A_1622 : memref<2x8x128xf32, #tpu.memory_space<vmem>>)
      %dma_wait3A_1628 = arith.constant 3 : i32
      %dma_wait3A_1629 = arith.constant 0 : i32
      %dma_wait3A_1630 = arith.constant 0 : i32
      %dma_wait3A_1631 = arith.constant 0 : i32
      %dma_wait3A_1632 = arith.constant 0 : i32
      %dma_wait3A_1633 = tpu.memref_slice %arg10[%dma_wait3A_1628, %dma_wait3A_1629, %dma_wait3A_1630, %dma_wait3A_1631, %dma_wait3A_1632] : memref<4x4x2x8x128xf32, #tpu.memory_space<vmem>> -> memref<1x1x2x8x128xf32, #tpu.memory_space<vmem>>
      %dma_wait3A_1634 = tpu.memref_squeeze %dma_wait3A_1633 : memref<1x1x2x8x128xf32, #tpu.memory_space<vmem>> -> memref<2x8x128xf32, #tpu.memory_space<vmem>>
      %dma_wait3A_1635 = tpu.memref_reshape %arg3 : memref<16x1000000xf32, #tpu.memory_space<hbm>> -> memref<2x8x1000000xf32, #tpu.memory_space<hbm>>
      %dma_wait3A_1636 = arith.constant 0 : i32
      %dma_wait3A_1637 = arith.constant 0 : i32
      %dma_wait3A_1638 = arith.constant 0 : i32
      %dma_wait3A_1639 = tpu.memref_slice %dma_wait3A_1635[%dma_wait3A_1636, %dma_wait3A_1637, %dma_wait3A_1638] : memref<2x8x1000000xf32, #tpu.memory_space<hbm>> -> memref<2x8x128xf32, #tpu.memory_space<hbm>>
      %dma_wait3A_1640 = arith.constant 0 : i32
      %dma_wait3A_1641 = arith.constant 0 : i32
      %dma_wait3A_1642 = arith.constant 0 : i32
      %dma_wait3A_1643 = tpu.memref_slice %arg10[%dma_wait3A_1628, %dma_wait3A_1629, %dma_wait3A_1640, %dma_wait3A_1641, %dma_wait3A_1642] : memref<4x4x2x8x128xf32, #tpu.memory_space<vmem>> -> memref<1x1x2x8x128xf32, #tpu.memory_space<vmem>>
      %dma_wait3A_1644 = tpu.memref_squeeze %dma_wait3A_1643 : memref<1x1x2x8x128xf32, #tpu.memory_space<vmem>> -> memref<2x8x128xf32, #tpu.memory_space<vmem>>
      %dma_wait3A_1645 = tpu.memref_reshape %arg3 : memref<16x1000000xf32, #tpu.memory_space<hbm>> -> memref<2x8x1000000xf32, #tpu.memory_space<hbm>>
      %dma_wait3A_1646 = arith.constant 0 : i32
      %dma_wait3A_1647 = arith.constant 0 : i32
      %dma_wait3A_1648 = arith.constant 0 : i32
      %dma_wait3A_1649 = tpu.memref_slice %dma_wait3A_1645[%dma_wait3A_1646, %dma_wait3A_1647, %dma_wait3A_1648] : memref<2x8x1000000xf32, #tpu.memory_space<hbm>> -> memref<2x8x128xf32, #tpu.memory_space<hbm>>
      tpu.wait_dma2 semaphore(%arg16 : memref<!tpu.dma_semaphore, #tpu.memory_space<semaphore_mem>>) src(%dma_wait3A_1649 : memref<2x8x128xf32, #tpu.memory_space<hbm>>) dst(%dma_wait3A_1644 : memref<2x8x128xf32, #tpu.memory_space<vmem>>)
      %dma_wait3A_1650 = arith.constant 3 : i32
      %dma_wait3A_1651 = arith.constant 1 : i32
      %dma_wait3A_1652 = arith.constant 0 : i32
      %dma_wait3A_1653 = arith.constant 0 : i32
      %dma_wait3A_1654 = arith.constant 0 : i32
      %dma_wait3A_1655 = tpu.memref_slice %arg9[%dma_wait3A_1650, %dma_wait3A_1651, %dma_wait3A_1652, %dma_wait3A_1653, %dma_wait3A_1654] : memref<4x4x2x8x128xf32, #tpu.memory_space<vmem>> -> memref<1x1x2x8x128xf32, #tpu.memory_space<vmem>>
      %dma_wait3A_1656 = tpu.memref_squeeze %dma_wait3A_1655 : memref<1x1x2x8x128xf32, #tpu.memory_space<vmem>> -> memref<2x8x128xf32, #tpu.memory_space<vmem>>
      %dma_wait3A_1657 = tpu.memref_reshape %arg2 : memref<16x1000000xf32, #tpu.memory_space<hbm>> -> memref<2x8x1000000xf32, #tpu.memory_space<hbm>>
      %dma_wait3A_1658 = arith.constant 0 : i32
      %dma_wait3A_1659 = arith.constant 0 : i32
      %dma_wait3A_1660 = arith.constant 0 : i32
      %dma_wait3A_1661 = tpu.memref_slice %dma_wait3A_1657[%dma_wait3A_1658, %dma_wait3A_1659, %dma_wait3A_1660] : memref<2x8x1000000xf32, #tpu.memory_space<hbm>> -> memref<2x8x128xf32, #tpu.memory_space<hbm>>
      %dma_wait3A_1662 = arith.constant 0 : i32
      %dma_wait3A_1663 = arith.constant 0 : i32
      %dma_wait3A_1664 = arith.constant 0 : i32
      %dma_wait3A_1665 = tpu.memref_slice %arg9[%dma_wait3A_1650, %dma_wait3A_1651, %dma_wait3A_1662, %dma_wait3A_1663, %dma_wait3A_1664] : memref<4x4x2x8x128xf32, #tpu.memory_space<vmem>> -> memref<1x1x2x8x128xf32, #tpu.memory_space<vmem>>
      %dma_wait3A_1666 = tpu.memref_squeeze %dma_wait3A_1665 : memref<1x1x2x8x128xf32, #tpu.memory_space<vmem>> -> memref<2x8x128xf32, #tpu.memory_space<vmem>>
      %dma_wait3A_1667 = tpu.memref_reshape %arg2 : memref<16x1000000xf32, #tpu.memory_space<hbm>> -> memref<2x8x1000000xf32, #tpu.memory_space<hbm>>
      %dma_wait3A_1668 = arith.constant 0 : i32
      %dma_wait3A_1669 = arith.constant 0 : i32
      %dma_wait3A_1670 = arith.constant 0 : i32
      %dma_wait3A_1671 = tpu.memref_slice %dma_wait3A_1667[%dma_wait3A_1668, %dma_wait3A_1669, %dma_wait3A_1670] : memref<2x8x1000000xf32, #tpu.memory_space<hbm>> -> memref<2x8x128xf32, #tpu.memory_space<hbm>>
      tpu.wait_dma2 semaphore(%arg16 : memref<!tpu.dma_semaphore, #tpu.memory_space<semaphore_mem>>) src(%dma_wait3A_1671 : memref<2x8x128xf32, #tpu.memory_space<hbm>>) dst(%dma_wait3A_1666 : memref<2x8x128xf32, #tpu.memory_space<vmem>>)
      %dma_wait3A_1672 = arith.constant 3 : i32
      %dma_wait3A_1673 = arith.constant 1 : i32
      %dma_wait3A_1674 = arith.constant 0 : i32
      %dma_wait3A_1675 = arith.constant 0 : i32
      %dma_wait3A_1676 = arith.constant 0 : i32
      %dma_wait3A_1677 = tpu.memref_slice %arg10[%dma_wait3A_1672, %dma_wait3A_1673, %dma_wait3A_1674, %dma_wait3A_1675, %dma_wait3A_1676] : memref<4x4x2x8x128xf32, #tpu.memory_space<vmem>> -> memref<1x1x2x8x128xf32, #tpu.memory_space<vmem>>
      %dma_wait3A_1678 = tpu.memref_squeeze %dma_wait3A_1677 : memref<1x1x2x8x128xf32, #tpu.memory_space<vmem>> -> memref<2x8x128xf32, #tpu.memory_space<vmem>>
      %dma_wait3A_1679 = tpu.memref_reshape %arg3 : memref<16x1000000xf32, #tpu.memory_space<hbm>> -> memref<2x8x1000000xf32, #tpu.memory_space<hbm>>
      %dma_wait3A_1680 = arith.constant 0 : i32
      %dma_wait3A_1681 = arith.constant 0 : i32
      %dma_wait3A_1682 = arith.constant 0 : i32
      %dma_wait3A_1683 = tpu.memref_slice %dma_wait3A_1679[%dma_wait3A_1680, %dma_wait3A_1681, %dma_wait3A_1682] : memref<2x8x1000000xf32, #tpu.memory_space<hbm>> -> memref<2x8x128xf32, #tpu.memory_space<hbm>>
      %dma_wait3A_1684 = arith.constant 0 : i32
      %dma_wait3A_1685 = arith.constant 0 : i32
      %dma_wait3A_1686 = arith.constant 0 : i32
      %dma_wait3A_1687 = tpu.memref_slice %arg10[%dma_wait3A_1672, %dma_wait3A_1673, %dma_wait3A_1684, %dma_wait3A_1685, %dma_wait3A_1686] : memref<4x4x2x8x128xf32, #tpu.memory_space<vmem>> -> memref<1x1x2x8x128xf32, #tpu.memory_space<vmem>>
      %dma_wait3A_1688 = tpu.memref_squeeze %dma_wait3A_1687 : memref<1x1x2x8x128xf32, #tpu.memory_space<vmem>> -> memref<2x8x128xf32, #tpu.memory_space<vmem>>
      %dma_wait3A_1689 = tpu.memref_reshape %arg3 : memref<16x1000000xf32, #tpu.memory_space<hbm>> -> memref<2x8x1000000xf32, #tpu.memory_space<hbm>>
      %dma_wait3A_1690 = arith.constant 0 : i32
      %dma_wait3A_1691 = arith.constant 0 : i32
      %dma_wait3A_1692 = arith.constant 0 : i32
      %dma_wait3A_1693 = tpu.memref_slice %dma_wait3A_1689[%dma_wait3A_1690, %dma_wait3A_1691, %dma_wait3A_1692] : memref<2x8x1000000xf32, #tpu.memory_space<hbm>> -> memref<2x8x128xf32, #tpu.memory_space<hbm>>
      tpu.wait_dma2 semaphore(%arg16 : memref<!tpu.dma_semaphore, #tpu.memory_space<semaphore_mem>>) src(%dma_wait3A_1693 : memref<2x8x128xf32, #tpu.memory_space<hbm>>) dst(%dma_wait3A_1688 : memref<2x8x128xf32, #tpu.memory_space<vmem>>)
      %dma_wait3A_1694 = arith.constant 3 : i32
      %dma_wait3A_1695 = arith.constant 2 : i32
      %dma_wait3A_1696 = arith.constant 0 : i32
      %dma_wait3A_1697 = arith.constant 0 : i32
      %dma_wait3A_1698 = arith.constant 0 : i32
      %dma_wait3A_1699 = tpu.memref_slice %arg9[%dma_wait3A_1694, %dma_wait3A_1695, %dma_wait3A_1696, %dma_wait3A_1697, %dma_wait3A_1698] : memref<4x4x2x8x128xf32, #tpu.memory_space<vmem>> -> memref<1x1x2x8x128xf32, #tpu.memory_space<vmem>>
      %dma_wait3A_1700 = tpu.memref_squeeze %dma_wait3A_1699 : memref<1x1x2x8x128xf32, #tpu.memory_space<vmem>> -> memref<2x8x128xf32, #tpu.memory_space<vmem>>
      %dma_wait3A_1701 = tpu.memref_reshape %arg2 : memref<16x1000000xf32, #tpu.memory_space<hbm>> -> memref<2x8x1000000xf32, #tpu.memory_space<hbm>>
      %dma_wait3A_1702 = arith.constant 0 : i32
      %dma_wait3A_1703 = arith.constant 0 : i32
      %dma_wait3A_1704 = arith.constant 0 : i32
      %dma_wait3A_1705 = tpu.memref_slice %dma_wait3A_1701[%dma_wait3A_1702, %dma_wait3A_1703, %dma_wait3A_1704] : memref<2x8x1000000xf32, #tpu.memory_space<hbm>> -> memref<2x8x128xf32, #tpu.memory_space<hbm>>
      %dma_wait3A_1706 = arith.constant 0 : i32
      %dma_wait3A_1707 = arith.constant 0 : i32
      %dma_wait3A_1708 = arith.constant 0 : i32
      %dma_wait3A_1709 = tpu.memref_slice %arg9[%dma_wait3A_1694, %dma_wait3A_1695, %dma_wait3A_1706, %dma_wait3A_1707, %dma_wait3A_1708] : memref<4x4x2x8x128xf32, #tpu.memory_space<vmem>> -> memref<1x1x2x8x128xf32, #tpu.memory_space<vmem>>
      %dma_wait3A_1710 = tpu.memref_squeeze %dma_wait3A_1709 : memref<1x1x2x8x128xf32, #tpu.memory_space<vmem>> -> memref<2x8x128xf32, #tpu.memory_space<vmem>>
      %dma_wait3A_1711 = tpu.memref_reshape %arg2 : memref<16x1000000xf32, #tpu.memory_space<hbm>> -> memref<2x8x1000000xf32, #tpu.memory_space<hbm>>
      %dma_wait3A_1712 = arith.constant 0 : i32
      %dma_wait3A_1713 = arith.constant 0 : i32
      %dma_wait3A_1714 = arith.constant 0 : i32
      %dma_wait3A_1715 = tpu.memref_slice %dma_wait3A_1711[%dma_wait3A_1712, %dma_wait3A_1713, %dma_wait3A_1714] : memref<2x8x1000000xf32, #tpu.memory_space<hbm>> -> memref<2x8x128xf32, #tpu.memory_space<hbm>>
      tpu.wait_dma2 semaphore(%arg16 : memref<!tpu.dma_semaphore, #tpu.memory_space<semaphore_mem>>) src(%dma_wait3A_1715 : memref<2x8x128xf32, #tpu.memory_space<hbm>>) dst(%dma_wait3A_1710 : memref<2x8x128xf32, #tpu.memory_space<vmem>>)
      %dma_wait3A_1716 = arith.constant 3 : i32
      %dma_wait3A_1717 = arith.constant 2 : i32
      %dma_wait3A_1718 = arith.constant 0 : i32
      %dma_wait3A_1719 = arith.constant 0 : i32
      %dma_wait3A_1720 = arith.constant 0 : i32
      %dma_wait3A_1721 = tpu.memref_slice %arg10[%dma_wait3A_1716, %dma_wait3A_1717, %dma_wait3A_1718, %dma_wait3A_1719, %dma_wait3A_1720] : memref<4x4x2x8x128xf32, #tpu.memory_space<vmem>> -> memref<1x1x2x8x128xf32, #tpu.memory_space<vmem>>
      %dma_wait3A_1722 = tpu.memref_squeeze %dma_wait3A_1721 : memref<1x1x2x8x128xf32, #tpu.memory_space<vmem>> -> memref<2x8x128xf32, #tpu.memory_space<vmem>>
      %dma_wait3A_1723 = tpu.memref_reshape %arg3 : memref<16x1000000xf32, #tpu.memory_space<hbm>> -> memref<2x8x1000000xf32, #tpu.memory_space<hbm>>
      %dma_wait3A_1724 = arith.constant 0 : i32
      %dma_wait3A_1725 = arith.constant 0 : i32
      %dma_wait3A_1726 = arith.constant 0 : i32
      %dma_wait3A_1727 = tpu.memref_slice %dma_wait3A_1723[%dma_wait3A_1724, %dma_wait3A_1725, %dma_wait3A_1726] : memref<2x8x1000000xf32, #tpu.memory_space<hbm>> -> memref<2x8x128xf32, #tpu.memory_space<hbm>>
      %dma_wait3A_1728 = arith.constant 0 : i32
      %dma_wait3A_1729 = arith.constant 0 : i32
      %dma_wait3A_1730 = arith.constant 0 : i32
      %dma_wait3A_1731 = tpu.memref_slice %arg10[%dma_wait3A_1716, %dma_wait3A_1717, %dma_wait3A_1728, %dma_wait3A_1729, %dma_wait3A_1730] : memref<4x4x2x8x128xf32, #tpu.memory_space<vmem>> -> memref<1x1x2x8x128xf32, #tpu.memory_space<vmem>>
      %dma_wait3A_1732 = tpu.memref_squeeze %dma_wait3A_1731 : memref<1x1x2x8x128xf32, #tpu.memory_space<vmem>> -> memref<2x8x128xf32, #tpu.memory_space<vmem>>
      %dma_wait3A_1733 = tpu.memref_reshape %arg3 : memref<16x1000000xf32, #tpu.memory_space<hbm>> -> memref<2x8x1000000xf32, #tpu.memory_space<hbm>>
      %dma_wait3A_1734 = arith.constant 0 : i32
      %dma_wait3A_1735 = arith.constant 0 : i32
      %dma_wait3A_1736 = arith.constant 0 : i32
      %dma_wait3A_1737 = tpu.memref_slice %dma_wait3A_1733[%dma_wait3A_1734, %dma_wait3A_1735, %dma_wait3A_1736] : memref<2x8x1000000xf32, #tpu.memory_space<hbm>> -> memref<2x8x128xf32, #tpu.memory_space<hbm>>
      tpu.wait_dma2 semaphore(%arg16 : memref<!tpu.dma_semaphore, #tpu.memory_space<semaphore_mem>>) src(%dma_wait3A_1737 : memref<2x8x128xf32, #tpu.memory_space<hbm>>) dst(%dma_wait3A_1732 : memref<2x8x128xf32, #tpu.memory_space<vmem>>)
      %dma_wait3A_1738 = arith.constant 3 : i32
      %dma_wait3A_1739 = arith.constant 3 : i32
      %dma_wait3A_1740 = arith.constant 0 : i32
      %dma_wait3A_1741 = arith.constant 0 : i32
      %dma_wait3A_1742 = arith.constant 0 : i32
      %dma_wait3A_1743 = tpu.memref_slice %arg9[%dma_wait3A_1738, %dma_wait3A_1739, %dma_wait3A_1740, %dma_wait3A_1741, %dma_wait3A_1742] : memref<4x4x2x8x128xf32, #tpu.memory_space<vmem>> -> memref<1x1x2x8x128xf32, #tpu.memory_space<vmem>>
      %dma_wait3A_1744 = tpu.memref_squeeze %dma_wait3A_1743 : memref<1x1x2x8x128xf32, #tpu.memory_space<vmem>> -> memref<2x8x128xf32, #tpu.memory_space<vmem>>
      %dma_wait3A_1745 = tpu.memref_reshape %arg2 : memref<16x1000000xf32, #tpu.memory_space<hbm>> -> memref<2x8x1000000xf32, #tpu.memory_space<hbm>>
      %dma_wait3A_1746 = arith.constant 0 : i32
      %dma_wait3A_1747 = arith.constant 0 : i32
      %dma_wait3A_1748 = arith.constant 0 : i32
      %dma_wait3A_1749 = tpu.memref_slice %dma_wait3A_1745[%dma_wait3A_1746, %dma_wait3A_1747, %dma_wait3A_1748] : memref<2x8x1000000xf32, #tpu.memory_space<hbm>> -> memref<2x8x128xf32, #tpu.memory_space<hbm>>
      %dma_wait3A_1750 = arith.constant 0 : i32
      %dma_wait3A_1751 = arith.constant 0 : i32
      %dma_wait3A_1752 = arith.constant 0 : i32
      %dma_wait3A_1753 = tpu.memref_slice %arg9[%dma_wait3A_1738, %dma_wait3A_1739, %dma_wait3A_1750, %dma_wait3A_1751, %dma_wait3A_1752] : memref<4x4x2x8x128xf32, #tpu.memory_space<vmem>> -> memref<1x1x2x8x128xf32, #tpu.memory_space<vmem>>
      %dma_wait3A_1754 = tpu.memref_squeeze %dma_wait3A_1753 : memref<1x1x2x8x128xf32, #tpu.memory_space<vmem>> -> memref<2x8x128xf32, #tpu.memory_space<vmem>>
      %dma_wait3A_1755 = tpu.memref_reshape %arg2 : memref<16x1000000xf32, #tpu.memory_space<hbm>> -> memref<2x8x1000000xf32, #tpu.memory_space<hbm>>
      %dma_wait3A_1756 = arith.constant 0 : i32
      %dma_wait3A_1757 = arith.constant 0 : i32
      %dma_wait3A_1758 = arith.constant 0 : i32
      %dma_wait3A_1759 = tpu.memref_slice %dma_wait3A_1755[%dma_wait3A_1756, %dma_wait3A_1757, %dma_wait3A_1758] : memref<2x8x1000000xf32, #tpu.memory_space<hbm>> -> memref<2x8x128xf32, #tpu.memory_space<hbm>>
      tpu.wait_dma2 semaphore(%arg16 : memref<!tpu.dma_semaphore, #tpu.memory_space<semaphore_mem>>) src(%dma_wait3A_1759 : memref<2x8x128xf32, #tpu.memory_space<hbm>>) dst(%dma_wait3A_1754 : memref<2x8x128xf32, #tpu.memory_space<vmem>>)
      %dma_wait3A_1760 = arith.constant 3 : i32
      %dma_wait3A_1761 = arith.constant 3 : i32
      %dma_wait3A_1762 = arith.constant 0 : i32
      %dma_wait3A_1763 = arith.constant 0 : i32
      %dma_wait3A_1764 = arith.constant 0 : i32
      %dma_wait3A_1765 = tpu.memref_slice %arg10[%dma_wait3A_1760, %dma_wait3A_1761, %dma_wait3A_1762, %dma_wait3A_1763, %dma_wait3A_1764] : memref<4x4x2x8x128xf32, #tpu.memory_space<vmem>> -> memref<1x1x2x8x128xf32, #tpu.memory_space<vmem>>
      %dma_wait3A_1766 = tpu.memref_squeeze %dma_wait3A_1765 : memref<1x1x2x8x128xf32, #tpu.memory_space<vmem>> -> memref<2x8x128xf32, #tpu.memory_space<vmem>>
      %dma_wait3A_1767 = tpu.memref_reshape %arg3 : memref<16x1000000xf32, #tpu.memory_space<hbm>> -> memref<2x8x1000000xf32, #tpu.memory_space<hbm>>
      %dma_wait3A_1768 = arith.constant 0 : i32
      %dma_wait3A_1769 = arith.constant 0 : i32
      %dma_wait3A_1770 = arith.constant 0 : i32
      %dma_wait3A_1771 = tpu.memref_slice %dma_wait3A_1767[%dma_wait3A_1768, %dma_wait3A_1769, %dma_wait3A_1770] : memref<2x8x1000000xf32, #tpu.memory_space<hbm>> -> memref<2x8x128xf32, #tpu.memory_space<hbm>>
      %dma_wait3A_1772 = arith.constant 0 : i32
      %dma_wait3A_1773 = arith.constant 0 : i32
      %dma_wait3A_1774 = arith.constant 0 : i32
      %dma_wait3A_1775 = tpu.memref_slice %arg10[%dma_wait3A_1760, %dma_wait3A_1761, %dma_wait3A_1772, %dma_wait3A_1773, %dma_wait3A_1774] : memref<4x4x2x8x128xf32, #tpu.memory_space<vmem>> -> memref<1x1x2x8x128xf32, #tpu.memory_space<vmem>>
      %dma_wait3A_1776 = tpu.memref_squeeze %dma_wait3A_1775 : memref<1x1x2x8x128xf32, #tpu.memory_space<vmem>> -> memref<2x8x128xf32, #tpu.memory_space<vmem>>
      %dma_wait3A_1777 = tpu.memref_reshape %arg3 : memref<16x1000000xf32, #tpu.memory_space<hbm>> -> memref<2x8x1000000xf32, #tpu.memory_space<hbm>>
      %dma_wait3A_1778 = arith.constant 0 : i32
      %dma_wait3A_1779 = arith.constant 0 : i32
      %dma_wait3A_1780 = arith.constant 0 : i32
      %dma_wait3A_1781 = tpu.memref_slice %dma_wait3A_1777[%dma_wait3A_1778, %dma_wait3A_1779, %dma_wait3A_1780] : memref<2x8x1000000xf32, #tpu.memory_space<hbm>> -> memref<2x8x128xf32, #tpu.memory_space<hbm>>
      tpu.wait_dma2 semaphore(%arg16 : memref<!tpu.dma_semaphore, #tpu.memory_space<semaphore_mem>>) src(%dma_wait3A_1781 : memref<2x8x128xf32, #tpu.memory_space<hbm>>) dst(%dma_wait3A_1776 : memref<2x8x128xf32, #tpu.memory_space<vmem>>)
      %iota3A_1782 = tpu.iota {dimensions = array<i32: 0>} : vector<16xi32>
      %shift_right_arithmetic3A_1783 = arith.constant 3 : i32
      %shift_right_arithmetic3A_1784 = vector.broadcast %shift_right_arithmetic3A_1783 : i32 to vector<16xi32>
      %shift_right_arithmetic3A_1785 = arith.shrsi %iota3A_1782, %shift_right_arithmetic3A_1784 : vector<16xi32>
      %and3A_1786 = arith.constant 7 : i32
      %and3A_1787 = vector.broadcast %and3A_1786 : i32 to vector<16xi32>
      %and3A_1788 = arith.andi %iota3A_1782, %and3A_1787 : vector<16xi32>
      %get3A_1789 = arith.index_cast %mul3A_665 : i32 to index
      %get3A_1790 = tpu.vector_load %arg7[%get3A_1789] {strides = array<i32>} : memref<512xi32, #tpu.memory_space<vmem>>, vector<16xi32>,
      %and3A_1791 = arith.constant 127 : i32
      %and3A_1792 = vector.broadcast %and3A_1791 : i32 to vector<16xi32>
      %and3A_1793 = arith.andi %get3A_1790, %and3A_1792 : vector<16xi32>
      %get3A_1794 = arith.index_cast %mul3A_665 : i32 to index
      %get3A_1795 = tpu.vector_load %arg8[%get3A_1794] {strides = array<i32>} : memref<512xi32, #tpu.memory_space<vmem>>, vector<16xi32>,
      %and3A_1796 = arith.constant 127 : i32
      %and3A_1797 = vector.broadcast %and3A_1796 : i32 to vector<16xi32>
      %and3A_1798 = arith.andi %get3A_1795, %and3A_1797 : vector<16xi32>
      %slice3A_1799 = vector.extract_strided_slice %and3A_1793 {offsets = [12], sizes = [1], strides = [1]} : vector<16xi32> to vector<1xi32>
      %squeeze3A_1800 = vector.extract %slice3A_1799[0] : i32 from vector<1xi32>
      %broadcast_in_dim3A_1801 = vector.broadcast %squeeze3A_1800 : i32 to vector<16xi32>
      %slice3A_1802 = vector.extract_strided_slice %and3A_1798 {offsets = [12], sizes = [1], strides = [1]} : vector<16xi32> to vector<1xi32>
      %squeeze3A_1803 = vector.extract %slice3A_1802[0] : i32 from vector<1xi32>
      %broadcast_in_dim3A_1804 = vector.broadcast %squeeze3A_1803 : i32 to vector<16xi32>
      %gather3A_1805 = arith.constant 3 : i32
      %gather3A_1806 = arith.constant 0 : i32
      %gather3A_1807 = arith.constant 0 : i32
      %gather3A_1808 = arith.constant 0 : i32
      %gather3A_1809 = arith.constant 0 : i32
      %gather3A_1810 = tpu.memref_slice %arg9[%gather3A_1805, %gather3A_1806, %gather3A_1807, %gather3A_1808, %gather3A_1809] : memref<4x4x2x8x128xf32, #tpu.memory_space<vmem>> -> memref<1x1x2x8x128xf32, #tpu.memory_space<vmem>>
      %gather3A_1811 = tpu.memref_squeeze %gather3A_1810 : memref<1x1x2x8x128xf32, #tpu.memory_space<vmem>> -> memref<2x8x128xf32, #tpu.memory_space<vmem>>
      %gather3A_1812 = tpu.vector_load_idx %gather3A_1811[%shift_right_arithmetic3A_1785, %and3A_1788, %broadcast_in_dim3A_1801] : memref<2x8x128xf32, #tpu.memory_space<vmem>>[vector<16xi32>, vector<16xi32>, vector<16xi32>], vector<16xf32>,
      %gather3A_1813 = arith.constant 3 : i32
      %gather3A_1814 = arith.constant 0 : i32
      %gather3A_1815 = arith.constant 0 : i32
      %gather3A_1816 = arith.constant 0 : i32
      %gather3A_1817 = arith.constant 0 : i32
      %gather3A_1818 = tpu.memref_slice %arg10[%gather3A_1813, %gather3A_1814, %gather3A_1815, %gather3A_1816, %gather3A_1817] : memref<4x4x2x8x128xf32, #tpu.memory_space<vmem>> -> memref<1x1x2x8x128xf32, #tpu.memory_space<vmem>>
      %gather3A_1819 = tpu.memref_squeeze %gather3A_1818 : memref<1x1x2x8x128xf32, #tpu.memory_space<vmem>> -> memref<2x8x128xf32, #tpu.memory_space<vmem>>
      %gather3A_1820 = tpu.vector_load_idx %gather3A_1819[%shift_right_arithmetic3A_1785, %and3A_1788, %broadcast_in_dim3A_1804] : memref<2x8x128xf32, #tpu.memory_space<vmem>>[vector<16xi32>, vector<16xi32>, vector<16xi32>], vector<16xf32>,
      %mul3A_1821 = arith.mulf %gather3A_1812, %gather3A_1820 : vector<16xf32>
      %swap3A_1822 = arith.constant 12 : i32
      %swap3A_1823 = arith.index_cast %swap3A_1822 : i32 to index
      %swap3A_1824 = arith.constant 0 : index
      %swap3A_1825 = tpu.vector_load %arg11[%swap3A_1823, %swap3A_1824] {strides = array<i32>} : memref<16x16xf32, #tpu.memory_space<vmem>>, vector<16xf32>,
      tpu.vector_store %arg11[%swap3A_1823, %swap3A_1824], %mul3A_1821 {strides = array<i32>} : memref<16x16xf32, #tpu.memory_space<vmem>>, vector<16xf32>,
      %slice3A_1826 = vector.extract_strided_slice %and3A_1793 {offsets = [13], sizes = [1], strides = [1]} : vector<16xi32> to vector<1xi32>
      %squeeze3A_1827 = vector.extract %slice3A_1826[0] : i32 from vector<1xi32>
      %broadcast_in_dim3A_1828 = vector.broadcast %squeeze3A_1827 : i32 to vector<16xi32>
      %slice3A_1829 = vector.extract_strided_slice %and3A_1798 {offsets = [13], sizes = [1], strides = [1]} : vector<16xi32> to vector<1xi32>
      %squeeze3A_1830 = vector.extract %slice3A_1829[0] : i32 from vector<1xi32>
      %broadcast_in_dim3A_1831 = vector.broadcast %squeeze3A_1830 : i32 to vector<16xi32>
      %gather3A_1832 = arith.constant 3 : i32
      %gather3A_1833 = arith.constant 1 : i32
      %gather3A_1834 = arith.constant 0 : i32
      %gather3A_1835 = arith.constant 0 : i32
      %gather3A_1836 = arith.constant 0 : i32
      %gather3A_1837 = tpu.memref_slice %arg9[%gather3A_1832, %gather3A_1833, %gather3A_1834, %gather3A_1835, %gather3A_1836] : memref<4x4x2x8x128xf32, #tpu.memory_space<vmem>> -> memref<1x1x2x8x128xf32, #tpu.memory_space<vmem>>
      %gather3A_1838 = tpu.memref_squeeze %gather3A_1837 : memref<1x1x2x8x128xf32, #tpu.memory_space<vmem>> -> memref<2x8x128xf32, #tpu.memory_space<vmem>>
      %gather3A_1839 = tpu.vector_load_idx %gather3A_1838[%shift_right_arithmetic3A_1785, %and3A_1788, %broadcast_in_dim3A_1828] : memref<2x8x128xf32, #tpu.memory_space<vmem>>[vector<16xi32>, vector<16xi32>, vector<16xi32>], vector<16xf32>,
      %gather3A_1840 = arith.constant 3 : i32
      %gather3A_1841 = arith.constant 1 : i32
      %gather3A_1842 = arith.constant 0 : i32
      %gather3A_1843 = arith.constant 0 : i32
      %gather3A_1844 = arith.constant 0 : i32
      %gather3A_1845 = tpu.memref_slice %arg10[%gather3A_1840, %gather3A_1841, %gather3A_1842, %gather3A_1843, %gather3A_1844] : memref<4x4x2x8x128xf32, #tpu.memory_space<vmem>> -> memref<1x1x2x8x128xf32, #tpu.memory_space<vmem>>
      %gather3A_1846 = tpu.memref_squeeze %gather3A_1845 : memref<1x1x2x8x128xf32, #tpu.memory_space<vmem>> -> memref<2x8x128xf32, #tpu.memory_space<vmem>>
      %gather3A_1847 = tpu.vector_load_idx %gather3A_1846[%shift_right_arithmetic3A_1785, %and3A_1788, %broadcast_in_dim3A_1831] : memref<2x8x128xf32, #tpu.memory_space<vmem>>[vector<16xi32>, vector<16xi32>, vector<16xi32>], vector<16xf32>,
      %mul3A_1848 = arith.mulf %gather3A_1839, %gather3A_1847 : vector<16xf32>
      %swap3A_1849 = arith.constant 13 : i32
      %swap3A_1850 = arith.index_cast %swap3A_1849 : i32 to index
      %swap3A_1851 = arith.constant 0 : index
      %swap3A_1852 = tpu.vector_load %arg11[%swap3A_1850, %swap3A_1851] {strides = array<i32>} : memref<16x16xf32, #tpu.memory_space<vmem>>, vector<16xf32>,
      tpu.vector_store %arg11[%swap3A_1850, %swap3A_1851], %mul3A_1848 {strides = array<i32>} : memref<16x16xf32, #tpu.memory_space<vmem>>, vector<16xf32>,
      %slice3A_1853 = vector.extract_strided_slice %and3A_1793 {offsets = [14], sizes = [1], strides = [1]} : vector<16xi32> to vector<1xi32>
      %squeeze3A_1854 = vector.extract %slice3A_1853[0] : i32 from vector<1xi32>
      %broadcast_in_dim3A_1855 = vector.broadcast %squeeze3A_1854 : i32 to vector<16xi32>
      %slice3A_1856 = vector.extract_strided_slice %and3A_1798 {offsets = [14], sizes = [1], strides = [1]} : vector<16xi32> to vector<1xi32>
      %squeeze3A_1857 = vector.extract %slice3A_1856[0] : i32 from vector<1xi32>
      %broadcast_in_dim3A_1858 = vector.broadcast %squeeze3A_1857 : i32 to vector<16xi32>
      %gather3A_1859 = arith.constant 3 : i32
      %gather3A_1860 = arith.constant 2 : i32
      %gather3A_1861 = arith.constant 0 : i32
      %gather3A_1862 = arith.constant 0 : i32
      %gather3A_1863 = arith.constant 0 : i32
      %gather3A_1864 = tpu.memref_slice %arg9[%gather3A_1859, %gather3A_1860, %gather3A_1861, %gather3A_1862, %gather3A_1863] : memref<4x4x2x8x128xf32, #tpu.memory_space<vmem>> -> memref<1x1x2x8x128xf32, #tpu.memory_space<vmem>>
      %gather3A_1865 = tpu.memref_squeeze %gather3A_1864 : memref<1x1x2x8x128xf32, #tpu.memory_space<vmem>> -> memref<2x8x128xf32, #tpu.memory_space<vmem>>
      %gather3A_1866 = tpu.vector_load_idx %gather3A_1865[%shift_right_arithmetic3A_1785, %and3A_1788, %broadcast_in_dim3A_1855] : memref<2x8x128xf32, #tpu.memory_space<vmem>>[vector<16xi32>, vector<16xi32>, vector<16xi32>], vector<16xf32>,
      %gather3A_1867 = arith.constant 3 : i32
      %gather3A_1868 = arith.constant 2 : i32
      %gather3A_1869 = arith.constant 0 : i32
      %gather3A_1870 = arith.constant 0 : i32
      %gather3A_1871 = arith.constant 0 : i32
      %gather3A_1872 = tpu.memref_slice %arg10[%gather3A_1867, %gather3A_1868, %gather3A_1869, %gather3A_1870, %gather3A_1871] : memref<4x4x2x8x128xf32, #tpu.memory_space<vmem>> -> memref<1x1x2x8x128xf32, #tpu.memory_space<vmem>>
      %gather3A_1873 = tpu.memref_squeeze %gather3A_1872 : memref<1x1x2x8x128xf32, #tpu.memory_space<vmem>> -> memref<2x8x128xf32, #tpu.memory_space<vmem>>
      %gather3A_1874 = tpu.vector_load_idx %gather3A_1873[%shift_right_arithmetic3A_1785, %and3A_1788, %broadcast_in_dim3A_1858] : memref<2x8x128xf32, #tpu.memory_space<vmem>>[vector<16xi32>, vector<16xi32>, vector<16xi32>], vector<16xf32>,
      %mul3A_1875 = arith.mulf %gather3A_1866, %gather3A_1874 : vector<16xf32>
      %swap3A_1876 = arith.constant 14 : i32
      %swap3A_1877 = arith.index_cast %swap3A_1876 : i32 to index
      %swap3A_1878 = arith.constant 0 : index
      %swap3A_1879 = tpu.vector_load %arg11[%swap3A_1877, %swap3A_1878] {strides = array<i32>} : memref<16x16xf32, #tpu.memory_space<vmem>>, vector<16xf32>,
      tpu.vector_store %arg11[%swap3A_1877, %swap3A_1878], %mul3A_1875 {strides = array<i32>} : memref<16x16xf32, #tpu.memory_space<vmem>>, vector<16xf32>,
      %slice3A_1880 = vector.extract_strided_slice %and3A_1793 {offsets = [15], sizes = [1], strides = [1]} : vector<16xi32> to vector<1xi32>
      %squeeze3A_1881 = vector.extract %slice3A_1880[0] : i32 from vector<1xi32>
      %broadcast_in_dim3A_1882 = vector.broadcast %squeeze3A_1881 : i32 to vector<16xi32>
      %slice3A_1883 = vector.extract_strided_slice %and3A_1798 {offsets = [15], sizes = [1], strides = [1]} : vector<16xi32> to vector<1xi32>
      %squeeze3A_1884 = vector.extract %slice3A_1883[0] : i32 from vector<1xi32>
      %broadcast_in_dim3A_1885 = vector.broadcast %squeeze3A_1884 : i32 to vector<16xi32>
      %gather3A_1886 = arith.constant 3 : i32
      %gather3A_1887 = arith.constant 3 : i32
      %gather3A_1888 = arith.constant 0 : i32
      %gather3A_1889 = arith.constant 0 : i32
      %gather3A_1890 = arith.constant 0 : i32
      %gather3A_1891 = tpu.memref_slice %arg9[%gather3A_1886, %gather3A_1887, %gather3A_1888, %gather3A_1889, %gather3A_1890] : memref<4x4x2x8x128xf32, #tpu.memory_space<vmem>> -> memref<1x1x2x8x128xf32, #tpu.memory_space<vmem>>
      %gather3A_1892 = tpu.memref_squeeze %gather3A_1891 : memref<1x1x2x8x128xf32, #tpu.memory_space<vmem>> -> memref<2x8x128xf32, #tpu.memory_space<vmem>>
      %gather3A_1893 = tpu.vector_load_idx %gather3A_1892[%shift_right_arithmetic3A_1785, %and3A_1788, %broadcast_in_dim3A_1882] : memref<2x8x128xf32, #tpu.memory_space<vmem>>[vector<16xi32>, vector<16xi32>, vector<16xi32>], vector<16xf32>,
      %gather3A_1894 = arith.constant 3 : i32
      %gather3A_1895 = arith.constant 3 : i32
      %gather3A_1896 = arith.constant 0 : i32
      %gather3A_1897 = arith.constant 0 : i32
      %gather3A_1898 = arith.constant 0 : i32
      %gather3A_1899 = tpu.memref_slice %arg10[%gather3A_1894, %gather3A_1895, %gather3A_1896, %gather3A_1897, %gather3A_1898] : memref<4x4x2x8x128xf32, #tpu.memory_space<vmem>> -> memref<1x1x2x8x128xf32, #tpu.memory_space<vmem>>
      %gather3A_1900 = tpu.memref_squeeze %gather3A_1899 : memref<1x1x2x8x128xf32, #tpu.memory_space<vmem>> -> memref<2x8x128xf32, #tpu.memory_space<vmem>>
      %gather3A_1901 = tpu.vector_load_idx %gather3A_1900[%shift_right_arithmetic3A_1785, %and3A_1788, %broadcast_in_dim3A_1885] : memref<2x8x128xf32, #tpu.memory_space<vmem>>[vector<16xi32>, vector<16xi32>, vector<16xi32>], vector<16xf32>,
      %mul3A_1902 = arith.mulf %gather3A_1893, %gather3A_1901 : vector<16xf32>
      %swap3A_1903 = arith.constant 15 : i32
      %swap3A_1904 = arith.index_cast %swap3A_1903 : i32 to index
      %swap3A_1905 = arith.constant 0 : index
      %swap3A_1906 = tpu.vector_load %arg11[%swap3A_1904, %swap3A_1905] {strides = array<i32>} : memref<16x16xf32, #tpu.memory_space<vmem>>, vector<16xf32>,
      tpu.vector_store %arg11[%swap3A_1904, %swap3A_1905], %mul3A_1902 {strides = array<i32>} : memref<16x16xf32, #tpu.memory_space<vmem>>, vector<16xf32>,
      %iota3A_1907 = tpu.iota {dimensions = array<i32: 0>} : vector<16xi32>
      %broadcast_in_dim3A_1908 = arith.constant 0.000000e+00 : f32
      %broadcast_in_dim3A_1909 = vector.broadcast %broadcast_in_dim3A_1908 : f32 to vector<16xf32>
      %broadcast_in_dim3A_1910 = arith.constant 0 : i32
      %broadcast_in_dim3A_1911 = vector.broadcast %broadcast_in_dim3A_1910 : i32 to vector<16xi32>
      %gather3A_1912 = tpu.vector_load_idx %arg11[%iota3A_1907, %broadcast_in_dim3A_1911] : memref<16x16xf32, #tpu.memory_space<vmem>>[vector<16xi32>, vector<16xi32>], vector<16xf32>,
      %add3A_1913 = arith.addf %broadcast_in_dim3A_1909, %gather3A_1912 : vector<16xf32>
      %broadcast_in_dim3A_1914 = arith.constant 1 : i32
      %broadcast_in_dim3A_1915 = vector.broadcast %broadcast_in_dim3A_1914 : i32 to vector<16xi32>
      %gather3A_1916 = tpu.vector_load_idx %arg11[%iota3A_1907, %broadcast_in_dim3A_1915] : memref<16x16xf32, #tpu.memory_space<vmem>>[vector<16xi32>, vector<16xi32>], vector<16xf32>,
      %add3A_1917 = arith.addf %add3A_1913, %gather3A_1916 : vector<16xf32>
      %broadcast_in_dim3A_1918 = arith.constant 2 : i32
      %broadcast_in_dim3A_1919 = vector.broadcast %broadcast_in_dim3A_1918 : i32 to vector<16xi32>
      %gather3A_1920 = tpu.vector_load_idx %arg11[%iota3A_1907, %broadcast_in_dim3A_1919] : memref<16x16xf32, #tpu.memory_space<vmem>>[vector<16xi32>, vector<16xi32>], vector<16xf32>,
      %add3A_1921 = arith.addf %add3A_1917, %gather3A_1920 : vector<16xf32>
      %broadcast_in_dim3A_1922 = arith.constant 3 : i32
      %broadcast_in_dim3A_1923 = vector.broadcast %broadcast_in_dim3A_1922 : i32 to vector<16xi32>
      %gather3A_1924 = tpu.vector_load_idx %arg11[%iota3A_1907, %broadcast_in_dim3A_1923] : memref<16x16xf32, #tpu.memory_space<vmem>>[vector<16xi32>, vector<16xi32>], vector<16xf32>,
      %add3A_1925 = arith.addf %add3A_1921, %gather3A_1924 : vector<16xf32>
      %broadcast_in_dim3A_1926 = arith.constant 4 : i32
      %broadcast_in_dim3A_1927 = vector.broadcast %broadcast_in_dim3A_1926 : i32 to vector<16xi32>
      %gather3A_1928 = tpu.vector_load_idx %arg11[%iota3A_1907, %broadcast_in_dim3A_1927] : memref<16x16xf32, #tpu.memory_space<vmem>>[vector<16xi32>, vector<16xi32>], vector<16xf32>,
      %add3A_1929 = arith.addf %add3A_1925, %gather3A_1928 : vector<16xf32>
      %broadcast_in_dim3A_1930 = arith.constant 5 : i32
      %broadcast_in_dim3A_1931 = vector.broadcast %broadcast_in_dim3A_1930 : i32 to vector<16xi32>
      %gather3A_1932 = tpu.vector_load_idx %arg11[%iota3A_1907, %broadcast_in_dim3A_1931] : memref<16x16xf32, #tpu.memory_space<vmem>>[vector<16xi32>, vector<16xi32>], vector<16xf32>,
      %add3A_1933 = arith.addf %add3A_1929, %gather3A_1932 : vector<16xf32>
      %broadcast_in_dim3A_1934 = arith.constant 6 : i32
      %broadcast_in_dim3A_1935 = vector.broadcast %broadcast_in_dim3A_1934 : i32 to vector<16xi32>
      %gather3A_1936 = tpu.vector_load_idx %arg11[%iota3A_1907, %broadcast_in_dim3A_1935] : memref<16x16xf32, #tpu.memory_space<vmem>>[vector<16xi32>, vector<16xi32>], vector<16xf32>,
      %add3A_1937 = arith.addf %add3A_1933, %gather3A_1936 : vector<16xf32>
      %broadcast_in_dim3A_1938 = arith.constant 7 : i32
      %broadcast_in_dim3A_1939 = vector.broadcast %broadcast_in_dim3A_1938 : i32 to vector<16xi32>
      %gather3A_1940 = tpu.vector_load_idx %arg11[%iota3A_1907, %broadcast_in_dim3A_1939] : memref<16x16xf32, #tpu.memory_space<vmem>>[vector<16xi32>, vector<16xi32>], vector<16xf32>,
      %add3A_1941 = arith.addf %add3A_1937, %gather3A_1940 : vector<16xf32>
      %broadcast_in_dim3A_1942 = arith.constant 8 : i32
      %broadcast_in_dim3A_1943 = vector.broadcast %broadcast_in_dim3A_1942 : i32 to vector<16xi32>
      %gather3A_1944 = tpu.vector_load_idx %arg11[%iota3A_1907, %broadcast_in_dim3A_1943] : memref<16x16xf32, #tpu.memory_space<vmem>>[vector<16xi32>, vector<16xi32>], vector<16xf32>,
      %add3A_1945 = arith.addf %add3A_1941, %gather3A_1944 : vector<16xf32>
      %broadcast_in_dim3A_1946 = arith.constant 9 : i32
      %broadcast_in_dim3A_1947 = vector.broadcast %broadcast_in_dim3A_1946 : i32 to vector<16xi32>
      %gather3A_1948 = tpu.vector_load_idx %arg11[%iota3A_1907, %broadcast_in_dim3A_1947] : memref<16x16xf32, #tpu.memory_space<vmem>>[vector<16xi32>, vector<16xi32>], vector<16xf32>,
      %add3A_1949 = arith.addf %add3A_1945, %gather3A_1948 : vector<16xf32>
      %broadcast_in_dim3A_1950 = arith.constant 10 : i32
      %broadcast_in_dim3A_1951 = vector.broadcast %broadcast_in_dim3A_1950 : i32 to vector<16xi32>
      %gather3A_1952 = tpu.vector_load_idx %arg11[%iota3A_1907, %broadcast_in_dim3A_1951] : memref<16x16xf32, #tpu.memory_space<vmem>>[vector<16xi32>, vector<16xi32>], vector<16xf32>,
      %add3A_1953 = arith.addf %add3A_1949, %gather3A_1952 : vector<16xf32>
      %broadcast_in_dim3A_1954 = arith.constant 11 : i32
      %broadcast_in_dim3A_1955 = vector.broadcast %broadcast_in_dim3A_1954 : i32 to vector<16xi32>
      %gather3A_1956 = tpu.vector_load_idx %arg11[%iota3A_1907, %broadcast_in_dim3A_1955] : memref<16x16xf32, #tpu.memory_space<vmem>>[vector<16xi32>, vector<16xi32>], vector<16xf32>,
      %add3A_1957 = arith.addf %add3A_1953, %gather3A_1956 : vector<16xf32>
      %broadcast_in_dim3A_1958 = arith.constant 12 : i32
      %broadcast_in_dim3A_1959 = vector.broadcast %broadcast_in_dim3A_1958 : i32 to vector<16xi32>
      %gather3A_1960 = tpu.vector_load_idx %arg11[%iota3A_1907, %broadcast_in_dim3A_1959] : memref<16x16xf32, #tpu.memory_space<vmem>>[vector<16xi32>, vector<16xi32>], vector<16xf32>,
      %add3A_1961 = arith.addf %add3A_1957, %gather3A_1960 : vector<16xf32>
      %broadcast_in_dim3A_1962 = arith.constant 13 : i32
      %broadcast_in_dim3A_1963 = vector.broadcast %broadcast_in_dim3A_1962 : i32 to vector<16xi32>
      %gather3A_1964 = tpu.vector_load_idx %arg11[%iota3A_1907, %broadcast_in_dim3A_1963] : memref<16x16xf32, #tpu.memory_space<vmem>>[vector<16xi32>, vector<16xi32>], vector<16xf32>,
      %add3A_1965 = arith.addf %add3A_1961, %gather3A_1964 : vector<16xf32>
      %broadcast_in_dim3A_1966 = arith.constant 14 : i32
      %broadcast_in_dim3A_1967 = vector.broadcast %broadcast_in_dim3A_1966 : i32 to vector<16xi32>
      %gather3A_1968 = tpu.vector_load_idx %arg11[%iota3A_1907, %broadcast_in_dim3A_1967] : memref<16x16xf32, #tpu.memory_space<vmem>>[vector<16xi32>, vector<16xi32>], vector<16xf32>,
      %add3A_1969 = arith.addf %add3A_1965, %gather3A_1968 : vector<16xf32>
      %broadcast_in_dim3A_1970 = arith.constant 15 : i32
      %broadcast_in_dim3A_1971 = vector.broadcast %broadcast_in_dim3A_1970 : i32 to vector<16xi32>
      %gather3A_1972 = tpu.vector_load_idx %arg11[%iota3A_1907, %broadcast_in_dim3A_1971] : memref<16x16xf32, #tpu.memory_space<vmem>>[vector<16xi32>, vector<16xi32>], vector<16xf32>,
      %add3A_1973 = arith.addf %add3A_1969, %gather3A_1972 : vector<16xf32>
      %mul3A_1974 = arith.constant 16 : i32
      %mul3A_1975 = arith.muli %scan3A_662, %mul3A_1974 : i32
      %swap3A_1976 = arith.index_cast %mul3A_1975 : i32 to index
      %swap3A_1977 = tpu.vector_load %arg12[%swap3A_1976] {strides = array<i32>} : memref<512xf32, #tpu.memory_space<vmem>>, vector<16xf32>,
      tpu.vector_store %arg12[%swap3A_1976], %add3A_1973 {strides = array<i32>} : memref<512xf32, #tpu.memory_space<vmem>>, vector<16xf32>,
      %scan3A_1978 = arith.constant 0 : i32
      scf.yield %scan3A_1978 : i32
    }
    %scan3A_661 = arith.constant 32 : i32
    "tpu.region"() ({
      %run_scoped3A = tpu.sem_alloc : memref<!tpu.dma_semaphore, #tpu.memory_space<semaphore_mem>>
      %dma_start3A_662 = tpu.memref_slice %arg6[%mul3A_2] : memref<16384xf32, #tpu.memory_space<hbm>> -> memref<512xf32, #tpu.memory_space<hbm>>
      %dma_start3A_663 = tpu.memref_slice %arg6[%mul3A_2] : memref<16384xf32, #tpu.memory_space<hbm>> -> memref<512xf32, #tpu.memory_space<hbm>>
      tpu.enqueue_dma source(%arg12 : memref<512xf32, #tpu.memory_space<vmem>>) target(%dma_start3A_663 : memref<512xf32, #tpu.memory_space<hbm>>) target_semaphore(%run_scoped3A : memref<!tpu.dma_semaphore, #tpu.memory_space<semaphore_mem>>)
      %dma_wait3A = tpu.memref_slice %arg6[%mul3A_2] : memref<16384xf32, #tpu.memory_space<hbm>> -> memref<512xf32, #tpu.memory_space<hbm>>
      %dma_wait3A_664 = tpu.memref_slice %arg6[%mul3A_2] : memref<16384xf32, #tpu.memory_space<hbm>> -> memref<512xf32, #tpu.memory_space<hbm>>
      tpu.wait_dma2 semaphore(%run_scoped3A : memref<!tpu.dma_semaphore, #tpu.memory_space<semaphore_mem>>) src(%arg12 : memref<512xf32, #tpu.memory_space<vmem>>) dst(%dma_wait3A_664 : memref<512xf32, #tpu.memory_space<hbm>>)
      tpu.yield
    }) : () -> ()
    return
  }
}

</mosaic_0001>

<sc_bundles>
// kernel: kernel.3.cloned.1.call-start
scs
__scs_entry_jumppad:
0x0: {  	(pc) =	sbr.rel $0x88, $3  }
0x1: {  	(tag) =	ssettag $0x0;
	lr =	simm.s32 $0x1  }
0x2: {  	[smem:$0x3F9E] =	sst lr;
	_ =	strace $0xD0000000  }
0x3: {  	_ = 	snop  }
0x4: {  	_ = 	snop  }
0x5: {  	_ = 	snop  }
0x6: {  	_ = 	snop  }
0x7: {  	_ = 	snop  }
__scs_overlays_trampoline_lowered:
0x8: {  	[smem:$0x3FAD] =	sst s0  }
0x9: {  	[smem:$0x3FAE] =	sst s1  }
0xa: {  	[smem:$0x3FAF] =	sst s2  }
0xb: {  	[smem:$0x3FB0] =	sst s3  }
0xc: {  	[smem:$0x3FB1] =	sst s4  }
0xd: {  	[smem:$0x3FB2] =	sst s5  }
0xe: {  	[smem:$0x3FB3] =	sst s6  }
0xf: {  	[smem:$0x3FB4] =	sst s7  }
0x10: {  	[smem:$0x3FB5] =	sst s8  }
0x11: {  	[smem:$0x3FB6] =	sst s9;
	s0 =	simm.s32 @!p0 $0x0  }
0x12: {  	s1 =	sld [smem:$0x3F9C];
	s0 =	simm.s32 @p0 $0x1  }
0x13: {  	[smem:$0x3FB7] =	sst s0;
	s0 =	simm.s32 @!p1 $0x0  }
0x14: {  	s2 =	sld [smem:$0x3F9B];
	s0 =	simm.s32 @p1 $0x1  }
0x15: {  	[smem:$0x3FB8] =	sst s0;
	s0 =	simm.s32 @!p2 $0x0  }
0x16: {  	s3 =	sld [smem:$0x3FDB];
	s0 =	simm.s32 @p2 $0x1  }
0x17: {  	s4 =	simm.s32 $0x1BF5;
	[smem:$0x3FBA] =	sst s0  }
0x18: {  	s0 =	sld [smem:$0x3F9D];
	_ =	swait.ge [sflag:s4], $0x0  }
0x19: {  	s7 =	sld [smem:$0x3F9E]  }
0x1a: {  	s8 =	sadd.s32 $0xFFFFE003, lr  }
0x1b: {  	s9 =	sadd.s32 $0xFFFFFEF7, lr;
	s5 =	simm.s32 $0xFFFFFFFF;
	p2 =	slt.u32 s8, $0xFFFFF086  }
0x1c: {  	p1 =	slt.u32 s9, $0xF7A;
	s5 =	simm.s32 @!p2 $0x0  }
0x1d: {  	s5 =	simm.s32 @p1 $0x1;
	p0 =	seq.s32 s7, s2  }
0x1e: {  	s7 =	smul.u32 @!p0 $0xF7A, s2;
	p2 =	seq.s32 @!p0 s5, $0x0  }
0x1f: {  	s9 =	smul.u32 $0xF7A, s1;
	s8 =	simm.s32 @!p0 $0x1BF5;
	p2 =	por !p2, p0  }
0x20: {  	[sflag:s8] =	ssyncset.s32 @!p0 $0xFFFFF086;
	s6 =	sadd.s32 @!p0 s3, s7;
	s7 =	simm.s32 @!p0 $0x108  }
0x21: {  	s3 =	sadd.s32 s3, s9;
	s6 =	sadd.s32 @!p0 $0x88, s6;
	s7 =	simm.s32 @p2 $0x1082  }
0x22: {  	[simem:s7], [sflag:s8] =	dma.local @!p0 [hbm:s6], $0xF7A  }
0x23: {  	s9 =	sor.u32 $0xD0000000, s2;
	s6 =	simm.s32 $0x108;
	_ =	swait.ge @!p0 [sflag:s8], $0x0  }
0x24: {  	s3 =	sadd.s32 $0x88, s3;
	s6 =	simm.s32 @!p1 $0x1082;
	[sflag:s4] =	ssyncset.s32 $0xFFFFF086  }
0x25: {  	[simem:s6], [sflag:s4] =	dma.local [hbm:s3], $0xF7A  }
0x26: {  	[smem:$0x3F9E] =	sst s1;
	(tag) =	ssettag s2;
	_ =	strace s9  }
0x27: {  	s1 =	sld [smem:$0x3FAE]  }
0x28: {  	s2 =	sld [smem:$0x3FAF]  }
0x29: {  	s4 =	sld [smem:$0x3FB1]  }
0x2a: {  	p0 =	seq.s32 s5, $0x0;
	s5 =	sld [smem:$0x3FB2]  }
0x2b: {  	s6 =	sld [smem:$0x3FB3]  }
0x2c: {  	s7 =	sld [smem:$0x3FB4]  }
0x2d: {  	s3 =	simm.s32 $0x108;
	s8 =	sld [smem:$0x3FB5]  }
0x2e: {  	s3 =	simm.s32 @!p0 $0x1082;
	s9 =	sld [smem:$0x3FB6]  }
0x2f: {  	lr =	sadd.s32 s0, s3;
	s0 =	sld [smem:$0x3FAD]  }
0x30: {  	s3 =	sld [smem:$0x3FB0]  }
0x31: {  	[smem:$0x3FB9] =	sst s10  }
0x32: {  	s10 =	sld [smem:$0x3FB7];
	_ =	sdelay $0x3  }
0x33: {  	p0 =	seq.s32 s10, $0x1;
	s10 =	sld [smem:$0x3FB9];
	_ =	sdelay $0x3  }
0x34: {  	[smem:$0x3FB9] =	sst s10  }
0x35: {  	s10 =	sld [smem:$0x3FB8];
	_ =	sdelay $0x3  }
0x36: {  	p1 =	seq.s32 s10, $0x1;
	s10 =	sld [smem:$0x3FB9];
	_ =	sdelay $0x3  }
0x37: {  	[smem:$0x3FB9] =	sst s10  }
0x38: {  	s10 =	sld [smem:$0x3FBA]  }
0x39: {  	_ = 	snop;
	(pc) =	sbr.ind lr, $3  }
0x3a: {  	_ = 	snop  }
0x3b: {  	_ = 	snop  }
0x3c: {  	p2 =	seq.s32 s10, $0x1;
	s10 =	sld [smem:$0x3FB9]  }
0x3d: {  	_ =	shalt  }
0x3e: {  	_ =	shalt  }
0x3f: {  	_ =	shalt  }
0x40: {  	_ =	shalt  }
0x41: {  	_ =	shalt  }
0x42: {  	_ =	shalt  }
0x43: {  	_ =	shalt  }
0x44: {  	_ =	shalt  }
0x45: {  	_ =	shalt  }
0x46: {  	_ =	shalt  }
0x47: {  	_ =	shalt  }
0x48: {  	_ =	shalt  }
0x49: {  	_ =	shalt  }
0x4a: {  	_ =	shalt  }
0x4b: {  	_ =	shalt  }
0x4c: {  	_ =	shalt  }
0x4d: {  	_ =	shalt  }
0x4e: {  	_ =	shalt  }
0x4f: {  	_ =	shalt  }
0x50: {  	_ =	shalt  }
0x51: {  	_ =	shalt  }
0x52: {  	_ =	shalt  }
0x53: {  	_ =	shalt  }
0x54: {  	_ =	shalt  }
0x55: {  	_ =	shalt  }
0x56: {  	_ =	shalt  }
0x57: {  	_ =	shalt  }
0x58: {  	_ =	shalt  }
0x59: {  	_ =	shalt  }
0x5a: {  	_ =	shalt  }
0x5b: {  	_ =	shalt  }
0x5c: {  	_ =	shalt  }
0x5d: {  	_ =	shalt  }
0x5e: {  	_ =	shalt  }
0x5f: {  	_ =	shalt  }
0x60: {  	_ =	shalt  }
0x61: {  	_ =	shalt  }
0x62: {  	_ =	shalt  }
0x63: {  	_ =	shalt  }
0x64: {  	_ =	shalt  }
0x65: {  	_ =	shalt  }
0x66: {  	_ =	shalt  }
0x67: {  	_ =	shalt  }
0x68: {  	_ =	shalt  }
0x69: {  	_ =	shalt  }
0x6a: {  	_ =	shalt  }
0x6b: {  	_ =	shalt  }
0x6c: {  	_ =	shalt  }
0x6d: {  	_ =	shalt  }
0x6e: {  	_ =	shalt  }
0x6f: {  	_ =	shalt  }
0x70: {  	_ =	shalt  }
0x71: {  	_ =	shalt  }
0x72: {  	_ =	shalt  }
0x73: {  	_ =	shalt  }
0x74: {  	_ =	shalt  }
0x75: {  	_ =	shalt  }
0x76: {  	_ =	shalt  }
0x77: {  	_ =	shalt  }
0x78: {  	_ =	shalt  }
0x79: {  	_ =	shalt  }
0x7a: {  	_ =	shalt  }
0x7b: {  	_ =	shalt  }
0x7c: {  	_ =	shalt  }
0x7d: {  	_ =	shalt  }
0x7e: {  	_ =	shalt  }
0x7f: {  	_ =	shalt  }
0x80: {  	_ =	shalt  }
0x81: {  	_ =	shalt  }
0x82: {  	_ =	shalt  }
0x83: {  	_ =	shalt  }
0x84: {  	_ =	shalt  }
0x85: {  	_ =	shalt  }
0x86: {  	_ =	shalt  }
0x87: {  	_ =	shalt  }
.Lfunc_end0:
.L_simem_size_0:
called_computation_lowered:
.L_overlay_start_0:
0x88: {  	s2 =	sld [smem:$0x3FD9]  }
0x89: {  	s3 =	sld [smem:$0x3FFE];
	_ =	sdelay $0x1  }
0x8a: {  	s1 =	srdreg.scid  }
0x8b: {  	s0 =	sand.u32 $0x1, s1  }
0x8c: {  	s17 =	sshll.u32 s0, $0xA;
	s2 =	sadd.s32 s3, s2  }
0x8d: {  	s2 =	sadd.s32 s2, s17  }
0x8e: {  	[smem:$0x3FC5] =	sst s2  }
0x8f: {  	_ = 	snop  }
0x90: {  	s2 =	sld [smem:$0x3FC9]  }
0x91: {  	s18 =	sld [smem:$0x3FC8]  }
0x92: {  	s4 =	sld [smem:$0x3FD0];
	(tm) =	ssettm $0x1  }
0x93: {  	s5 =	sld [smem:$0x3FFB];
	_ =	sdelay $0x3  }
0x94: {  	_ =	strace s5  }
0x95: {  	s5 =	sld [smem:$0x3FFC];
	_ =	sdelay $0x3  }
0x96: {  	_ =	strace s5  }
0x97: {  	s5 =	sld [smem:$0x3FFD];
	_ =	sdelay $0x3  }
0x98: {  	_ =	strace s5  }
0x99: {  	_ =	strace $0x8FFFFFFF  }
0x9a: {  	s19 =	sld [smem:$0x3FDB];
	_ =	sdelay $0x1  }
0x9b: {  	s6 =	simm.s32 $_scs_section_size  }
0x9c: {  	s7 =	simm.s32 $_size__tile_overlayer_lowered;
	s8 =	simm.s32 $_tile_overlayer_lowered  }
0x9d: {  	s22 =	simm.s32 $0x1BFF;
	s21 =	sshll.u32 s8, $0x1;
	s5 =	sadd.s32 s6, s19  }
0x9e: {  	s9 =	simm.s32 $0x0;
	s20 =	sshll.u32 s7, $0x1;
	s7 =	sadd.s32 s21, s5  }
0x9f: {  	[timem:s9], [sflag:s22] =	dma.local [hbm:s7], s20  }
0xa0: {  	_ =	swait.ge [sflag:s22], s20  }
0xa1: {  	s6 =	ssub.s32 $0x0, s20;
	[sflag:s22] =	ssyncset.done $0x0  }
0xa2: {  	[sflag:s22] =	ssyncadd.s32 s6;
	_ =	sdelay $0x1  }
0xa3: {  	s23 =	simm.s32 $0x1B8B  }
0xa4: {  	_ =	swait.ge [sflag:s23], $0x1  }
0xa5: {  	[sflag:s23] =	ssyncset.done $0x0  }
0xa6: {  	s25 =	simm.s32 $0x1B8E;
	s24 =	sld [smem:$0x3FFE];
	[sflag:s23] =	ssyncadd.s32 $0xFFFFFFFF  }
0xa7: {  	s26 =	simm.s32 $execute0_lowered;
	[smem:$0x3FD2] =	sst s25  }
0xa8: {  	s7 =	sshll.u32 s26, $0x1;
	_ =	strace $0x80000046;
	[dreg:$0x1] =	wrdreg $0xFFFFFFFF  }
0xa9: {  	s28 =	simm.s32 $_size_execute0_lowered;
	s5 =	sadd.s32 s5, s7;
	[dreg:$0x0] =	wrdreg $0x0  }
0xaa: {  	s7 =	sshll.u32 s28, $0x1;
	[dreg:$0x2] =	wrdreg s5  }
0xab: {  	[dreg:$0x3] =	wrdreg s7  }
0xac: {  	[dreg:$0x4] =	wrdreg $0xC0  }
0xad: {  	_ =	task [dreg:s9], $0x5FFFF  }
0xae: {  	[dreg:$0x1] =	wrdreg $0xFFFFFFFF  }
0xaf: {  	[dreg:$0x0] =	wrdreg $0x60  }
0xb0: {  	[dreg:$0x2] =	wrdreg s2  }
0xb1: {  	[dreg:$0x3] =	wrdreg s18  }
0xb2: {  	[dreg:$0x4] =	wrdreg s24  }
0xb3: {  	[dreg:$0x5] =	wrdreg s4  }
0xb4: {  	[dreg:$0x6] =	wrdreg $0x9  }
0xb5: {  	_ =	task.clear_ibuf [dreg:s9], $0x7FFFF;
	_ =	strace $0x90000046  }
0xb6: {  	s29 =	simm.s32 $0x9;
	_ =	strace $0x80000048  }
0xb7: {  	_ =	swait.ge [sflag:s29], $0x1  }
0xb8: {  	[sflag:s29] =	ssyncadd.s32 $0xFFFFFFFF  }
0xb9: {  	_ =	strace $0x90000048  }
0xba: {  	_ =	sfence  }
0xbb: {  	s30 =	sld [smem:$0x0];
	_ =	sdelay $0x2  }
0xbc: {  	s31 =	sshll.u32 s1, $0xD;
	s1 =	sshrl.u32 s1, $0x2  }
0xbd: {  	s3 =	sand.u32 $0x4000, s31;
	s1 =	sadd.s32 s1, s30  }
0xbe: {  	s0 =	sor.u32 s3, s0;
	s1 =	sshll.u32 s1, $0x11  }
0xbf: {  	s0 =	sor.u32 s1, s0  }
0xc0: {  	s0 =	sadd.s32 $0x8F2B, s0  }
0xc1: {  	[sflag:s0] =	ssyncadd.remote.s32 $0x1  }
0xc2: {  	_ =	sfence.sel $0xFFFF  }
0xc3: {  	[dreg:$0x0] =	wrdreg $0xFFFFFFFF;
	(pc) =	sbr.abs _section_cstart, $3  }
0xc4: {  	[dreg:$0x1] =	wrdreg $0xFFFFFFFF  }
0xc5: {  	_ =	task.clear_ibuf [dreg:s9], $0x2FFFF;
	_ =	strace $0x9FFFFFFF  }
0xc6: {  	(tm) =	ssettm $0x7FFFFFFF  }
0xc7: {  	_ =	shalt  }
tec
execute0_lowered:
.L_overlay_start_1:
0x0: {  	(tag) =	ssettag $0x1  }
0x1: {  	s0 =	rddreg [dreg:$0x0]  }
0x2: {  	s3 =	rddreg [dreg:$0x1]  }
0x3: {  	s1 =	rddreg [dreg:$0x2];
	s2 =	srdreg.scid  }
0x4: {  	s4 =	rddreg [dreg:$0x3];
	s5 =	stileid.u32  }
0x5: {  	s22 =	simm.s32 $0x0;
	s11 =	simm.s32 $0x7A1400;
	s12 =	simm.s32 $0x400  }
0x6: {  	s28 =	simm.s32 $0xC00;
	s29 =	simm.s32 $0x8C00;
	s7 =	simm.s32 $0x6400  }
0x7: {  	s8 =	simm.s32 $0xE400;
	s9 =	simm.s32 $0xEC00;
	s13 =	simm.s32 $0x7400  }
0x8: {  	s14 =	simm.s32 $0xF400;
	s15 =	simm.s32 $0x7C00;
	s16 =	simm.s32 $0xFC00  }
0x9: {  	s17 =	simm.s32 $0x1;
	s18 =	simm.s32 $0x2;
	s19 =	simm.s32 $0x3  }
0xa: {  	s20 =	simm.s32 $0x4;
	s21 =	simm.s32 $0x10400;
	s30 =	simm.s32 $0x4C00  }
0xb: {  	s31 =	simm.s32 $0xCC00;
	s10 =	simm.s32 $0x5C00;
	s2 =	sand.u32 $0x1, s2  }
0xc: {  	v0 =	vlaneseq.u32;
	s5 =	sshll.u32 s5, $0x7;
	[smem:$0x7FF] =	sst s22;
	s6 =	sshll.u32 s2, $0x6  }
0xd: {  	v0 =	vmul.u32 $0x80, v0;
	s2 =	ssub.s32 $0x2, s2;
	_ =	strace $0x80000047;
	s5 =	sor.u32 s6, s5  }
0xe: {  	s23 =	sshrl.u32 s2, $0x1;
	s1 =	sadd.s32 s5, s1;
	s25 =	sadd.s32 s4, s5  }
0xf: {  	v1 =	vor.u32 $0x1, v0;
	v2 =	vor.u32 $0x2, v0;
	v3 =	vor.u32 $0x3, v0;
	s6 =	simm.s32 $0xC400;
	s24 =	sadd.s32 $0xE00, s1;
	[dreg:$0x7] =	wrdreg s25  }
0x10: {  	v4 =	vor.u32 $0x4, v0;
	v5 =	vor.u32 $0x5, v0;
	v6 =	vor.u32 $0x6, v0;
	s2 =	ssub.s32 s2, s23;
	s1 =	sadd.s32 $0x600, s1;
	[dreg:$0x5] =	wrdreg s24  }
0x11: {  	v7 =	vor.u32 $0x7, v0;
	v8 =	vor.u32 $0x8, v0;
	v9 =	vor.u32 $0x9, v0;
	s4 =	simm.s32 $0x6C00;
	s26 =	smax.u32 s2, $0x1;
	[dreg:$0x6] =	wrdreg s1  }
0x12: {  	v10 =	vor.u32 $0xA, v0;
	v11 =	vor.u32 $0xB, v0;
	v12 =	vor.u32 $0xC, v0;
	s5 =	simm.s32 $0xDC00;
	s2 =	simm.s32 $0xD400;
	[dreg:$0x8] =	wrdreg s26  }
0x13: {  	v13 =	vor.u32 $0xD, v0;
	v14 =	vor.u32 $0xE, v0;
	v15 =	vor.u32 $0xF, v0;
	s24 =	simm.s32 $0x5;
	s26 =	simm.s32 $0x8400;
	s1 =	simm.s32 $0x0  }
.LBB2_1:
0x14: {  	[dreg:$0x9] =	wrdreg s1  }
0x15: {  	s23 =	rddreg [dreg:$0x5]  }
0x16: {  	[tilespmem:s22], [sflag:$0x5] =	stream.linear.gather [hbm4b:s23+s22], $0x200, $0x38;
	[tilespmem:$0x10E00] =	vst v63  }
0x17: {  	_ =	swait.ge [sflag:s24], $0x200  }
0x18: {  	[sflag:s24] =	ssyncset.done $0x0  }
0x19: {  	s25 =	simm.s32 $0x200;
	s1 =	rddreg [dreg:$0x6];
	[sflag:s24] =	ssyncadd.s32 $0xFFFFFE00  }
0x1a: {  	[tilespmem:s25], [sflag:$0x5] =	stream.linear.gather [hbm4b:s1+s22], $0x200, $0x38;
	[tilespmem:$0x10E00] =	vst v63  }
0x1b: {  	_ =	swait.ge [sflag:s24], $0x200  }
0x1c: {  	[sflag:s24] =	ssyncset.done $0x0  }
0x1d: {  	[sflag:s24] =	ssyncadd.s32 $0xFFFFFE00  }
0x1e: {  	v16 =	vld [tilespmem:$0x0];
	_ =	sdelay $0x1  }
0x1f: {  	v17 =	vld [tilespmem:$0x200];
	_ =	sdelay $0x2  }
0x20: {  	(v2sf) =	vpush v16, $0x0;
	_ =	sdelay $0x1  }
0x21: {  	(v2sf) =	vpush v17, $0x0;
	_ =	sdelay $0x1  }
0x22: {  	(v2sf) =	vpush v16, $0x1;
	_ =	sdelay $0x2  }
0x23: {  	(v2sf) =	vpush v17, $0x1;
	_ =	sdelay $0x7  }
0x24: {  	s24 =	spop (v2sf);
	(v2sf) =	vpush v16, $0x2;
	_ =	sdelay $0x1  }
0x25: {  	s25 =	spop (v2sf);
	(v2sf) =	vpush v17, $0x2  }
0x26: {  	s22 =	sand.u32 $0xFFFFF80, s24  }
0x27: {  	s22 =	sadd.s32 s0, s22;
	s1 =	spop (v2sf)  }
0x28: {  	(v2sf) =	vpush v16, $0x3;
	[tilespmem:s12], [sflag:$0x1] =	stream.strided.gather [hbm4b:s22+s12], $0x800, s11, s12, $0x38;
	[tilespmem:$0x10E00] =	vst v63  }
0x29: {  	s22 =	sand.u32 $0xFFFFF80, s25  }
0x2a: {  	s23 =	spop (v2sf);
	s22 =	sadd.s32 s3, s22  }
0x2b: {  	(v2sf) =	vpush v17, $0x3;
	[tilespmem:s26], [sflag:$0x1] =	stream.strided.gather [hbm4b:s22+s12], $0x800, s11, s12, $0x38;
	[tilespmem:$0x10E00] =	vst v63  }
0x2c: {  	s22 =	sand.u32 $0xFFFFF80, s1  }
0x2d: {  	s22 =	sadd.s32 s0, s22  }
0x2e: {  	[tilespmem:s28], [sflag:$0x1] =	stream.strided.gather [hbm4b:s22+s12], $0x800, s11, s12, $0x38;
	[tilespmem:$0x10E00] =	vst v63  }
0x2f: {  	s22 =	sand.u32 $0xFFFFF80, s23  }
0x30: {  	s22 =	sadd.s32 s3, s22  }
0x31: {  	[tilespmem:s29], [sflag:$0x1] =	stream.strided.gather [hbm4b:s22+s12], $0x800, s11, s12, $0x38;
	[tilespmem:$0x10E00] =	vst v63  }
0x32: {  	s24 =	spop (v2sf)  }
0x33: {  	s22 =	sand.u32 $0xFFFFF80, s24  }
0x34: {  	s25 =	simm.s32 $0x1400;
	s1 =	spop (v2sf);
	s22 =	sadd.s32 s0, s22  }
0x35: {  	[tilespmem:s25], [sflag:$0x1] =	stream.strided.gather [hbm4b:s22+s12], $0x800, s11, s12, $0x38;
	[tilespmem:$0x10E00] =	vst v63  }
0x36: {  	s22 =	sand.u32 $0xFFFFF80, s1  }
0x37: {  	s23 =	simm.s32 $0x9400;
	s24 =	spop (v2sf);
	s22 =	sadd.s32 s3, s22  }
0x38: {  	[tilespmem:s23], [sflag:$0x1] =	stream.strided.gather [hbm4b:s22+s12], $0x800, s11, s12, $0x38;
	[tilespmem:$0x10E00] =	vst v63  }
0x39: {  	s22 =	sand.u32 $0xFFFFF80, s24  }
0x3a: {  	s25 =	simm.s32 $0x1C00;
	s1 =	spop (v2sf);
	s22 =	sadd.s32 s0, s22  }
0x3b: {  	[tilespmem:s25], [sflag:$0x1] =	stream.strided.gather [hbm4b:s22+s12], $0x800, s11, s12, $0x38;
	[tilespmem:$0x10E00] =	vst v63  }
0x3c: {  	s22 =	sand.u32 $0xFFFFF80, s1  }
0x3d: {  	s23 =	simm.s32 $0x9C00;
	s22 =	sadd.s32 s3, s22  }
0x3e: {  	[tilespmem:s23], [sflag:$0x1] =	stream.strided.gather [hbm4b:s22+s12], $0x800, s11, s12, $0x38;
	[tilespmem:$0x10E00] =	vst v63  }
0x3f: {  	v16 =	vld [tilespmem:$0x0];
	_ =	sdelay $0x1  }
0x40: {  	v17 =	vld [tilespmem:$0x200];
	_ =	sdelay $0x2  }
0x41: {  	(v2sf) =	vpush v16, $0x4;
	_ =	sdelay $0x1  }
0x42: {  	(v2sf) =	vpush v17, $0x4;
	_ =	sdelay $0x1  }
0x43: {  	(v2sf) =	vpush v16, $0x5;
	_ =	sdelay $0x2  }
0x44: {  	(v2sf) =	vpush v17, $0x5;
	_ =	sdelay $0x7  }
0x45: {  	s24 =	spop (v2sf);
	(v2sf) =	vpush v16, $0x6;
	_ =	sdelay $0x1  }
0x46: {  	s1 =	spop (v2sf);
	(v2sf) =	vpush v17, $0x6  }
0x47: {  	s22 =	sand.u32 $0xFFFFF80, s24  }
0x48: {  	s25 =	simm.s32 $0x2400;
	s22 =	sadd.s32 s0, s22;
	s24 =	spop (v2sf)  }
0x49: {  	(v2sf) =	vpush v16, $0x7;
	[tilespmem:s25], [sflag:$0x2] =	stream.strided.gather [hbm4b:s22+s12], $0x800, s11, s12, $0x38;
	[tilespmem:$0x10E00] =	vst v63  }
0x4a: {  	s22 =	sand.u32 $0xFFFFF80, s1  }
0x4b: {  	s23 =	simm.s32 $0xA400;
	s1 =	spop (v2sf);
	s22 =	sadd.s32 s3, s22  }
0x4c: {  	(v2sf) =	vpush v17, $0x7;
	[tilespmem:s23], [sflag:$0x2] =	stream.strided.gather [hbm4b:s22+s12], $0x800, s11, s12, $0x38;
	[tilespmem:$0x10E00] =	vst v63  }
0x4d: {  	s22 =	sand.u32 $0xFFFFF80, s24  }
0x4e: {  	s25 =	simm.s32 $0x2C00;
	s22 =	sadd.s32 s0, s22  }
0x4f: {  	[tilespmem:s25], [sflag:$0x2] =	stream.strided.gather [hbm4b:s22+s12], $0x800, s11, s12, $0x38;
	[tilespmem:$0x10E00] =	vst v63  }
0x50: {  	s22 =	sand.u32 $0xFFFFF80, s1  }
0x51: {  	s23 =	simm.s32 $0xAC00;
	s22 =	sadd.s32 s3, s22  }
0x52: {  	[tilespmem:s23], [sflag:$0x2] =	stream.strided.gather [hbm4b:s22+s12], $0x800, s11, s12, $0x38;
	[tilespmem:$0x10E00] =	vst v63  }
0x53: {  	s24 =	spop (v2sf)  }
0x54: {  	s22 =	sand.u32 $0xFFFFF80, s24  }
0x55: {  	s25 =	simm.s32 $0x3400;
	s1 =	spop (v2sf);
	s22 =	sadd.s32 s0, s22  }
0x56: {  	[tilespmem:s25], [sflag:$0x2] =	stream.strided.gather [hbm4b:s22+s12], $0x800, s11, s12, $0x38;
	[tilespmem:$0x10E00] =	vst v63  }
0x57: {  	s22 =	sand.u32 $0xFFFFF80, s1  }
0x58: {  	s23 =	simm.s32 $0xB400;
	s24 =	spop (v2sf);
	s22 =	sadd.s32 s3, s22  }
0x59: {  	[tilespmem:s23], [sflag:$0x2] =	stream.strided.gather [hbm4b:s22+s12], $0x800, s11, s12, $0x38;
	[tilespmem:$0x10E00] =	vst v63  }
0x5a: {  	s22 =	sand.u32 $0xFFFFF80, s24  }
0x5b: {  	s25 =	simm.s32 $0x3C00;
	s1 =	spop (v2sf);
	s22 =	sadd.s32 s0, s22  }
0x5c: {  	[tilespmem:s25], [sflag:$0x2] =	stream.strided.gather [hbm4b:s22+s12], $0x800, s11, s12, $0x38;
	[tilespmem:$0x10E00] =	vst v63  }
0x5d: {  	s22 =	sand.u32 $0xFFFFF80, s1  }
0x5e: {  	s23 =	simm.s32 $0xBC00;
	s22 =	sadd.s32 s3, s22  }
0x5f: {  	[tilespmem:s23], [sflag:$0x2] =	stream.strided.gather [hbm4b:s22+s12], $0x800, s11, s12, $0x38;
	[tilespmem:$0x10E00] =	vst v63  }
0x60: {  	v16 =	vld [tilespmem:$0x0];
	_ =	sdelay $0x1  }
0x61: {  	v17 =	vld [tilespmem:$0x200];
	_ =	sdelay $0x2  }
0x62: {  	(v2sf) =	vpush v16, $0x8;
	_ =	sdelay $0x1  }
0x63: {  	(v2sf) =	vpush v17, $0x8;
	_ =	sdelay $0x1  }
0x64: {  	(v2sf) =	vpush v16, $0x9;
	_ =	sdelay $0x2  }
0x65: {  	(v2sf) =	vpush v17, $0x9;
	_ =	sdelay $0x7  }
0x66: {  	s24 =	spop (v2sf);
	(v2sf) =	vpush v16, $0xA;
	_ =	sdelay $0x1  }
0x67: {  	s23 =	spop (v2sf);
	(v2sf) =	vpush v17, $0xA  }
0x68: {  	s22 =	sand.u32 $0xFFFFF80, s24  }
0x69: {  	s25 =	simm.s32 $0x4400;
	s22 =	sadd.s32 s0, s22;
	s24 =	spop (v2sf)  }
0x6a: {  	(v2sf) =	vpush v16, $0xB;
	[tilespmem:s25], [sflag:$0x3] =	stream.strided.gather [hbm4b:s22+s12], $0x800, s11, s12, $0x38;
	[tilespmem:$0x10E00] =	vst v63  }
0x6b: {  	s22 =	sand.u32 $0xFFFFF80, s23  }
0x6c: {  	s25 =	spop (v2sf);
	s22 =	sadd.s32 s3, s22  }
0x6d: {  	(v2sf) =	vpush v17, $0xB;
	[tilespmem:s6], [sflag:$0x3] =	stream.strided.gather [hbm4b:s22+s12], $0x800, s11, s12, $0x38;
	[tilespmem:$0x10E00] =	vst v63  }
0x6e: {  	s22 =	sand.u32 $0xFFFFF80, s24  }
0x6f: {  	s22 =	sadd.s32 s0, s22  }
0x70: {  	[tilespmem:s30], [sflag:$0x3] =	stream.strided.gather [hbm4b:s22+s12], $0x800, s11, s12, $0x38;
	[tilespmem:$0x10E00] =	vst v63  }
0x71: {  	s22 =	sand.u32 $0xFFFFF80, s25  }
0x72: {  	s22 =	sadd.s32 s3, s22  }
0x73: {  	[tilespmem:s31], [sflag:$0x3] =	stream.strided.gather [hbm4b:s22+s12], $0x800, s11, s12, $0x38;
	[tilespmem:$0x10E00] =	vst v63  }
0x74: {  	s1 =	spop (v2sf)  }
0x75: {  	s22 =	sand.u32 $0xFFFFF80, s1  }
0x76: {  	s1 =	simm.s32 $0x5400;
	s23 =	spop (v2sf);
	s22 =	sadd.s32 s0, s22  }
0x77: {  	[tilespmem:s1], [sflag:$0x3] =	stream.strided.gather [hbm4b:s22+s12], $0x800, s11, s12, $0x38;
	[tilespmem:$0x10E00] =	vst v63  }
0x78: {  	s22 =	sand.u32 $0xFFFFF80, s23  }
0x79: {  	s24 =	spop (v2sf);
	s22 =	sadd.s32 s3, s22  }
0x7a: {  	[tilespmem:s2], [sflag:$0x3] =	stream.strided.gather [hbm4b:s22+s12], $0x800, s11, s12, $0x38;
	[tilespmem:$0x10E00] =	vst v63  }
0x7b: {  	s22 =	sand.u32 $0xFFFFF80, s24  }
0x7c: {  	s25 =	spop (v2sf);
	s22 =	sadd.s32 s0, s22  }
0x7d: {  	[tilespmem:s10], [sflag:$0x3] =	stream.strided.gather [hbm4b:s22+s12], $0x800, s11, s12, $0x38;
	[tilespmem:$0x10E00] =	vst v63  }
0x7e: {  	s22 =	sand.u32 $0xFFFFF80, s25  }
0x7f: {  	s22 =	sadd.s32 s3, s22  }
0x80: {  	[tilespmem:s5], [sflag:$0x3] =	stream.strided.gather [hbm4b:s22+s12], $0x800, s11, s12, $0x38;
	[tilespmem:$0x10E00] =	vst v63  }
0x81: {  	s22 =	simm.s32 $0x0  }
.LBB2_2:
0x82: {  	s23 =	sshra.s32 s22, $0x2  }
0x83: {  	v16 =	vld [tilespmem:s23+$0x0];
	_ =	sdelay $0x1  }
0x84: {  	v17 =	vld [tilespmem:s23+$0x200];
	_ =	sdelay $0x2  }
0x85: {  	(v2sf) =	vpush v16, $0xC;
	_ =	sdelay $0x1  }
0x86: {  	(v2sf) =	vpush v17, $0xC;
	_ =	sdelay $0x2  }
0x87: {  	(v2sf) =	vpush v16, $0xD;
	_ =	sdelay $0x2  }
0x88: {  	(v2sf) =	vpush v17, $0xD;
	_ =	sdelay $0x6  }
0x89: {  	s24 =	spop (v2sf);
	(v2sf) =	vpush v16, $0xE;
	_ =	sdelay $0x1  }
0x8a: {  	s24 =	sand.u32 $0xFFFFF80, s24;
	s25 =	spop (v2sf);
	(v2sf) =	vpush v17, $0xE  }
0x8b: {  	s24 =	sadd.s32 s0, s24  }
0x8c: {  	[tilespmem:s7], [sflag:$0x4] =	stream.strided.gather [hbm4b:s24+s12], $0x800, s11, s12, $0x38;
	[tilespmem:$0x10E00] =	vst v63  }
0x8d: {  	s24 =	sand.u32 $0xFFFFF80, s25;
	s25 =	spop (v2sf);
	(v2sf) =	vpush v16, $0xF  }
0x8e: {  	s24 =	sadd.s32 s3, s24  }
0x8f: {  	[tilespmem:s8], [sflag:$0x4] =	stream.strided.gather [hbm4b:s24+s12], $0x800, s11, s12, $0x38;
	[tilespmem:$0x10E00] =	vst v63  }
0x90: {  	s24 =	sand.u32 $0xFFFFF80, s25;
	s25 =	spop (v2sf);
	(v2sf) =	vpush v17, $0xF;
	_ =	sdelay $0x1  }
0x91: {  	s24 =	sadd.s32 s0, s24  }
0x92: {  	[tilespmem:s4], [sflag:$0x4] =	stream.strided.gather [hbm4b:s24+s12], $0x800, s11, s12, $0x38;
	[tilespmem:$0x10E00] =	vst v63  }
0x93: {  	s24 =	sand.u32 $0xFFFFF80, s25  }
0x94: {  	s24 =	sadd.s32 s3, s24  }
0x95: {  	[tilespmem:s9], [sflag:$0x4] =	stream.strided.gather [hbm4b:s24+s12], $0x800, s11, s12, $0x38;
	[tilespmem:$0x10E00] =	vst v63  }
0x96: {  	s25 =	spop (v2sf)  }
0x97: {  	s24 =	sand.u32 $0xFFFFF80, s25  }
0x98: {  	s25 =	spop (v2sf);
	s24 =	sadd.s32 s0, s24  }
0x99: {  	[tilespmem:s13], [sflag:$0x4] =	stream.strided.gather [hbm4b:s24+s12], $0x800, s11, s12, $0x38;
	[tilespmem:$0x10E00] =	vst v63  }
0x9a: {  	s24 =	sand.u32 $0xFFFFF80, s25  }
0x9b: {  	s25 =	spop (v2sf);
	s24 =	sadd.s32 s3, s24  }
0x9c: {  	[tilespmem:s14], [sflag:$0x4] =	stream.strided.gather [hbm4b:s24+s12], $0x800, s11, s12, $0x38;
	[tilespmem:$0x10E00] =	vst v63  }
0x9d: {  	s24 =	sand.u32 $0xFFFFF80, s25  }
0x9e: {  	s25 =	spop (v2sf);
	s24 =	sadd.s32 s0, s24  }
0x9f: {  	[tilespmem:s15], [sflag:$0x4] =	stream.strided.gather [hbm4b:s24+s12], $0x800, s11, s12, $0x38;
	[tilespmem:$0x10E00] =	vst v63  }
0xa0: {  	s24 =	sand.u32 $0xFFFFF80, s25  }
0xa1: {  	s24 =	sadd.s32 s3, s24  }
0xa2: {  	[tilespmem:s16], [sflag:$0x4] =	stream.strided.gather [hbm4b:s24+s12], $0x800, s11, s12, $0x38;
	[tilespmem:$0x10E00] =	vst v63  }
0xa3: {  	_ =	swait.ge [sflag:s17], $0x800  }
0xa4: {  	[sflag:s17] =	ssyncset.done $0x0  }
0xa5: {  	[sflag:s17] =	ssyncadd.s32 $0xFFFFF800  }
0xa6: {  	_ =	swait.ge [sflag:s17], $0x800  }
0xa7: {  	[sflag:s17] =	ssyncset.done $0x0  }
0xa8: {  	[sflag:s17] =	ssyncadd.s32 $0xFFFFF800  }
0xa9: {  	_ =	swait.ge [sflag:s17], $0x800  }
0xaa: {  	[sflag:s17] =	ssyncset.done $0x0  }
0xab: {  	[sflag:s17] =	ssyncadd.s32 $0xFFFFF800  }
0xac: {  	_ =	swait.ge [sflag:s17], $0x800  }
0xad: {  	[sflag:s17] =	ssyncset.done $0x0  }
0xae: {  	[sflag:s17] =	ssyncadd.s32 $0xFFFFF800  }
0xaf: {  	_ =	swait.ge [sflag:s17], $0x800  }
0xb0: {  	[sflag:s17] =	ssyncset.done $0x0  }
0xb1: {  	[sflag:s17] =	ssyncadd.s32 $0xFFFFF800  }
0xb2: {  	_ =	swait.ge [sflag:s17], $0x800  }
0xb3: {  	[sflag:s17] =	ssyncset.done $0x0  }
0xb4: {  	[sflag:s17] =	ssyncadd.s32 $0xFFFFF800  }
0xb5: {  	_ =	swait.ge [sflag:s17], $0x800  }
0xb6: {  	[sflag:s17] =	ssyncset.done $0x0  }
0xb7: {  	[sflag:s17] =	ssyncadd.s32 $0xFFFFF800  }
0xb8: {  	_ =	swait.ge [sflag:s17], $0x800  }
0xb9: {  	[sflag:s17] =	ssyncset.done $0x0  }
0xba: {  	[sflag:s17] =	ssyncadd.s32 $0xFFFFF800  }
0xbb: {  	v16 =	vld [tilespmem:s23+$0x0]  }
0xbc: {  	v17 =	vld [tilespmem:s23+$0x200];
	_ =	sdelay $0x3  }
0xbd: {  	v16 =	vand.u32 $0x7F, v16  }
0xbe: {  	v17 =	vand.u32 $0x7F, v17;
	v18 =	vbroadcast v16, $0x0  }
0xbf: {  	v19 =	vbroadcast v17, $0x0  }
0xc0: {  	v18 =	vor.u32 v0, v18  }
0xc1: {  	v19 =	vor.u32 v0, v19;
	_ =	sdelay $0x3  }
0xc2: {  	v18 =	vld.idx.msk [tilespmem:v18+s12+$0x0], $0xffff  }
0xc3: {  	v19 =	vld.idx.msk [tilespmem:v19+s26+$0x0], $0xffff  }
0xc4: {  	v20 =	vbroadcast v16, $0x1  }
0xc5: {  	v21 =	vbroadcast v17, $0x1  }
0xc6: {  	v20 =	vor.u32 v0, v20  }
0xc7: {  	v21 =	vor.u32 v0, v21  }
0xc8: {  	v18 =	vmul.f32 v19, v18;
	_ =	sdelay $0x1  }
0xc9: {  	[tilespmem:$0x10400] =	vst v18  }
0xca: {  	v18 =	vld.idx.msk [tilespmem:v20+s28+$0x0], $0xffff  }
0xcb: {  	v27 =	vld.idx.msk [tilespmem:v21+s29+$0x0], $0xffff  }
0xcc: {  	v28 =	vbroadcast v16, $0x2  }
0xcd: {  	v29 =	vbroadcast v17, $0x2  }
0xce: {  	v20 =	vor.u32 v0, v28  }
0xcf: {  	v21 =	vor.u32 v0, v29  }
0xd0: {  	v18 =	vmul.f32 v27, v18;
	_ =	sdelay $0x1  }
0xd1: {  	s25 =	simm.s32 $0x1400;
	[tilespmem:$0x10480] =	vst v18  }
0xd2: {  	s26 =	simm.s32 $0x9400;
	v18 =	vld.idx.msk [tilespmem:v20+s25+$0x0], $0xffff  }
0xd3: {  	v30 =	vld.idx.msk [tilespmem:v21+s26+$0x0], $0xffff  }
0xd4: {  	v16 =	vbroadcast v16, $0x3  }
0xd5: {  	v17 =	vbroadcast v17, $0x3  }
0xd6: {  	v16 =	vor.u32 v0, v16  }
0xd7: {  	v17 =	vor.u32 v0, v17  }
0xd8: {  	v18 =	vmul.f32 v30, v18;
	_ =	sdelay $0x1  }
0xd9: {  	s25 =	simm.s32 $0x1C00;
	[tilespmem:$0x10500] =	vst v18  }
0xda: {  	s26 =	simm.s32 $0x9C00;
	v16 =	vld.idx.msk [tilespmem:v16+s25+$0x0], $0xffff  }
0xdb: {  	v17 =	vld.idx.msk [tilespmem:v17+s26+$0x0], $0xffff;
	_ =	sdelay $0x4  }
0xdc: {  	v16 =	vmul.f32 v17, v16  }
0xdd: {  	p0 =	seq.s32 s22, $0x7C0  }
0xde: {  	s26 =	sshra.s32 @!p0 s22, $0x2;
	[tilespmem:$0x10580] =	vst v16  }
0xdf: {  	v16 =	vld @!p0 [tilespmem:s26+$0x10];
	_ =	sdelay $0x3  }
0xe0: {  	v17 =	vld @!p0 [tilespmem:s26+$0x210]  }
0xe1: {  	(v2sf) =	vpush @!p0 v16, $0x0;
	_ =	sdelay $0x3  }
0xe2: {  	(v2sf) =	vpush @!p0 v17, $0x0;
	_ =	sdelay $0x3  }
0xe3: {  	(v2sf) =	vpush @!p0 v16, $0x1;
	_ =	sdelay $0x3  }
0xe4: {  	(v2sf) =	vpush @!p0 v17, $0x1;
	_ =	sdelay $0x2  }
0xe5: {  	s24 =	spop @!p0 (v2sf)  }
0xe6: {  	(v2sf) =	vpush @!p0 v16, $0x2;
	s24 =	sand.u32 @!p0 $0xFFFFF80, s24  }
0xe7: {  	s25 =	simm.s32 @!p0 $0x400;
	s28 =	sadd.s32 @!p0 s0, s24;
	s24 =	simm.s32 @!p0 $0x7A1400  }
0xe8: {  	[tilespmem:s25], [sflag:$0x1] =	stream.strided.gather @!p0 [hbm4b:s28+s25], $0x800, s24, s25, $0x38;
	[tilespmem:$0x10E00] =	vst v63  }
0xe9: {  	s28 =	spop @!p0 (v2sf)  }
0xea: {  	(v2sf) =	vpush @!p0 v17, $0x2;
	s28 =	sand.u32 @!p0 $0xFFFFF80, s28  }
0xeb: {  	s29 =	simm.s32 @!p0 $0x8400;
	s28 =	sadd.s32 @!p0 s3, s28  }
0xec: {  	[tilespmem:s29], [sflag:$0x1] =	stream.strided.gather @!p0 [hbm4b:s28+s25], $0x800, s24, s25, $0x38;
	[tilespmem:$0x10E00] =	vst v63  }
0xed: {  	s28 =	spop @!p0 (v2sf)  }
0xee: {  	(v2sf) =	vpush @!p0 v16, $0x3;
	s28 =	sand.u32 @!p0 $0xFFFFF80, s28  }
0xef: {  	s29 =	simm.s32 @!p0 $0xC00;
	s28 =	sadd.s32 @!p0 s0, s28  }
0xf0: {  	[tilespmem:s29], [sflag:$0x1] =	stream.strided.gather @!p0 [hbm4b:s28+s25], $0x800, s24, s25, $0x38;
	[tilespmem:$0x10E00] =	vst v63  }
0xf1: {  	s28 =	spop @!p0 (v2sf)  }
0xf2: {  	(v2sf) =	vpush @!p0 v17, $0x3;
	s28 =	sand.u32 @!p0 $0xFFFFF80, s28  }
0xf3: {  	s29 =	simm.s32 @!p0 $0x8C00;
	s28 =	sadd.s32 @!p0 s3, s28  }
0xf4: {  	[tilespmem:s29], [sflag:$0x1] =	stream.strided.gather @!p0 [hbm4b:s28+s25], $0x800, s24, s25, $0x38;
	[tilespmem:$0x10E00] =	vst v63  }
0xf5: {  	s28 =	spop @!p0 (v2sf)  }
0xf6: {  	s28 =	sand.u32 @!p0 $0xFFFFF80, s28  }
0xf7: {  	s29 =	simm.s32 @!p0 $0x1400;
	s28 =	sadd.s32 @!p0 s0, s28  }
0xf8: {  	[tilespmem:s29], [sflag:$0x1] =	stream.strided.gather @!p0 [hbm4b:s28+s25], $0x800, s24, s25, $0x38;
	[tilespmem:$0x10E00] =	vst v63  }
0xf9: {  	s28 =	spop @!p0 (v2sf)  }
0xfa: {  	s28 =	sand.u32 @!p0 $0xFFFFF80, s28  }
0xfb: {  	s29 =	simm.s32 @!p0 $0x9400;
	s28 =	sadd.s32 @!p0 s3, s28  }
0xfc: {  	[tilespmem:s29], [sflag:$0x1] =	stream.strided.gather @!p0 [hbm4b:s28+s25], $0x800, s24, s25, $0x38;
	[tilespmem:$0x10E00] =	vst v63  }
0xfd: {  	s28 =	spop @!p0 (v2sf)  }
0xfe: {  	s28 =	sand.u32 @!p0 $0xFFFFF80, s28  }
0xff: {  	s29 =	simm.s32 @!p0 $0x1C00;
	s28 =	sadd.s32 @!p0 s0, s28  }
0x100: {  	[tilespmem:s29], [sflag:$0x1] =	stream.strided.gather @!p0 [hbm4b:s28+s25], $0x800, s24, s25, $0x38;
	[tilespmem:$0x10E00] =	vst v63  }
0x101: {  	s28 =	spop @!p0 (v2sf)  }
0x102: {  	s28 =	sand.u32 @!p0 $0xFFFFF80, s28  }
0x103: {  	s29 =	simm.s32 @!p0 $0x9C00;
	s28 =	sadd.s32 @!p0 s3, s28  }
0x104: {  	[tilespmem:s29], [sflag:$0x1] =	stream.strided.gather @!p0 [hbm4b:s28+s25], $0x800, s24, s25, $0x38;
	[tilespmem:$0x10E00] =	vst v63  }
0x105: {  	_ =	swait.ge [sflag:s18], $0x800  }
0x106: {  	[sflag:s18] =	ssyncset.done $0x0  }
0x107: {  	[sflag:s18] =	ssyncadd.s32 $0xFFFFF800  }
0x108: {  	_ =	swait.ge [sflag:s18], $0x800  }
0x109: {  	[sflag:s18] =	ssyncset.done $0x0  }
0x10a: {  	[sflag:s18] =	ssyncadd.s32 $0xFFFFF800  }
0x10b: {  	_ =	swait.ge [sflag:s18], $0x800  }
0x10c: {  	[sflag:s18] =	ssyncset.done $0x0  }
0x10d: {  	[sflag:s18] =	ssyncadd.s32 $0xFFFFF800  }
0x10e: {  	_ =	swait.ge [sflag:s18], $0x800  }
0x10f: {  	[sflag:s18] =	ssyncset.done $0x0  }
0x110: {  	[sflag:s18] =	ssyncadd.s32 $0xFFFFF800  }
0x111: {  	_ =	swait.ge [sflag:s18], $0x800  }
0x112: {  	[sflag:s18] =	ssyncset.done $0x0  }
0x113: {  	[sflag:s18] =	ssyncadd.s32 $0xFFFFF800  }
0x114: {  	_ =	swait.ge [sflag:s18], $0x800  }
0x115: {  	[sflag:s18] =	ssyncset.done $0x0  }
0x116: {  	[sflag:s18] =	ssyncadd.s32 $0xFFFFF800  }
0x117: {  	_ =	swait.ge [sflag:s18], $0x800  }
0x118: {  	[sflag:s18] =	ssyncset.done $0x0  }
0x119: {  	[sflag:s18] =	ssyncadd.s32 $0xFFFFF800  }
0x11a: {  	_ =	swait.ge [sflag:s18], $0x800  }
0x11b: {  	[sflag:s18] =	ssyncset.done $0x0  }
0x11c: {  	[sflag:s18] =	ssyncadd.s32 $0xFFFFF800  }
0x11d: {  	v16 =	vld [tilespmem:s23+$0x0]  }
0x11e: {  	v17 =	vld [tilespmem:s23+$0x200];
	_ =	sdelay $0x3  }
0x11f: {  	v16 =	vand.u32 $0x7F, v16  }
0x120: {  	v17 =	vand.u32 $0x7F, v17;
	v31 =	vbroadcast v16, $0x4  }
0x121: {  	v32 =	vbroadcast v17, $0x4  }
0x122: {  	v18 =	vor.u32 v0, v31  }
0x123: {  	v19 =	vor.u32 v0, v32;
	_ =	sdelay $0x2  }
0x124: {  	s28 =	simm.s32 $0x2400  }
0x125: {  	v18 =	vld.idx.msk [tilespmem:v18+s28+$0x0], $0xffff;
	s28 =	simm.s32 $0xA400  }
0x126: {  	v19 =	vld.idx.msk [tilespmem:v19+s28+$0x0], $0xffff  }
0x127: {  	v33 =	vbroadcast v16, $0x5  }
0x128: {  	v34 =	vbroadcast v17, $0x5  }
0x129: {  	v20 =	vor.u32 v0, v33  }
0x12a: {  	v21 =	vor.u32 v0, v34  }
0x12b: {  	v18 =	vmul.f32 v19, v18;
	_ =	sdelay $0x1  }
0x12c: {  	s28 =	simm.s32 $0x2C00;
	[tilespmem:$0x10600] =	vst v18  }
0x12d: {  	v18 =	vld.idx.msk [tilespmem:v20+s28+$0x0], $0xffff;
	s28 =	simm.s32 $0xAC00  }
0x12e: {  	v35 =	vld.idx.msk [tilespmem:v21+s28+$0x0], $0xffff  }
0x12f: {  	v36 =	vbroadcast v16, $0x6  }
0x130: {  	v37 =	vbroadcast v17, $0x6  }
0x131: {  	v20 =	vor.u32 v0, v36  }
0x132: {  	v21 =	vor.u32 v0, v37  }
0x133: {  	v18 =	vmul.f32 v35, v18;
	_ =	sdelay $0x1  }
0x134: {  	s28 =	simm.s32 $0x3400;
	[tilespmem:$0x10680] =	vst v18  }
0x135: {  	v18 =	vld.idx.msk [tilespmem:v20+s28+$0x0], $0xffff;
	s28 =	simm.s32 $0xB400  }
0x136: {  	v38 =	vld.idx.msk [tilespmem:v21+s28+$0x0], $0xffff  }
0x137: {  	v16 =	vbroadcast v16, $0x7  }
0x138: {  	v17 =	vbroadcast v17, $0x7  }
0x139: {  	v16 =	vor.u32 v0, v16  }
0x13a: {  	v17 =	vor.u32 v0, v17  }
0x13b: {  	v18 =	vmul.f32 v38, v18;
	_ =	sdelay $0x1  }
0x13c: {  	s28 =	simm.s32 $0x3C00;
	[tilespmem:$0x10700] =	vst v18  }
0x13d: {  	v16 =	vld.idx.msk [tilespmem:v16+s28+$0x0], $0xffff;
	s28 =	simm.s32 $0xBC00  }
0x13e: {  	v17 =	vld.idx.msk [tilespmem:v17+s28+$0x0], $0xffff;
	_ =	sdelay $0x4  }
0x13f: {  	v16 =	vmul.f32 v17, v16;
	_ =	sdelay $0x1  }
0x140: {  	[tilespmem:$0x10780] =	vst v16  }
0x141: {  	v16 =	vld @!p0 [tilespmem:s26+$0x10];
	_ =	sdelay $0x3  }
0x142: {  	v17 =	vld @!p0 [tilespmem:s26+$0x210]  }
0x143: {  	(v2sf) =	vpush @!p0 v16, $0x4;
	_ =	sdelay $0x3  }
0x144: {  	(v2sf) =	vpush @!p0 v17, $0x4;
	_ =	sdelay $0x3  }
0x145: {  	(v2sf) =	vpush @!p0 v16, $0x5;
	_ =	sdelay $0x3  }
0x146: {  	(v2sf) =	vpush @!p0 v17, $0x5;
	_ =	sdelay $0x2  }
0x147: {  	s28 =	spop @!p0 (v2sf)  }
0x148: {  	(v2sf) =	vpush @!p0 v16, $0x6;
	s28 =	sand.u32 @!p0 $0xFFFFF80, s28  }
0x149: {  	s29 =	simm.s32 @!p0 $0x2400;
	s28 =	sadd.s32 @!p0 s0, s28  }
0x14a: {  	[tilespmem:s29], [sflag:$0x2] =	stream.strided.gather @!p0 [hbm4b:s28+s25], $0x800, s24, s25, $0x38;
	[tilespmem:$0x10E00] =	vst v63  }
0x14b: {  	s28 =	spop @!p0 (v2sf)  }
0x14c: {  	(v2sf) =	vpush @!p0 v17, $0x6;
	s28 =	sand.u32 @!p0 $0xFFFFF80, s28  }
0x14d: {  	s29 =	simm.s32 @!p0 $0xA400;
	s28 =	sadd.s32 @!p0 s3, s28  }
0x14e: {  	[tilespmem:s29], [sflag:$0x2] =	stream.strided.gather @!p0 [hbm4b:s28+s25], $0x800, s24, s25, $0x38;
	[tilespmem:$0x10E00] =	vst v63  }
0x14f: {  	s28 =	spop @!p0 (v2sf)  }
0x150: {  	(v2sf) =	vpush @!p0 v16, $0x7;
	s28 =	sand.u32 @!p0 $0xFFFFF80, s28  }
0x151: {  	s29 =	simm.s32 @!p0 $0x2C00;
	s28 =	sadd.s32 @!p0 s0, s28  }
0x152: {  	[tilespmem:s29], [sflag:$0x2] =	stream.strided.gather @!p0 [hbm4b:s28+s25], $0x800, s24, s25, $0x38;
	[tilespmem:$0x10E00] =	vst v63  }
0x153: {  	s28 =	spop @!p0 (v2sf)  }
0x154: {  	(v2sf) =	vpush @!p0 v17, $0x7;
	s28 =	sand.u32 @!p0 $0xFFFFF80, s28  }
0x155: {  	s29 =	simm.s32 @!p0 $0xAC00;
	s28 =	sadd.s32 @!p0 s3, s28  }
0x156: {  	[tilespmem:s29], [sflag:$0x2] =	stream.strided.gather @!p0 [hbm4b:s28+s25], $0x800, s24, s25, $0x38;
	[tilespmem:$0x10E00] =	vst v63  }
0x157: {  	s28 =	spop @!p0 (v2sf)  }
0x158: {  	s28 =	sand.u32 @!p0 $0xFFFFF80, s28  }
0x159: {  	s29 =	simm.s32 @!p0 $0x3400;
	s28 =	sadd.s32 @!p0 s0, s28  }
0x15a: {  	[tilespmem:s29], [sflag:$0x2] =	stream.strided.gather @!p0 [hbm4b:s28+s25], $0x800, s24, s25, $0x38;
	[tilespmem:$0x10E00] =	vst v63  }
0x15b: {  	s28 =	spop @!p0 (v2sf)  }
0x15c: {  	s28 =	sand.u32 @!p0 $0xFFFFF80, s28  }
0x15d: {  	s29 =	simm.s32 @!p0 $0xB400;
	s28 =	sadd.s32 @!p0 s3, s28  }
0x15e: {  	[tilespmem:s29], [sflag:$0x2] =	stream.strided.gather @!p0 [hbm4b:s28+s25], $0x800, s24, s25, $0x38;
	[tilespmem:$0x10E00] =	vst v63  }
0x15f: {  	s28 =	spop @!p0 (v2sf)  }
0x160: {  	s28 =	sand.u32 @!p0 $0xFFFFF80, s28  }
0x161: {  	s29 =	simm.s32 @!p0 $0x3C00;
	s28 =	sadd.s32 @!p0 s0, s28  }
0x162: {  	[tilespmem:s29], [sflag:$0x2] =	stream.strided.gather @!p0 [hbm4b:s28+s25], $0x800, s24, s25, $0x38;
	[tilespmem:$0x10E00] =	vst v63  }
0x163: {  	s28 =	spop @!p0 (v2sf)  }
0x164: {  	s28 =	sand.u32 @!p0 $0xFFFFF80, s28  }
0x165: {  	s29 =	simm.s32 @!p0 $0xBC00;
	s28 =	sadd.s32 @!p0 s3, s28  }
0x166: {  	[tilespmem:s29], [sflag:$0x2] =	stream.strided.gather @!p0 [hbm4b:s28+s25], $0x800, s24, s25, $0x38;
	[tilespmem:$0x10E00] =	vst v63  }
0x167: {  	_ =	swait.ge [sflag:s19], $0x800  }
0x168: {  	[sflag:s19] =	ssyncset.done $0x0  }
0x169: {  	[sflag:s19] =	ssyncadd.s32 $0xFFFFF800  }
0x16a: {  	_ =	swait.ge [sflag:s19], $0x800  }
0x16b: {  	[sflag:s19] =	ssyncset.done $0x0  }
0x16c: {  	[sflag:s19] =	ssyncadd.s32 $0xFFFFF800  }
0x16d: {  	_ =	swait.ge [sflag:s19], $0x800  }
0x16e: {  	[sflag:s19] =	ssyncset.done $0x0  }
0x16f: {  	[sflag:s19] =	ssyncadd.s32 $0xFFFFF800  }
0x170: {  	_ =	swait.ge [sflag:s19], $0x800  }
0x171: {  	[sflag:s19] =	ssyncset.done $0x0  }
0x172: {  	[sflag:s19] =	ssyncadd.s32 $0xFFFFF800  }
0x173: {  	_ =	swait.ge [sflag:s19], $0x800  }
0x174: {  	[sflag:s19] =	ssyncset.done $0x0  }
0x175: {  	[sflag:s19] =	ssyncadd.s32 $0xFFFFF800  }
0x176: {  	_ =	swait.ge [sflag:s19], $0x800  }
0x177: {  	[sflag:s19] =	ssyncset.done $0x0  }
0x178: {  	[sflag:s19] =	ssyncadd.s32 $0xFFFFF800  }
0x179: {  	_ =	swait.ge [sflag:s19], $0x800  }
0x17a: {  	[sflag:s19] =	ssyncset.done $0x0  }
0x17b: {  	[sflag:s19] =	ssyncadd.s32 $0xFFFFF800  }
0x17c: {  	_ =	swait.ge [sflag:s19], $0x800  }
0x17d: {  	[sflag:s19] =	ssyncset.done $0x0  }
0x17e: {  	[sflag:s19] =	ssyncadd.s32 $0xFFFFF800  }
0x17f: {  	v16 =	vld [tilespmem:s23+$0x0]  }
0x180: {  	v17 =	vld [tilespmem:s23+$0x200];
	_ =	sdelay $0x3  }
0x181: {  	v16 =	vand.u32 $0x7F, v16  }
0x182: {  	v17 =	vand.u32 $0x7F, v17;
	v39 =	vbroadcast v16, $0x8  }
0x183: {  	v40 =	vbroadcast v17, $0x8  }
0x184: {  	v18 =	vor.u32 v0, v39  }
0x185: {  	v19 =	vor.u32 v0, v40;
	_ =	sdelay $0x2  }
0x186: {  	s28 =	simm.s32 $0x4400  }
0x187: {  	v18 =	vld.idx.msk [tilespmem:v18+s28+$0x0], $0xffff  }
0x188: {  	v19 =	vld.idx.msk [tilespmem:v19+s6+$0x0], $0xffff  }
0x189: {  	v41 =	vbroadcast v16, $0x9  }
0x18a: {  	v42 =	vbroadcast v17, $0x9  }
0x18b: {  	v20 =	vor.u32 v0, v41  }
0x18c: {  	v21 =	vor.u32 v0, v42  }
0x18d: {  	v18 =	vmul.f32 v19, v18;
	_ =	sdelay $0x1  }
0x18e: {  	[tilespmem:$0x10800] =	vst v18  }
0x18f: {  	v18 =	vld.idx.msk [tilespmem:v20+s30+$0x0], $0xffff  }
0x190: {  	v43 =	vld.idx.msk [tilespmem:v21+s31+$0x0], $0xffff  }
0x191: {  	v44 =	vbroadcast v16, $0xA  }
0x192: {  	v45 =	vbroadcast v17, $0xA  }
0x193: {  	v20 =	vor.u32 v0, v44  }
0x194: {  	v21 =	vor.u32 v0, v45  }
0x195: {  	v18 =	vmul.f32 v43, v18;
	_ =	sdelay $0x1  }
0x196: {  	[tilespmem:$0x10880] =	vst v18  }
0x197: {  	v18 =	vld.idx.msk [tilespmem:v20+s1+$0x0], $0xffff  }
0x198: {  	v46 =	vld.idx.msk [tilespmem:v21+s2+$0x0], $0xffff  }
0x199: {  	v16 =	vbroadcast v16, $0xB  }
0x19a: {  	v17 =	vbroadcast v17, $0xB  }
0x19b: {  	v16 =	vor.u32 v0, v16  }
0x19c: {  	v17 =	vor.u32 v0, v17  }
0x19d: {  	v18 =	vmul.f32 v46, v18;
	_ =	sdelay $0x1  }
0x19e: {  	[tilespmem:$0x10900] =	vst v18  }
0x19f: {  	v16 =	vld.idx.msk [tilespmem:v16+s10+$0x0], $0xffff  }
0x1a0: {  	v17 =	vld.idx.msk [tilespmem:v17+s5+$0x0], $0xffff;
	_ =	sdelay $0x4  }
0x1a1: {  	v16 =	vmul.f32 v17, v16;
	_ =	sdelay $0x1  }
0x1a2: {  	[tilespmem:$0x10980] =	vst v16  }
0x1a3: {  	v16 =	vld @!p0 [tilespmem:s26+$0x10];
	_ =	sdelay $0x3  }
0x1a4: {  	v17 =	vld @!p0 [tilespmem:s26+$0x210]  }
0x1a5: {  	(v2sf) =	vpush @!p0 v16, $0x8;
	_ =	sdelay $0x3  }
0x1a6: {  	(v2sf) =	vpush @!p0 v17, $0x8;
	_ =	sdelay $0x3  }
0x1a7: {  	(v2sf) =	vpush @!p0 v16, $0x9;
	_ =	sdelay $0x3  }
0x1a8: {  	(v2sf) =	vpush @!p0 v17, $0x9;
	_ =	sdelay $0x2  }
0x1a9: {  	s26 =	spop @!p0 (v2sf)  }
0x1aa: {  	(v2sf) =	vpush @!p0 v16, $0xA;
	s26 =	sand.u32 @!p0 $0xFFFFF80, s26  }
0x1ab: {  	s28 =	simm.s32 @!p0 $0x4400;
	s26 =	sadd.s32 @!p0 s0, s26  }
0x1ac: {  	[tilespmem:s28], [sflag:$0x3] =	stream.strided.gather @!p0 [hbm4b:s26+s25], $0x800, s24, s25, $0x38;
	[tilespmem:$0x10E00] =	vst v63  }
0x1ad: {  	s26 =	spop @!p0 (v2sf)  }
0x1ae: {  	(v2sf) =	vpush @!p0 v17, $0xA;
	s26 =	sand.u32 @!p0 $0xFFFFF80, s26  }
0x1af: {  	s28 =	simm.s32 @!p0 $0xC400;
	s26 =	sadd.s32 @!p0 s3, s26  }
0x1b0: {  	[tilespmem:s28], [sflag:$0x3] =	stream.strided.gather @!p0 [hbm4b:s26+s25], $0x800, s24, s25, $0x38;
	[tilespmem:$0x10E00] =	vst v63  }
0x1b1: {  	s26 =	spop @!p0 (v2sf)  }
0x1b2: {  	(v2sf) =	vpush @!p0 v16, $0xB;
	s26 =	sand.u32 @!p0 $0xFFFFF80, s26  }
0x1b3: {  	s28 =	simm.s32 @!p0 $0x4C00;
	s26 =	sadd.s32 @!p0 s0, s26  }
0x1b4: {  	[tilespmem:s28], [sflag:$0x3] =	stream.strided.gather @!p0 [hbm4b:s26+s25], $0x800, s24, s25, $0x38;
	[tilespmem:$0x10E00] =	vst v63  }
0x1b5: {  	s26 =	spop @!p0 (v2sf)  }
0x1b6: {  	(v2sf) =	vpush @!p0 v17, $0xB;
	s26 =	sand.u32 @!p0 $0xFFFFF80, s26  }
0x1b7: {  	s28 =	simm.s32 @!p0 $0xCC00;
	s26 =	sadd.s32 @!p0 s3, s26  }
0x1b8: {  	[tilespmem:s28], [sflag:$0x3] =	stream.strided.gather @!p0 [hbm4b:s26+s25], $0x800, s24, s25, $0x38;
	[tilespmem:$0x10E00] =	vst v63  }
0x1b9: {  	s26 =	spop @!p0 (v2sf)  }
0x1ba: {  	s26 =	sand.u32 @!p0 $0xFFFFF80, s26  }
0x1bb: {  	s28 =	simm.s32 @!p0 $0x5400;
	s26 =	sadd.s32 @!p0 s0, s26  }
0x1bc: {  	[tilespmem:s28], [sflag:$0x3] =	stream.strided.gather @!p0 [hbm4b:s26+s25], $0x800, s24, s25, $0x38;
	[tilespmem:$0x10E00] =	vst v63  }
0x1bd: {  	s26 =	spop @!p0 (v2sf)  }
0x1be: {  	s26 =	sand.u32 @!p0 $0xFFFFF80, s26  }
0x1bf: {  	s28 =	simm.s32 @!p0 $0xD400;
	s26 =	sadd.s32 @!p0 s3, s26  }
0x1c0: {  	[tilespmem:s28], [sflag:$0x3] =	stream.strided.gather @!p0 [hbm4b:s26+s25], $0x800, s24, s25, $0x38;
	[tilespmem:$0x10E00] =	vst v63  }
0x1c1: {  	s26 =	spop @!p0 (v2sf)  }
0x1c2: {  	s26 =	sand.u32 @!p0 $0xFFFFF80, s26  }
0x1c3: {  	s28 =	simm.s32 @!p0 $0x5C00;
	s26 =	sadd.s32 @!p0 s0, s26  }
0x1c4: {  	[tilespmem:s28], [sflag:$0x3] =	stream.strided.gather @!p0 [hbm4b:s26+s25], $0x800, s24, s25, $0x38;
	[tilespmem:$0x10E00] =	vst v63  }
0x1c5: {  	s26 =	spop @!p0 (v2sf)  }
0x1c6: {  	s26 =	sand.u32 @!p0 $0xFFFFF80, s26  }
0x1c7: {  	s28 =	simm.s32 @!p0 $0xDC00;
	s26 =	sadd.s32 @!p0 s3, s26  }
0x1c8: {  	[tilespmem:s28], [sflag:$0x3] =	stream.strided.gather @!p0 [hbm4b:s26+s25], $0x800, s24, s25, $0x38;
	[tilespmem:$0x10E00] =	vst v63  }
0x1c9: {  	_ =	swait.ge [sflag:s20], $0x800  }
0x1ca: {  	[sflag:s20] =	ssyncset.done $0x0  }
0x1cb: {  	[sflag:s20] =	ssyncadd.s32 $0xFFFFF800  }
0x1cc: {  	_ =	swait.ge [sflag:s20], $0x800  }
0x1cd: {  	[sflag:s20] =	ssyncset.done $0x0  }
0x1ce: {  	[sflag:s20] =	ssyncadd.s32 $0xFFFFF800  }
0x1cf: {  	_ =	swait.ge [sflag:s20], $0x800  }
0x1d0: {  	[sflag:s20] =	ssyncset.done $0x0  }
0x1d1: {  	[sflag:s20] =	ssyncadd.s32 $0xFFFFF800  }
0x1d2: {  	_ =	swait.ge [sflag:s20], $0x800  }
0x1d3: {  	[sflag:s20] =	ssyncset.done $0x0  }
0x1d4: {  	[sflag:s20] =	ssyncadd.s32 $0xFFFFF800  }
0x1d5: {  	_ =	swait.ge [sflag:s20], $0x800  }
0x1d6: {  	[sflag:s20] =	ssyncset.done $0x0  }
0x1d7: {  	[sflag:s20] =	ssyncadd.s32 $0xFFFFF800  }
0x1d8: {  	_ =	swait.ge [sflag:s20], $0x800  }
0x1d9: {  	[sflag:s20] =	ssyncset.done $0x0  }
0x1da: {  	[sflag:s20] =	ssyncadd.s32 $0xFFFFF800  }
0x1db: {  	_ =	swait.ge [sflag:s20], $0x800  }
0x1dc: {  	[sflag:s20] =	ssyncset.done $0x0  }
0x1dd: {  	[sflag:s20] =	ssyncadd.s32 $0xFFFFF800  }
0x1de: {  	_ =	swait.ge [sflag:s20], $0x800  }
0x1df: {  	[sflag:s20] =	ssyncset.done $0x0  }
0x1e0: {  	[sflag:s20] =	ssyncadd.s32 $0xFFFFF800  }
0x1e1: {  	v16 =	vld [tilespmem:s23+$0x0]  }
0x1e2: {  	v17 =	vld [tilespmem:s23+$0x200];
	_ =	sdelay $0x3  }
0x1e3: {  	v16 =	vand.u32 $0x7F, v16  }
0x1e4: {  	v17 =	vand.u32 $0x7F, v17;
	v47 =	vbroadcast v16, $0xC  }
0x1e5: {  	v48 =	vbroadcast v17, $0xC  }
0x1e6: {  	v18 =	vor.u32 v0, v47  }
0x1e7: {  	v19 =	vor.u32 v0, v48;
	_ =	sdelay $0x3  }
0x1e8: {  	v18 =	vld.idx.msk [tilespmem:v18+s7+$0x0], $0xffff  }
0x1e9: {  	v19 =	vld.idx.msk [tilespmem:v19+s8+$0x0], $0xffff  }
0x1ea: {  	v49 =	vbroadcast v16, $0xD  }
0x1eb: {  	v50 =	vbroadcast v17, $0xD  }
0x1ec: {  	v20 =	vor.u32 v0, v49  }
0x1ed: {  	v21 =	vor.u32 v0, v50  }
0x1ee: {  	v18 =	vmul.f32 v19, v18;
	_ =	sdelay $0x1  }
0x1ef: {  	[tilespmem:$0x10A00] =	vst v18  }
0x1f0: {  	v18 =	vld.idx.msk [tilespmem:v20+s4+$0x0], $0xffff  }
0x1f1: {  	v51 =	vld.idx.msk [tilespmem:v21+s9+$0x0], $0xffff  }
0x1f2: {  	v52 =	vbroadcast v16, $0xE  }
0x1f3: {  	v53 =	vbroadcast v17, $0xE  }
0x1f4: {  	v20 =	vor.u32 v0, v52  }
0x1f5: {  	v21 =	vor.u32 v0, v53  }
0x1f6: {  	v18 =	vmul.f32 v51, v18;
	_ =	sdelay $0x1  }
0x1f7: {  	[tilespmem:$0x10A80] =	vst v18  }
0x1f8: {  	v18 =	vld.idx.msk [tilespmem:v20+s13+$0x0], $0xffff  }
0x1f9: {  	v54 =	vld.idx.msk [tilespmem:v21+s14+$0x0], $0xffff  }
0x1fa: {  	v16 =	vbroadcast v16, $0xF  }
0x1fb: {  	v17 =	vbroadcast v17, $0xF  }
0x1fc: {  	v16 =	vor.u32 v0, v16  }
0x1fd: {  	v17 =	vor.u32 v0, v17  }
0x1fe: {  	v18 =	vmul.f32 v54, v18;
	_ =	sdelay $0x1  }
0x1ff: {  	[tilespmem:$0x10B00] =	vst v18  }
0x200: {  	v16 =	vld.idx.msk [tilespmem:v16+s15+$0x0], $0xffff  }
0x201: {  	v17 =	vld.idx.msk [tilespmem:v17+s16+$0x0], $0xffff;
	_ =	sdelay $0x4  }
0x202: {  	v16 =	vmul.f32 v17, v16;
	_ =	sdelay $0x1  }
0x203: {  	[tilespmem:$0x10B80] =	vst v16  }
0x204: {  	v16 =	vld.idx.msk [tilespmem:v0+s21+$0x0], $0xffff;
	_ =	sdelay $0x1  }
0x205: {  	v17 =	vld.idx.msk [tilespmem:v1+s21+$0x0], $0xffff;
	_ =	sdelay $0x1  }
0x206: {  	v18 =	vld.idx.msk [tilespmem:v2+s21+$0x0], $0xffff  }
0x207: {  	v16 =	vadd.f32 $0.0e+00, v16  }
0x208: {  	v55 =	vld.idx.msk [tilespmem:v3+s21+$0x0], $0xffff  }
0x209: {  	v16 =	vadd.f32 v17, v16  }
0x20a: {  	v17 =	vld.idx.msk [tilespmem:v4+s21+$0x0], $0xffff  }
0x20b: {  	v16 =	vadd.f32 v18, v16  }
0x20c: {  	v56 =	vld.idx.msk [tilespmem:v5+s21+$0x0], $0xffff  }
0x20d: {  	v16 =	vadd.f32 v55, v16  }
0x20e: {  	v57 =	vld.idx.msk [tilespmem:v6+s21+$0x0], $0xffff  }
0x20f: {  	v16 =	vadd.f32 v17, v16  }
0x210: {  	v17 =	vld.idx.msk [tilespmem:v7+s21+$0x0], $0xffff  }
0x211: {  	v16 =	vadd.f32 v56, v16  }
0x212: {  	v58 =	vld.idx.msk [tilespmem:v8+s21+$0x0], $0xffff  }
0x213: {  	v16 =	vadd.f32 v57, v16  }
0x214: {  	v59 =	vld.idx.msk [tilespmem:v9+s21+$0x0], $0xffff  }
0x215: {  	v16 =	vadd.f32 v17, v16  }
0x216: {  	v17 =	vld.idx.msk [tilespmem:v10+s21+$0x0], $0xffff  }
0x217: {  	v16 =	vadd.f32 v58, v16  }
0x218: {  	v60 =	vld.idx.msk [tilespmem:v11+s21+$0x0], $0xffff  }
0x219: {  	v16 =	vadd.f32 v59, v16  }
0x21a: {  	v61 =	vld.idx.msk [tilespmem:v12+s21+$0x0], $0xffff  }
0x21b: {  	v16 =	vadd.f32 v17, v16  }
0x21c: {  	v17 =	vld.idx.msk [tilespmem:v13+s21+$0x0], $0xffff  }
0x21d: {  	v16 =	vadd.f32 v60, v16  }
0x21e: {  	v62 =	vld.idx.msk [tilespmem:v14+s21+$0x0], $0xffff  }
0x21f: {  	v16 =	vadd.f32 v61, v16  }
0x220: {  	v63 =	vld.idx.msk [tilespmem:v15+s21+$0x0], $0xffff  }
0x221: {  	s22 =	sadd.s32 $0x40, s22;
	v16 =	vadd.f32 v17, v16  }
0x222: {  	p0 =	sne.s32 s22, $0x800  }
.Ltmp0:
0x223: {  	v16 =	vadd.f32 v62, v16;
	(pc) =	sbr.rel @p0 .LBB2_2-.Ltmp0, $3  }
0x224: {  	_ = 	snop  }
0x225: {  	v16 =	vadd.f32 v63, v16;
	_ =	sdelay $0x1  }
0x226: {  	s29 =	simm.s32 $0x8C00;
	s28 =	simm.s32 $0xC00;
	s26 =	simm.s32 $0x8400;
	[tilespmem:s23+$0x10C00] =	vst v16  }
0x227: {  	s22 =	simm.s32 $0x0  }
0x228: {  	s23 =	rddreg [dreg:$0x7];
	s1 =	simm.s32 $0x10C00;
	s24 =	simm.s32 $0x5  }
0x229: {  	[hbm4b:s23+s22] =	stream.linear.scatter [tilespmem:s1], [sflag:$0x5], $0x200, $0x38;
	[tilespmem:$0x10E00] =	vst v63  }
0x22a: {  	_ =	swait.ge [sflag:s24], $0x200  }
0x22b: {  	s23 =	rddreg [dreg:$0x9]  }
0x22c: {  	s25 =	rddreg [dreg:$0x8];
	s1 =	sadd.s32 $0x1, s23  }
0x22d: {  	p0 =	sne.s32 s1, s25  }
.Ltmp1:
0x22e: {  	_ = 	snop;
	(pc) =	sbr.rel @p0 .LBB2_1-.Ltmp1, $3  }
0x22f: {  	_ =	sdelay $0x1  }
0x230: {  	[sflag:s24] =	ssyncset.done $0x0  }
0x231: {  	[sflag:s24] =	ssyncadd.s32 $0xFFFFFE00  }
0x232: {  	_ =	sfence.sel $0x180000  }
0x233: {  	[bflag:$0x0] =	sbarrier.arrive $0xFFFF  }
0x234: {  	_ =	strace $0x90000047  }
0x235: {  	s0 =	stileid.u32;
	[bflag:$0x2] =	sbarrier.arrive $0xFFFF  }
0x236: {  	p0 =	sne.s32 s0, $0x0;
	s0 =	rddreg [dreg:$0x4]  }
0x237: {  	s0 =	sadd.s32 @!p0 $0x100000, s0  }
0x238: {  	[sflag:s0] =	ssyncadd.tile.s32 @!p0 $0x1;
	_ =	shalt  }
.Lfunc_end2:
_tile_overlayer_lowered:
.L_overlay_start_2:
0x239: {  	(tag) =	ssettag $0x2  }
0x23a: {  	s0 =	rddreg [dreg:$0x0];
	s2 =	stileid.u32  }
0x23b: {  	s1 =	rddreg [dreg:$0x1];
	p0 =	sne.s32 s2, $0x0  }
0x23c: {  	s3 =	rddreg [dreg:$0x2];
	[bflag:$0x3] =	sbarrier.arrive $0xFFFF;
	s2 =	simm.s32 @!p0 $0x1C05  }
0x23d: {  	[timem:s3], [sflag:s2] =	dma.local @!p0 [hbm:s0], s1  }
0x23e: {  	s0 =	simm.s32 @!p0 $0x5  }
0x23f: {  	_ =	swait.ge @!p0 [sflag:s0], s1  }
0x240: {  	s1 =	ssub.s32 @!p0 $0x0, s1;
	[sflag:s0] =	ssyncset.done @!p0 $0x0  }
0x241: {  	[sflag:s0] =	ssyncadd.s32 @!p0 s1  }
0x242: {  	[bflag:$0x3] =	sbarrier.arrive $0xFFFF  }
0x243: {  	_ =	shalt  }

</sc_bundles>
